<compile_context>
chip_gen: v7x
topology: tpu7x:2x2x1
jax: 0.10.2.dev20260603
libtpu: 0.0.44.dev20260713+nightly
codegen_flags: <defaults>
</compile_context>

<pallas_src>
import functools

import jax
import jax.numpy as jnp
from jax import lax
from jax.experimental import pallas as pl
from jax.experimental.pallas import tpu as pltpu
from jax.experimental.pallas import tpu_sc as plsc

N_WORKERS = 32
CHUNK = 80
E_BLK_TC = 6400


def _e_body(ea_ref, We_ref, be_ref, out_ref):
    out_ref[...] = jnp.dot(ea_ref[...], We_ref[...],
                           preferred_element_type=jnp.float32) + be_ref[...]


def _e_stage(edge_attr, We, be):
    de, d = We.shape
    n_edges = edge_attr.shape[0]
    n_blk = n_edges // E_BLK_TC
    return pl.pallas_call(
        _e_body,
        grid=(n_blk,),
        in_specs=[
            pl.BlockSpec((E_BLK_TC, de), lambda j: (j, 0)),
            pl.BlockSpec((de, d), lambda j: (0, 0)),
            pl.BlockSpec((1, d), lambda j: (0, 0)),
        ],
        out_specs=pl.BlockSpec((E_BLK_TC, d), lambda j: (j, 0)),
        out_shape=jax.ShapeDtypeStruct((n_edges, d), jnp.float32),
    )(edge_attr, We, be.reshape(1, d))


def _make_sc_edge(n, d, n_edges):
    epw = n_edges // N_WORKERS
    n_chunks = epw // CHUNK
    assert n_chunks % 2 == 1 and n_chunks >= 3
    n_pairs = n_chunks // 2
    n_pad = -(-n // (16 * CHUNK)) * (16 * CHUNK)
    stripe = n_pad // 16
    nvec = d // 16
    mesh = plsc.VectorSubcoreMesh(core_axis_name="c", subcore_axis_name="s")

    @functools.partial(
        pl.kernel,
        mesh=mesh,
        out_type=jax.ShapeDtypeStruct((2, n_pad, d), jnp.float32),
        scratch_types=[
            pltpu.VMEM((2, 2, CHUNK), jnp.int32),
            pltpu.VMEM((2, CHUNK, d), jnp.float32),
            pltpu.VMEM_SHARED((n_pad, d), jnp.float32),
            pltpu.SemaphoreType.DMA,
            pltpu.SemaphoreType.DMA,
            pltpu.SemaphoreType.DMA,
            pltpu.SemaphoreType.DMA,
            pltpu.SemaphoreType.DMA,
            pltpu.SemaphoreType.DMA,
            pltpu.SemaphoreType.DMA,
            pltpu.SemaphoreType.DMA,
        ],
    )
    def sc_edge(h_hbm, e_hbm, sd_hbm, out_hbm, id_v, rows_v, aggr_sh,
                g0, g1, s0, s1, i0, i1, e0, e1):
        c = lax.axis_index("c")
        s = lax.axis_index("s")
        wid = s * 2 + c
        base = wid * epw
        gsem = (g0, g1)
        ssem = (s0, s1)
        isem = (i0, i1)
        esem = (e0, e1)

        def zrow(k, _):
            for cc in range(nvec):
                rows_v[0, k, pl.ds(cc * 16, 16)] = jnp.zeros((16,), jnp.float32)
            return 0
        lax.fori_loop(0, CHUNK, zrow, 0)
        row0 = s * stripe
        for t in range(stripe // CHUNK):
            pltpu.sync_copy(rows_v.at[0], aggr_sh.at[pl.ds(row0 + t * CHUNK, CHUNK)])
        plsc.subcore_barrier()

        def ids_start(j, b):
            return pltpu.async_copy(sd_hbm.at[wid, j], id_v.at[b], isem[b])

        def e_start(j, b):
            return pltpu.async_copy(e_hbm.at[pl.ds(base + j * CHUNK, CHUNK)],
                                    rows_v.at[b], esem[b])

        def gather_start(b):
            return pltpu.async_copy(h_hbm.at[id_v.at[b, 0]], rows_v.at[b],
                                    gsem[b], add=True)

        def scatter_start(b):
            return pltpu.async_copy(rows_v.at[b], aggr_sh.at[id_v.at[b, 1]],
                                    ssem[b], add=True)

        def relu(b):
            def row(k, _):
                for cc in range(nvec):
                    sl = pl.ds(cc * 16, 16)
                    rows_v[b, k, sl] = jnp.maximum(rows_v[b, k, sl], 0.0)
                return 0
            lax.fori_loop(0, CHUNK, row, 0)

        def wait(cp):
            cp.wait()

        wait(ids_start(0, 0))
        wait(e_start(0, 0))
        cp_g0 = gather_start(0)
        cp_i1 = ids_start(1, 1)
        cp_e1 = e_start(1, 1)

        def pair_body(p, _):
            c0 = 2 * p
            c1 = c0 + 1
            pltpu.make_async_copy(h_hbm.at[id_v.at[0, 0]], rows_v.at[0], gsem[0]).wait()
            relu(0)
            scatter_start(0)
            pltpu.make_async_copy(sd_hbm.at[wid, c1], id_v.at[1], isem[1]).wait()
            pltpu.make_async_copy(e_hbm.at[pl.ds(base + c1 * CHUNK, CHUNK)],
                                  rows_v.at[1], esem[1]).wait()
            gather_start(1)
            pltpu.make_async_copy(rows_v.at[0], aggr_sh.at[id_v.at[0, 1]], ssem[0]).wait()
            ids_start(c0 + 2, 0)
            e_start(c0 + 2, 0)
            pltpu.make_async_copy(sd_hbm.at[wid, c0 + 2], id_v.at[0], isem[0]).wait()
            pltpu.make_async_copy(e_hbm.at[pl.ds(base + (c0 + 2) * CHUNK, CHUNK)],
                                  rows_v.at[0], esem[0]).wait()
            gather_start(0)
            pltpu.make_async_copy(h_hbm.at[id_v.at[1, 0]], rows_v.at[1], gsem[1]).wait()
            relu(1)
            scatter_start(1)
            pltpu.make_async_copy(rows_v.at[1], aggr_sh.at[id_v.at[1, 1]], ssem[1]).wait()
            c1n = jnp.minimum(c1 + 2, n_chunks - 1)
            ids_start(c1n, 1)
            e_start(c1n, 1)
            return 0
        lax.fori_loop(0, n_pairs, pair_body, 0)

        pltpu.make_async_copy(h_hbm.at[id_v.at[0, 0]], rows_v.at[0], gsem[0]).wait()
        relu(0)
        scatter_start(0)
        pltpu.make_async_copy(rows_v.at[0], aggr_sh.at[id_v.at[0, 1]], ssem[0]).wait()
        pltpu.make_async_copy(sd_hbm.at[wid, 0], id_v.at[1], isem[1]).wait()
        pltpu.make_async_copy(e_hbm.at[pl.ds(base, CHUNK)], rows_v.at[1], esem[1]).wait()

        plsc.subcore_barrier()
        pltpu.sync_copy(aggr_sh.at[pl.ds(row0, stripe)],
                        out_hbm.at[c, pl.ds(row0, stripe)])

    return sc_edge


def _node_body(h_ref, parts_ref, W1_ref, b1_ref, g1_ref, be1_ref, W2_ref,
               b2_ref, gbn_ref, bbn_ref, eps_ref, out_ref, *, final):
    pre = (1.0 + eps_ref[0, 0]) * h_ref[...] + parts_ref[0] + parts_ref[1]
    z = jnp.dot(pre, W1_ref[...], preferred_element_type=jnp.float32) + b1_ref[...]
    m = jnp.mean(z, axis=0, keepdims=True)
    v = jnp.mean((z - m) ** 2, axis=0, keepdims=True)
    z = (z - m) * lax.rsqrt(v + 1e-5) * g1_ref[...] + be1_ref[...]
    z = jax.nn.relu(z)
    hn = jnp.dot(z, W2_ref[...], preferred_element_type=jnp.float32) + b2_ref[...]
    m2 = jnp.mean(hn, axis=0, keepdims=True)
    v2 = jnp.mean((hn - m2) ** 2, axis=0, keepdims=True)
    hn = (hn - m2) * lax.rsqrt(v2 + 1e-5) * gbn_ref[...] + bbn_ref[...]
    if not final:
        hn = jax.nn.relu(hn)
    out_ref[...] = hn


def _node_stage(h, parts, W1, b1, g1, be1, W2, b2, gbn, bbn, eps, final):
    n, d = h.shape
    hdim = W1.shape[1]
    body = functools.partial(_node_body, final=final)
    return pl.pallas_call(
        body,
        grid=(1,),
        in_specs=[
            pl.BlockSpec((n, d), lambda i: (0, 0)),
            pl.BlockSpec((2, n, d), lambda i: (0, 0, 0)),
            pl.BlockSpec((d, hdim), lambda i: (0, 0)),
            pl.BlockSpec((1, hdim), lambda i: (0, 0)),
            pl.BlockSpec((1, hdim), lambda i: (0, 0)),
            pl.BlockSpec((1, hdim), lambda i: (0, 0)),
            pl.BlockSpec((hdim, d), lambda i: (0, 0)),
            pl.BlockSpec((1, d), lambda i: (0, 0)),
            pl.BlockSpec((1, d), lambda i: (0, 0)),
            pl.BlockSpec((1, d), lambda i: (0, 0)),
            pl.BlockSpec((1, 1), lambda i: (0, 0)),
        ],
        out_specs=pl.BlockSpec((n, d), lambda i: (0, 0)),
        out_shape=jax.ShapeDtypeStruct((n, d), jnp.float32),
    )(h, parts, W1, b1, g1, be1, W2, b2, gbn, bbn, eps)


def kernel(x, edge_index, edge_attr, W_edge, b_edge, W1, b1, g1, be1, W2, b2,
           g_bn, b_bn, eps_gin):
    n, d = x.shape
    n_edges = edge_attr.shape[0]
    n_layers = W_edge.shape[0]
    epw = n_edges // N_WORKERS
    assert n_edges % N_WORKERS == 0 and epw % CHUNK == 0 and n % 16 == 0

    src3 = edge_index[0].reshape(N_WORKERS, epw // CHUNK, CHUNK)
    dst3 = edge_index[1].reshape(N_WORKERS, epw // CHUNK, CHUNK)
    sd3 = jnp.stack([src3, dst3], axis=2)
    sc_edge = _make_sc_edge(n, d, n_edges)

    h = x
    for l in range(n_layers):
        e_l = _e_stage(edge_attr, W_edge[l], b_edge[l])
        parts = sc_edge(h, e_l, sd3)
        h = _node_stage(h, parts,
                        W1[l], b1[l].reshape(1, -1), g1[l].reshape(1, -1),
                        be1[l].reshape(1, -1), W2[l], b2[l].reshape(1, d),
                        g_bn[l].reshape(1, d), b_bn[l].reshape(1, d),
                        eps_gin[l].reshape(1, 1), final=(l == n_layers - 1))
    return h

# --- scband reference (transcript-rebuilt; emitter-appended) ---
"""Pipeline reference for scband-gnn-node-73710228734481 (READ-ONLY COPY).

The authoritative reference and input builder live on the scoring server;
editing this copy changes nothing except your own understanding.
"""

import jax, jax.numpy as jnp
import numpy as np

N_NODES = 10000
N_EDGES = 320000
D = 128
D_EDGE = 16
L = 3
H = 2 * D


def setup_inputs(seed: int = 0) -> dict:
    key = jax.random.key(seed)
    ks = jax.random.split(key, 16)
    x = jax.random.normal(ks[0], (N_NODES, D), dtype=jnp.float32)
    edge_index = jax.random.randint(ks[1], (2, N_EDGES), 0, N_NODES, dtype=jnp.int32)
    edge_attr = jax.random.normal(ks[2], (N_EDGES, D_EDGE), dtype=jnp.float32)
    # per-layer stacked parameters (L layers)
    W_edge = jax.random.normal(ks[3], (L, D_EDGE, D), dtype=jnp.float32) / np.sqrt(D_EDGE)
    b_edge = jnp.zeros((L, D), dtype=jnp.float32)
    W1 = jax.random.normal(ks[4], (L, D, H), dtype=jnp.float32) / np.sqrt(D)
    b1 = jnp.zeros((L, H), dtype=jnp.float32)
    g1 = jnp.ones((L, H), dtype=jnp.float32)
    be1 = jnp.zeros((L, H), dtype=jnp.float32)
    W2 = jax.random.normal(ks[5], (L, H, D), dtype=jnp.float32) / np.sqrt(H)
    b2 = jnp.zeros((L, D), dtype=jnp.float32)
    g_bn = jnp.ones((L, D), dtype=jnp.float32)
    b_bn = jnp.zeros((L, D), dtype=jnp.float32)
    eps_gin = jnp.zeros((L,), dtype=jnp.float32)
    return {"x": x, "edge_index": edge_index, "edge_attr": edge_attr,
            "W_edge": W_edge, "b_edge": b_edge, "W1": W1, "b1": b1,
            "g1": g1, "be1": be1, "W2": W2, "b2": b2,
            "g_bn": g_bn, "b_bn": b_bn, "eps_gin": eps_gin}


def _bn(z, g, b):
    m = jnp.mean(z, axis=0)
    v = jnp.var(z, axis=0)
    return (z - m) / jnp.sqrt(v + 1e-5) * g + b


def reference(x, edge_index, edge_attr, W_edge, b_edge, W1, b1, g1, be1, W2, b2, g_bn, b_bn, eps_gin):
    src = edge_index[0]
    dst = edge_index[1]
    h = x  # node_encoder is None -> encoded_node = x
    for l in range(L):
        # GINConv with edge encoder (OGB style)
        e = edge_attr @ W_edge[l] + b_edge[l]
        msg = jax.nn.relu(h[src] + e)                       # gather + message
        aggr = jax.ops.segment_sum(msg, dst, num_segments=N_NODES)  # scatter-add
        pre = (1.0 + eps_gin[l]) * h + aggr
        z = pre @ W1[l] + b1[l]
        z = _bn(z, g1[l], be1[l])
        z = jax.nn.relu(z)
        hn = z @ W2[l] + b2[l]
        hn = _bn(hn, g_bn[l], b_bn[l])                      # outer BatchNorm1d
        if l == L - 1:
            h = hn  # dropout is identity in eval
        else:
            h = jax.nn.relu(hn)
    return h  # JK == 'last'

if __name__ == "__main__":
    import jax
    _d = setup_inputs()
    print(jax.jit(kernel)(*tuple(_d.values())))

</pallas_src>

<mosaic_0001>
#map = affine_map<(d0, d1) -> (0, 0)>
#map1 = affine_map<(d0, d1) -> (0, 0, 0, 0)>
#map2 = affine_map<(d0, d1) -> (0, 0, 0)>
module attributes {stable_mosaic.version = 14 : i64} {
  func.func @sc_edge(%arg0: i32, %arg1: i32, %arg2: memref<10000x128xf32, #tpu.memory_space<hbm>>, %arg3: memref<320000x128xf32, #tpu.memory_space<hbm>>, %arg4: memref<32x125x2x80xi32, #tpu.memory_space<hbm>>, %arg5: memref<2x10240x128xf32, #tpu.memory_space<hbm>>, %arg6: memref<2x2x80xi32, #tpu.memory_space<vmem>>, %arg7: memref<2x80x128xf32, #tpu.memory_space<vmem>>, %arg8: memref<10240x128xf32, #tpu.memory_space<vmem_shared>>, %arg9: memref<!tpu.dma_semaphore, #tpu.memory_space<semaphore_mem>>, %arg10: memref<!tpu.dma_semaphore, #tpu.memory_space<semaphore_mem>>, %arg11: memref<!tpu.dma_semaphore, #tpu.memory_space<semaphore_mem>>, %arg12: memref<!tpu.dma_semaphore, #tpu.memory_space<semaphore_mem>>, %arg13: memref<!tpu.dma_semaphore, #tpu.memory_space<semaphore_mem>>, %arg14: memref<!tpu.dma_semaphore, #tpu.memory_space<semaphore_mem>>, %arg15: memref<!tpu.dma_semaphore, #tpu.memory_space<semaphore_mem>>, %arg16: memref<!tpu.dma_semaphore, #tpu.memory_space<semaphore_mem>>) attributes {dimension_semantics = [#tpu.dimension_semantics<core_parallel>, #tpu.dimension_semantics<subcore_parallel>], iteration_bounds = array<i64: 2, 16>, scalar_prefetch = 0 : i64, scratch_operands = 11 : i64, tpu.core_type = #tpu.core_type<sc_vector_subcore>, window_params = [{transform_indices = #map}, {transform_indices = #map}, {transform_indices = #map1}, {transform_indices = #map2}]} {
    %mul3A = arith.constant 2 : i32
    %mul3A_0 = arith.muli %arg1, %mul3A : i32
    %add3A = arith.addi %mul3A_0, %arg0 : i32
    %mul3A_1 = arith.constant 10000 : i32
    %mul3A_2 = arith.muli %add3A, %mul3A_1 : i32
    %scan3A = arith.constant 0 : i32
    %scan3A_3 = arith.constant 0 : i32
    %scan3A_4 = arith.constant 80 : i32
    %scan3A_5 = arith.addi %scan3A_3, %scan3A_4 : i32
    %scan3A_6 = arith.constant 1 : i32
    %scan3A_7 = scf.for %scan3A_227 = %scan3A_3 to %scan3A_5 step %scan3A_6 iter_args(%scan3A_228 = %scan3A) -> (i32)  : i32 {
      %broadcast_in_dim3A = arith.constant 0.000000e+00 : f32
      %broadcast_in_dim3A_229 = vector.broadcast %broadcast_in_dim3A : f32 to vector<16xf32>
      %swap3A = arith.constant 0 : i32
      %swap3A_230 = arith.index_cast %swap3A : i32 to index
      %swap3A_231 = arith.index_cast %scan3A_227 : i32 to index
      %swap3A_232 = arith.constant 0 : index
      %swap3A_233 = tpu.vector_load %arg7[%swap3A_230, %swap3A_231, %swap3A_232] {strides = array<i32>} : memref<2x80x128xf32, #tpu.memory_space<vmem>>, vector<1x1x16xf32>,
      %swap3A_234 = vector.shape_cast %swap3A_233 : vector<1x1x16xf32> to vector<16xf32>
      %swap3A_235 = vector.shape_cast %broadcast_in_dim3A_229 : vector<16xf32> to vector<1x1x16xf32>
      tpu.vector_store %arg7[%swap3A_230, %swap3A_231, %swap3A_232], %swap3A_235 {strides = array<i32>} : memref<2x80x128xf32, #tpu.memory_space<vmem>>, vector<1x1x16xf32>,
      %broadcast_in_dim3A_236 = arith.constant 0.000000e+00 : f32
      %broadcast_in_dim3A_237 = vector.broadcast %broadcast_in_dim3A_236 : f32 to vector<16xf32>
      %swap3A_238 = arith.constant 0 : i32
      %swap3A_239 = arith.index_cast %swap3A_238 : i32 to index
      %swap3A_240 = arith.index_cast %scan3A_227 : i32 to index
      %swap3A_241 = arith.constant 16 : index
      %swap3A_242 = tpu.vector_load %arg7[%swap3A_239, %swap3A_240, %swap3A_241] {strides = array<i32>} : memref<2x80x128xf32, #tpu.memory_space<vmem>>, vector<1x1x16xf32>,
      %swap3A_243 = vector.shape_cast %swap3A_242 : vector<1x1x16xf32> to vector<16xf32>
      %swap3A_244 = vector.shape_cast %broadcast_in_dim3A_237 : vector<16xf32> to vector<1x1x16xf32>
      tpu.vector_store %arg7[%swap3A_239, %swap3A_240, %swap3A_241], %swap3A_244 {strides = array<i32>} : memref<2x80x128xf32, #tpu.memory_space<vmem>>, vector<1x1x16xf32>,
      %broadcast_in_dim3A_245 = arith.constant 0.000000e+00 : f32
      %broadcast_in_dim3A_246 = vector.broadcast %broadcast_in_dim3A_245 : f32 to vector<16xf32>
      %swap3A_247 = arith.constant 0 : i32
      %swap3A_248 = arith.index_cast %swap3A_247 : i32 to index
      %swap3A_249 = arith.index_cast %scan3A_227 : i32 to index
      %swap3A_250 = arith.constant 32 : index
      %swap3A_251 = tpu.vector_load %arg7[%swap3A_248, %swap3A_249, %swap3A_250] {strides = array<i32>} : memref<2x80x128xf32, #tpu.memory_space<vmem>>, vector<1x1x16xf32>,
      %swap3A_252 = vector.shape_cast %swap3A_251 : vector<1x1x16xf32> to vector<16xf32>
      %swap3A_253 = vector.shape_cast %broadcast_in_dim3A_246 : vector<16xf32> to vector<1x1x16xf32>
      tpu.vector_store %arg7[%swap3A_248, %swap3A_249, %swap3A_250], %swap3A_253 {strides = array<i32>} : memref<2x80x128xf32, #tpu.memory_space<vmem>>, vector<1x1x16xf32>,
      %broadcast_in_dim3A_254 = arith.constant 0.000000e+00 : f32
      %broadcast_in_dim3A_255 = vector.broadcast %broadcast_in_dim3A_254 : f32 to vector<16xf32>
      %swap3A_256 = arith.constant 0 : i32
      %swap3A_257 = arith.index_cast %swap3A_256 : i32 to index
      %swap3A_258 = arith.index_cast %scan3A_227 : i32 to index
      %swap3A_259 = arith.constant 48 : index
      %swap3A_260 = tpu.vector_load %arg7[%swap3A_257, %swap3A_258, %swap3A_259] {strides = array<i32>} : memref<2x80x128xf32, #tpu.memory_space<vmem>>, vector<1x1x16xf32>,
      %swap3A_261 = vector.shape_cast %swap3A_260 : vector<1x1x16xf32> to vector<16xf32>
      %swap3A_262 = vector.shape_cast %broadcast_in_dim3A_255 : vector<16xf32> to vector<1x1x16xf32>
      tpu.vector_store %arg7[%swap3A_257, %swap3A_258, %swap3A_259], %swap3A_262 {strides = array<i32>} : memref<2x80x128xf32, #tpu.memory_space<vmem>>, vector<1x1x16xf32>,
      %broadcast_in_dim3A_263 = arith.constant 0.000000e+00 : f32
      %broadcast_in_dim3A_264 = vector.broadcast %broadcast_in_dim3A_263 : f32 to vector<16xf32>
      %swap3A_265 = arith.constant 0 : i32
      %swap3A_266 = arith.index_cast %swap3A_265 : i32 to index
      %swap3A_267 = arith.index_cast %scan3A_227 : i32 to index
      %swap3A_268 = arith.constant 64 : index
      %swap3A_269 = tpu.vector_load %arg7[%swap3A_266, %swap3A_267, %swap3A_268] {strides = array<i32>} : memref<2x80x128xf32, #tpu.memory_space<vmem>>, vector<1x1x16xf32>,
      %swap3A_270 = vector.shape_cast %swap3A_269 : vector<1x1x16xf32> to vector<16xf32>
      %swap3A_271 = vector.shape_cast %broadcast_in_dim3A_264 : vector<16xf32> to vector<1x1x16xf32>
      tpu.vector_store %arg7[%swap3A_266, %swap3A_267, %swap3A_268], %swap3A_271 {strides = array<i32>} : memref<2x80x128xf32, #tpu.memory_space<vmem>>, vector<1x1x16xf32>,
      %broadcast_in_dim3A_272 = arith.constant 0.000000e+00 : f32
      %broadcast_in_dim3A_273 = vector.broadcast %broadcast_in_dim3A_272 : f32 to vector<16xf32>
      %swap3A_274 = arith.constant 0 : i32
      %swap3A_275 = arith.index_cast %swap3A_274 : i32 to index
      %swap3A_276 = arith.index_cast %scan3A_227 : i32 to index
      %swap3A_277 = arith.constant 80 : index
      %swap3A_278 = tpu.vector_load %arg7[%swap3A_275, %swap3A_276, %swap3A_277] {strides = array<i32>} : memref<2x80x128xf32, #tpu.memory_space<vmem>>, vector<1x1x16xf32>,
      %swap3A_279 = vector.shape_cast %swap3A_278 : vector<1x1x16xf32> to vector<16xf32>
      %swap3A_280 = vector.shape_cast %broadcast_in_dim3A_273 : vector<16xf32> to vector<1x1x16xf32>
      tpu.vector_store %arg7[%swap3A_275, %swap3A_276, %swap3A_277], %swap3A_280 {strides = array<i32>} : memref<2x80x128xf32, #tpu.memory_space<vmem>>, vector<1x1x16xf32>,
      %broadcast_in_dim3A_281 = arith.constant 0.000000e+00 : f32
      %broadcast_in_dim3A_282 = vector.broadcast %broadcast_in_dim3A_281 : f32 to vector<16xf32>
      %swap3A_283 = arith.constant 0 : i32
      %swap3A_284 = arith.index_cast %swap3A_283 : i32 to index
      %swap3A_285 = arith.index_cast %scan3A_227 : i32 to index
      %swap3A_286 = arith.constant 96 : index
      %swap3A_287 = tpu.vector_load %arg7[%swap3A_284, %swap3A_285, %swap3A_286] {strides = array<i32>} : memref<2x80x128xf32, #tpu.memory_space<vmem>>, vector<1x1x16xf32>,
      %swap3A_288 = vector.shape_cast %swap3A_287 : vector<1x1x16xf32> to vector<16xf32>
      %swap3A_289 = vector.shape_cast %broadcast_in_dim3A_282 : vector<16xf32> to vector<1x1x16xf32>
      tpu.vector_store %arg7[%swap3A_284, %swap3A_285, %swap3A_286], %swap3A_289 {strides = array<i32>} : memref<2x80x128xf32, #tpu.memory_space<vmem>>, vector<1x1x16xf32>,
      %broadcast_in_dim3A_290 = arith.constant 0.000000e+00 : f32
      %broadcast_in_dim3A_291 = vector.broadcast %broadcast_in_dim3A_290 : f32 to vector<16xf32>
      %swap3A_292 = arith.constant 0 : i32
      %swap3A_293 = arith.index_cast %swap3A_292 : i32 to index
      %swap3A_294 = arith.index_cast %scan3A_227 : i32 to index
      %swap3A_295 = arith.constant 112 : index
      %swap3A_296 = tpu.vector_load %arg7[%swap3A_293, %swap3A_294, %swap3A_295] {strides = array<i32>} : memref<2x80x128xf32, #tpu.memory_space<vmem>>, vector<1x1x16xf32>,
      %swap3A_297 = vector.shape_cast %swap3A_296 : vector<1x1x16xf32> to vector<16xf32>
      %swap3A_298 = vector.shape_cast %broadcast_in_dim3A_291 : vector<16xf32> to vector<1x1x16xf32>
      tpu.vector_store %arg7[%swap3A_293, %swap3A_294, %swap3A_295], %swap3A_298 {strides = array<i32>} : memref<2x80x128xf32, #tpu.memory_space<vmem>>, vector<1x1x16xf32>,
      %scan3A_299 = arith.constant 0 : i32
      scf.yield %scan3A_299 : i32
    }
    %scan3A_8 = arith.constant 80 : i32
    %mul3A_9 = arith.constant 640 : i32
    %mul3A_10 = arith.muli %arg1, %mul3A_9 : i32
    %add3A_11 = arith.constant 0 : i32
    %add3A_12 = arith.addi %mul3A_10, %add3A_11 : i32
    %run_scoped3A = arith.constant 0 : i32
    "tpu.region"() ({
      %run_scoped3A_227 = tpu.sem_alloc : memref<!tpu.dma_semaphore, #tpu.memory_space<semaphore_mem>>
      %dma_start3A_228 = arith.constant 0 : i32
      %dma_start3A_229 = arith.constant 0 : i32
      %dma_start3A_230 = tpu.memref_slice %arg7[%run_scoped3A, %dma_start3A_228, %dma_start3A_229] : memref<2x80x128xf32, #tpu.memory_space<vmem>> -> memref<1x80x128xf32, #tpu.memory_space<vmem>>
      %dma_start3A_231 = tpu.memref_squeeze %dma_start3A_230 : memref<1x80x128xf32, #tpu.memory_space<vmem>> -> memref<80x128xf32, #tpu.memory_space<vmem>>
      %dma_start3A_232 = arith.constant 0 : i32
      %dma_start3A_233 = tpu.memref_slice %arg8[%add3A_12, %dma_start3A_232] : memref<10240x128xf32, #tpu.memory_space<vmem_shared>> -> memref<80x128xf32, #tpu.memory_space<vmem_shared>>
      %dma_start3A_234 = arith.constant 0 : i32
      %dma_start3A_235 = tpu.memref_slice %arg8[%add3A_12, %dma_start3A_234] : memref<10240x128xf32, #tpu.memory_space<vmem_shared>> -> memref<80x128xf32, #tpu.memory_space<vmem_shared>>
      %dma_start3A_236 = arith.constant 0 : i32
      %dma_start3A_237 = arith.constant 0 : i32
      %dma_start3A_238 = tpu.memref_slice %arg7[%run_scoped3A, %dma_start3A_236, %dma_start3A_237] : memref<2x80x128xf32, #tpu.memory_space<vmem>> -> memref<1x80x128xf32, #tpu.memory_space<vmem>>
      %dma_start3A_239 = tpu.memref_squeeze %dma_start3A_238 : memref<1x80x128xf32, #tpu.memory_space<vmem>> -> memref<80x128xf32, #tpu.memory_space<vmem>>
      tpu.enqueue_dma source(%dma_start3A_239 : memref<80x128xf32, #tpu.memory_space<vmem>>) target(%dma_start3A_235 : memref<80x128xf32, #tpu.memory_space<vmem_shared>>) target_semaphore(%run_scoped3A_227 : memref<!tpu.dma_semaphore, #tpu.memory_space<semaphore_mem>>)
      %dma_wait3A_240 = arith.constant 0 : i32
      %dma_wait3A_241 = arith.constant 0 : i32
      %dma_wait3A_242 = tpu.memref_slice %arg7[%run_scoped3A, %dma_wait3A_240, %dma_wait3A_241] : memref<2x80x128xf32, #tpu.memory_space<vmem>> -> memref<1x80x128xf32, #tpu.memory_space<vmem>>
      %dma_wait3A_243 = tpu.memref_squeeze %dma_wait3A_242 : memref<1x80x128xf32, #tpu.memory_space<vmem>> -> memref<80x128xf32, #tpu.memory_space<vmem>>
      %dma_wait3A_244 = arith.constant 0 : i32
      %dma_wait3A_245 = tpu.memref_slice %arg8[%add3A_12, %dma_wait3A_244] : memref<10240x128xf32, #tpu.memory_space<vmem_shared>> -> memref<80x128xf32, #tpu.memory_space<vmem_shared>>
      %dma_wait3A_246 = arith.constant 0 : i32
      %dma_wait3A_247 = tpu.memref_slice %arg8[%add3A_12, %dma_wait3A_246] : memref<10240x128xf32, #tpu.memory_space<vmem_shared>> -> memref<80x128xf32, #tpu.memory_space<vmem_shared>>
      %dma_wait3A_248 = arith.constant 0 : i32
      %dma_wait3A_249 = arith.constant 0 : i32
      %dma_wait3A_250 = tpu.memref_slice %arg7[%run_scoped3A, %dma_wait3A_248, %dma_wait3A_249] : memref<2x80x128xf32, #tpu.memory_space<vmem>> -> memref<1x80x128xf32, #tpu.memory_space<vmem>>
      %dma_wait3A_251 = tpu.memref_squeeze %dma_wait3A_250 : memref<1x80x128xf32, #tpu.memory_space<vmem>> -> memref<80x128xf32, #tpu.memory_space<vmem>>
      tpu.wait_dma2 semaphore(%run_scoped3A_227 : memref<!tpu.dma_semaphore, #tpu.memory_space<semaphore_mem>>) src(%dma_wait3A_251 : memref<80x128xf32, #tpu.memory_space<vmem>>) dst(%dma_wait3A_247 : memref<80x128xf32, #tpu.memory_space<vmem_shared>>)
      tpu.yield
    }) : () -> ()
    %add3A_13 = arith.constant 80 : i32
    %add3A_14 = arith.addi %mul3A_10, %add3A_13 : i32
    %run_scoped3A_15 = arith.constant 0 : i32
    "tpu.region"() ({
      %run_scoped3A_227 = tpu.sem_alloc : memref<!tpu.dma_semaphore, #tpu.memory_space<semaphore_mem>>
      %dma_start3A_228 = arith.constant 0 : i32
      %dma_start3A_229 = arith.constant 0 : i32
      %dma_start3A_230 = tpu.memref_slice %arg7[%run_scoped3A_15, %dma_start3A_228, %dma_start3A_229] : memref<2x80x128xf32, #tpu.memory_space<vmem>> -> memref<1x80x128xf32, #tpu.memory_space<vmem>>
      %dma_start3A_231 = tpu.memref_squeeze %dma_start3A_230 : memref<1x80x128xf32, #tpu.memory_space<vmem>> -> memref<80x128xf32, #tpu.memory_space<vmem>>
      %dma_start3A_232 = arith.constant 0 : i32
      %dma_start3A_233 = tpu.memref_slice %arg8[%add3A_14, %dma_start3A_232] : memref<10240x128xf32, #tpu.memory_space<vmem_shared>> -> memref<80x128xf32, #tpu.memory_space<vmem_shared>>
      %dma_start3A_234 = arith.constant 0 : i32
      %dma_start3A_235 = tpu.memref_slice %arg8[%add3A_14, %dma_start3A_234] : memref<10240x128xf32, #tpu.memory_space<vmem_shared>> -> memref<80x128xf32, #tpu.memory_space<vmem_shared>>
      %dma_start3A_236 = arith.constant 0 : i32
      %dma_start3A_237 = arith.constant 0 : i32
      %dma_start3A_238 = tpu.memref_slice %arg7[%run_scoped3A_15, %dma_start3A_236, %dma_start3A_237] : memref<2x80x128xf32, #tpu.memory_space<vmem>> -> memref<1x80x128xf32, #tpu.memory_space<vmem>>
      %dma_start3A_239 = tpu.memref_squeeze %dma_start3A_238 : memref<1x80x128xf32, #tpu.memory_space<vmem>> -> memref<80x128xf32, #tpu.memory_space<vmem>>
      tpu.enqueue_dma source(%dma_start3A_239 : memref<80x128xf32, #tpu.memory_space<vmem>>) target(%dma_start3A_235 : memref<80x128xf32, #tpu.memory_space<vmem_shared>>) target_semaphore(%run_scoped3A_227 : memref<!tpu.dma_semaphore, #tpu.memory_space<semaphore_mem>>)
      %dma_wait3A_240 = arith.constant 0 : i32
      %dma_wait3A_241 = arith.constant 0 : i32
      %dma_wait3A_242 = tpu.memref_slice %arg7[%run_scoped3A_15, %dma_wait3A_240, %dma_wait3A_241] : memref<2x80x128xf32, #tpu.memory_space<vmem>> -> memref<1x80x128xf32, #tpu.memory_space<vmem>>
      %dma_wait3A_243 = tpu.memref_squeeze %dma_wait3A_242 : memref<1x80x128xf32, #tpu.memory_space<vmem>> -> memref<80x128xf32, #tpu.memory_space<vmem>>
      %dma_wait3A_244 = arith.constant 0 : i32
      %dma_wait3A_245 = tpu.memref_slice %arg8[%add3A_14, %dma_wait3A_244] : memref<10240x128xf32, #tpu.memory_space<vmem_shared>> -> memref<80x128xf32, #tpu.memory_space<vmem_shared>>
      %dma_wait3A_246 = arith.constant 0 : i32
      %dma_wait3A_247 = tpu.memref_slice %arg8[%add3A_14, %dma_wait3A_246] : memref<10240x128xf32, #tpu.memory_space<vmem_shared>> -> memref<80x128xf32, #tpu.memory_space<vmem_shared>>
      %dma_wait3A_248 = arith.constant 0 : i32
      %dma_wait3A_249 = arith.constant 0 : i32
      %dma_wait3A_250 = tpu.memref_slice %arg7[%run_scoped3A_15, %dma_wait3A_248, %dma_wait3A_249] : memref<2x80x128xf32, #tpu.memory_space<vmem>> -> memref<1x80x128xf32, #tpu.memory_space<vmem>>
      %dma_wait3A_251 = tpu.memref_squeeze %dma_wait3A_250 : memref<1x80x128xf32, #tpu.memory_space<vmem>> -> memref<80x128xf32, #tpu.memory_space<vmem>>
      tpu.wait_dma2 semaphore(%run_scoped3A_227 : memref<!tpu.dma_semaphore, #tpu.memory_space<semaphore_mem>>) src(%dma_wait3A_251 : memref<80x128xf32, #tpu.memory_space<vmem>>) dst(%dma_wait3A_247 : memref<80x128xf32, #tpu.memory_space<vmem_shared>>)
      tpu.yield
    }) : () -> ()
    %add3A_16 = arith.constant 160 : i32
    %add3A_17 = arith.addi %mul3A_10, %add3A_16 : i32
    %run_scoped3A_18 = arith.constant 0 : i32
    "tpu.region"() ({
      %run_scoped3A_227 = tpu.sem_alloc : memref<!tpu.dma_semaphore, #tpu.memory_space<semaphore_mem>>
      %dma_start3A_228 = arith.constant 0 : i32
      %dma_start3A_229 = arith.constant 0 : i32
      %dma_start3A_230 = tpu.memref_slice %arg7[%run_scoped3A_18, %dma_start3A_228, %dma_start3A_229] : memref<2x80x128xf32, #tpu.memory_space<vmem>> -> memref<1x80x128xf32, #tpu.memory_space<vmem>>
      %dma_start3A_231 = tpu.memref_squeeze %dma_start3A_230 : memref<1x80x128xf32, #tpu.memory_space<vmem>> -> memref<80x128xf32, #tpu.memory_space<vmem>>
      %dma_start3A_232 = arith.constant 0 : i32
      %dma_start3A_233 = tpu.memref_slice %arg8[%add3A_17, %dma_start3A_232] : memref<10240x128xf32, #tpu.memory_space<vmem_shared>> -> memref<80x128xf32, #tpu.memory_space<vmem_shared>>
      %dma_start3A_234 = arith.constant 0 : i32
      %dma_start3A_235 = tpu.memref_slice %arg8[%add3A_17, %dma_start3A_234] : memref<10240x128xf32, #tpu.memory_space<vmem_shared>> -> memref<80x128xf32, #tpu.memory_space<vmem_shared>>
      %dma_start3A_236 = arith.constant 0 : i32
      %dma_start3A_237 = arith.constant 0 : i32
      %dma_start3A_238 = tpu.memref_slice %arg7[%run_scoped3A_18, %dma_start3A_236, %dma_start3A_237] : memref<2x80x128xf32, #tpu.memory_space<vmem>> -> memref<1x80x128xf32, #tpu.memory_space<vmem>>
      %dma_start3A_239 = tpu.memref_squeeze %dma_start3A_238 : memref<1x80x128xf32, #tpu.memory_space<vmem>> -> memref<80x128xf32, #tpu.memory_space<vmem>>
      tpu.enqueue_dma source(%dma_start3A_239 : memref<80x128xf32, #tpu.memory_space<vmem>>) target(%dma_start3A_235 : memref<80x128xf32, #tpu.memory_space<vmem_shared>>) target_semaphore(%run_scoped3A_227 : memref<!tpu.dma_semaphore, #tpu.memory_space<semaphore_mem>>)
      %dma_wait3A_240 = arith.constant 0 : i32
      %dma_wait3A_241 = arith.constant 0 : i32
      %dma_wait3A_242 = tpu.memref_slice %arg7[%run_scoped3A_18, %dma_wait3A_240, %dma_wait3A_241] : memref<2x80x128xf32, #tpu.memory_space<vmem>> -> memref<1x80x128xf32, #tpu.memory_space<vmem>>
      %dma_wait3A_243 = tpu.memref_squeeze %dma_wait3A_242 : memref<1x80x128xf32, #tpu.memory_space<vmem>> -> memref<80x128xf32, #tpu.memory_space<vmem>>
      %dma_wait3A_244 = arith.constant 0 : i32
      %dma_wait3A_245 = tpu.memref_slice %arg8[%add3A_17, %dma_wait3A_244] : memref<10240x128xf32, #tpu.memory_space<vmem_shared>> -> memref<80x128xf32, #tpu.memory_space<vmem_shared>>
      %dma_wait3A_246 = arith.constant 0 : i32
      %dma_wait3A_247 = tpu.memref_slice %arg8[%add3A_17, %dma_wait3A_246] : memref<10240x128xf32, #tpu.memory_space<vmem_shared>> -> memref<80x128xf32, #tpu.memory_space<vmem_shared>>
      %dma_wait3A_248 = arith.constant 0 : i32
      %dma_wait3A_249 = arith.constant 0 : i32
      %dma_wait3A_250 = tpu.memref_slice %arg7[%run_scoped3A_18, %dma_wait3A_248, %dma_wait3A_249] : memref<2x80x128xf32, #tpu.memory_space<vmem>> -> memref<1x80x128xf32, #tpu.memory_space<vmem>>
      %dma_wait3A_251 = tpu.memref_squeeze %dma_wait3A_250 : memref<1x80x128xf32, #tpu.memory_space<vmem>> -> memref<80x128xf32, #tpu.memory_space<vmem>>
      tpu.wait_dma2 semaphore(%run_scoped3A_227 : memref<!tpu.dma_semaphore, #tpu.memory_space<semaphore_mem>>) src(%dma_wait3A_251 : memref<80x128xf32, #tpu.memory_space<vmem>>) dst(%dma_wait3A_247 : memref<80x128xf32, #tpu.memory_space<vmem_shared>>)
      tpu.yield
    }) : () -> ()
    %add3A_19 = arith.constant 240 : i32
    %add3A_20 = arith.addi %mul3A_10, %add3A_19 : i32
    %run_scoped3A_21 = arith.constant 0 : i32
    "tpu.region"() ({
      %run_scoped3A_227 = tpu.sem_alloc : memref<!tpu.dma_semaphore, #tpu.memory_space<semaphore_mem>>
      %dma_start3A_228 = arith.constant 0 : i32
      %dma_start3A_229 = arith.constant 0 : i32
      %dma_start3A_230 = tpu.memref_slice %arg7[%run_scoped3A_21, %dma_start3A_228, %dma_start3A_229] : memref<2x80x128xf32, #tpu.memory_space<vmem>> -> memref<1x80x128xf32, #tpu.memory_space<vmem>>
      %dma_start3A_231 = tpu.memref_squeeze %dma_start3A_230 : memref<1x80x128xf32, #tpu.memory_space<vmem>> -> memref<80x128xf32, #tpu.memory_space<vmem>>
      %dma_start3A_232 = arith.constant 0 : i32
      %dma_start3A_233 = tpu.memref_slice %arg8[%add3A_20, %dma_start3A_232] : memref<10240x128xf32, #tpu.memory_space<vmem_shared>> -> memref<80x128xf32, #tpu.memory_space<vmem_shared>>
      %dma_start3A_234 = arith.constant 0 : i32
      %dma_start3A_235 = tpu.memref_slice %arg8[%add3A_20, %dma_start3A_234] : memref<10240x128xf32, #tpu.memory_space<vmem_shared>> -> memref<80x128xf32, #tpu.memory_space<vmem_shared>>
      %dma_start3A_236 = arith.constant 0 : i32
      %dma_start3A_237 = arith.constant 0 : i32
      %dma_start3A_238 = tpu.memref_slice %arg7[%run_scoped3A_21, %dma_start3A_236, %dma_start3A_237] : memref<2x80x128xf32, #tpu.memory_space<vmem>> -> memref<1x80x128xf32, #tpu.memory_space<vmem>>
      %dma_start3A_239 = tpu.memref_squeeze %dma_start3A_238 : memref<1x80x128xf32, #tpu.memory_space<vmem>> -> memref<80x128xf32, #tpu.memory_space<vmem>>
      tpu.enqueue_dma source(%dma_start3A_239 : memref<80x128xf32, #tpu.memory_space<vmem>>) target(%dma_start3A_235 : memref<80x128xf32, #tpu.memory_space<vmem_shared>>) target_semaphore(%run_scoped3A_227 : memref<!tpu.dma_semaphore, #tpu.memory_space<semaphore_mem>>)
      %dma_wait3A_240 = arith.constant 0 : i32
      %dma_wait3A_241 = arith.constant 0 : i32
      %dma_wait3A_242 = tpu.memref_slice %arg7[%run_scoped3A_21, %dma_wait3A_240, %dma_wait3A_241] : memref<2x80x128xf32, #tpu.memory_space<vmem>> -> memref<1x80x128xf32, #tpu.memory_space<vmem>>
      %dma_wait3A_243 = tpu.memref_squeeze %dma_wait3A_242 : memref<1x80x128xf32, #tpu.memory_space<vmem>> -> memref<80x128xf32, #tpu.memory_space<vmem>>
      %dma_wait3A_244 = arith.constant 0 : i32
      %dma_wait3A_245 = tpu.memref_slice %arg8[%add3A_20, %dma_wait3A_244] : memref<10240x128xf32, #tpu.memory_space<vmem_shared>> -> memref<80x128xf32, #tpu.memory_space<vmem_shared>>
      %dma_wait3A_246 = arith.constant 0 : i32
      %dma_wait3A_247 = tpu.memref_slice %arg8[%add3A_20, %dma_wait3A_246] : memref<10240x128xf32, #tpu.memory_space<vmem_shared>> -> memref<80x128xf32, #tpu.memory_space<vmem_shared>>
      %dma_wait3A_248 = arith.constant 0 : i32
      %dma_wait3A_249 = arith.constant 0 : i32
      %dma_wait3A_250 = tpu.memref_slice %arg7[%run_scoped3A_21, %dma_wait3A_248, %dma_wait3A_249] : memref<2x80x128xf32, #tpu.memory_space<vmem>> -> memref<1x80x128xf32, #tpu.memory_space<vmem>>
      %dma_wait3A_251 = tpu.memref_squeeze %dma_wait3A_250 : memref<1x80x128xf32, #tpu.memory_space<vmem>> -> memref<80x128xf32, #tpu.memory_space<vmem>>
      tpu.wait_dma2 semaphore(%run_scoped3A_227 : memref<!tpu.dma_semaphore, #tpu.memory_space<semaphore_mem>>) src(%dma_wait3A_251 : memref<80x128xf32, #tpu.memory_space<vmem>>) dst(%dma_wait3A_247 : memref<80x128xf32, #tpu.memory_space<vmem_shared>>)
      tpu.yield
    }) : () -> ()
    %add3A_22 = arith.constant 320 : i32
    %add3A_23 = arith.addi %mul3A_10, %add3A_22 : i32
    %run_scoped3A_24 = arith.constant 0 : i32
    "tpu.region"() ({
      %run_scoped3A_227 = tpu.sem_alloc : memref<!tpu.dma_semaphore, #tpu.memory_space<semaphore_mem>>
      %dma_start3A_228 = arith.constant 0 : i32
      %dma_start3A_229 = arith.constant 0 : i32
      %dma_start3A_230 = tpu.memref_slice %arg7[%run_scoped3A_24, %dma_start3A_228, %dma_start3A_229] : memref<2x80x128xf32, #tpu.memory_space<vmem>> -> memref<1x80x128xf32, #tpu.memory_space<vmem>>
      %dma_start3A_231 = tpu.memref_squeeze %dma_start3A_230 : memref<1x80x128xf32, #tpu.memory_space<vmem>> -> memref<80x128xf32, #tpu.memory_space<vmem>>
      %dma_start3A_232 = arith.constant 0 : i32
      %dma_start3A_233 = tpu.memref_slice %arg8[%add3A_23, %dma_start3A_232] : memref<10240x128xf32, #tpu.memory_space<vmem_shared>> -> memref<80x128xf32, #tpu.memory_space<vmem_shared>>
      %dma_start3A_234 = arith.constant 0 : i32
      %dma_start3A_235 = tpu.memref_slice %arg8[%add3A_23, %dma_start3A_234] : memref<10240x128xf32, #tpu.memory_space<vmem_shared>> -> memref<80x128xf32, #tpu.memory_space<vmem_shared>>
      %dma_start3A_236 = arith.constant 0 : i32
      %dma_start3A_237 = arith.constant 0 : i32
      %dma_start3A_238 = tpu.memref_slice %arg7[%run_scoped3A_24, %dma_start3A_236, %dma_start3A_237] : memref<2x80x128xf32, #tpu.memory_space<vmem>> -> memref<1x80x128xf32, #tpu.memory_space<vmem>>
      %dma_start3A_239 = tpu.memref_squeeze %dma_start3A_238 : memref<1x80x128xf32, #tpu.memory_space<vmem>> -> memref<80x128xf32, #tpu.memory_space<vmem>>
      tpu.enqueue_dma source(%dma_start3A_239 : memref<80x128xf32, #tpu.memory_space<vmem>>) target(%dma_start3A_235 : memref<80x128xf32, #tpu.memory_space<vmem_shared>>) target_semaphore(%run_scoped3A_227 : memref<!tpu.dma_semaphore, #tpu.memory_space<semaphore_mem>>)
      %dma_wait3A_240 = arith.constant 0 : i32
      %dma_wait3A_241 = arith.constant 0 : i32
      %dma_wait3A_242 = tpu.memref_slice %arg7[%run_scoped3A_24, %dma_wait3A_240, %dma_wait3A_241] : memref<2x80x128xf32, #tpu.memory_space<vmem>> -> memref<1x80x128xf32, #tpu.memory_space<vmem>>
      %dma_wait3A_243 = tpu.memref_squeeze %dma_wait3A_242 : memref<1x80x128xf32, #tpu.memory_space<vmem>> -> memref<80x128xf32, #tpu.memory_space<vmem>>
      %dma_wait3A_244 = arith.constant 0 : i32
      %dma_wait3A_245 = tpu.memref_slice %arg8[%add3A_23, %dma_wait3A_244] : memref<10240x128xf32, #tpu.memory_space<vmem_shared>> -> memref<80x128xf32, #tpu.memory_space<vmem_shared>>
      %dma_wait3A_246 = arith.constant 0 : i32
      %dma_wait3A_247 = tpu.memref_slice %arg8[%add3A_23, %dma_wait3A_246] : memref<10240x128xf32, #tpu.memory_space<vmem_shared>> -> memref<80x128xf32, #tpu.memory_space<vmem_shared>>
      %dma_wait3A_248 = arith.constant 0 : i32
      %dma_wait3A_249 = arith.constant 0 : i32
      %dma_wait3A_250 = tpu.memref_slice %arg7[%run_scoped3A_24, %dma_wait3A_248, %dma_wait3A_249] : memref<2x80x128xf32, #tpu.memory_space<vmem>> -> memref<1x80x128xf32, #tpu.memory_space<vmem>>
      %dma_wait3A_251 = tpu.memref_squeeze %dma_wait3A_250 : memref<1x80x128xf32, #tpu.memory_space<vmem>> -> memref<80x128xf32, #tpu.memory_space<vmem>>
      tpu.wait_dma2 semaphore(%run_scoped3A_227 : memref<!tpu.dma_semaphore, #tpu.memory_space<semaphore_mem>>) src(%dma_wait3A_251 : memref<80x128xf32, #tpu.memory_space<vmem>>) dst(%dma_wait3A_247 : memref<80x128xf32, #tpu.memory_space<vmem_shared>>)
      tpu.yield
    }) : () -> ()
    %add3A_25 = arith.constant 400 : i32
    %add3A_26 = arith.addi %mul3A_10, %add3A_25 : i32
    %run_scoped3A_27 = arith.constant 0 : i32
    "tpu.region"() ({
      %run_scoped3A_227 = tpu.sem_alloc : memref<!tpu.dma_semaphore, #tpu.memory_space<semaphore_mem>>
      %dma_start3A_228 = arith.constant 0 : i32
      %dma_start3A_229 = arith.constant 0 : i32
      %dma_start3A_230 = tpu.memref_slice %arg7[%run_scoped3A_27, %dma_start3A_228, %dma_start3A_229] : memref<2x80x128xf32, #tpu.memory_space<vmem>> -> memref<1x80x128xf32, #tpu.memory_space<vmem>>
      %dma_start3A_231 = tpu.memref_squeeze %dma_start3A_230 : memref<1x80x128xf32, #tpu.memory_space<vmem>> -> memref<80x128xf32, #tpu.memory_space<vmem>>
      %dma_start3A_232 = arith.constant 0 : i32
      %dma_start3A_233 = tpu.memref_slice %arg8[%add3A_26, %dma_start3A_232] : memref<10240x128xf32, #tpu.memory_space<vmem_shared>> -> memref<80x128xf32, #tpu.memory_space<vmem_shared>>
      %dma_start3A_234 = arith.constant 0 : i32
      %dma_start3A_235 = tpu.memref_slice %arg8[%add3A_26, %dma_start3A_234] : memref<10240x128xf32, #tpu.memory_space<vmem_shared>> -> memref<80x128xf32, #tpu.memory_space<vmem_shared>>
      %dma_start3A_236 = arith.constant 0 : i32
      %dma_start3A_237 = arith.constant 0 : i32
      %dma_start3A_238 = tpu.memref_slice %arg7[%run_scoped3A_27, %dma_start3A_236, %dma_start3A_237] : memref<2x80x128xf32, #tpu.memory_space<vmem>> -> memref<1x80x128xf32, #tpu.memory_space<vmem>>
      %dma_start3A_239 = tpu.memref_squeeze %dma_start3A_238 : memref<1x80x128xf32, #tpu.memory_space<vmem>> -> memref<80x128xf32, #tpu.memory_space<vmem>>
      tpu.enqueue_dma source(%dma_start3A_239 : memref<80x128xf32, #tpu.memory_space<vmem>>) target(%dma_start3A_235 : memref<80x128xf32, #tpu.memory_space<vmem_shared>>) target_semaphore(%run_scoped3A_227 : memref<!tpu.dma_semaphore, #tpu.memory_space<semaphore_mem>>)
      %dma_wait3A_240 = arith.constant 0 : i32
      %dma_wait3A_241 = arith.constant 0 : i32
      %dma_wait3A_242 = tpu.memref_slice %arg7[%run_scoped3A_27, %dma_wait3A_240, %dma_wait3A_241] : memref<2x80x128xf32, #tpu.memory_space<vmem>> -> memref<1x80x128xf32, #tpu.memory_space<vmem>>
      %dma_wait3A_243 = tpu.memref_squeeze %dma_wait3A_242 : memref<1x80x128xf32, #tpu.memory_space<vmem>> -> memref<80x128xf32, #tpu.memory_space<vmem>>
      %dma_wait3A_244 = arith.constant 0 : i32
      %dma_wait3A_245 = tpu.memref_slice %arg8[%add3A_26, %dma_wait3A_244] : memref<10240x128xf32, #tpu.memory_space<vmem_shared>> -> memref<80x128xf32, #tpu.memory_space<vmem_shared>>
      %dma_wait3A_246 = arith.constant 0 : i32
      %dma_wait3A_247 = tpu.memref_slice %arg8[%add3A_26, %dma_wait3A_246] : memref<10240x128xf32, #tpu.memory_space<vmem_shared>> -> memref<80x128xf32, #tpu.memory_space<vmem_shared>>
      %dma_wait3A_248 = arith.constant 0 : i32
      %dma_wait3A_249 = arith.constant 0 : i32
      %dma_wait3A_250 = tpu.memref_slice %arg7[%run_scoped3A_27, %dma_wait3A_248, %dma_wait3A_249] : memref<2x80x128xf32, #tpu.memory_space<vmem>> -> memref<1x80x128xf32, #tpu.memory_space<vmem>>
      %dma_wait3A_251 = tpu.memref_squeeze %dma_wait3A_250 : memref<1x80x128xf32, #tpu.memory_space<vmem>> -> memref<80x128xf32, #tpu.memory_space<vmem>>
      tpu.wait_dma2 semaphore(%run_scoped3A_227 : memref<!tpu.dma_semaphore, #tpu.memory_space<semaphore_mem>>) src(%dma_wait3A_251 : memref<80x128xf32, #tpu.memory_space<vmem>>) dst(%dma_wait3A_247 : memref<80x128xf32, #tpu.memory_space<vmem_shared>>)
      tpu.yield
    }) : () -> ()
    %add3A_28 = arith.constant 480 : i32
    %add3A_29 = arith.addi %mul3A_10, %add3A_28 : i32
    %run_scoped3A_30 = arith.constant 0 : i32
    "tpu.region"() ({
      %run_scoped3A_227 = tpu.sem_alloc : memref<!tpu.dma_semaphore, #tpu.memory_space<semaphore_mem>>
      %dma_start3A_228 = arith.constant 0 : i32
      %dma_start3A_229 = arith.constant 0 : i32
      %dma_start3A_230 = tpu.memref_slice %arg7[%run_scoped3A_30, %dma_start3A_228, %dma_start3A_229] : memref<2x80x128xf32, #tpu.memory_space<vmem>> -> memref<1x80x128xf32, #tpu.memory_space<vmem>>
      %dma_start3A_231 = tpu.memref_squeeze %dma_start3A_230 : memref<1x80x128xf32, #tpu.memory_space<vmem>> -> memref<80x128xf32, #tpu.memory_space<vmem>>
      %dma_start3A_232 = arith.constant 0 : i32
      %dma_start3A_233 = tpu.memref_slice %arg8[%add3A_29, %dma_start3A_232] : memref<10240x128xf32, #tpu.memory_space<vmem_shared>> -> memref<80x128xf32, #tpu.memory_space<vmem_shared>>
      %dma_start3A_234 = arith.constant 0 : i32
      %dma_start3A_235 = tpu.memref_slice %arg8[%add3A_29, %dma_start3A_234] : memref<10240x128xf32, #tpu.memory_space<vmem_shared>> -> memref<80x128xf32, #tpu.memory_space<vmem_shared>>
      %dma_start3A_236 = arith.constant 0 : i32
      %dma_start3A_237 = arith.constant 0 : i32
      %dma_start3A_238 = tpu.memref_slice %arg7[%run_scoped3A_30, %dma_start3A_236, %dma_start3A_237] : memref<2x80x128xf32, #tpu.memory_space<vmem>> -> memref<1x80x128xf32, #tpu.memory_space<vmem>>
      %dma_start3A_239 = tpu.memref_squeeze %dma_start3A_238 : memref<1x80x128xf32, #tpu.memory_space<vmem>> -> memref<80x128xf32, #tpu.memory_space<vmem>>
      tpu.enqueue_dma source(%dma_start3A_239 : memref<80x128xf32, #tpu.memory_space<vmem>>) target(%dma_start3A_235 : memref<80x128xf32, #tpu.memory_space<vmem_shared>>) target_semaphore(%run_scoped3A_227 : memref<!tpu.dma_semaphore, #tpu.memory_space<semaphore_mem>>)
      %dma_wait3A_240 = arith.constant 0 : i32
      %dma_wait3A_241 = arith.constant 0 : i32
      %dma_wait3A_242 = tpu.memref_slice %arg7[%run_scoped3A_30, %dma_wait3A_240, %dma_wait3A_241] : memref<2x80x128xf32, #tpu.memory_space<vmem>> -> memref<1x80x128xf32, #tpu.memory_space<vmem>>
      %dma_wait3A_243 = tpu.memref_squeeze %dma_wait3A_242 : memref<1x80x128xf32, #tpu.memory_space<vmem>> -> memref<80x128xf32, #tpu.memory_space<vmem>>
      %dma_wait3A_244 = arith.constant 0 : i32
      %dma_wait3A_245 = tpu.memref_slice %arg8[%add3A_29, %dma_wait3A_244] : memref<10240x128xf32, #tpu.memory_space<vmem_shared>> -> memref<80x128xf32, #tpu.memory_space<vmem_shared>>
      %dma_wait3A_246 = arith.constant 0 : i32
      %dma_wait3A_247 = tpu.memref_slice %arg8[%add3A_29, %dma_wait3A_246] : memref<10240x128xf32, #tpu.memory_space<vmem_shared>> -> memref<80x128xf32, #tpu.memory_space<vmem_shared>>
      %dma_wait3A_248 = arith.constant 0 : i32
      %dma_wait3A_249 = arith.constant 0 : i32
      %dma_wait3A_250 = tpu.memref_slice %arg7[%run_scoped3A_30, %dma_wait3A_248, %dma_wait3A_249] : memref<2x80x128xf32, #tpu.memory_space<vmem>> -> memref<1x80x128xf32, #tpu.memory_space<vmem>>
      %dma_wait3A_251 = tpu.memref_squeeze %dma_wait3A_250 : memref<1x80x128xf32, #tpu.memory_space<vmem>> -> memref<80x128xf32, #tpu.memory_space<vmem>>
      tpu.wait_dma2 semaphore(%run_scoped3A_227 : memref<!tpu.dma_semaphore, #tpu.memory_space<semaphore_mem>>) src(%dma_wait3A_251 : memref<80x128xf32, #tpu.memory_space<vmem>>) dst(%dma_wait3A_247 : memref<80x128xf32, #tpu.memory_space<vmem_shared>>)
      tpu.yield
    }) : () -> ()
    %add3A_31 = arith.constant 560 : i32
    %add3A_32 = arith.addi %mul3A_10, %add3A_31 : i32
    %run_scoped3A_33 = arith.constant 0 : i32
    "tpu.region"() ({
      %run_scoped3A_227 = tpu.sem_alloc : memref<!tpu.dma_semaphore, #tpu.memory_space<semaphore_mem>>
      %dma_start3A_228 = arith.constant 0 : i32
      %dma_start3A_229 = arith.constant 0 : i32
      %dma_start3A_230 = tpu.memref_slice %arg7[%run_scoped3A_33, %dma_start3A_228, %dma_start3A_229] : memref<2x80x128xf32, #tpu.memory_space<vmem>> -> memref<1x80x128xf32, #tpu.memory_space<vmem>>
      %dma_start3A_231 = tpu.memref_squeeze %dma_start3A_230 : memref<1x80x128xf32, #tpu.memory_space<vmem>> -> memref<80x128xf32, #tpu.memory_space<vmem>>
      %dma_start3A_232 = arith.constant 0 : i32
      %dma_start3A_233 = tpu.memref_slice %arg8[%add3A_32, %dma_start3A_232] : memref<10240x128xf32, #tpu.memory_space<vmem_shared>> -> memref<80x128xf32, #tpu.memory_space<vmem_shared>>
      %dma_start3A_234 = arith.constant 0 : i32
      %dma_start3A_235 = tpu.memref_slice %arg8[%add3A_32, %dma_start3A_234] : memref<10240x128xf32, #tpu.memory_space<vmem_shared>> -> memref<80x128xf32, #tpu.memory_space<vmem_shared>>
      %dma_start3A_236 = arith.constant 0 : i32
      %dma_start3A_237 = arith.constant 0 : i32
      %dma_start3A_238 = tpu.memref_slice %arg7[%run_scoped3A_33, %dma_start3A_236, %dma_start3A_237] : memref<2x80x128xf32, #tpu.memory_space<vmem>> -> memref<1x80x128xf32, #tpu.memory_space<vmem>>
      %dma_start3A_239 = tpu.memref_squeeze %dma_start3A_238 : memref<1x80x128xf32, #tpu.memory_space<vmem>> -> memref<80x128xf32, #tpu.memory_space<vmem>>
      tpu.enqueue_dma source(%dma_start3A_239 : memref<80x128xf32, #tpu.memory_space<vmem>>) target(%dma_start3A_235 : memref<80x128xf32, #tpu.memory_space<vmem_shared>>) target_semaphore(%run_scoped3A_227 : memref<!tpu.dma_semaphore, #tpu.memory_space<semaphore_mem>>)
      %dma_wait3A_240 = arith.constant 0 : i32
      %dma_wait3A_241 = arith.constant 0 : i32
      %dma_wait3A_242 = tpu.memref_slice %arg7[%run_scoped3A_33, %dma_wait3A_240, %dma_wait3A_241] : memref<2x80x128xf32, #tpu.memory_space<vmem>> -> memref<1x80x128xf32, #tpu.memory_space<vmem>>
      %dma_wait3A_243 = tpu.memref_squeeze %dma_wait3A_242 : memref<1x80x128xf32, #tpu.memory_space<vmem>> -> memref<80x128xf32, #tpu.memory_space<vmem>>
      %dma_wait3A_244 = arith.constant 0 : i32
      %dma_wait3A_245 = tpu.memref_slice %arg8[%add3A_32, %dma_wait3A_244] : memref<10240x128xf32, #tpu.memory_space<vmem_shared>> -> memref<80x128xf32, #tpu.memory_space<vmem_shared>>
      %dma_wait3A_246 = arith.constant 0 : i32
      %dma_wait3A_247 = tpu.memref_slice %arg8[%add3A_32, %dma_wait3A_246] : memref<10240x128xf32, #tpu.memory_space<vmem_shared>> -> memref<80x128xf32, #tpu.memory_space<vmem_shared>>
      %dma_wait3A_248 = arith.constant 0 : i32
      %dma_wait3A_249 = arith.constant 0 : i32
      %dma_wait3A_250 = tpu.memref_slice %arg7[%run_scoped3A_33, %dma_wait3A_248, %dma_wait3A_249] : memref<2x80x128xf32, #tpu.memory_space<vmem>> -> memref<1x80x128xf32, #tpu.memory_space<vmem>>
      %dma_wait3A_251 = tpu.memref_squeeze %dma_wait3A_250 : memref<1x80x128xf32, #tpu.memory_space<vmem>> -> memref<80x128xf32, #tpu.memory_space<vmem>>
      tpu.wait_dma2 semaphore(%run_scoped3A_227 : memref<!tpu.dma_semaphore, #tpu.memory_space<semaphore_mem>>) src(%dma_wait3A_251 : memref<80x128xf32, #tpu.memory_space<vmem>>) dst(%dma_wait3A_247 : memref<80x128xf32, #tpu.memory_space<vmem_shared>>)
      tpu.yield
    }) : () -> ()
    %barrier3A = arith.constant 0 : index
    tpu.barrier barrier_id(%barrier3A)
    %dma_start3A = arith.constant 0 : i32
    %dma_start3A_34 = arith.constant 0 : i32
    %dma_start3A_35 = arith.constant 0 : i32
    %dma_start3A_36 = arith.constant 0 : i32
    %dma_start3A_37 = tpu.memref_slice %arg6[%dma_start3A_34, %dma_start3A_35, %dma_start3A_36] : memref<2x2x80xi32, #tpu.memory_space<vmem>> -> memref<1x2x80xi32, #tpu.memory_space<vmem>>
    %dma_start3A_38 = tpu.memref_squeeze %dma_start3A_37 : memref<1x2x80xi32, #tpu.memory_space<vmem>> -> memref<2x80xi32, #tpu.memory_space<vmem>>
    %dma_start3A_39 = arith.constant 0 : i32
    %dma_start3A_40 = arith.constant 0 : i32
    %dma_start3A_41 = tpu.memref_slice %arg4[%add3A, %dma_start3A, %dma_start3A_39, %dma_start3A_40] : memref<32x125x2x80xi32, #tpu.memory_space<hbm>> -> memref<1x1x2x80xi32, #tpu.memory_space<hbm>>
    %dma_start3A_42 = tpu.memref_squeeze %dma_start3A_41 : memref<1x1x2x80xi32, #tpu.memory_space<hbm>> -> memref<2x80xi32, #tpu.memory_space<hbm>>
    %dma_start3A_43 = arith.constant 0 : i32
    %dma_start3A_44 = arith.constant 0 : i32
    %dma_start3A_45 = tpu.memref_slice %arg6[%dma_start3A_34, %dma_start3A_43, %dma_start3A_44] : memref<2x2x80xi32, #tpu.memory_space<vmem>> -> memref<1x2x80xi32, #tpu.memory_space<vmem>>
    %dma_start3A_46 = tpu.memref_squeeze %dma_start3A_45 : memref<1x2x80xi32, #tpu.memory_space<vmem>> -> memref<2x80xi32, #tpu.memory_space<vmem>>
    %dma_start3A_47 = arith.constant 0 : i32
    %dma_start3A_48 = arith.constant 0 : i32
    %dma_start3A_49 = tpu.memref_slice %arg4[%add3A, %dma_start3A, %dma_start3A_47, %dma_start3A_48] : memref<32x125x2x80xi32, #tpu.memory_space<hbm>> -> memref<1x1x2x80xi32, #tpu.memory_space<hbm>>
    %dma_start3A_50 = tpu.memref_squeeze %dma_start3A_49 : memref<1x1x2x80xi32, #tpu.memory_space<hbm>> -> memref<2x80xi32, #tpu.memory_space<hbm>>
    tpu.enqueue_dma source(%dma_start3A_50 : memref<2x80xi32, #tpu.memory_space<hbm>>) target(%dma_start3A_46 : memref<2x80xi32, #tpu.memory_space<vmem>>) target_semaphore(%arg13 : memref<!tpu.dma_semaphore, #tpu.memory_space<semaphore_mem>>)
    %dma_wait3A = arith.constant 0 : i32
    %dma_wait3A_51 = arith.constant 0 : i32
    %dma_wait3A_52 = arith.constant 0 : i32
    %dma_wait3A_53 = arith.constant 0 : i32
    %dma_wait3A_54 = tpu.memref_slice %arg6[%dma_wait3A_51, %dma_wait3A_52, %dma_wait3A_53] : memref<2x2x80xi32, #tpu.memory_space<vmem>> -> memref<1x2x80xi32, #tpu.memory_space<vmem>>
    %dma_wait3A_55 = tpu.memref_squeeze %dma_wait3A_54 : memref<1x2x80xi32, #tpu.memory_space<vmem>> -> memref<2x80xi32, #tpu.memory_space<vmem>>
    %dma_wait3A_56 = arith.constant 0 : i32
    %dma_wait3A_57 = arith.constant 0 : i32
    %dma_wait3A_58 = tpu.memref_slice %arg4[%add3A, %dma_wait3A, %dma_wait3A_56, %dma_wait3A_57] : memref<32x125x2x80xi32, #tpu.memory_space<hbm>> -> memref<1x1x2x80xi32, #tpu.memory_space<hbm>>
    %dma_wait3A_59 = tpu.memref_squeeze %dma_wait3A_58 : memref<1x1x2x80xi32, #tpu.memory_space<hbm>> -> memref<2x80xi32, #tpu.memory_space<hbm>>
    %dma_wait3A_60 = arith.constant 0 : i32
    %dma_wait3A_61 = arith.constant 0 : i32
    %dma_wait3A_62 = tpu.memref_slice %arg6[%dma_wait3A_51, %dma_wait3A_60, %dma_wait3A_61] : memref<2x2x80xi32, #tpu.memory_space<vmem>> -> memref<1x2x80xi32, #tpu.memory_space<vmem>>
    %dma_wait3A_63 = tpu.memref_squeeze %dma_wait3A_62 : memref<1x2x80xi32, #tpu.memory_space<vmem>> -> memref<2x80xi32, #tpu.memory_space<vmem>>
    %dma_wait3A_64 = arith.constant 0 : i32
    %dma_wait3A_65 = arith.constant 0 : i32
    %dma_wait3A_66 = tpu.memref_slice %arg4[%add3A, %dma_wait3A, %dma_wait3A_64, %dma_wait3A_65] : memref<32x125x2x80xi32, #tpu.memory_space<hbm>> -> memref<1x1x2x80xi32, #tpu.memory_space<hbm>>
    %dma_wait3A_67 = tpu.memref_squeeze %dma_wait3A_66 : memref<1x1x2x80xi32, #tpu.memory_space<hbm>> -> memref<2x80xi32, #tpu.memory_space<hbm>>
    tpu.wait_dma2 semaphore(%arg13 : memref<!tpu.dma_semaphore, #tpu.memory_space<semaphore_mem>>) src(%dma_wait3A_67 : memref<2x80xi32, #tpu.memory_space<hbm>>) dst(%dma_wait3A_63 : memref<2x80xi32, #tpu.memory_space<vmem>>)
    %add3A_68 = arith.constant 0 : i32
    %add3A_69 = arith.addi %mul3A_2, %add3A_68 : i32
    %dma_start3A_70 = arith.constant 0 : i32
    %dma_start3A_71 = arith.constant 0 : i32
    %dma_start3A_72 = arith.constant 0 : i32
    %dma_start3A_73 = tpu.memref_slice %arg7[%dma_start3A_70, %dma_start3A_71, %dma_start3A_72] : memref<2x80x128xf32, #tpu.memory_space<vmem>> -> memref<1x80x128xf32, #tpu.memory_space<vmem>>
    %dma_start3A_74 = tpu.memref_squeeze %dma_start3A_73 : memref<1x80x128xf32, #tpu.memory_space<vmem>> -> memref<80x128xf32, #tpu.memory_space<vmem>>
    %dma_start3A_75 = arith.constant 0 : i32
    %dma_start3A_76 = tpu.memref_slice %arg3[%add3A_69, %dma_start3A_75] : memref<320000x128xf32, #tpu.memory_space<hbm>> -> memref<80x128xf32, #tpu.memory_space<hbm>>
    %dma_start3A_77 = arith.constant 0 : i32
    %dma_start3A_78 = arith.constant 0 : i32
    %dma_start3A_79 = tpu.memref_slice %arg7[%dma_start3A_70, %dma_start3A_77, %dma_start3A_78] : memref<2x80x128xf32, #tpu.memory_space<vmem>> -> memref<1x80x128xf32, #tpu.memory_space<vmem>>
    %dma_start3A_80 = tpu.memref_squeeze %dma_start3A_79 : memref<1x80x128xf32, #tpu.memory_space<vmem>> -> memref<80x128xf32, #tpu.memory_space<vmem>>
    %dma_start3A_81 = arith.constant 0 : i32
    %dma_start3A_82 = tpu.memref_slice %arg3[%add3A_69, %dma_start3A_81] : memref<320000x128xf32, #tpu.memory_space<hbm>> -> memref<80x128xf32, #tpu.memory_space<hbm>>
    tpu.enqueue_dma source(%dma_start3A_82 : memref<80x128xf32, #tpu.memory_space<hbm>>) target(%dma_start3A_80 : memref<80x128xf32, #tpu.memory_space<vmem>>) target_semaphore(%arg15 : memref<!tpu.dma_semaphore, #tpu.memory_space<semaphore_mem>>)
    %dma_wait3A_83 = arith.constant 0 : i32
    %dma_wait3A_84 = arith.constant 0 : i32
    %dma_wait3A_85 = arith.constant 0 : i32
    %dma_wait3A_86 = tpu.memref_slice %arg7[%dma_wait3A_83, %dma_wait3A_84, %dma_wait3A_85] : memref<2x80x128xf32, #tpu.memory_space<vmem>> -> memref<1x80x128xf32, #tpu.memory_space<vmem>>
    %dma_wait3A_87 = tpu.memref_squeeze %dma_wait3A_86 : memref<1x80x128xf32, #tpu.memory_space<vmem>> -> memref<80x128xf32, #tpu.memory_space<vmem>>
    %dma_wait3A_88 = arith.constant 0 : i32
    %dma_wait3A_89 = tpu.memref_slice %arg3[%add3A_69, %dma_wait3A_88] : memref<320000x128xf32, #tpu.memory_space<hbm>> -> memref<80x128xf32, #tpu.memory_space<hbm>>
    %dma_wait3A_90 = arith.constant 0 : i32
    %dma_wait3A_91 = arith.constant 0 : i32
    %dma_wait3A_92 = tpu.memref_slice %arg7[%dma_wait3A_83, %dma_wait3A_90, %dma_wait3A_91] : memref<2x80x128xf32, #tpu.memory_space<vmem>> -> memref<1x80x128xf32, #tpu.memory_space<vmem>>
    %dma_wait3A_93 = tpu.memref_squeeze %dma_wait3A_92 : memref<1x80x128xf32, #tpu.memory_space<vmem>> -> memref<80x128xf32, #tpu.memory_space<vmem>>
    %dma_wait3A_94 = arith.constant 0 : i32
    %dma_wait3A_95 = tpu.memref_slice %arg3[%add3A_69, %dma_wait3A_94] : memref<320000x128xf32, #tpu.memory_space<hbm>> -> memref<80x128xf32, #tpu.memory_space<hbm>>
    tpu.wait_dma2 semaphore(%arg15 : memref<!tpu.dma_semaphore, #tpu.memory_space<semaphore_mem>>) src(%dma_wait3A_95 : memref<80x128xf32, #tpu.memory_space<hbm>>) dst(%dma_wait3A_93 : memref<80x128xf32, #tpu.memory_space<vmem>>)
    %dma_start3A_96 = arith.constant 0 : i32
    %dma_start3A_97 = arith.constant 0 : i32
    %dma_start3A_98 = arith.constant 0 : i32
    %dma_start3A_99 = arith.constant 0 : i32
    %dma_start3A_100 = arith.constant 0 : i32
    %dma_start3A_101 = tpu.memref_slice %arg7[%dma_start3A_98, %dma_start3A_99, %dma_start3A_100] : memref<2x80x128xf32, #tpu.memory_space<vmem>> -> memref<1x80x128xf32, #tpu.memory_space<vmem>>
    %dma_start3A_102 = tpu.memref_squeeze %dma_start3A_101 : memref<1x80x128xf32, #tpu.memory_space<vmem>> -> memref<80x128xf32, #tpu.memory_space<vmem>>
    %dma_start3A_103 = arith.constant 0 : i32
    %dma_start3A_104 = tpu.memref_slice %arg6[%dma_start3A_96, %dma_start3A_97, %dma_start3A_103] : memref<2x2x80xi32, #tpu.memory_space<vmem>> -> memref<1x1x80xi32, #tpu.memory_space<vmem>>
    %dma_start3A_105 = tpu.memref_squeeze %dma_start3A_104 : memref<1x1x80xi32, #tpu.memory_space<vmem>> -> memref<80xi32, #tpu.memory_space<vmem>>
    %dma_start3A_106 = arith.constant 0 : i32
    %dma_start3A_107 = arith.constant 0 : i32
    %dma_start3A_108 = tpu.memref_slice %arg2[%dma_start3A_106, %dma_start3A_107] : memref<10000x128xf32, #tpu.memory_space<hbm>> -> memref<10000x128xf32, #tpu.memory_space<hbm>>
    tpu.enqueue_indirect_dma source(%dma_start3A_108 : memref<10000x128xf32, #tpu.memory_space<hbm>>) target(%dma_start3A_102 : memref<80x128xf32, #tpu.memory_space<vmem>>) offsets(%dma_start3A_105 : memref<80xi32, #tpu.memory_space<vmem>>) semaphore(%arg9 : memref<!tpu.dma_semaphore, #tpu.memory_space<semaphore_mem>>) {add = true}
    %dma_start3A_109 = arith.constant 1 : i32
    %dma_start3A_110 = arith.constant 1 : i32
    %dma_start3A_111 = arith.constant 0 : i32
    %dma_start3A_112 = arith.constant 0 : i32
    %dma_start3A_113 = tpu.memref_slice %arg6[%dma_start3A_110, %dma_start3A_111, %dma_start3A_112] : memref<2x2x80xi32, #tpu.memory_space<vmem>> -> memref<1x2x80xi32, #tpu.memory_space<vmem>>
    %dma_start3A_114 = tpu.memref_squeeze %dma_start3A_113 : memref<1x2x80xi32, #tpu.memory_space<vmem>> -> memref<2x80xi32, #tpu.memory_space<vmem>>
    %dma_start3A_115 = arith.constant 0 : i32
    %dma_start3A_116 = arith.constant 0 : i32
    %dma_start3A_117 = tpu.memref_slice %arg4[%add3A, %dma_start3A_109, %dma_start3A_115, %dma_start3A_116] : memref<32x125x2x80xi32, #tpu.memory_space<hbm>> -> memref<1x1x2x80xi32, #tpu.memory_space<hbm>>
    %dma_start3A_118 = tpu.memref_squeeze %dma_start3A_117 : memref<1x1x2x80xi32, #tpu.memory_space<hbm>> -> memref<2x80xi32, #tpu.memory_space<hbm>>
    %dma_start3A_119 = arith.constant 0 : i32
    %dma_start3A_120 = arith.constant 0 : i32
    %dma_start3A_121 = tpu.memref_slice %arg6[%dma_start3A_110, %dma_start3A_119, %dma_start3A_120] : memref<2x2x80xi32, #tpu.memory_space<vmem>> -> memref<1x2x80xi32, #tpu.memory_space<vmem>>
    %dma_start3A_122 = tpu.memref_squeeze %dma_start3A_121 : memref<1x2x80xi32, #tpu.memory_space<vmem>> -> memref<2x80xi32, #tpu.memory_space<vmem>>
    %dma_start3A_123 = arith.constant 0 : i32
    %dma_start3A_124 = arith.constant 0 : i32
    %dma_start3A_125 = tpu.memref_slice %arg4[%add3A, %dma_start3A_109, %dma_start3A_123, %dma_start3A_124] : memref<32x125x2x80xi32, #tpu.memory_space<hbm>> -> memref<1x1x2x80xi32, #tpu.memory_space<hbm>>
    %dma_start3A_126 = tpu.memref_squeeze %dma_start3A_125 : memref<1x1x2x80xi32, #tpu.memory_space<hbm>> -> memref<2x80xi32, #tpu.memory_space<hbm>>
    tpu.enqueue_dma source(%dma_start3A_126 : memref<2x80xi32, #tpu.memory_space<hbm>>) target(%dma_start3A_122 : memref<2x80xi32, #tpu.memory_space<vmem>>) target_semaphore(%arg14 : memref<!tpu.dma_semaphore, #tpu.memory_space<semaphore_mem>>)
    %add3A_127 = arith.constant 80 : i32
    %add3A_128 = arith.addi %mul3A_2, %add3A_127 : i32
    %dma_start3A_129 = arith.constant 1 : i32
    %dma_start3A_130 = arith.constant 0 : i32
    %dma_start3A_131 = arith.constant 0 : i32
    %dma_start3A_132 = tpu.memref_slice %arg7[%dma_start3A_129, %dma_start3A_130, %dma_start3A_131] : memref<2x80x128xf32, #tpu.memory_space<vmem>> -> memref<1x80x128xf32, #tpu.memory_space<vmem>>
    %dma_start3A_133 = tpu.memref_squeeze %dma_start3A_132 : memref<1x80x128xf32, #tpu.memory_space<vmem>> -> memref<80x128xf32, #tpu.memory_space<vmem>>
    %dma_start3A_134 = arith.constant 0 : i32
    %dma_start3A_135 = tpu.memref_slice %arg3[%add3A_128, %dma_start3A_134] : memref<320000x128xf32, #tpu.memory_space<hbm>> -> memref<80x128xf32, #tpu.memory_space<hbm>>
    %dma_start3A_136 = arith.constant 0 : i32
    %dma_start3A_137 = arith.constant 0 : i32
    %dma_start3A_138 = tpu.memref_slice %arg7[%dma_start3A_129, %dma_start3A_136, %dma_start3A_137] : memref<2x80x128xf32, #tpu.memory_space<vmem>> -> memref<1x80x128xf32, #tpu.memory_space<vmem>>
    %dma_start3A_139 = tpu.memref_squeeze %dma_start3A_138 : memref<1x80x128xf32, #tpu.memory_space<vmem>> -> memref<80x128xf32, #tpu.memory_space<vmem>>
    %dma_start3A_140 = arith.constant 0 : i32
    %dma_start3A_141 = tpu.memref_slice %arg3[%add3A_128, %dma_start3A_140] : memref<320000x128xf32, #tpu.memory_space<hbm>> -> memref<80x128xf32, #tpu.memory_space<hbm>>
    tpu.enqueue_dma source(%dma_start3A_141 : memref<80x128xf32, #tpu.memory_space<hbm>>) target(%dma_start3A_139 : memref<80x128xf32, #tpu.memory_space<vmem>>) target_semaphore(%arg16 : memref<!tpu.dma_semaphore, #tpu.memory_space<semaphore_mem>>)
    %scan3A_142 = arith.constant 0 : i32
    %scan3A_143 = arith.constant 0 : i32
    %scan3A_144 = arith.constant 62 : i32
    %scan3A_145 = arith.addi %scan3A_143, %scan3A_144 : i32
    %scan3A_146 = arith.constant 1 : i32
    %scan3A_147 = scf.for %scan3A_227 = %scan3A_143 to %scan3A_145 step %scan3A_146 iter_args(%scan3A_228 = %scan3A_142) -> (i32)  : i32 {
      %mul3A_229 = arith.constant 2 : i32
      %mul3A_230 = arith.muli %mul3A_229, %scan3A_227 : i32
      %add3A_231 = arith.constant 1 : i32
      %add3A_232 = arith.addi %mul3A_230, %add3A_231 : i32
      %dma_wait3A_233 = arith.constant 0 : i32
      %dma_wait3A_234 = arith.constant 0 : i32
      %dma_wait3A_235 = arith.constant 0 : i32
      %dma_wait3A_236 = arith.constant 0 : i32
      %dma_wait3A_237 = arith.constant 0 : i32
      %dma_wait3A_238 = tpu.memref_slice %arg7[%dma_wait3A_235, %dma_wait3A_236, %dma_wait3A_237] : memref<2x80x128xf32, #tpu.memory_space<vmem>> -> memref<1x80x128xf32, #tpu.memory_space<vmem>>
      %dma_wait3A_239 = tpu.memref_squeeze %dma_wait3A_238 : memref<1x80x128xf32, #tpu.memory_space<vmem>> -> memref<80x128xf32, #tpu.memory_space<vmem>>
      %dma_wait3A_240 = arith.constant 0 : i32
      %dma_wait3A_241 = tpu.memref_slice %arg6[%dma_wait3A_233, %dma_wait3A_234, %dma_wait3A_240] : memref<2x2x80xi32, #tpu.memory_space<vmem>> -> memref<1x1x80xi32, #tpu.memory_space<vmem>>
      %dma_wait3A_242 = tpu.memref_squeeze %dma_wait3A_241 : memref<1x1x80xi32, #tpu.memory_space<vmem>> -> memref<80xi32, #tpu.memory_space<vmem>>
      %dma_wait3A_243 = arith.constant 0 : i32
      %dma_wait3A_244 = arith.constant 0 : i32
      %dma_wait3A_245 = tpu.memref_slice %arg2[%dma_wait3A_243, %dma_wait3A_244] : memref<10000x128xf32, #tpu.memory_space<hbm>> -> memref<10000x128xf32, #tpu.memory_space<hbm>>
      tpu.wait_indirect_dma semaphore(%arg9 : memref<!tpu.dma_semaphore, #tpu.memory_space<semaphore_mem>>) src(%dma_wait3A_245 : memref<10000x128xf32, #tpu.memory_space<hbm>>) dst(%dma_wait3A_239 : memref<80x128xf32, #tpu.memory_space<vmem>>)
      %scan3A_246 = arith.constant 0 : i32
      %scan3A_247 = arith.constant 0 : i32
      %scan3A_248 = arith.constant 80 : i32
      %scan3A_249 = arith.addi %scan3A_247, %scan3A_248 : i32
      %scan3A_250 = arith.constant 1 : i32
      %scan3A_251 = scf.for %scan3A_495 = %scan3A_247 to %scan3A_249 step %scan3A_250 iter_args(%scan3A_496 = %scan3A_246) -> (i32)  : i32 {
        %get3A = arith.constant 0 : i32
        %get3A_497 = arith.index_cast %get3A : i32 to index
        %get3A_498 = arith.index_cast %scan3A_495 : i32 to index
        %get3A_499 = arith.constant 0 : index
        %get3A_500 = tpu.vector_load %arg7[%get3A_497, %get3A_498, %get3A_499] {strides = array<i32>} : memref<2x80x128xf32, #tpu.memory_space<vmem>>, vector<1x1x16xf32>,
        %get3A_501 = vector.shape_cast %get3A_500 : vector<1x1x16xf32> to vector<16xf32>
        %max3A = arith.constant 0.000000e+00 : f32
        %max3A_502 = vector.broadcast %max3A : f32 to vector<16xf32>
        %max3A_503 = arith.maximumf %get3A_501, %max3A_502 : vector<16xf32>
        %swap3A = arith.constant 0 : i32
        %swap3A_504 = arith.index_cast %swap3A : i32 to index
        %swap3A_505 = arith.index_cast %scan3A_495 : i32 to index
        %swap3A_506 = arith.constant 0 : index
        %swap3A_507 = tpu.vector_load %arg7[%swap3A_504, %swap3A_505, %swap3A_506] {strides = array<i32>} : memref<2x80x128xf32, #tpu.memory_space<vmem>>, vector<1x1x16xf32>,
        %swap3A_508 = vector.shape_cast %swap3A_507 : vector<1x1x16xf32> to vector<16xf32>
        %swap3A_509 = vector.shape_cast %max3A_503 : vector<16xf32> to vector<1x1x16xf32>
        tpu.vector_store %arg7[%swap3A_504, %swap3A_505, %swap3A_506], %swap3A_509 {strides = array<i32>} : memref<2x80x128xf32, #tpu.memory_space<vmem>>, vector<1x1x16xf32>,
        %get3A_510 = arith.constant 0 : i32
        %get3A_511 = arith.index_cast %get3A_510 : i32 to index
        %get3A_512 = arith.index_cast %scan3A_495 : i32 to index
        %get3A_513 = arith.constant 16 : index
        %get3A_514 = tpu.vector_load %arg7[%get3A_511, %get3A_512, %get3A_513] {strides = array<i32>} : memref<2x80x128xf32, #tpu.memory_space<vmem>>, vector<1x1x16xf32>,
        %get3A_515 = vector.shape_cast %get3A_514 : vector<1x1x16xf32> to vector<16xf32>
        %max3A_516 = arith.constant 0.000000e+00 : f32
        %max3A_517 = vector.broadcast %max3A_516 : f32 to vector<16xf32>
        %max3A_518 = arith.maximumf %get3A_515, %max3A_517 : vector<16xf32>
        %swap3A_519 = arith.constant 0 : i32
        %swap3A_520 = arith.index_cast %swap3A_519 : i32 to index
        %swap3A_521 = arith.index_cast %scan3A_495 : i32 to index
        %swap3A_522 = arith.constant 16 : index
        %swap3A_523 = tpu.vector_load %arg7[%swap3A_520, %swap3A_521, %swap3A_522] {strides = array<i32>} : memref<2x80x128xf32, #tpu.memory_space<vmem>>, vector<1x1x16xf32>,
        %swap3A_524 = vector.shape_cast %swap3A_523 : vector<1x1x16xf32> to vector<16xf32>
        %swap3A_525 = vector.shape_cast %max3A_518 : vector<16xf32> to vector<1x1x16xf32>
        tpu.vector_store %arg7[%swap3A_520, %swap3A_521, %swap3A_522], %swap3A_525 {strides = array<i32>} : memref<2x80x128xf32, #tpu.memory_space<vmem>>, vector<1x1x16xf32>,
        %get3A_526 = arith.constant 0 : i32
        %get3A_527 = arith.index_cast %get3A_526 : i32 to index
        %get3A_528 = arith.index_cast %scan3A_495 : i32 to index
        %get3A_529 = arith.constant 32 : index
        %get3A_530 = tpu.vector_load %arg7[%get3A_527, %get3A_528, %get3A_529] {strides = array<i32>} : memref<2x80x128xf32, #tpu.memory_space<vmem>>, vector<1x1x16xf32>,
        %get3A_531 = vector.shape_cast %get3A_530 : vector<1x1x16xf32> to vector<16xf32>
        %max3A_532 = arith.constant 0.000000e+00 : f32
        %max3A_533 = vector.broadcast %max3A_532 : f32 to vector<16xf32>
        %max3A_534 = arith.maximumf %get3A_531, %max3A_533 : vector<16xf32>
        %swap3A_535 = arith.constant 0 : i32
        %swap3A_536 = arith.index_cast %swap3A_535 : i32 to index
        %swap3A_537 = arith.index_cast %scan3A_495 : i32 to index
        %swap3A_538 = arith.constant 32 : index
        %swap3A_539 = tpu.vector_load %arg7[%swap3A_536, %swap3A_537, %swap3A_538] {strides = array<i32>} : memref<2x80x128xf32, #tpu.memory_space<vmem>>, vector<1x1x16xf32>,
        %swap3A_540 = vector.shape_cast %swap3A_539 : vector<1x1x16xf32> to vector<16xf32>
        %swap3A_541 = vector.shape_cast %max3A_534 : vector<16xf32> to vector<1x1x16xf32>
        tpu.vector_store %arg7[%swap3A_536, %swap3A_537, %swap3A_538], %swap3A_541 {strides = array<i32>} : memref<2x80x128xf32, #tpu.memory_space<vmem>>, vector<1x1x16xf32>,
        %get3A_542 = arith.constant 0 : i32
        %get3A_543 = arith.index_cast %get3A_542 : i32 to index
        %get3A_544 = arith.index_cast %scan3A_495 : i32 to index
        %get3A_545 = arith.constant 48 : index
        %get3A_546 = tpu.vector_load %arg7[%get3A_543, %get3A_544, %get3A_545] {strides = array<i32>} : memref<2x80x128xf32, #tpu.memory_space<vmem>>, vector<1x1x16xf32>,
        %get3A_547 = vector.shape_cast %get3A_546 : vector<1x1x16xf32> to vector<16xf32>
        %max3A_548 = arith.constant 0.000000e+00 : f32
        %max3A_549 = vector.broadcast %max3A_548 : f32 to vector<16xf32>
        %max3A_550 = arith.maximumf %get3A_547, %max3A_549 : vector<16xf32>
        %swap3A_551 = arith.constant 0 : i32
        %swap3A_552 = arith.index_cast %swap3A_551 : i32 to index
        %swap3A_553 = arith.index_cast %scan3A_495 : i32 to index
        %swap3A_554 = arith.constant 48 : index
        %swap3A_555 = tpu.vector_load %arg7[%swap3A_552, %swap3A_553, %swap3A_554] {strides = array<i32>} : memref<2x80x128xf32, #tpu.memory_space<vmem>>, vector<1x1x16xf32>,
        %swap3A_556 = vector.shape_cast %swap3A_555 : vector<1x1x16xf32> to vector<16xf32>
        %swap3A_557 = vector.shape_cast %max3A_550 : vector<16xf32> to vector<1x1x16xf32>
        tpu.vector_store %arg7[%swap3A_552, %swap3A_553, %swap3A_554], %swap3A_557 {strides = array<i32>} : memref<2x80x128xf32, #tpu.memory_space<vmem>>, vector<1x1x16xf32>,
        %get3A_558 = arith.constant 0 : i32
        %get3A_559 = arith.index_cast %get3A_558 : i32 to index
        %get3A_560 = arith.index_cast %scan3A_495 : i32 to index
        %get3A_561 = arith.constant 64 : index
        %get3A_562 = tpu.vector_load %arg7[%get3A_559, %get3A_560, %get3A_561] {strides = array<i32>} : memref<2x80x128xf32, #tpu.memory_space<vmem>>, vector<1x1x16xf32>,
        %get3A_563 = vector.shape_cast %get3A_562 : vector<1x1x16xf32> to vector<16xf32>
        %max3A_564 = arith.constant 0.000000e+00 : f32
        %max3A_565 = vector.broadcast %max3A_564 : f32 to vector<16xf32>
        %max3A_566 = arith.maximumf %get3A_563, %max3A_565 : vector<16xf32>
        %swap3A_567 = arith.constant 0 : i32
        %swap3A_568 = arith.index_cast %swap3A_567 : i32 to index
        %swap3A_569 = arith.index_cast %scan3A_495 : i32 to index
        %swap3A_570 = arith.constant 64 : index
        %swap3A_571 = tpu.vector_load %arg7[%swap3A_568, %swap3A_569, %swap3A_570] {strides = array<i32>} : memref<2x80x128xf32, #tpu.memory_space<vmem>>, vector<1x1x16xf32>,
        %swap3A_572 = vector.shape_cast %swap3A_571 : vector<1x1x16xf32> to vector<16xf32>
        %swap3A_573 = vector.shape_cast %max3A_566 : vector<16xf32> to vector<1x1x16xf32>
        tpu.vector_store %arg7[%swap3A_568, %swap3A_569, %swap3A_570], %swap3A_573 {strides = array<i32>} : memref<2x80x128xf32, #tpu.memory_space<vmem>>, vector<1x1x16xf32>,
        %get3A_574 = arith.constant 0 : i32
        %get3A_575 = arith.index_cast %get3A_574 : i32 to index
        %get3A_576 = arith.index_cast %scan3A_495 : i32 to index
        %get3A_577 = arith.constant 80 : index
        %get3A_578 = tpu.vector_load %arg7[%get3A_575, %get3A_576, %get3A_577] {strides = array<i32>} : memref<2x80x128xf32, #tpu.memory_space<vmem>>, vector<1x1x16xf32>,
        %get3A_579 = vector.shape_cast %get3A_578 : vector<1x1x16xf32> to vector<16xf32>
        %max3A_580 = arith.constant 0.000000e+00 : f32
        %max3A_581 = vector.broadcast %max3A_580 : f32 to vector<16xf32>
        %max3A_582 = arith.maximumf %get3A_579, %max3A_581 : vector<16xf32>
        %swap3A_583 = arith.constant 0 : i32
        %swap3A_584 = arith.index_cast %swap3A_583 : i32 to index
        %swap3A_585 = arith.index_cast %scan3A_495 : i32 to index
        %swap3A_586 = arith.constant 80 : index
        %swap3A_587 = tpu.vector_load %arg7[%swap3A_584, %swap3A_585, %swap3A_586] {strides = array<i32>} : memref<2x80x128xf32, #tpu.memory_space<vmem>>, vector<1x1x16xf32>,
        %swap3A_588 = vector.shape_cast %swap3A_587 : vector<1x1x16xf32> to vector<16xf32>
        %swap3A_589 = vector.shape_cast %max3A_582 : vector<16xf32> to vector<1x1x16xf32>
        tpu.vector_store %arg7[%swap3A_584, %swap3A_585, %swap3A_586], %swap3A_589 {strides = array<i32>} : memref<2x80x128xf32, #tpu.memory_space<vmem>>, vector<1x1x16xf32>,
        %get3A_590 = arith.constant 0 : i32
        %get3A_591 = arith.index_cast %get3A_590 : i32 to index
        %get3A_592 = arith.index_cast %scan3A_495 : i32 to index
        %get3A_593 = arith.constant 96 : index
        %get3A_594 = tpu.vector_load %arg7[%get3A_591, %get3A_592, %get3A_593] {strides = array<i32>} : memref<2x80x128xf32, #tpu.memory_space<vmem>>, vector<1x1x16xf32>,
        %get3A_595 = vector.shape_cast %get3A_594 : vector<1x1x16xf32> to vector<16xf32>
        %max3A_596 = arith.constant 0.000000e+00 : f32
        %max3A_597 = vector.broadcast %max3A_596 : f32 to vector<16xf32>
        %max3A_598 = arith.maximumf %get3A_595, %max3A_597 : vector<16xf32>
        %swap3A_599 = arith.constant 0 : i32
        %swap3A_600 = arith.index_cast %swap3A_599 : i32 to index
        %swap3A_601 = arith.index_cast %scan3A_495 : i32 to index
        %swap3A_602 = arith.constant 96 : index
        %swap3A_603 = tpu.vector_load %arg7[%swap3A_600, %swap3A_601, %swap3A_602] {strides = array<i32>} : memref<2x80x128xf32, #tpu.memory_space<vmem>>, vector<1x1x16xf32>,
        %swap3A_604 = vector.shape_cast %swap3A_603 : vector<1x1x16xf32> to vector<16xf32>
        %swap3A_605 = vector.shape_cast %max3A_598 : vector<16xf32> to vector<1x1x16xf32>
        tpu.vector_store %arg7[%swap3A_600, %swap3A_601, %swap3A_602], %swap3A_605 {strides = array<i32>} : memref<2x80x128xf32, #tpu.memory_space<vmem>>, vector<1x1x16xf32>,
        %get3A_606 = arith.constant 0 : i32
        %get3A_607 = arith.index_cast %get3A_606 : i32 to index
        %get3A_608 = arith.index_cast %scan3A_495 : i32 to index
        %get3A_609 = arith.constant 112 : index
        %get3A_610 = tpu.vector_load %arg7[%get3A_607, %get3A_608, %get3A_609] {strides = array<i32>} : memref<2x80x128xf32, #tpu.memory_space<vmem>>, vector<1x1x16xf32>,
        %get3A_611 = vector.shape_cast %get3A_610 : vector<1x1x16xf32> to vector<16xf32>
        %max3A_612 = arith.constant 0.000000e+00 : f32
        %max3A_613 = vector.broadcast %max3A_612 : f32 to vector<16xf32>
        %max3A_614 = arith.maximumf %get3A_611, %max3A_613 : vector<16xf32>
        %swap3A_615 = arith.constant 0 : i32
        %swap3A_616 = arith.index_cast %swap3A_615 : i32 to index
        %swap3A_617 = arith.index_cast %scan3A_495 : i32 to index
        %swap3A_618 = arith.constant 112 : index
        %swap3A_619 = tpu.vector_load %arg7[%swap3A_616, %swap3A_617, %swap3A_618] {strides = array<i32>} : memref<2x80x128xf32, #tpu.memory_space<vmem>>, vector<1x1x16xf32>,
        %swap3A_620 = vector.shape_cast %swap3A_619 : vector<1x1x16xf32> to vector<16xf32>
        %swap3A_621 = vector.shape_cast %max3A_614 : vector<16xf32> to vector<1x1x16xf32>
        tpu.vector_store %arg7[%swap3A_616, %swap3A_617, %swap3A_618], %swap3A_621 {strides = array<i32>} : memref<2x80x128xf32, #tpu.memory_space<vmem>>, vector<1x1x16xf32>,
        %scan3A_622 = arith.constant 0 : i32
        scf.yield %scan3A_622 : i32
      }
      %scan3A_252 = arith.constant 80 : i32
      %dma_start3A_253 = arith.constant 0 : i32
      %dma_start3A_254 = arith.constant 0 : i32
      %dma_start3A_255 = arith.constant 1 : i32
      %dma_start3A_256 = arith.constant 0 : i32
      %dma_start3A_257 = arith.constant 0 : i32
      %dma_start3A_258 = tpu.memref_slice %arg7[%dma_start3A_253, %dma_start3A_256, %dma_start3A_257] : memref<2x80x128xf32, #tpu.memory_space<vmem>> -> memref<1x80x128xf32, #tpu.memory_space<vmem>>
      %dma_start3A_259 = tpu.memref_squeeze %dma_start3A_258 : memref<1x80x128xf32, #tpu.memory_space<vmem>> -> memref<80x128xf32, #tpu.memory_space<vmem>>
      %dma_start3A_260 = arith.constant 0 : i32
      %dma_start3A_261 = tpu.memref_slice %arg6[%dma_start3A_254, %dma_start3A_255, %dma_start3A_260] : memref<2x2x80xi32, #tpu.memory_space<vmem>> -> memref<1x1x80xi32, #tpu.memory_space<vmem>>
      %dma_start3A_262 = tpu.memref_squeeze %dma_start3A_261 : memref<1x1x80xi32, #tpu.memory_space<vmem>> -> memref<80xi32, #tpu.memory_space<vmem>>
      %dma_start3A_263 = arith.constant 0 : i32
      %dma_start3A_264 = arith.constant 0 : i32
      %dma_start3A_265 = tpu.memref_slice %arg8[%dma_start3A_263, %dma_start3A_264] : memref<10240x128xf32, #tpu.memory_space<vmem_shared>> -> memref<10240x128xf32, #tpu.memory_space<vmem_shared>>
      tpu.enqueue_indirect_dma source(%dma_start3A_259 : memref<80x128xf32, #tpu.memory_space<vmem>>) target(%dma_start3A_265 : memref<10240x128xf32, #tpu.memory_space<vmem_shared>>) offsets(%dma_start3A_262 : memref<80xi32, #tpu.memory_space<vmem>>) semaphore(%arg11 : memref<!tpu.dma_semaphore, #tpu.memory_space<semaphore_mem>>) {add = true}
      %dma_wait3A_266 = arith.constant 1 : i32
      %dma_wait3A_267 = arith.constant 0 : i32
      %dma_wait3A_268 = arith.constant 0 : i32
      %dma_wait3A_269 = tpu.memref_slice %arg6[%dma_wait3A_266, %dma_wait3A_267, %dma_wait3A_268] : memref<2x2x80xi32, #tpu.memory_space<vmem>> -> memref<1x2x80xi32, #tpu.memory_space<vmem>>
      %dma_wait3A_270 = tpu.memref_squeeze %dma_wait3A_269 : memref<1x2x80xi32, #tpu.memory_space<vmem>> -> memref<2x80xi32, #tpu.memory_space<vmem>>
      %dma_wait3A_271 = arith.constant 0 : i32
      %dma_wait3A_272 = arith.constant 0 : i32
      %dma_wait3A_273 = tpu.memref_slice %arg4[%add3A, %add3A_232, %dma_wait3A_271, %dma_wait3A_272] : memref<32x125x2x80xi32, #tpu.memory_space<hbm>> -> memref<1x1x2x80xi32, #tpu.memory_space<hbm>>
      %dma_wait3A_274 = tpu.memref_squeeze %dma_wait3A_273 : memref<1x1x2x80xi32, #tpu.memory_space<hbm>> -> memref<2x80xi32, #tpu.memory_space<hbm>>
      %dma_wait3A_275 = arith.constant 0 : i32
      %dma_wait3A_276 = arith.constant 0 : i32
      %dma_wait3A_277 = tpu.memref_slice %arg6[%dma_wait3A_266, %dma_wait3A_275, %dma_wait3A_276] : memref<2x2x80xi32, #tpu.memory_space<vmem>> -> memref<1x2x80xi32, #tpu.memory_space<vmem>>
      %dma_wait3A_278 = tpu.memref_squeeze %dma_wait3A_277 : memref<1x2x80xi32, #tpu.memory_space<vmem>> -> memref<2x80xi32, #tpu.memory_space<vmem>>
      %dma_wait3A_279 = arith.constant 0 : i32
      %dma_wait3A_280 = arith.constant 0 : i32
      %dma_wait3A_281 = tpu.memref_slice %arg4[%add3A, %add3A_232, %dma_wait3A_279, %dma_wait3A_280] : memref<32x125x2x80xi32, #tpu.memory_space<hbm>> -> memref<1x1x2x80xi32, #tpu.memory_space<hbm>>
      %dma_wait3A_282 = tpu.memref_squeeze %dma_wait3A_281 : memref<1x1x2x80xi32, #tpu.memory_space<hbm>> -> memref<2x80xi32, #tpu.memory_space<hbm>>
      tpu.wait_dma2 semaphore(%arg14 : memref<!tpu.dma_semaphore, #tpu.memory_space<semaphore_mem>>) src(%dma_wait3A_282 : memref<2x80xi32, #tpu.memory_space<hbm>>) dst(%dma_wait3A_278 : memref<2x80xi32, #tpu.memory_space<vmem>>)
      %mul3A_283 = arith.constant 80 : i32
      %mul3A_284 = arith.muli %add3A_232, %mul3A_283 : i32
      %add3A_285 = arith.addi %mul3A_2, %mul3A_284 : i32
      %dma_wait3A_286 = arith.constant 1 : i32
      %dma_wait3A_287 = arith.constant 0 : i32
      %dma_wait3A_288 = arith.constant 0 : i32
      %dma_wait3A_289 = tpu.memref_slice %arg7[%dma_wait3A_286, %dma_wait3A_287, %dma_wait3A_288] : memref<2x80x128xf32, #tpu.memory_space<vmem>> -> memref<1x80x128xf32, #tpu.memory_space<vmem>>
      %dma_wait3A_290 = tpu.memref_squeeze %dma_wait3A_289 : memref<1x80x128xf32, #tpu.memory_space<vmem>> -> memref<80x128xf32, #tpu.memory_space<vmem>>
      %dma_wait3A_291 = arith.constant 0 : i32
      %dma_wait3A_292 = tpu.memref_slice %arg3[%add3A_285, %dma_wait3A_291] : memref<320000x128xf32, #tpu.memory_space<hbm>> -> memref<80x128xf32, #tpu.memory_space<hbm>>
      %dma_wait3A_293 = arith.constant 0 : i32
      %dma_wait3A_294 = arith.constant 0 : i32
      %dma_wait3A_295 = tpu.memref_slice %arg7[%dma_wait3A_286, %dma_wait3A_293, %dma_wait3A_294] : memref<2x80x128xf32, #tpu.memory_space<vmem>> -> memref<1x80x128xf32, #tpu.memory_space<vmem>>
      %dma_wait3A_296 = tpu.memref_squeeze %dma_wait3A_295 : memref<1x80x128xf32, #tpu.memory_space<vmem>> -> memref<80x128xf32, #tpu.memory_space<vmem>>
      %dma_wait3A_297 = arith.constant 0 : i32
      %dma_wait3A_298 = tpu.memref_slice %arg3[%add3A_285, %dma_wait3A_297] : memref<320000x128xf32, #tpu.memory_space<hbm>> -> memref<80x128xf32, #tpu.memory_space<hbm>>
      tpu.wait_dma2 semaphore(%arg16 : memref<!tpu.dma_semaphore, #tpu.memory_space<semaphore_mem>>) src(%dma_wait3A_298 : memref<80x128xf32, #tpu.memory_space<hbm>>) dst(%dma_wait3A_296 : memref<80x128xf32, #tpu.memory_space<vmem>>)
      %dma_start3A_299 = arith.constant 1 : i32
      %dma_start3A_300 = arith.constant 0 : i32
      %dma_start3A_301 = arith.constant 1 : i32
      %dma_start3A_302 = arith.constant 0 : i32
      %dma_start3A_303 = arith.constant 0 : i32
      %dma_start3A_304 = tpu.memref_slice %arg7[%dma_start3A_301, %dma_start3A_302, %dma_start3A_303] : memref<2x80x128xf32, #tpu.memory_space<vmem>> -> memref<1x80x128xf32, #tpu.memory_space<vmem>>
      %dma_start3A_305 = tpu.memref_squeeze %dma_start3A_304 : memref<1x80x128xf32, #tpu.memory_space<vmem>> -> memref<80x128xf32, #tpu.memory_space<vmem>>
      %dma_start3A_306 = arith.constant 0 : i32
      %dma_start3A_307 = tpu.memref_slice %arg6[%dma_start3A_299, %dma_start3A_300, %dma_start3A_306] : memref<2x2x80xi32, #tpu.memory_space<vmem>> -> memref<1x1x80xi32, #tpu.memory_space<vmem>>
      %dma_start3A_308 = tpu.memref_squeeze %dma_start3A_307 : memref<1x1x80xi32, #tpu.memory_space<vmem>> -> memref<80xi32, #tpu.memory_space<vmem>>
      %dma_start3A_309 = arith.constant 0 : i32
      %dma_start3A_310 = arith.constant 0 : i32
      %dma_start3A_311 = tpu.memref_slice %arg2[%dma_start3A_309, %dma_start3A_310] : memref<10000x128xf32, #tpu.memory_space<hbm>> -> memref<10000x128xf32, #tpu.memory_space<hbm>>
      tpu.enqueue_indirect_dma source(%dma_start3A_311 : memref<10000x128xf32, #tpu.memory_space<hbm>>) target(%dma_start3A_305 : memref<80x128xf32, #tpu.memory_space<vmem>>) offsets(%dma_start3A_308 : memref<80xi32, #tpu.memory_space<vmem>>) semaphore(%arg10 : memref<!tpu.dma_semaphore, #tpu.memory_space<semaphore_mem>>) {add = true}
      %dma_wait3A_312 = arith.constant 0 : i32
      %dma_wait3A_313 = arith.constant 0 : i32
      %dma_wait3A_314 = arith.constant 1 : i32
      %dma_wait3A_315 = arith.constant 0 : i32
      %dma_wait3A_316 = arith.constant 0 : i32
      %dma_wait3A_317 = tpu.memref_slice %arg7[%dma_wait3A_312, %dma_wait3A_315, %dma_wait3A_316] : memref<2x80x128xf32, #tpu.memory_space<vmem>> -> memref<1x80x128xf32, #tpu.memory_space<vmem>>
      %dma_wait3A_318 = tpu.memref_squeeze %dma_wait3A_317 : memref<1x80x128xf32, #tpu.memory_space<vmem>> -> memref<80x128xf32, #tpu.memory_space<vmem>>
      %dma_wait3A_319 = arith.constant 0 : i32
      %dma_wait3A_320 = tpu.memref_slice %arg6[%dma_wait3A_313, %dma_wait3A_314, %dma_wait3A_319] : memref<2x2x80xi32, #tpu.memory_space<vmem>> -> memref<1x1x80xi32, #tpu.memory_space<vmem>>
      %dma_wait3A_321 = tpu.memref_squeeze %dma_wait3A_320 : memref<1x1x80xi32, #tpu.memory_space<vmem>> -> memref<80xi32, #tpu.memory_space<vmem>>
      %dma_wait3A_322 = arith.constant 0 : i32
      %dma_wait3A_323 = arith.constant 0 : i32
      %dma_wait3A_324 = tpu.memref_slice %arg8[%dma_wait3A_322, %dma_wait3A_323] : memref<10240x128xf32, #tpu.memory_space<vmem_shared>> -> memref<10240x128xf32, #tpu.memory_space<vmem_shared>>
      tpu.wait_indirect_dma semaphore(%arg11 : memref<!tpu.dma_semaphore, #tpu.memory_space<semaphore_mem>>) src(%dma_wait3A_318 : memref<80x128xf32, #tpu.memory_space<vmem>>) dst(%dma_wait3A_324 : memref<10240x128xf32, #tpu.memory_space<vmem_shared>>)
      %add3A_325 = arith.constant 2 : i32
      %add3A_326 = arith.addi %mul3A_230, %add3A_325 : i32
      %dma_start3A_327 = arith.constant 0 : i32
      %dma_start3A_328 = arith.constant 0 : i32
      %dma_start3A_329 = arith.constant 0 : i32
      %dma_start3A_330 = tpu.memref_slice %arg6[%dma_start3A_327, %dma_start3A_328, %dma_start3A_329] : memref<2x2x80xi32, #tpu.memory_space<vmem>> -> memref<1x2x80xi32, #tpu.memory_space<vmem>>
      %dma_start3A_331 = tpu.memref_squeeze %dma_start3A_330 : memref<1x2x80xi32, #tpu.memory_space<vmem>> -> memref<2x80xi32, #tpu.memory_space<vmem>>
      %dma_start3A_332 = arith.constant 0 : i32
      %dma_start3A_333 = arith.constant 0 : i32
      %dma_start3A_334 = tpu.memref_slice %arg4[%add3A, %add3A_326, %dma_start3A_332, %dma_start3A_333] : memref<32x125x2x80xi32, #tpu.memory_space<hbm>> -> memref<1x1x2x80xi32, #tpu.memory_space<hbm>>
      %dma_start3A_335 = tpu.memref_squeeze %dma_start3A_334 : memref<1x1x2x80xi32, #tpu.memory_space<hbm>> -> memref<2x80xi32, #tpu.memory_space<hbm>>
      %dma_start3A_336 = arith.constant 0 : i32
      %dma_start3A_337 = arith.constant 0 : i32
      %dma_start3A_338 = tpu.memref_slice %arg6[%dma_start3A_327, %dma_start3A_336, %dma_start3A_337] : memref<2x2x80xi32, #tpu.memory_space<vmem>> -> memref<1x2x80xi32, #tpu.memory_space<vmem>>
      %dma_start3A_339 = tpu.memref_squeeze %dma_start3A_338 : memref<1x2x80xi32, #tpu.memory_space<vmem>> -> memref<2x80xi32, #tpu.memory_space<vmem>>
      %dma_start3A_340 = arith.constant 0 : i32
      %dma_start3A_341 = arith.constant 0 : i32
      %dma_start3A_342 = tpu.memref_slice %arg4[%add3A, %add3A_326, %dma_start3A_340, %dma_start3A_341] : memref<32x125x2x80xi32, #tpu.memory_space<hbm>> -> memref<1x1x2x80xi32, #tpu.memory_space<hbm>>
      %dma_start3A_343 = tpu.memref_squeeze %dma_start3A_342 : memref<1x1x2x80xi32, #tpu.memory_space<hbm>> -> memref<2x80xi32, #tpu.memory_space<hbm>>
      tpu.enqueue_dma source(%dma_start3A_343 : memref<2x80xi32, #tpu.memory_space<hbm>>) target(%dma_start3A_339 : memref<2x80xi32, #tpu.memory_space<vmem>>) target_semaphore(%arg13 : memref<!tpu.dma_semaphore, #tpu.memory_space<semaphore_mem>>)
      %add3A_344 = arith.constant 2 : i32
      %add3A_345 = arith.addi %mul3A_230, %add3A_344 : i32
      %mul3A_346 = arith.constant 80 : i32
      %mul3A_347 = arith.muli %add3A_345, %mul3A_346 : i32
      %add3A_348 = arith.addi %mul3A_2, %mul3A_347 : i32
      %dma_start3A_349 = arith.constant 0 : i32
      %dma_start3A_350 = arith.constant 0 : i32
      %dma_start3A_351 = arith.constant 0 : i32
      %dma_start3A_352 = tpu.memref_slice %arg7[%dma_start3A_349, %dma_start3A_350, %dma_start3A_351] : memref<2x80x128xf32, #tpu.memory_space<vmem>> -> memref<1x80x128xf32, #tpu.memory_space<vmem>>
      %dma_start3A_353 = tpu.memref_squeeze %dma_start3A_352 : memref<1x80x128xf32, #tpu.memory_space<vmem>> -> memref<80x128xf32, #tpu.memory_space<vmem>>
      %dma_start3A_354 = arith.constant 0 : i32
      %dma_start3A_355 = tpu.memref_slice %arg3[%add3A_348, %dma_start3A_354] : memref<320000x128xf32, #tpu.memory_space<hbm>> -> memref<80x128xf32, #tpu.memory_space<hbm>>
      %dma_start3A_356 = arith.constant 0 : i32
      %dma_start3A_357 = arith.constant 0 : i32
      %dma_start3A_358 = tpu.memref_slice %arg7[%dma_start3A_349, %dma_start3A_356, %dma_start3A_357] : memref<2x80x128xf32, #tpu.memory_space<vmem>> -> memref<1x80x128xf32, #tpu.memory_space<vmem>>
      %dma_start3A_359 = tpu.memref_squeeze %dma_start3A_358 : memref<1x80x128xf32, #tpu.memory_space<vmem>> -> memref<80x128xf32, #tpu.memory_space<vmem>>
      %dma_start3A_360 = arith.constant 0 : i32
      %dma_start3A_361 = tpu.memref_slice %arg3[%add3A_348, %dma_start3A_360] : memref<320000x128xf32, #tpu.memory_space<hbm>> -> memref<80x128xf32, #tpu.memory_space<hbm>>
      tpu.enqueue_dma source(%dma_start3A_361 : memref<80x128xf32, #tpu.memory_space<hbm>>) target(%dma_start3A_359 : memref<80x128xf32, #tpu.memory_space<vmem>>) target_semaphore(%arg15 : memref<!tpu.dma_semaphore, #tpu.memory_space<semaphore_mem>>)
      %add3A_362 = arith.constant 2 : i32
      %add3A_363 = arith.addi %mul3A_230, %add3A_362 : i32
      %dma_wait3A_364 = arith.constant 0 : i32
      %dma_wait3A_365 = arith.constant 0 : i32
      %dma_wait3A_366 = arith.constant 0 : i32
      %dma_wait3A_367 = tpu.memref_slice %arg6[%dma_wait3A_364, %dma_wait3A_365, %dma_wait3A_366] : memref<2x2x80xi32, #tpu.memory_space<vmem>> -> memref<1x2x80xi32, #tpu.memory_space<vmem>>
      %dma_wait3A_368 = tpu.memref_squeeze %dma_wait3A_367 : memref<1x2x80xi32, #tpu.memory_space<vmem>> -> memref<2x80xi32, #tpu.memory_space<vmem>>
      %dma_wait3A_369 = arith.constant 0 : i32
      %dma_wait3A_370 = arith.constant 0 : i32
      %dma_wait3A_371 = tpu.memref_slice %arg4[%add3A, %add3A_363, %dma_wait3A_369, %dma_wait3A_370] : memref<32x125x2x80xi32, #tpu.memory_space<hbm>> -> memref<1x1x2x80xi32, #tpu.memory_space<hbm>>
      %dma_wait3A_372 = tpu.memref_squeeze %dma_wait3A_371 : memref<1x1x2x80xi32, #tpu.memory_space<hbm>> -> memref<2x80xi32, #tpu.memory_space<hbm>>
      %dma_wait3A_373 = arith.constant 0 : i32
      %dma_wait3A_374 = arith.constant 0 : i32
      %dma_wait3A_375 = tpu.memref_slice %arg6[%dma_wait3A_364, %dma_wait3A_373, %dma_wait3A_374] : memref<2x2x80xi32, #tpu.memory_space<vmem>> -> memref<1x2x80xi32, #tpu.memory_space<vmem>>
      %dma_wait3A_376 = tpu.memref_squeeze %dma_wait3A_375 : memref<1x2x80xi32, #tpu.memory_space<vmem>> -> memref<2x80xi32, #tpu.memory_space<vmem>>
      %dma_wait3A_377 = arith.constant 0 : i32
      %dma_wait3A_378 = arith.constant 0 : i32
      %dma_wait3A_379 = tpu.memref_slice %arg4[%add3A, %add3A_363, %dma_wait3A_377, %dma_wait3A_378] : memref<32x125x2x80xi32, #tpu.memory_space<hbm>> -> memref<1x1x2x80xi32, #tpu.memory_space<hbm>>
      %dma_wait3A_380 = tpu.memref_squeeze %dma_wait3A_379 : memref<1x1x2x80xi32, #tpu.memory_space<hbm>> -> memref<2x80xi32, #tpu.memory_space<hbm>>
      tpu.wait_dma2 semaphore(%arg13 : memref<!tpu.dma_semaphore, #tpu.memory_space<semaphore_mem>>) src(%dma_wait3A_380 : memref<2x80xi32, #tpu.memory_space<hbm>>) dst(%dma_wait3A_376 : memref<2x80xi32, #tpu.memory_space<vmem>>)
      %add3A_381 = arith.constant 2 : i32
      %add3A_382 = arith.addi %mul3A_230, %add3A_381 : i32
      %mul3A_383 = arith.constant 80 : i32
      %mul3A_384 = arith.muli %add3A_382, %mul3A_383 : i32
      %add3A_385 = arith.addi %mul3A_2, %mul3A_384 : i32
      %dma_wait3A_386 = arith.constant 0 : i32
      %dma_wait3A_387 = arith.constant 0 : i32
      %dma_wait3A_388 = arith.constant 0 : i32
      %dma_wait3A_389 = tpu.memref_slice %arg7[%dma_wait3A_386, %dma_wait3A_387, %dma_wait3A_388] : memref<2x80x128xf32, #tpu.memory_space<vmem>> -> memref<1x80x128xf32, #tpu.memory_space<vmem>>
      %dma_wait3A_390 = tpu.memref_squeeze %dma_wait3A_389 : memref<1x80x128xf32, #tpu.memory_space<vmem>> -> memref<80x128xf32, #tpu.memory_space<vmem>>
      %dma_wait3A_391 = arith.constant 0 : i32
      %dma_wait3A_392 = tpu.memref_slice %arg3[%add3A_385, %dma_wait3A_391] : memref<320000x128xf32, #tpu.memory_space<hbm>> -> memref<80x128xf32, #tpu.memory_space<hbm>>
      %dma_wait3A_393 = arith.constant 0 : i32
      %dma_wait3A_394 = arith.constant 0 : i32
      %dma_wait3A_395 = tpu.memref_slice %arg7[%dma_wait3A_386, %dma_wait3A_393, %dma_wait3A_394] : memref<2x80x128xf32, #tpu.memory_space<vmem>> -> memref<1x80x128xf32, #tpu.memory_space<vmem>>
      %dma_wait3A_396 = tpu.memref_squeeze %dma_wait3A_395 : memref<1x80x128xf32, #tpu.memory_space<vmem>> -> memref<80x128xf32, #tpu.memory_space<vmem>>
      %dma_wait3A_397 = arith.constant 0 : i32
      %dma_wait3A_398 = tpu.memref_slice %arg3[%add3A_385, %dma_wait3A_397] : memref<320000x128xf32, #tpu.memory_space<hbm>> -> memref<80x128xf32, #tpu.memory_space<hbm>>
      tpu.wait_dma2 semaphore(%arg15 : memref<!tpu.dma_semaphore, #tpu.memory_space<semaphore_mem>>) src(%dma_wait3A_398 : memref<80x128xf32, #tpu.memory_space<hbm>>) dst(%dma_wait3A_396 : memref<80x128xf32, #tpu.memory_space<vmem>>)
      %dma_start3A_399 = arith.constant 0 : i32
      %dma_start3A_400 = arith.constant 0 : i32
      %dma_start3A_401 = arith.constant 0 : i32
      %dma_start3A_402 = arith.constant 0 : i32
      %dma_start3A_403 = arith.constant 0 : i32
      %dma_start3A_404 = tpu.memref_slice %arg7[%dma_start3A_401, %dma_start3A_402, %dma_start3A_403] : memref<2x80x128xf32, #tpu.memory_space<vmem>> -> memref<1x80x128xf32, #tpu.memory_space<vmem>>
      %dma_start3A_405 = tpu.memref_squeeze %dma_start3A_404 : memref<1x80x128xf32, #tpu.memory_space<vmem>> -> memref<80x128xf32, #tpu.memory_space<vmem>>
      %dma_start3A_406 = arith.constant 0 : i32
      %dma_start3A_407 = tpu.memref_slice %arg6[%dma_start3A_399, %dma_start3A_400, %dma_start3A_406] : memref<2x2x80xi32, #tpu.memory_space<vmem>> -> memref<1x1x80xi32, #tpu.memory_space<vmem>>
      %dma_start3A_408 = tpu.memref_squeeze %dma_start3A_407 : memref<1x1x80xi32, #tpu.memory_space<vmem>> -> memref<80xi32, #tpu.memory_space<vmem>>
      %dma_start3A_409 = arith.constant 0 : i32
      %dma_start3A_410 = arith.constant 0 : i32
      %dma_start3A_411 = tpu.memref_slice %arg2[%dma_start3A_409, %dma_start3A_410] : memref<10000x128xf32, #tpu.memory_space<hbm>> -> memref<10000x128xf32, #tpu.memory_space<hbm>>
      tpu.enqueue_indirect_dma source(%dma_start3A_411 : memref<10000x128xf32, #tpu.memory_space<hbm>>) target(%dma_start3A_405 : memref<80x128xf32, #tpu.memory_space<vmem>>) offsets(%dma_start3A_408 : memref<80xi32, #tpu.memory_space<vmem>>) semaphore(%arg9 : memref<!tpu.dma_semaphore, #tpu.memory_space<semaphore_mem>>) {add = true}
      %dma_wait3A_412 = arith.constant 1 : i32
      %dma_wait3A_413 = arith.constant 0 : i32
      %dma_wait3A_414 = arith.constant 1 : i32
      %dma_wait3A_415 = arith.constant 0 : i32
      %dma_wait3A_416 = arith.constant 0 : i32
      %dma_wait3A_417 = tpu.memref_slice %arg7[%dma_wait3A_414, %dma_wait3A_415, %dma_wait3A_416] : memref<2x80x128xf32, #tpu.memory_space<vmem>> -> memref<1x80x128xf32, #tpu.memory_space<vmem>>
      %dma_wait3A_418 = tpu.memref_squeeze %dma_wait3A_417 : memref<1x80x128xf32, #tpu.memory_space<vmem>> -> memref<80x128xf32, #tpu.memory_space<vmem>>
      %dma_wait3A_419 = arith.constant 0 : i32
      %dma_wait3A_420 = tpu.memref_slice %arg6[%dma_wait3A_412, %dma_wait3A_413, %dma_wait3A_419] : memref<2x2x80xi32, #tpu.memory_space<vmem>> -> memref<1x1x80xi32, #tpu.memory_space<vmem>>
      %dma_wait3A_421 = tpu.memref_squeeze %dma_wait3A_420 : memref<1x1x80xi32, #tpu.memory_space<vmem>> -> memref<80xi32, #tpu.memory_space<vmem>>
      %dma_wait3A_422 = arith.constant 0 : i32
      %dma_wait3A_423 = arith.constant 0 : i32
      %dma_wait3A_424 = tpu.memref_slice %arg2[%dma_wait3A_422, %dma_wait3A_423] : memref<10000x128xf32, #tpu.memory_space<hbm>> -> memref<10000x128xf32, #tpu.memory_space<hbm>>
      tpu.wait_indirect_dma semaphore(%arg10 : memref<!tpu.dma_semaphore, #tpu.memory_space<semaphore_mem>>) src(%dma_wait3A_424 : memref<10000x128xf32, #tpu.memory_space<hbm>>) dst(%dma_wait3A_418 : memref<80x128xf32, #tpu.memory_space<vmem>>)
      %scan3A_425 = arith.constant 0 : i32
      %scan3A_426 = arith.constant 0 : i32
      %scan3A_427 = arith.constant 80 : i32
      %scan3A_428 = arith.addi %scan3A_426, %scan3A_427 : i32
      %scan3A_429 = arith.constant 1 : i32
      %scan3A_430 = scf.for %scan3A_495 = %scan3A_426 to %scan3A_428 step %scan3A_429 iter_args(%scan3A_496 = %scan3A_425) -> (i32)  : i32 {
        %get3A = arith.constant 1 : i32
        %get3A_497 = arith.index_cast %get3A : i32 to index
        %get3A_498 = arith.index_cast %scan3A_495 : i32 to index
        %get3A_499 = arith.constant 0 : index
        %get3A_500 = tpu.vector_load %arg7[%get3A_497, %get3A_498, %get3A_499] {strides = array<i32>} : memref<2x80x128xf32, #tpu.memory_space<vmem>>, vector<1x1x16xf32>,
        %get3A_501 = vector.shape_cast %get3A_500 : vector<1x1x16xf32> to vector<16xf32>
        %max3A = arith.constant 0.000000e+00 : f32
        %max3A_502 = vector.broadcast %max3A : f32 to vector<16xf32>
        %max3A_503 = arith.maximumf %get3A_501, %max3A_502 : vector<16xf32>
        %swap3A = arith.constant 1 : i32
        %swap3A_504 = arith.index_cast %swap3A : i32 to index
        %swap3A_505 = arith.index_cast %scan3A_495 : i32 to index
        %swap3A_506 = arith.constant 0 : index
        %swap3A_507 = tpu.vector_load %arg7[%swap3A_504, %swap3A_505, %swap3A_506] {strides = array<i32>} : memref<2x80x128xf32, #tpu.memory_space<vmem>>, vector<1x1x16xf32>,
        %swap3A_508 = vector.shape_cast %swap3A_507 : vector<1x1x16xf32> to vector<16xf32>
        %swap3A_509 = vector.shape_cast %max3A_503 : vector<16xf32> to vector<1x1x16xf32>
        tpu.vector_store %arg7[%swap3A_504, %swap3A_505, %swap3A_506], %swap3A_509 {strides = array<i32>} : memref<2x80x128xf32, #tpu.memory_space<vmem>>, vector<1x1x16xf32>,
        %get3A_510 = arith.constant 1 : i32
        %get3A_511 = arith.index_cast %get3A_510 : i32 to index
        %get3A_512 = arith.index_cast %scan3A_495 : i32 to index
        %get3A_513 = arith.constant 16 : index
        %get3A_514 = tpu.vector_load %arg7[%get3A_511, %get3A_512, %get3A_513] {strides = array<i32>} : memref<2x80x128xf32, #tpu.memory_space<vmem>>, vector<1x1x16xf32>,
        %get3A_515 = vector.shape_cast %get3A_514 : vector<1x1x16xf32> to vector<16xf32>
        %max3A_516 = arith.constant 0.000000e+00 : f32
        %max3A_517 = vector.broadcast %max3A_516 : f32 to vector<16xf32>
        %max3A_518 = arith.maximumf %get3A_515, %max3A_517 : vector<16xf32>
        %swap3A_519 = arith.constant 1 : i32
        %swap3A_520 = arith.index_cast %swap3A_519 : i32 to index
        %swap3A_521 = arith.index_cast %scan3A_495 : i32 to index
        %swap3A_522 = arith.constant 16 : index
        %swap3A_523 = tpu.vector_load %arg7[%swap3A_520, %swap3A_521, %swap3A_522] {strides = array<i32>} : memref<2x80x128xf32, #tpu.memory_space<vmem>>, vector<1x1x16xf32>,
        %swap3A_524 = vector.shape_cast %swap3A_523 : vector<1x1x16xf32> to vector<16xf32>
        %swap3A_525 = vector.shape_cast %max3A_518 : vector<16xf32> to vector<1x1x16xf32>
        tpu.vector_store %arg7[%swap3A_520, %swap3A_521, %swap3A_522], %swap3A_525 {strides = array<i32>} : memref<2x80x128xf32, #tpu.memory_space<vmem>>, vector<1x1x16xf32>,
        %get3A_526 = arith.constant 1 : i32
        %get3A_527 = arith.index_cast %get3A_526 : i32 to index
        %get3A_528 = arith.index_cast %scan3A_495 : i32 to index
        %get3A_529 = arith.constant 32 : index
        %get3A_530 = tpu.vector_load %arg7[%get3A_527, %get3A_528, %get3A_529] {strides = array<i32>} : memref<2x80x128xf32, #tpu.memory_space<vmem>>, vector<1x1x16xf32>,
        %get3A_531 = vector.shape_cast %get3A_530 : vector<1x1x16xf32> to vector<16xf32>
        %max3A_532 = arith.constant 0.000000e+00 : f32
        %max3A_533 = vector.broadcast %max3A_532 : f32 to vector<16xf32>
        %max3A_534 = arith.maximumf %get3A_531, %max3A_533 : vector<16xf32>
        %swap3A_535 = arith.constant 1 : i32
        %swap3A_536 = arith.index_cast %swap3A_535 : i32 to index
        %swap3A_537 = arith.index_cast %scan3A_495 : i32 to index
        %swap3A_538 = arith.constant 32 : index
        %swap3A_539 = tpu.vector_load %arg7[%swap3A_536, %swap3A_537, %swap3A_538] {strides = array<i32>} : memref<2x80x128xf32, #tpu.memory_space<vmem>>, vector<1x1x16xf32>,
        %swap3A_540 = vector.shape_cast %swap3A_539 : vector<1x1x16xf32> to vector<16xf32>
        %swap3A_541 = vector.shape_cast %max3A_534 : vector<16xf32> to vector<1x1x16xf32>
        tpu.vector_store %arg7[%swap3A_536, %swap3A_537, %swap3A_538], %swap3A_541 {strides = array<i32>} : memref<2x80x128xf32, #tpu.memory_space<vmem>>, vector<1x1x16xf32>,
        %get3A_542 = arith.constant 1 : i32
        %get3A_543 = arith.index_cast %get3A_542 : i32 to index
        %get3A_544 = arith.index_cast %scan3A_495 : i32 to index
        %get3A_545 = arith.constant 48 : index
        %get3A_546 = tpu.vector_load %arg7[%get3A_543, %get3A_544, %get3A_545] {strides = array<i32>} : memref<2x80x128xf32, #tpu.memory_space<vmem>>, vector<1x1x16xf32>,
        %get3A_547 = vector.shape_cast %get3A_546 : vector<1x1x16xf32> to vector<16xf32>
        %max3A_548 = arith.constant 0.000000e+00 : f32
        %max3A_549 = vector.broadcast %max3A_548 : f32 to vector<16xf32>
        %max3A_550 = arith.maximumf %get3A_547, %max3A_549 : vector<16xf32>
        %swap3A_551 = arith.constant 1 : i32
        %swap3A_552 = arith.index_cast %swap3A_551 : i32 to index
        %swap3A_553 = arith.index_cast %scan3A_495 : i32 to index
        %swap3A_554 = arith.constant 48 : index
        %swap3A_555 = tpu.vector_load %arg7[%swap3A_552, %swap3A_553, %swap3A_554] {strides = array<i32>} : memref<2x80x128xf32, #tpu.memory_space<vmem>>, vector<1x1x16xf32>,
        %swap3A_556 = vector.shape_cast %swap3A_555 : vector<1x1x16xf32> to vector<16xf32>
        %swap3A_557 = vector.shape_cast %max3A_550 : vector<16xf32> to vector<1x1x16xf32>
        tpu.vector_store %arg7[%swap3A_552, %swap3A_553, %swap3A_554], %swap3A_557 {strides = array<i32>} : memref<2x80x128xf32, #tpu.memory_space<vmem>>, vector<1x1x16xf32>,
        %get3A_558 = arith.constant 1 : i32
        %get3A_559 = arith.index_cast %get3A_558 : i32 to index
        %get3A_560 = arith.index_cast %scan3A_495 : i32 to index
        %get3A_561 = arith.constant 64 : index
        %get3A_562 = tpu.vector_load %arg7[%get3A_559, %get3A_560, %get3A_561] {strides = array<i32>} : memref<2x80x128xf32, #tpu.memory_space<vmem>>, vector<1x1x16xf32>,
        %get3A_563 = vector.shape_cast %get3A_562 : vector<1x1x16xf32> to vector<16xf32>
        %max3A_564 = arith.constant 0.000000e+00 : f32
        %max3A_565 = vector.broadcast %max3A_564 : f32 to vector<16xf32>
        %max3A_566 = arith.maximumf %get3A_563, %max3A_565 : vector<16xf32>
        %swap3A_567 = arith.constant 1 : i32
        %swap3A_568 = arith.index_cast %swap3A_567 : i32 to index
        %swap3A_569 = arith.index_cast %scan3A_495 : i32 to index
        %swap3A_570 = arith.constant 64 : index
        %swap3A_571 = tpu.vector_load %arg7[%swap3A_568, %swap3A_569, %swap3A_570] {strides = array<i32>} : memref<2x80x128xf32, #tpu.memory_space<vmem>>, vector<1x1x16xf32>,
        %swap3A_572 = vector.shape_cast %swap3A_571 : vector<1x1x16xf32> to vector<16xf32>
        %swap3A_573 = vector.shape_cast %max3A_566 : vector<16xf32> to vector<1x1x16xf32>
        tpu.vector_store %arg7[%swap3A_568, %swap3A_569, %swap3A_570], %swap3A_573 {strides = array<i32>} : memref<2x80x128xf32, #tpu.memory_space<vmem>>, vector<1x1x16xf32>,
        %get3A_574 = arith.constant 1 : i32
        %get3A_575 = arith.index_cast %get3A_574 : i32 to index
        %get3A_576 = arith.index_cast %scan3A_495 : i32 to index
        %get3A_577 = arith.constant 80 : index
        %get3A_578 = tpu.vector_load %arg7[%get3A_575, %get3A_576, %get3A_577] {strides = array<i32>} : memref<2x80x128xf32, #tpu.memory_space<vmem>>, vector<1x1x16xf32>,
        %get3A_579 = vector.shape_cast %get3A_578 : vector<1x1x16xf32> to vector<16xf32>
        %max3A_580 = arith.constant 0.000000e+00 : f32
        %max3A_581 = vector.broadcast %max3A_580 : f32 to vector<16xf32>
        %max3A_582 = arith.maximumf %get3A_579, %max3A_581 : vector<16xf32>
        %swap3A_583 = arith.constant 1 : i32
        %swap3A_584 = arith.index_cast %swap3A_583 : i32 to index
        %swap3A_585 = arith.index_cast %scan3A_495 : i32 to index
        %swap3A_586 = arith.constant 80 : index
        %swap3A_587 = tpu.vector_load %arg7[%swap3A_584, %swap3A_585, %swap3A_586] {strides = array<i32>} : memref<2x80x128xf32, #tpu.memory_space<vmem>>, vector<1x1x16xf32>,
        %swap3A_588 = vector.shape_cast %swap3A_587 : vector<1x1x16xf32> to vector<16xf32>
        %swap3A_589 = vector.shape_cast %max3A_582 : vector<16xf32> to vector<1x1x16xf32>
        tpu.vector_store %arg7[%swap3A_584, %swap3A_585, %swap3A_586], %swap3A_589 {strides = array<i32>} : memref<2x80x128xf32, #tpu.memory_space<vmem>>, vector<1x1x16xf32>,
        %get3A_590 = arith.constant 1 : i32
        %get3A_591 = arith.index_cast %get3A_590 : i32 to index
        %get3A_592 = arith.index_cast %scan3A_495 : i32 to index
        %get3A_593 = arith.constant 96 : index
        %get3A_594 = tpu.vector_load %arg7[%get3A_591, %get3A_592, %get3A_593] {strides = array<i32>} : memref<2x80x128xf32, #tpu.memory_space<vmem>>, vector<1x1x16xf32>,
        %get3A_595 = vector.shape_cast %get3A_594 : vector<1x1x16xf32> to vector<16xf32>
        %max3A_596 = arith.constant 0.000000e+00 : f32
        %max3A_597 = vector.broadcast %max3A_596 : f32 to vector<16xf32>
        %max3A_598 = arith.maximumf %get3A_595, %max3A_597 : vector<16xf32>
        %swap3A_599 = arith.constant 1 : i32
        %swap3A_600 = arith.index_cast %swap3A_599 : i32 to index
        %swap3A_601 = arith.index_cast %scan3A_495 : i32 to index
        %swap3A_602 = arith.constant 96 : index
        %swap3A_603 = tpu.vector_load %arg7[%swap3A_600, %swap3A_601, %swap3A_602] {strides = array<i32>} : memref<2x80x128xf32, #tpu.memory_space<vmem>>, vector<1x1x16xf32>,
        %swap3A_604 = vector.shape_cast %swap3A_603 : vector<1x1x16xf32> to vector<16xf32>
        %swap3A_605 = vector.shape_cast %max3A_598 : vector<16xf32> to vector<1x1x16xf32>
        tpu.vector_store %arg7[%swap3A_600, %swap3A_601, %swap3A_602], %swap3A_605 {strides = array<i32>} : memref<2x80x128xf32, #tpu.memory_space<vmem>>, vector<1x1x16xf32>,
        %get3A_606 = arith.constant 1 : i32
        %get3A_607 = arith.index_cast %get3A_606 : i32 to index
        %get3A_608 = arith.index_cast %scan3A_495 : i32 to index
        %get3A_609 = arith.constant 112 : index
        %get3A_610 = tpu.vector_load %arg7[%get3A_607, %get3A_608, %get3A_609] {strides = array<i32>} : memref<2x80x128xf32, #tpu.memory_space<vmem>>, vector<1x1x16xf32>,
        %get3A_611 = vector.shape_cast %get3A_610 : vector<1x1x16xf32> to vector<16xf32>
        %max3A_612 = arith.constant 0.000000e+00 : f32
        %max3A_613 = vector.broadcast %max3A_612 : f32 to vector<16xf32>
        %max3A_614 = arith.maximumf %get3A_611, %max3A_613 : vector<16xf32>
        %swap3A_615 = arith.constant 1 : i32
        %swap3A_616 = arith.index_cast %swap3A_615 : i32 to index
        %swap3A_617 = arith.index_cast %scan3A_495 : i32 to index
        %swap3A_618 = arith.constant 112 : index
        %swap3A_619 = tpu.vector_load %arg7[%swap3A_616, %swap3A_617, %swap3A_618] {strides = array<i32>} : memref<2x80x128xf32, #tpu.memory_space<vmem>>, vector<1x1x16xf32>,
        %swap3A_620 = vector.shape_cast %swap3A_619 : vector<1x1x16xf32> to vector<16xf32>
        %swap3A_621 = vector.shape_cast %max3A_614 : vector<16xf32> to vector<1x1x16xf32>
        tpu.vector_store %arg7[%swap3A_616, %swap3A_617, %swap3A_618], %swap3A_621 {strides = array<i32>} : memref<2x80x128xf32, #tpu.memory_space<vmem>>, vector<1x1x16xf32>,
        %scan3A_622 = arith.constant 0 : i32
        scf.yield %scan3A_622 : i32
      }
      %scan3A_431 = arith.constant 80 : i32
      %dma_start3A_432 = arith.constant 1 : i32
      %dma_start3A_433 = arith.constant 1 : i32
      %dma_start3A_434 = arith.constant 1 : i32
      %dma_start3A_435 = arith.constant 0 : i32
      %dma_start3A_436 = arith.constant 0 : i32
      %dma_start3A_437 = tpu.memref_slice %arg7[%dma_start3A_432, %dma_start3A_435, %dma_start3A_436] : memref<2x80x128xf32, #tpu.memory_space<vmem>> -> memref<1x80x128xf32, #tpu.memory_space<vmem>>
      %dma_start3A_438 = tpu.memref_squeeze %dma_start3A_437 : memref<1x80x128xf32, #tpu.memory_space<vmem>> -> memref<80x128xf32, #tpu.memory_space<vmem>>
      %dma_start3A_439 = arith.constant 0 : i32
      %dma_start3A_440 = tpu.memref_slice %arg6[%dma_start3A_433, %dma_start3A_434, %dma_start3A_439] : memref<2x2x80xi32, #tpu.memory_space<vmem>> -> memref<1x1x80xi32, #tpu.memory_space<vmem>>
      %dma_start3A_441 = tpu.memref_squeeze %dma_start3A_440 : memref<1x1x80xi32, #tpu.memory_space<vmem>> -> memref<80xi32, #tpu.memory_space<vmem>>
      %dma_start3A_442 = arith.constant 0 : i32
      %dma_start3A_443 = arith.constant 0 : i32
      %dma_start3A_444 = tpu.memref_slice %arg8[%dma_start3A_442, %dma_start3A_443] : memref<10240x128xf32, #tpu.memory_space<vmem_shared>> -> memref<10240x128xf32, #tpu.memory_space<vmem_shared>>
      tpu.enqueue_indirect_dma source(%dma_start3A_438 : memref<80x128xf32, #tpu.memory_space<vmem>>) target(%dma_start3A_444 : memref<10240x128xf32, #tpu.memory_space<vmem_shared>>) offsets(%dma_start3A_441 : memref<80xi32, #tpu.memory_space<vmem>>) semaphore(%arg12 : memref<!tpu.dma_semaphore, #tpu.memory_space<semaphore_mem>>) {add = true}
      %dma_wait3A_445 = arith.constant 1 : i32
      %dma_wait3A_446 = arith.constant 1 : i32
      %dma_wait3A_447 = arith.constant 1 : i32
      %dma_wait3A_448 = arith.constant 0 : i32
      %dma_wait3A_449 = arith.constant 0 : i32
      %dma_wait3A_450 = tpu.memref_slice %arg7[%dma_wait3A_445, %dma_wait3A_448, %dma_wait3A_449] : memref<2x80x128xf32, #tpu.memory_space<vmem>> -> memref<1x80x128xf32, #tpu.memory_space<vmem>>
      %dma_wait3A_451 = tpu.memref_squeeze %dma_wait3A_450 : memref<1x80x128xf32, #tpu.memory_space<vmem>> -> memref<80x128xf32, #tpu.memory_space<vmem>>
      %dma_wait3A_452 = arith.constant 0 : i32
      %dma_wait3A_453 = tpu.memref_slice %arg6[%dma_wait3A_446, %dma_wait3A_447, %dma_wait3A_452] : memref<2x2x80xi32, #tpu.memory_space<vmem>> -> memref<1x1x80xi32, #tpu.memory_space<vmem>>
      %dma_wait3A_454 = tpu.memref_squeeze %dma_wait3A_453 : memref<1x1x80xi32, #tpu.memory_space<vmem>> -> memref<80xi32, #tpu.memory_space<vmem>>
      %dma_wait3A_455 = arith.constant 0 : i32
      %dma_wait3A_456 = arith.constant 0 : i32
      %dma_wait3A_457 = tpu.memref_slice %arg8[%dma_wait3A_455, %dma_wait3A_456] : memref<10240x128xf32, #tpu.memory_space<vmem_shared>> -> memref<10240x128xf32, #tpu.memory_space<vmem_shared>>
      tpu.wait_indirect_dma semaphore(%arg12 : memref<!tpu.dma_semaphore, #tpu.memory_space<semaphore_mem>>) src(%dma_wait3A_451 : memref<80x128xf32, #tpu.memory_space<vmem>>) dst(%dma_wait3A_457 : memref<10240x128xf32, #tpu.memory_space<vmem_shared>>)
      %add3A_458 = arith.constant 2 : i32
      %add3A_459 = arith.addi %add3A_232, %add3A_458 : i32
      %min3A = arith.constant 124 : i32
      %min3A_460 = arith.minsi %add3A_459, %min3A : i32
      %dma_start3A_461 = arith.constant 1 : i32
      %dma_start3A_462 = arith.constant 0 : i32
      %dma_start3A_463 = arith.constant 0 : i32
      %dma_start3A_464 = tpu.memref_slice %arg6[%dma_start3A_461, %dma_start3A_462, %dma_start3A_463] : memref<2x2x80xi32, #tpu.memory_space<vmem>> -> memref<1x2x80xi32, #tpu.memory_space<vmem>>
      %dma_start3A_465 = tpu.memref_squeeze %dma_start3A_464 : memref<1x2x80xi32, #tpu.memory_space<vmem>> -> memref<2x80xi32, #tpu.memory_space<vmem>>
      %dma_start3A_466 = arith.constant 0 : i32
      %dma_start3A_467 = arith.constant 0 : i32
      %dma_start3A_468 = tpu.memref_slice %arg4[%add3A, %min3A_460, %dma_start3A_466, %dma_start3A_467] : memref<32x125x2x80xi32, #tpu.memory_space<hbm>> -> memref<1x1x2x80xi32, #tpu.memory_space<hbm>>
      %dma_start3A_469 = tpu.memref_squeeze %dma_start3A_468 : memref<1x1x2x80xi32, #tpu.memory_space<hbm>> -> memref<2x80xi32, #tpu.memory_space<hbm>>
      %dma_start3A_470 = arith.constant 0 : i32
      %dma_start3A_471 = arith.constant 0 : i32
      %dma_start3A_472 = tpu.memref_slice %arg6[%dma_start3A_461, %dma_start3A_470, %dma_start3A_471] : memref<2x2x80xi32, #tpu.memory_space<vmem>> -> memref<1x2x80xi32, #tpu.memory_space<vmem>>
      %dma_start3A_473 = tpu.memref_squeeze %dma_start3A_472 : memref<1x2x80xi32, #tpu.memory_space<vmem>> -> memref<2x80xi32, #tpu.memory_space<vmem>>
      %dma_start3A_474 = arith.constant 0 : i32
      %dma_start3A_475 = arith.constant 0 : i32
      %dma_start3A_476 = tpu.memref_slice %arg4[%add3A, %min3A_460, %dma_start3A_474, %dma_start3A_475] : memref<32x125x2x80xi32, #tpu.memory_space<hbm>> -> memref<1x1x2x80xi32, #tpu.memory_space<hbm>>
      %dma_start3A_477 = tpu.memref_squeeze %dma_start3A_476 : memref<1x1x2x80xi32, #tpu.memory_space<hbm>> -> memref<2x80xi32, #tpu.memory_space<hbm>>
      tpu.enqueue_dma source(%dma_start3A_477 : memref<2x80xi32, #tpu.memory_space<hbm>>) target(%dma_start3A_473 : memref<2x80xi32, #tpu.memory_space<vmem>>) target_semaphore(%arg14 : memref<!tpu.dma_semaphore, #tpu.memory_space<semaphore_mem>>)
      %mul3A_478 = arith.constant 80 : i32
      %mul3A_479 = arith.muli %min3A_460, %mul3A_478 : i32
      %add3A_480 = arith.addi %mul3A_2, %mul3A_479 : i32
      %dma_start3A_481 = arith.constant 1 : i32
      %dma_start3A_482 = arith.constant 0 : i32
      %dma_start3A_483 = arith.constant 0 : i32
      %dma_start3A_484 = tpu.memref_slice %arg7[%dma_start3A_481, %dma_start3A_482, %dma_start3A_483] : memref<2x80x128xf32, #tpu.memory_space<vmem>> -> memref<1x80x128xf32, #tpu.memory_space<vmem>>
      %dma_start3A_485 = tpu.memref_squeeze %dma_start3A_484 : memref<1x80x128xf32, #tpu.memory_space<vmem>> -> memref<80x128xf32, #tpu.memory_space<vmem>>
      %dma_start3A_486 = arith.constant 0 : i32
      %dma_start3A_487 = tpu.memref_slice %arg3[%add3A_480, %dma_start3A_486] : memref<320000x128xf32, #tpu.memory_space<hbm>> -> memref<80x128xf32, #tpu.memory_space<hbm>>
      %dma_start3A_488 = arith.constant 0 : i32
      %dma_start3A_489 = arith.constant 0 : i32
      %dma_start3A_490 = tpu.memref_slice %arg7[%dma_start3A_481, %dma_start3A_488, %dma_start3A_489] : memref<2x80x128xf32, #tpu.memory_space<vmem>> -> memref<1x80x128xf32, #tpu.memory_space<vmem>>
      %dma_start3A_491 = tpu.memref_squeeze %dma_start3A_490 : memref<1x80x128xf32, #tpu.memory_space<vmem>> -> memref<80x128xf32, #tpu.memory_space<vmem>>
      %dma_start3A_492 = arith.constant 0 : i32
      %dma_start3A_493 = tpu.memref_slice %arg3[%add3A_480, %dma_start3A_492] : memref<320000x128xf32, #tpu.memory_space<hbm>> -> memref<80x128xf32, #tpu.memory_space<hbm>>
      tpu.enqueue_dma source(%dma_start3A_493 : memref<80x128xf32, #tpu.memory_space<hbm>>) target(%dma_start3A_491 : memref<80x128xf32, #tpu.memory_space<vmem>>) target_semaphore(%arg16 : memref<!tpu.dma_semaphore, #tpu.memory_space<semaphore_mem>>)
      %scan3A_494 = arith.constant 0 : i32
      scf.yield %scan3A_494 : i32
    }
    %scan3A_148 = arith.constant 62 : i32
    %dma_wait3A_149 = arith.constant 0 : i32
    %dma_wait3A_150 = arith.constant 0 : i32
    %dma_wait3A_151 = arith.constant 0 : i32
    %dma_wait3A_152 = arith.constant 0 : i32
    %dma_wait3A_153 = arith.constant 0 : i32
    %dma_wait3A_154 = tpu.memref_slice %arg7[%dma_wait3A_151, %dma_wait3A_152, %dma_wait3A_153] : memref<2x80x128xf32, #tpu.memory_space<vmem>> -> memref<1x80x128xf32, #tpu.memory_space<vmem>>
    %dma_wait3A_155 = tpu.memref_squeeze %dma_wait3A_154 : memref<1x80x128xf32, #tpu.memory_space<vmem>> -> memref<80x128xf32, #tpu.memory_space<vmem>>
    %dma_wait3A_156 = arith.constant 0 : i32
    %dma_wait3A_157 = tpu.memref_slice %arg6[%dma_wait3A_149, %dma_wait3A_150, %dma_wait3A_156] : memref<2x2x80xi32, #tpu.memory_space<vmem>> -> memref<1x1x80xi32, #tpu.memory_space<vmem>>
    %dma_wait3A_158 = tpu.memref_squeeze %dma_wait3A_157 : memref<1x1x80xi32, #tpu.memory_space<vmem>> -> memref<80xi32, #tpu.memory_space<vmem>>
    %dma_wait3A_159 = arith.constant 0 : i32
    %dma_wait3A_160 = arith.constant 0 : i32
    %dma_wait3A_161 = tpu.memref_slice %arg2[%dma_wait3A_159, %dma_wait3A_160] : memref<10000x128xf32, #tpu.memory_space<hbm>> -> memref<10000x128xf32, #tpu.memory_space<hbm>>
    tpu.wait_indirect_dma semaphore(%arg9 : memref<!tpu.dma_semaphore, #tpu.memory_space<semaphore_mem>>) src(%dma_wait3A_161 : memref<10000x128xf32, #tpu.memory_space<hbm>>) dst(%dma_wait3A_155 : memref<80x128xf32, #tpu.memory_space<vmem>>)
    %scan3A_162 = arith.constant 0 : i32
    %scan3A_163 = arith.constant 0 : i32
    %scan3A_164 = arith.constant 80 : i32
    %scan3A_165 = arith.addi %scan3A_163, %scan3A_164 : i32
    %scan3A_166 = arith.constant 1 : i32
    %scan3A_167 = scf.for %scan3A_227 = %scan3A_163 to %scan3A_165 step %scan3A_166 iter_args(%scan3A_228 = %scan3A_162) -> (i32)  : i32 {
      %get3A = arith.constant 0 : i32
      %get3A_229 = arith.index_cast %get3A : i32 to index
      %get3A_230 = arith.index_cast %scan3A_227 : i32 to index
      %get3A_231 = arith.constant 0 : index
      %get3A_232 = tpu.vector_load %arg7[%get3A_229, %get3A_230, %get3A_231] {strides = array<i32>} : memref<2x80x128xf32, #tpu.memory_space<vmem>>, vector<1x1x16xf32>,
      %get3A_233 = vector.shape_cast %get3A_232 : vector<1x1x16xf32> to vector<16xf32>
      %max3A = arith.constant 0.000000e+00 : f32
      %max3A_234 = vector.broadcast %max3A : f32 to vector<16xf32>
      %max3A_235 = arith.maximumf %get3A_233, %max3A_234 : vector<16xf32>
      %swap3A = arith.constant 0 : i32
      %swap3A_236 = arith.index_cast %swap3A : i32 to index
      %swap3A_237 = arith.index_cast %scan3A_227 : i32 to index
      %swap3A_238 = arith.constant 0 : index
      %swap3A_239 = tpu.vector_load %arg7[%swap3A_236, %swap3A_237, %swap3A_238] {strides = array<i32>} : memref<2x80x128xf32, #tpu.memory_space<vmem>>, vector<1x1x16xf32>,
      %swap3A_240 = vector.shape_cast %swap3A_239 : vector<1x1x16xf32> to vector<16xf32>
      %swap3A_241 = vector.shape_cast %max3A_235 : vector<16xf32> to vector<1x1x16xf32>
      tpu.vector_store %arg7[%swap3A_236, %swap3A_237, %swap3A_238], %swap3A_241 {strides = array<i32>} : memref<2x80x128xf32, #tpu.memory_space<vmem>>, vector<1x1x16xf32>,
      %get3A_242 = arith.constant 0 : i32
      %get3A_243 = arith.index_cast %get3A_242 : i32 to index
      %get3A_244 = arith.index_cast %scan3A_227 : i32 to index
      %get3A_245 = arith.constant 16 : index
      %get3A_246 = tpu.vector_load %arg7[%get3A_243, %get3A_244, %get3A_245] {strides = array<i32>} : memref<2x80x128xf32, #tpu.memory_space<vmem>>, vector<1x1x16xf32>,
      %get3A_247 = vector.shape_cast %get3A_246 : vector<1x1x16xf32> to vector<16xf32>
      %max3A_248 = arith.constant 0.000000e+00 : f32
      %max3A_249 = vector.broadcast %max3A_248 : f32 to vector<16xf32>
      %max3A_250 = arith.maximumf %get3A_247, %max3A_249 : vector<16xf32>
      %swap3A_251 = arith.constant 0 : i32
      %swap3A_252 = arith.index_cast %swap3A_251 : i32 to index
      %swap3A_253 = arith.index_cast %scan3A_227 : i32 to index
      %swap3A_254 = arith.constant 16 : index
      %swap3A_255 = tpu.vector_load %arg7[%swap3A_252, %swap3A_253, %swap3A_254] {strides = array<i32>} : memref<2x80x128xf32, #tpu.memory_space<vmem>>, vector<1x1x16xf32>,
      %swap3A_256 = vector.shape_cast %swap3A_255 : vector<1x1x16xf32> to vector<16xf32>
      %swap3A_257 = vector.shape_cast %max3A_250 : vector<16xf32> to vector<1x1x16xf32>
      tpu.vector_store %arg7[%swap3A_252, %swap3A_253, %swap3A_254], %swap3A_257 {strides = array<i32>} : memref<2x80x128xf32, #tpu.memory_space<vmem>>, vector<1x1x16xf32>,
      %get3A_258 = arith.constant 0 : i32
      %get3A_259 = arith.index_cast %get3A_258 : i32 to index
      %get3A_260 = arith.index_cast %scan3A_227 : i32 to index
      %get3A_261 = arith.constant 32 : index
      %get3A_262 = tpu.vector_load %arg7[%get3A_259, %get3A_260, %get3A_261] {strides = array<i32>} : memref<2x80x128xf32, #tpu.memory_space<vmem>>, vector<1x1x16xf32>,
      %get3A_263 = vector.shape_cast %get3A_262 : vector<1x1x16xf32> to vector<16xf32>
      %max3A_264 = arith.constant 0.000000e+00 : f32
      %max3A_265 = vector.broadcast %max3A_264 : f32 to vector<16xf32>
      %max3A_266 = arith.maximumf %get3A_263, %max3A_265 : vector<16xf32>
      %swap3A_267 = arith.constant 0 : i32
      %swap3A_268 = arith.index_cast %swap3A_267 : i32 to index
      %swap3A_269 = arith.index_cast %scan3A_227 : i32 to index
      %swap3A_270 = arith.constant 32 : index
      %swap3A_271 = tpu.vector_load %arg7[%swap3A_268, %swap3A_269, %swap3A_270] {strides = array<i32>} : memref<2x80x128xf32, #tpu.memory_space<vmem>>, vector<1x1x16xf32>,
      %swap3A_272 = vector.shape_cast %swap3A_271 : vector<1x1x16xf32> to vector<16xf32>
      %swap3A_273 = vector.shape_cast %max3A_266 : vector<16xf32> to vector<1x1x16xf32>
      tpu.vector_store %arg7[%swap3A_268, %swap3A_269, %swap3A_270], %swap3A_273 {strides = array<i32>} : memref<2x80x128xf32, #tpu.memory_space<vmem>>, vector<1x1x16xf32>,
      %get3A_274 = arith.constant 0 : i32
      %get3A_275 = arith.index_cast %get3A_274 : i32 to index
      %get3A_276 = arith.index_cast %scan3A_227 : i32 to index
      %get3A_277 = arith.constant 48 : index
      %get3A_278 = tpu.vector_load %arg7[%get3A_275, %get3A_276, %get3A_277] {strides = array<i32>} : memref<2x80x128xf32, #tpu.memory_space<vmem>>, vector<1x1x16xf32>,
      %get3A_279 = vector.shape_cast %get3A_278 : vector<1x1x16xf32> to vector<16xf32>
      %max3A_280 = arith.constant 0.000000e+00 : f32
      %max3A_281 = vector.broadcast %max3A_280 : f32 to vector<16xf32>
      %max3A_282 = arith.maximumf %get3A_279, %max3A_281 : vector<16xf32>
      %swap3A_283 = arith.constant 0 : i32
      %swap3A_284 = arith.index_cast %swap3A_283 : i32 to index
      %swap3A_285 = arith.index_cast %scan3A_227 : i32 to index
      %swap3A_286 = arith.constant 48 : index
      %swap3A_287 = tpu.vector_load %arg7[%swap3A_284, %swap3A_285, %swap3A_286] {strides = array<i32>} : memref<2x80x128xf32, #tpu.memory_space<vmem>>, vector<1x1x16xf32>,
      %swap3A_288 = vector.shape_cast %swap3A_287 : vector<1x1x16xf32> to vector<16xf32>
      %swap3A_289 = vector.shape_cast %max3A_282 : vector<16xf32> to vector<1x1x16xf32>
      tpu.vector_store %arg7[%swap3A_284, %swap3A_285, %swap3A_286], %swap3A_289 {strides = array<i32>} : memref<2x80x128xf32, #tpu.memory_space<vmem>>, vector<1x1x16xf32>,
      %get3A_290 = arith.constant 0 : i32
      %get3A_291 = arith.index_cast %get3A_290 : i32 to index
      %get3A_292 = arith.index_cast %scan3A_227 : i32 to index
      %get3A_293 = arith.constant 64 : index
      %get3A_294 = tpu.vector_load %arg7[%get3A_291, %get3A_292, %get3A_293] {strides = array<i32>} : memref<2x80x128xf32, #tpu.memory_space<vmem>>, vector<1x1x16xf32>,
      %get3A_295 = vector.shape_cast %get3A_294 : vector<1x1x16xf32> to vector<16xf32>
      %max3A_296 = arith.constant 0.000000e+00 : f32
      %max3A_297 = vector.broadcast %max3A_296 : f32 to vector<16xf32>
      %max3A_298 = arith.maximumf %get3A_295, %max3A_297 : vector<16xf32>
      %swap3A_299 = arith.constant 0 : i32
      %swap3A_300 = arith.index_cast %swap3A_299 : i32 to index
      %swap3A_301 = arith.index_cast %scan3A_227 : i32 to index
      %swap3A_302 = arith.constant 64 : index
      %swap3A_303 = tpu.vector_load %arg7[%swap3A_300, %swap3A_301, %swap3A_302] {strides = array<i32>} : memref<2x80x128xf32, #tpu.memory_space<vmem>>, vector<1x1x16xf32>,
      %swap3A_304 = vector.shape_cast %swap3A_303 : vector<1x1x16xf32> to vector<16xf32>
      %swap3A_305 = vector.shape_cast %max3A_298 : vector<16xf32> to vector<1x1x16xf32>
      tpu.vector_store %arg7[%swap3A_300, %swap3A_301, %swap3A_302], %swap3A_305 {strides = array<i32>} : memref<2x80x128xf32, #tpu.memory_space<vmem>>, vector<1x1x16xf32>,
      %get3A_306 = arith.constant 0 : i32
      %get3A_307 = arith.index_cast %get3A_306 : i32 to index
      %get3A_308 = arith.index_cast %scan3A_227 : i32 to index
      %get3A_309 = arith.constant 80 : index
      %get3A_310 = tpu.vector_load %arg7[%get3A_307, %get3A_308, %get3A_309] {strides = array<i32>} : memref<2x80x128xf32, #tpu.memory_space<vmem>>, vector<1x1x16xf32>,
      %get3A_311 = vector.shape_cast %get3A_310 : vector<1x1x16xf32> to vector<16xf32>
      %max3A_312 = arith.constant 0.000000e+00 : f32
      %max3A_313 = vector.broadcast %max3A_312 : f32 to vector<16xf32>
      %max3A_314 = arith.maximumf %get3A_311, %max3A_313 : vector<16xf32>
      %swap3A_315 = arith.constant 0 : i32
      %swap3A_316 = arith.index_cast %swap3A_315 : i32 to index
      %swap3A_317 = arith.index_cast %scan3A_227 : i32 to index
      %swap3A_318 = arith.constant 80 : index
      %swap3A_319 = tpu.vector_load %arg7[%swap3A_316, %swap3A_317, %swap3A_318] {strides = array<i32>} : memref<2x80x128xf32, #tpu.memory_space<vmem>>, vector<1x1x16xf32>,
      %swap3A_320 = vector.shape_cast %swap3A_319 : vector<1x1x16xf32> to vector<16xf32>
      %swap3A_321 = vector.shape_cast %max3A_314 : vector<16xf32> to vector<1x1x16xf32>
      tpu.vector_store %arg7[%swap3A_316, %swap3A_317, %swap3A_318], %swap3A_321 {strides = array<i32>} : memref<2x80x128xf32, #tpu.memory_space<vmem>>, vector<1x1x16xf32>,
      %get3A_322 = arith.constant 0 : i32
      %get3A_323 = arith.index_cast %get3A_322 : i32 to index
      %get3A_324 = arith.index_cast %scan3A_227 : i32 to index
      %get3A_325 = arith.constant 96 : index
      %get3A_326 = tpu.vector_load %arg7[%get3A_323, %get3A_324, %get3A_325] {strides = array<i32>} : memref<2x80x128xf32, #tpu.memory_space<vmem>>, vector<1x1x16xf32>,
      %get3A_327 = vector.shape_cast %get3A_326 : vector<1x1x16xf32> to vector<16xf32>
      %max3A_328 = arith.constant 0.000000e+00 : f32
      %max3A_329 = vector.broadcast %max3A_328 : f32 to vector<16xf32>
      %max3A_330 = arith.maximumf %get3A_327, %max3A_329 : vector<16xf32>
      %swap3A_331 = arith.constant 0 : i32
      %swap3A_332 = arith.index_cast %swap3A_331 : i32 to index
      %swap3A_333 = arith.index_cast %scan3A_227 : i32 to index
      %swap3A_334 = arith.constant 96 : index
      %swap3A_335 = tpu.vector_load %arg7[%swap3A_332, %swap3A_333, %swap3A_334] {strides = array<i32>} : memref<2x80x128xf32, #tpu.memory_space<vmem>>, vector<1x1x16xf32>,
      %swap3A_336 = vector.shape_cast %swap3A_335 : vector<1x1x16xf32> to vector<16xf32>
      %swap3A_337 = vector.shape_cast %max3A_330 : vector<16xf32> to vector<1x1x16xf32>
      tpu.vector_store %arg7[%swap3A_332, %swap3A_333, %swap3A_334], %swap3A_337 {strides = array<i32>} : memref<2x80x128xf32, #tpu.memory_space<vmem>>, vector<1x1x16xf32>,
      %get3A_338 = arith.constant 0 : i32
      %get3A_339 = arith.index_cast %get3A_338 : i32 to index
      %get3A_340 = arith.index_cast %scan3A_227 : i32 to index
      %get3A_341 = arith.constant 112 : index
      %get3A_342 = tpu.vector_load %arg7[%get3A_339, %get3A_340, %get3A_341] {strides = array<i32>} : memref<2x80x128xf32, #tpu.memory_space<vmem>>, vector<1x1x16xf32>,
      %get3A_343 = vector.shape_cast %get3A_342 : vector<1x1x16xf32> to vector<16xf32>
      %max3A_344 = arith.constant 0.000000e+00 : f32
      %max3A_345 = vector.broadcast %max3A_344 : f32 to vector<16xf32>
      %max3A_346 = arith.maximumf %get3A_343, %max3A_345 : vector<16xf32>
      %swap3A_347 = arith.constant 0 : i32
      %swap3A_348 = arith.index_cast %swap3A_347 : i32 to index
      %swap3A_349 = arith.index_cast %scan3A_227 : i32 to index
      %swap3A_350 = arith.constant 112 : index
      %swap3A_351 = tpu.vector_load %arg7[%swap3A_348, %swap3A_349, %swap3A_350] {strides = array<i32>} : memref<2x80x128xf32, #tpu.memory_space<vmem>>, vector<1x1x16xf32>,
      %swap3A_352 = vector.shape_cast %swap3A_351 : vector<1x1x16xf32> to vector<16xf32>
      %swap3A_353 = vector.shape_cast %max3A_346 : vector<16xf32> to vector<1x1x16xf32>
      tpu.vector_store %arg7[%swap3A_348, %swap3A_349, %swap3A_350], %swap3A_353 {strides = array<i32>} : memref<2x80x128xf32, #tpu.memory_space<vmem>>, vector<1x1x16xf32>,
      %scan3A_354 = arith.constant 0 : i32
      scf.yield %scan3A_354 : i32
    }
    %scan3A_168 = arith.constant 80 : i32
    %dma_start3A_169 = arith.constant 0 : i32
    %dma_start3A_170 = arith.constant 0 : i32
    %dma_start3A_171 = arith.constant 1 : i32
    %dma_start3A_172 = arith.constant 0 : i32
    %dma_start3A_173 = arith.constant 0 : i32
    %dma_start3A_174 = tpu.memref_slice %arg7[%dma_start3A_169, %dma_start3A_172, %dma_start3A_173] : memref<2x80x128xf32, #tpu.memory_space<vmem>> -> memref<1x80x128xf32, #tpu.memory_space<vmem>>
    %dma_start3A_175 = tpu.memref_squeeze %dma_start3A_174 : memref<1x80x128xf32, #tpu.memory_space<vmem>> -> memref<80x128xf32, #tpu.memory_space<vmem>>
    %dma_start3A_176 = arith.constant 0 : i32
    %dma_start3A_177 = tpu.memref_slice %arg6[%dma_start3A_170, %dma_start3A_171, %dma_start3A_176] : memref<2x2x80xi32, #tpu.memory_space<vmem>> -> memref<1x1x80xi32, #tpu.memory_space<vmem>>
    %dma_start3A_178 = tpu.memref_squeeze %dma_start3A_177 : memref<1x1x80xi32, #tpu.memory_space<vmem>> -> memref<80xi32, #tpu.memory_space<vmem>>
    %dma_start3A_179 = arith.constant 0 : i32
    %dma_start3A_180 = arith.constant 0 : i32
    %dma_start3A_181 = tpu.memref_slice %arg8[%dma_start3A_179, %dma_start3A_180] : memref<10240x128xf32, #tpu.memory_space<vmem_shared>> -> memref<10240x128xf32, #tpu.memory_space<vmem_shared>>
    tpu.enqueue_indirect_dma source(%dma_start3A_175 : memref<80x128xf32, #tpu.memory_space<vmem>>) target(%dma_start3A_181 : memref<10240x128xf32, #tpu.memory_space<vmem_shared>>) offsets(%dma_start3A_178 : memref<80xi32, #tpu.memory_space<vmem>>) semaphore(%arg11 : memref<!tpu.dma_semaphore, #tpu.memory_space<semaphore_mem>>) {add = true}
    %dma_wait3A_182 = arith.constant 0 : i32
    %dma_wait3A_183 = arith.constant 0 : i32
    %dma_wait3A_184 = arith.constant 1 : i32
    %dma_wait3A_185 = arith.constant 0 : i32
    %dma_wait3A_186 = arith.constant 0 : i32
    %dma_wait3A_187 = tpu.memref_slice %arg7[%dma_wait3A_182, %dma_wait3A_185, %dma_wait3A_186] : memref<2x80x128xf32, #tpu.memory_space<vmem>> -> memref<1x80x128xf32, #tpu.memory_space<vmem>>
    %dma_wait3A_188 = tpu.memref_squeeze %dma_wait3A_187 : memref<1x80x128xf32, #tpu.memory_space<vmem>> -> memref<80x128xf32, #tpu.memory_space<vmem>>
    %dma_wait3A_189 = arith.constant 0 : i32
    %dma_wait3A_190 = tpu.memref_slice %arg6[%dma_wait3A_183, %dma_wait3A_184, %dma_wait3A_189] : memref<2x2x80xi32, #tpu.memory_space<vmem>> -> memref<1x1x80xi32, #tpu.memory_space<vmem>>
    %dma_wait3A_191 = tpu.memref_squeeze %dma_wait3A_190 : memref<1x1x80xi32, #tpu.memory_space<vmem>> -> memref<80xi32, #tpu.memory_space<vmem>>
    %dma_wait3A_192 = arith.constant 0 : i32
    %dma_wait3A_193 = arith.constant 0 : i32
    %dma_wait3A_194 = tpu.memref_slice %arg8[%dma_wait3A_192, %dma_wait3A_193] : memref<10240x128xf32, #tpu.memory_space<vmem_shared>> -> memref<10240x128xf32, #tpu.memory_space<vmem_shared>>
    tpu.wait_indirect_dma semaphore(%arg11 : memref<!tpu.dma_semaphore, #tpu.memory_space<semaphore_mem>>) src(%dma_wait3A_188 : memref<80x128xf32, #tpu.memory_space<vmem>>) dst(%dma_wait3A_194 : memref<10240x128xf32, #tpu.memory_space<vmem_shared>>)
    %dma_wait3A_195 = arith.constant 0 : i32
    %dma_wait3A_196 = arith.constant 1 : i32
    %dma_wait3A_197 = arith.constant 0 : i32
    %dma_wait3A_198 = arith.constant 0 : i32
    %dma_wait3A_199 = tpu.memref_slice %arg6[%dma_wait3A_196, %dma_wait3A_197, %dma_wait3A_198] : memref<2x2x80xi32, #tpu.memory_space<vmem>> -> memref<1x2x80xi32, #tpu.memory_space<vmem>>
    %dma_wait3A_200 = tpu.memref_squeeze %dma_wait3A_199 : memref<1x2x80xi32, #tpu.memory_space<vmem>> -> memref<2x80xi32, #tpu.memory_space<vmem>>
    %dma_wait3A_201 = arith.constant 0 : i32
    %dma_wait3A_202 = arith.constant 0 : i32
    %dma_wait3A_203 = tpu.memref_slice %arg4[%add3A, %dma_wait3A_195, %dma_wait3A_201, %dma_wait3A_202] : memref<32x125x2x80xi32, #tpu.memory_space<hbm>> -> memref<1x1x2x80xi32, #tpu.memory_space<hbm>>
    %dma_wait3A_204 = tpu.memref_squeeze %dma_wait3A_203 : memref<1x1x2x80xi32, #tpu.memory_space<hbm>> -> memref<2x80xi32, #tpu.memory_space<hbm>>
    %dma_wait3A_205 = arith.constant 0 : i32
    %dma_wait3A_206 = arith.constant 0 : i32
    %dma_wait3A_207 = tpu.memref_slice %arg6[%dma_wait3A_196, %dma_wait3A_205, %dma_wait3A_206] : memref<2x2x80xi32, #tpu.memory_space<vmem>> -> memref<1x2x80xi32, #tpu.memory_space<vmem>>
    %dma_wait3A_208 = tpu.memref_squeeze %dma_wait3A_207 : memref<1x2x80xi32, #tpu.memory_space<vmem>> -> memref<2x80xi32, #tpu.memory_space<vmem>>
    %dma_wait3A_209 = arith.constant 0 : i32
    %dma_wait3A_210 = arith.constant 0 : i32
    %dma_wait3A_211 = tpu.memref_slice %arg4[%add3A, %dma_wait3A_195, %dma_wait3A_209, %dma_wait3A_210] : memref<32x125x2x80xi32, #tpu.memory_space<hbm>> -> memref<1x1x2x80xi32, #tpu.memory_space<hbm>>
    %dma_wait3A_212 = tpu.memref_squeeze %dma_wait3A_211 : memref<1x1x2x80xi32, #tpu.memory_space<hbm>> -> memref<2x80xi32, #tpu.memory_space<hbm>>
    tpu.wait_dma2 semaphore(%arg14 : memref<!tpu.dma_semaphore, #tpu.memory_space<semaphore_mem>>) src(%dma_wait3A_212 : memref<2x80xi32, #tpu.memory_space<hbm>>) dst(%dma_wait3A_208 : memref<2x80xi32, #tpu.memory_space<vmem>>)
    %dma_wait3A_213 = arith.constant 1 : i32
    %dma_wait3A_214 = arith.constant 0 : i32
    %dma_wait3A_215 = arith.constant 0 : i32
    %dma_wait3A_216 = tpu.memref_slice %arg7[%dma_wait3A_213, %dma_wait3A_214, %dma_wait3A_215] : memref<2x80x128xf32, #tpu.memory_space<vmem>> -> memref<1x80x128xf32, #tpu.memory_space<vmem>>
    %dma_wait3A_217 = tpu.memref_squeeze %dma_wait3A_216 : memref<1x80x128xf32, #tpu.memory_space<vmem>> -> memref<80x128xf32, #tpu.memory_space<vmem>>
    %dma_wait3A_218 = arith.constant 0 : i32
    %dma_wait3A_219 = tpu.memref_slice %arg3[%mul3A_2, %dma_wait3A_218] : memref<320000x128xf32, #tpu.memory_space<hbm>> -> memref<80x128xf32, #tpu.memory_space<hbm>>
    %dma_wait3A_220 = arith.constant 0 : i32
    %dma_wait3A_221 = arith.constant 0 : i32
    %dma_wait3A_222 = tpu.memref_slice %arg7[%dma_wait3A_213, %dma_wait3A_220, %dma_wait3A_221] : memref<2x80x128xf32, #tpu.memory_space<vmem>> -> memref<1x80x128xf32, #tpu.memory_space<vmem>>
    %dma_wait3A_223 = tpu.memref_squeeze %dma_wait3A_222 : memref<1x80x128xf32, #tpu.memory_space<vmem>> -> memref<80x128xf32, #tpu.memory_space<vmem>>
    %dma_wait3A_224 = arith.constant 0 : i32
    %dma_wait3A_225 = tpu.memref_slice %arg3[%mul3A_2, %dma_wait3A_224] : memref<320000x128xf32, #tpu.memory_space<hbm>> -> memref<80x128xf32, #tpu.memory_space<hbm>>
    tpu.wait_dma2 semaphore(%arg16 : memref<!tpu.dma_semaphore, #tpu.memory_space<semaphore_mem>>) src(%dma_wait3A_225 : memref<80x128xf32, #tpu.memory_space<hbm>>) dst(%dma_wait3A_223 : memref<80x128xf32, #tpu.memory_space<vmem>>)
    %barrier3A_226 = arith.constant 0 : index
    tpu.barrier barrier_id(%barrier3A_226)
    "tpu.region"() ({
      %run_scoped3A_227 = tpu.sem_alloc : memref<!tpu.dma_semaphore, #tpu.memory_space<semaphore_mem>>
      %dma_start3A_228 = arith.constant 0 : i32
      %dma_start3A_229 = tpu.memref_slice %arg5[%arg0, %mul3A_10, %dma_start3A_228] : memref<2x10240x128xf32, #tpu.memory_space<hbm>> -> memref<1x640x128xf32, #tpu.memory_space<hbm>>
      %dma_start3A_230 = tpu.memref_squeeze %dma_start3A_229 : memref<1x640x128xf32, #tpu.memory_space<hbm>> -> memref<640x128xf32, #tpu.memory_space<hbm>>
      %dma_start3A_231 = arith.constant 0 : i32
      %dma_start3A_232 = tpu.memref_slice %arg8[%mul3A_10, %dma_start3A_231] : memref<10240x128xf32, #tpu.memory_space<vmem_shared>> -> memref<640x128xf32, #tpu.memory_space<vmem_shared>>
      tpu.enqueue_dma source(%dma_start3A_232 : memref<640x128xf32, #tpu.memory_space<vmem_shared>>) target(%dma_start3A_230 : memref<640x128xf32, #tpu.memory_space<hbm>>) target_semaphore(%run_scoped3A_227 : memref<!tpu.dma_semaphore, #tpu.memory_space<semaphore_mem>>)
      %dma_wait3A_233 = arith.constant 0 : i32
      %dma_wait3A_234 = tpu.memref_slice %arg5[%arg0, %mul3A_10, %dma_wait3A_233] : memref<2x10240x128xf32, #tpu.memory_space<hbm>> -> memref<1x640x128xf32, #tpu.memory_space<hbm>>
      %dma_wait3A_235 = tpu.memref_squeeze %dma_wait3A_234 : memref<1x640x128xf32, #tpu.memory_space<hbm>> -> memref<640x128xf32, #tpu.memory_space<hbm>>
      %dma_wait3A_236 = arith.constant 0 : i32
      %dma_wait3A_237 = tpu.memref_slice %arg8[%mul3A_10, %dma_wait3A_236] : memref<10240x128xf32, #tpu.memory_space<vmem_shared>> -> memref<640x128xf32, #tpu.memory_space<vmem_shared>>
      tpu.wait_dma2 semaphore(%run_scoped3A_227 : memref<!tpu.dma_semaphore, #tpu.memory_space<semaphore_mem>>) src(%dma_wait3A_237 : memref<640x128xf32, #tpu.memory_space<vmem_shared>>) dst(%dma_wait3A_235 : memref<640x128xf32, #tpu.memory_space<hbm>>)
      tpu.yield
    }) : () -> ()
    return
  }
}

#map = affine_map<(d0, d1) -> (0, 0)>
#map1 = affine_map<(d0, d1) -> (0, 0, 0, 0)>
#map2 = affine_map<(d0, d1) -> (0, 0, 0)>
module attributes {stable_mosaic.version = 14 : i64} {
  func.func @sc_edge(%arg0: i32, %arg1: i32, %arg2: memref<10000x128xf32, #tpu.memory_space<hbm>>, %arg3: memref<320000x128xf32, #tpu.memory_space<hbm>>, %arg4: memref<32x125x2x80xi32, #tpu.memory_space<hbm>>, %arg5: memref<2x10240x128xf32, #tpu.memory_space<hbm>>, %arg6: memref<2x2x80xi32, #tpu.memory_space<vmem>>, %arg7: memref<2x80x128xf32, #tpu.memory_space<vmem>>, %arg8: memref<10240x128xf32, #tpu.memory_space<vmem_shared>>, %arg9: memref<!tpu.dma_semaphore, #tpu.memory_space<semaphore_mem>>, %arg10: memref<!tpu.dma_semaphore, #tpu.memory_space<semaphore_mem>>, %arg11: memref<!tpu.dma_semaphore, #tpu.memory_space<semaphore_mem>>, %arg12: memref<!tpu.dma_semaphore, #tpu.memory_space<semaphore_mem>>, %arg13: memref<!tpu.dma_semaphore, #tpu.memory_space<semaphore_mem>>, %arg14: memref<!tpu.dma_semaphore, #tpu.memory_space<semaphore_mem>>, %arg15: memref<!tpu.dma_semaphore, #tpu.memory_space<semaphore_mem>>, %arg16: memref<!tpu.dma_semaphore, #tpu.memory_space<semaphore_mem>>) attributes {dimension_semantics = [#tpu.dimension_semantics<core_parallel>, #tpu.dimension_semantics<subcore_parallel>], iteration_bounds = array<i64: 2, 16>, scalar_prefetch = 0 : i64, scratch_operands = 11 : i64, tpu.core_type = #tpu.core_type<sc_vector_subcore>, window_params = [{transform_indices = #map}, {transform_indices = #map}, {transform_indices = #map1}, {transform_indices = #map2}]} {
    %mul3A = arith.constant 2 : i32
    %mul3A_0 = arith.muli %arg1, %mul3A : i32
    %add3A = arith.addi %mul3A_0, %arg0 : i32
    %mul3A_1 = arith.constant 10000 : i32
    %mul3A_2 = arith.muli %add3A, %mul3A_1 : i32
    %scan3A = arith.constant 0 : i32
    %scan3A_3 = arith.constant 0 : i32
    %scan3A_4 = arith.constant 80 : i32
    %scan3A_5 = arith.addi %scan3A_3, %scan3A_4 : i32
    %scan3A_6 = arith.constant 1 : i32
    %scan3A_7 = scf.for %scan3A_227 = %scan3A_3 to %scan3A_5 step %scan3A_6 iter_args(%scan3A_228 = %scan3A) -> (i32)  : i32 {
      %broadcast_in_dim3A = arith.constant 0.000000e+00 : f32
      %broadcast_in_dim3A_229 = vector.broadcast %broadcast_in_dim3A : f32 to vector<16xf32>
      %swap3A = arith.constant 0 : i32
      %swap3A_230 = arith.index_cast %swap3A : i32 to index
      %swap3A_231 = arith.index_cast %scan3A_227 : i32 to index
      %swap3A_232 = arith.constant 0 : index
      %swap3A_233 = tpu.vector_load %arg7[%swap3A_230, %swap3A_231, %swap3A_232] {strides = array<i32>} : memref<2x80x128xf32, #tpu.memory_space<vmem>>, vector<1x1x16xf32>,
      %swap3A_234 = vector.shape_cast %swap3A_233 : vector<1x1x16xf32> to vector<16xf32>
      %swap3A_235 = vector.shape_cast %broadcast_in_dim3A_229 : vector<16xf32> to vector<1x1x16xf32>
      tpu.vector_store %arg7[%swap3A_230, %swap3A_231, %swap3A_232], %swap3A_235 {strides = array<i32>} : memref<2x80x128xf32, #tpu.memory_space<vmem>>, vector<1x1x16xf32>,
      %broadcast_in_dim3A_236 = arith.constant 0.000000e+00 : f32
      %broadcast_in_dim3A_237 = vector.broadcast %broadcast_in_dim3A_236 : f32 to vector<16xf32>
      %swap3A_238 = arith.constant 0 : i32
      %swap3A_239 = arith.index_cast %swap3A_238 : i32 to index
      %swap3A_240 = arith.index_cast %scan3A_227 : i32 to index
      %swap3A_241 = arith.constant 16 : index
      %swap3A_242 = tpu.vector_load %arg7[%swap3A_239, %swap3A_240, %swap3A_241] {strides = array<i32>} : memref<2x80x128xf32, #tpu.memory_space<vmem>>, vector<1x1x16xf32>,
      %swap3A_243 = vector.shape_cast %swap3A_242 : vector<1x1x16xf32> to vector<16xf32>
      %swap3A_244 = vector.shape_cast %broadcast_in_dim3A_237 : vector<16xf32> to vector<1x1x16xf32>
      tpu.vector_store %arg7[%swap3A_239, %swap3A_240, %swap3A_241], %swap3A_244 {strides = array<i32>} : memref<2x80x128xf32, #tpu.memory_space<vmem>>, vector<1x1x16xf32>,
      %broadcast_in_dim3A_245 = arith.constant 0.000000e+00 : f32
      %broadcast_in_dim3A_246 = vector.broadcast %broadcast_in_dim3A_245 : f32 to vector<16xf32>
      %swap3A_247 = arith.constant 0 : i32
      %swap3A_248 = arith.index_cast %swap3A_247 : i32 to index
      %swap3A_249 = arith.index_cast %scan3A_227 : i32 to index
      %swap3A_250 = arith.constant 32 : index
      %swap3A_251 = tpu.vector_load %arg7[%swap3A_248, %swap3A_249, %swap3A_250] {strides = array<i32>} : memref<2x80x128xf32, #tpu.memory_space<vmem>>, vector<1x1x16xf32>,
      %swap3A_252 = vector.shape_cast %swap3A_251 : vector<1x1x16xf32> to vector<16xf32>
      %swap3A_253 = vector.shape_cast %broadcast_in_dim3A_246 : vector<16xf32> to vector<1x1x16xf32>
      tpu.vector_store %arg7[%swap3A_248, %swap3A_249, %swap3A_250], %swap3A_253 {strides = array<i32>} : memref<2x80x128xf32, #tpu.memory_space<vmem>>, vector<1x1x16xf32>,
      %broadcast_in_dim3A_254 = arith.constant 0.000000e+00 : f32
      %broadcast_in_dim3A_255 = vector.broadcast %broadcast_in_dim3A_254 : f32 to vector<16xf32>
      %swap3A_256 = arith.constant 0 : i32
      %swap3A_257 = arith.index_cast %swap3A_256 : i32 to index
      %swap3A_258 = arith.index_cast %scan3A_227 : i32 to index
      %swap3A_259 = arith.constant 48 : index
      %swap3A_260 = tpu.vector_load %arg7[%swap3A_257, %swap3A_258, %swap3A_259] {strides = array<i32>} : memref<2x80x128xf32, #tpu.memory_space<vmem>>, vector<1x1x16xf32>,
      %swap3A_261 = vector.shape_cast %swap3A_260 : vector<1x1x16xf32> to vector<16xf32>
      %swap3A_262 = vector.shape_cast %broadcast_in_dim3A_255 : vector<16xf32> to vector<1x1x16xf32>
      tpu.vector_store %arg7[%swap3A_257, %swap3A_258, %swap3A_259], %swap3A_262 {strides = array<i32>} : memref<2x80x128xf32, #tpu.memory_space<vmem>>, vector<1x1x16xf32>,
      %broadcast_in_dim3A_263 = arith.constant 0.000000e+00 : f32
      %broadcast_in_dim3A_264 = vector.broadcast %broadcast_in_dim3A_263 : f32 to vector<16xf32>
      %swap3A_265 = arith.constant 0 : i32
      %swap3A_266 = arith.index_cast %swap3A_265 : i32 to index
      %swap3A_267 = arith.index_cast %scan3A_227 : i32 to index
      %swap3A_268 = arith.constant 64 : index
      %swap3A_269 = tpu.vector_load %arg7[%swap3A_266, %swap3A_267, %swap3A_268] {strides = array<i32>} : memref<2x80x128xf32, #tpu.memory_space<vmem>>, vector<1x1x16xf32>,
      %swap3A_270 = vector.shape_cast %swap3A_269 : vector<1x1x16xf32> to vector<16xf32>
      %swap3A_271 = vector.shape_cast %broadcast_in_dim3A_264 : vector<16xf32> to vector<1x1x16xf32>
      tpu.vector_store %arg7[%swap3A_266, %swap3A_267, %swap3A_268], %swap3A_271 {strides = array<i32>} : memref<2x80x128xf32, #tpu.memory_space<vmem>>, vector<1x1x16xf32>,
      %broadcast_in_dim3A_272 = arith.constant 0.000000e+00 : f32
      %broadcast_in_dim3A_273 = vector.broadcast %broadcast_in_dim3A_272 : f32 to vector<16xf32>
      %swap3A_274 = arith.constant 0 : i32
      %swap3A_275 = arith.index_cast %swap3A_274 : i32 to index
      %swap3A_276 = arith.index_cast %scan3A_227 : i32 to index
      %swap3A_277 = arith.constant 80 : index
      %swap3A_278 = tpu.vector_load %arg7[%swap3A_275, %swap3A_276, %swap3A_277] {strides = array<i32>} : memref<2x80x128xf32, #tpu.memory_space<vmem>>, vector<1x1x16xf32>,
      %swap3A_279 = vector.shape_cast %swap3A_278 : vector<1x1x16xf32> to vector<16xf32>
      %swap3A_280 = vector.shape_cast %broadcast_in_dim3A_273 : vector<16xf32> to vector<1x1x16xf32>
      tpu.vector_store %arg7[%swap3A_275, %swap3A_276, %swap3A_277], %swap3A_280 {strides = array<i32>} : memref<2x80x128xf32, #tpu.memory_space<vmem>>, vector<1x1x16xf32>,
      %broadcast_in_dim3A_281 = arith.constant 0.000000e+00 : f32
      %broadcast_in_dim3A_282 = vector.broadcast %broadcast_in_dim3A_281 : f32 to vector<16xf32>
      %swap3A_283 = arith.constant 0 : i32
      %swap3A_284 = arith.index_cast %swap3A_283 : i32 to index
      %swap3A_285 = arith.index_cast %scan3A_227 : i32 to index
      %swap3A_286 = arith.constant 96 : index
      %swap3A_287 = tpu.vector_load %arg7[%swap3A_284, %swap3A_285, %swap3A_286] {strides = array<i32>} : memref<2x80x128xf32, #tpu.memory_space<vmem>>, vector<1x1x16xf32>,
      %swap3A_288 = vector.shape_cast %swap3A_287 : vector<1x1x16xf32> to vector<16xf32>
      %swap3A_289 = vector.shape_cast %broadcast_in_dim3A_282 : vector<16xf32> to vector<1x1x16xf32>
      tpu.vector_store %arg7[%swap3A_284, %swap3A_285, %swap3A_286], %swap3A_289 {strides = array<i32>} : memref<2x80x128xf32, #tpu.memory_space<vmem>>, vector<1x1x16xf32>,
      %broadcast_in_dim3A_290 = arith.constant 0.000000e+00 : f32
      %broadcast_in_dim3A_291 = vector.broadcast %broadcast_in_dim3A_290 : f32 to vector<16xf32>
      %swap3A_292 = arith.constant 0 : i32
      %swap3A_293 = arith.index_cast %swap3A_292 : i32 to index
      %swap3A_294 = arith.index_cast %scan3A_227 : i32 to index
      %swap3A_295 = arith.constant 112 : index
      %swap3A_296 = tpu.vector_load %arg7[%swap3A_293, %swap3A_294, %swap3A_295] {strides = array<i32>} : memref<2x80x128xf32, #tpu.memory_space<vmem>>, vector<1x1x16xf32>,
      %swap3A_297 = vector.shape_cast %swap3A_296 : vector<1x1x16xf32> to vector<16xf32>
      %swap3A_298 = vector.shape_cast %broadcast_in_dim3A_291 : vector<16xf32> to vector<1x1x16xf32>
      tpu.vector_store %arg7[%swap3A_293, %swap3A_294, %swap3A_295], %swap3A_298 {strides = array<i32>} : memref<2x80x128xf32, #tpu.memory_space<vmem>>, vector<1x1x16xf32>,
      %scan3A_299 = arith.constant 0 : i32
      scf.yield %scan3A_299 : i32
    }
    %scan3A_8 = arith.constant 80 : i32
    %mul3A_9 = arith.constant 640 : i32
    %mul3A_10 = arith.muli %arg1, %mul3A_9 : i32
    %add3A_11 = arith.constant 0 : i32
    %add3A_12 = arith.addi %mul3A_10, %add3A_11 : i32
    %run_scoped3A = arith.constant 0 : i32
    "tpu.region"() ({
      %run_scoped3A_227 = tpu.sem_alloc : memref<!tpu.dma_semaphore, #tpu.memory_space<semaphore_mem>>
      %dma_start3A_228 = arith.constant 0 : i32
      %dma_start3A_229 = arith.constant 0 : i32
      %dma_start3A_230 = tpu.memref_slice %arg7[%run_scoped3A, %dma_start3A_228, %dma_start3A_229] : memref<2x80x128xf32, #tpu.memory_space<vmem>> -> memref<1x80x128xf32, #tpu.memory_space<vmem>>
      %dma_start3A_231 = tpu.memref_squeeze %dma_start3A_230 : memref<1x80x128xf32, #tpu.memory_space<vmem>> -> memref<80x128xf32, #tpu.memory_space<vmem>>
      %dma_start3A_232 = arith.constant 0 : i32
      %dma_start3A_233 = tpu.memref_slice %arg8[%add3A_12, %dma_start3A_232] : memref<10240x128xf32, #tpu.memory_space<vmem_shared>> -> memref<80x128xf32, #tpu.memory_space<vmem_shared>>
      %dma_start3A_234 = arith.constant 0 : i32
      %dma_start3A_235 = tpu.memref_slice %arg8[%add3A_12, %dma_start3A_234] : memref<10240x128xf32, #tpu.memory_space<vmem_shared>> -> memref<80x128xf32, #tpu.memory_space<vmem_shared>>
      %dma_start3A_236 = arith.constant 0 : i32
      %dma_start3A_237 = arith.constant 0 : i32
      %dma_start3A_238 = tpu.memref_slice %arg7[%run_scoped3A, %dma_start3A_236, %dma_start3A_237] : memref<2x80x128xf32, #tpu.memory_space<vmem>> -> memref<1x80x128xf32, #tpu.memory_space<vmem>>
      %dma_start3A_239 = tpu.memref_squeeze %dma_start3A_238 : memref<1x80x128xf32, #tpu.memory_space<vmem>> -> memref<80x128xf32, #tpu.memory_space<vmem>>
      tpu.enqueue_dma source(%dma_start3A_239 : memref<80x128xf32, #tpu.memory_space<vmem>>) target(%dma_start3A_235 : memref<80x128xf32, #tpu.memory_space<vmem_shared>>) target_semaphore(%run_scoped3A_227 : memref<!tpu.dma_semaphore, #tpu.memory_space<semaphore_mem>>)
      %dma_wait3A_240 = arith.constant 0 : i32
      %dma_wait3A_241 = arith.constant 0 : i32
      %dma_wait3A_242 = tpu.memref_slice %arg7[%run_scoped3A, %dma_wait3A_240, %dma_wait3A_241] : memref<2x80x128xf32, #tpu.memory_space<vmem>> -> memref<1x80x128xf32, #tpu.memory_space<vmem>>
      %dma_wait3A_243 = tpu.memref_squeeze %dma_wait3A_242 : memref<1x80x128xf32, #tpu.memory_space<vmem>> -> memref<80x128xf32, #tpu.memory_space<vmem>>
      %dma_wait3A_244 = arith.constant 0 : i32
      %dma_wait3A_245 = tpu.memref_slice %arg8[%add3A_12, %dma_wait3A_244] : memref<10240x128xf32, #tpu.memory_space<vmem_shared>> -> memref<80x128xf32, #tpu.memory_space<vmem_shared>>
      %dma_wait3A_246 = arith.constant 0 : i32
      %dma_wait3A_247 = tpu.memref_slice %arg8[%add3A_12, %dma_wait3A_246] : memref<10240x128xf32, #tpu.memory_space<vmem_shared>> -> memref<80x128xf32, #tpu.memory_space<vmem_shared>>
      %dma_wait3A_248 = arith.constant 0 : i32
      %dma_wait3A_249 = arith.constant 0 : i32
      %dma_wait3A_250 = tpu.memref_slice %arg7[%run_scoped3A, %dma_wait3A_248, %dma_wait3A_249] : memref<2x80x128xf32, #tpu.memory_space<vmem>> -> memref<1x80x128xf32, #tpu.memory_space<vmem>>
      %dma_wait3A_251 = tpu.memref_squeeze %dma_wait3A_250 : memref<1x80x128xf32, #tpu.memory_space<vmem>> -> memref<80x128xf32, #tpu.memory_space<vmem>>
      tpu.wait_dma2 semaphore(%run_scoped3A_227 : memref<!tpu.dma_semaphore, #tpu.memory_space<semaphore_mem>>) src(%dma_wait3A_251 : memref<80x128xf32, #tpu.memory_space<vmem>>) dst(%dma_wait3A_247 : memref<80x128xf32, #tpu.memory_space<vmem_shared>>)
      tpu.yield
    }) : () -> ()
    %add3A_13 = arith.constant 80 : i32
    %add3A_14 = arith.addi %mul3A_10, %add3A_13 : i32
    %run_scoped3A_15 = arith.constant 0 : i32
    "tpu.region"() ({
      %run_scoped3A_227 = tpu.sem_alloc : memref<!tpu.dma_semaphore, #tpu.memory_space<semaphore_mem>>
      %dma_start3A_228 = arith.constant 0 : i32
      %dma_start3A_229 = arith.constant 0 : i32
      %dma_start3A_230 = tpu.memref_slice %arg7[%run_scoped3A_15, %dma_start3A_228, %dma_start3A_229] : memref<2x80x128xf32, #tpu.memory_space<vmem>> -> memref<1x80x128xf32, #tpu.memory_space<vmem>>
      %dma_start3A_231 = tpu.memref_squeeze %dma_start3A_230 : memref<1x80x128xf32, #tpu.memory_space<vmem>> -> memref<80x128xf32, #tpu.memory_space<vmem>>
      %dma_start3A_232 = arith.constant 0 : i32
      %dma_start3A_233 = tpu.memref_slice %arg8[%add3A_14, %dma_start3A_232] : memref<10240x128xf32, #tpu.memory_space<vmem_shared>> -> memref<80x128xf32, #tpu.memory_space<vmem_shared>>
      %dma_start3A_234 = arith.constant 0 : i32
      %dma_start3A_235 = tpu.memref_slice %arg8[%add3A_14, %dma_start3A_234] : memref<10240x128xf32, #tpu.memory_space<vmem_shared>> -> memref<80x128xf32, #tpu.memory_space<vmem_shared>>
      %dma_start3A_236 = arith.constant 0 : i32
      %dma_start3A_237 = arith.constant 0 : i32
      %dma_start3A_238 = tpu.memref_slice %arg7[%run_scoped3A_15, %dma_start3A_236, %dma_start3A_237] : memref<2x80x128xf32, #tpu.memory_space<vmem>> -> memref<1x80x128xf32, #tpu.memory_space<vmem>>
      %dma_start3A_239 = tpu.memref_squeeze %dma_start3A_238 : memref<1x80x128xf32, #tpu.memory_space<vmem>> -> memref<80x128xf32, #tpu.memory_space<vmem>>
      tpu.enqueue_dma source(%dma_start3A_239 : memref<80x128xf32, #tpu.memory_space<vmem>>) target(%dma_start3A_235 : memref<80x128xf32, #tpu.memory_space<vmem_shared>>) target_semaphore(%run_scoped3A_227 : memref<!tpu.dma_semaphore, #tpu.memory_space<semaphore_mem>>)
      %dma_wait3A_240 = arith.constant 0 : i32
      %dma_wait3A_241 = arith.constant 0 : i32
      %dma_wait3A_242 = tpu.memref_slice %arg7[%run_scoped3A_15, %dma_wait3A_240, %dma_wait3A_241] : memref<2x80x128xf32, #tpu.memory_space<vmem>> -> memref<1x80x128xf32, #tpu.memory_space<vmem>>
      %dma_wait3A_243 = tpu.memref_squeeze %dma_wait3A_242 : memref<1x80x128xf32, #tpu.memory_space<vmem>> -> memref<80x128xf32, #tpu.memory_space<vmem>>
      %dma_wait3A_244 = arith.constant 0 : i32
      %dma_wait3A_245 = tpu.memref_slice %arg8[%add3A_14, %dma_wait3A_244] : memref<10240x128xf32, #tpu.memory_space<vmem_shared>> -> memref<80x128xf32, #tpu.memory_space<vmem_shared>>
      %dma_wait3A_246 = arith.constant 0 : i32
      %dma_wait3A_247 = tpu.memref_slice %arg8[%add3A_14, %dma_wait3A_246] : memref<10240x128xf32, #tpu.memory_space<vmem_shared>> -> memref<80x128xf32, #tpu.memory_space<vmem_shared>>
      %dma_wait3A_248 = arith.constant 0 : i32
      %dma_wait3A_249 = arith.constant 0 : i32
      %dma_wait3A_250 = tpu.memref_slice %arg7[%run_scoped3A_15, %dma_wait3A_248, %dma_wait3A_249] : memref<2x80x128xf32, #tpu.memory_space<vmem>> -> memref<1x80x128xf32, #tpu.memory_space<vmem>>
      %dma_wait3A_251 = tpu.memref_squeeze %dma_wait3A_250 : memref<1x80x128xf32, #tpu.memory_space<vmem>> -> memref<80x128xf32, #tpu.memory_space<vmem>>
      tpu.wait_dma2 semaphore(%run_scoped3A_227 : memref<!tpu.dma_semaphore, #tpu.memory_space<semaphore_mem>>) src(%dma_wait3A_251 : memref<80x128xf32, #tpu.memory_space<vmem>>) dst(%dma_wait3A_247 : memref<80x128xf32, #tpu.memory_space<vmem_shared>>)
      tpu.yield
    }) : () -> ()
    %add3A_16 = arith.constant 160 : i32
    %add3A_17 = arith.addi %mul3A_10, %add3A_16 : i32
    %run_scoped3A_18 = arith.constant 0 : i32
    "tpu.region"() ({
      %run_scoped3A_227 = tpu.sem_alloc : memref<!tpu.dma_semaphore, #tpu.memory_space<semaphore_mem>>
      %dma_start3A_228 = arith.constant 0 : i32
      %dma_start3A_229 = arith.constant 0 : i32
      %dma_start3A_230 = tpu.memref_slice %arg7[%run_scoped3A_18, %dma_start3A_228, %dma_start3A_229] : memref<2x80x128xf32, #tpu.memory_space<vmem>> -> memref<1x80x128xf32, #tpu.memory_space<vmem>>
      %dma_start3A_231 = tpu.memref_squeeze %dma_start3A_230 : memref<1x80x128xf32, #tpu.memory_space<vmem>> -> memref<80x128xf32, #tpu.memory_space<vmem>>
      %dma_start3A_232 = arith.constant 0 : i32
      %dma_start3A_233 = tpu.memref_slice %arg8[%add3A_17, %dma_start3A_232] : memref<10240x128xf32, #tpu.memory_space<vmem_shared>> -> memref<80x128xf32, #tpu.memory_space<vmem_shared>>
      %dma_start3A_234 = arith.constant 0 : i32
      %dma_start3A_235 = tpu.memref_slice %arg8[%add3A_17, %dma_start3A_234] : memref<10240x128xf32, #tpu.memory_space<vmem_shared>> -> memref<80x128xf32, #tpu.memory_space<vmem_shared>>
      %dma_start3A_236 = arith.constant 0 : i32
      %dma_start3A_237 = arith.constant 0 : i32
      %dma_start3A_238 = tpu.memref_slice %arg7[%run_scoped3A_18, %dma_start3A_236, %dma_start3A_237] : memref<2x80x128xf32, #tpu.memory_space<vmem>> -> memref<1x80x128xf32, #tpu.memory_space<vmem>>
      %dma_start3A_239 = tpu.memref_squeeze %dma_start3A_238 : memref<1x80x128xf32, #tpu.memory_space<vmem>> -> memref<80x128xf32, #tpu.memory_space<vmem>>
      tpu.enqueue_dma source(%dma_start3A_239 : memref<80x128xf32, #tpu.memory_space<vmem>>) target(%dma_start3A_235 : memref<80x128xf32, #tpu.memory_space<vmem_shared>>) target_semaphore(%run_scoped3A_227 : memref<!tpu.dma_semaphore, #tpu.memory_space<semaphore_mem>>)
      %dma_wait3A_240 = arith.constant 0 : i32
      %dma_wait3A_241 = arith.constant 0 : i32
      %dma_wait3A_242 = tpu.memref_slice %arg7[%run_scoped3A_18, %dma_wait3A_240, %dma_wait3A_241] : memref<2x80x128xf32, #tpu.memory_space<vmem>> -> memref<1x80x128xf32, #tpu.memory_space<vmem>>
      %dma_wait3A_243 = tpu.memref_squeeze %dma_wait3A_242 : memref<1x80x128xf32, #tpu.memory_space<vmem>> -> memref<80x128xf32, #tpu.memory_space<vmem>>
      %dma_wait3A_244 = arith.constant 0 : i32
      %dma_wait3A_245 = tpu.memref_slice %arg8[%add3A_17, %dma_wait3A_244] : memref<10240x128xf32, #tpu.memory_space<vmem_shared>> -> memref<80x128xf32, #tpu.memory_space<vmem_shared>>
      %dma_wait3A_246 = arith.constant 0 : i32
      %dma_wait3A_247 = tpu.memref_slice %arg8[%add3A_17, %dma_wait3A_246] : memref<10240x128xf32, #tpu.memory_space<vmem_shared>> -> memref<80x128xf32, #tpu.memory_space<vmem_shared>>
      %dma_wait3A_248 = arith.constant 0 : i32
      %dma_wait3A_249 = arith.constant 0 : i32
      %dma_wait3A_250 = tpu.memref_slice %arg7[%run_scoped3A_18, %dma_wait3A_248, %dma_wait3A_249] : memref<2x80x128xf32, #tpu.memory_space<vmem>> -> memref<1x80x128xf32, #tpu.memory_space<vmem>>
      %dma_wait3A_251 = tpu.memref_squeeze %dma_wait3A_250 : memref<1x80x128xf32, #tpu.memory_space<vmem>> -> memref<80x128xf32, #tpu.memory_space<vmem>>
      tpu.wait_dma2 semaphore(%run_scoped3A_227 : memref<!tpu.dma_semaphore, #tpu.memory_space<semaphore_mem>>) src(%dma_wait3A_251 : memref<80x128xf32, #tpu.memory_space<vmem>>) dst(%dma_wait3A_247 : memref<80x128xf32, #tpu.memory_space<vmem_shared>>)
      tpu.yield
    }) : () -> ()
    %add3A_19 = arith.constant 240 : i32
    %add3A_20 = arith.addi %mul3A_10, %add3A_19 : i32
    %run_scoped3A_21 = arith.constant 0 : i32
    "tpu.region"() ({
      %run_scoped3A_227 = tpu.sem_alloc : memref<!tpu.dma_semaphore, #tpu.memory_space<semaphore_mem>>
      %dma_start3A_228 = arith.constant 0 : i32
      %dma_start3A_229 = arith.constant 0 : i32
      %dma_start3A_230 = tpu.memref_slice %arg7[%run_scoped3A_21, %dma_start3A_228, %dma_start3A_229] : memref<2x80x128xf32, #tpu.memory_space<vmem>> -> memref<1x80x128xf32, #tpu.memory_space<vmem>>
      %dma_start3A_231 = tpu.memref_squeeze %dma_start3A_230 : memref<1x80x128xf32, #tpu.memory_space<vmem>> -> memref<80x128xf32, #tpu.memory_space<vmem>>
      %dma_start3A_232 = arith.constant 0 : i32
      %dma_start3A_233 = tpu.memref_slice %arg8[%add3A_20, %dma_start3A_232] : memref<10240x128xf32, #tpu.memory_space<vmem_shared>> -> memref<80x128xf32, #tpu.memory_space<vmem_shared>>
      %dma_start3A_234 = arith.constant 0 : i32
      %dma_start3A_235 = tpu.memref_slice %arg8[%add3A_20, %dma_start3A_234] : memref<10240x128xf32, #tpu.memory_space<vmem_shared>> -> memref<80x128xf32, #tpu.memory_space<vmem_shared>>
      %dma_start3A_236 = arith.constant 0 : i32
      %dma_start3A_237 = arith.constant 0 : i32
      %dma_start3A_238 = tpu.memref_slice %arg7[%run_scoped3A_21, %dma_start3A_236, %dma_start3A_237] : memref<2x80x128xf32, #tpu.memory_space<vmem>> -> memref<1x80x128xf32, #tpu.memory_space<vmem>>
      %dma_start3A_239 = tpu.memref_squeeze %dma_start3A_238 : memref<1x80x128xf32, #tpu.memory_space<vmem>> -> memref<80x128xf32, #tpu.memory_space<vmem>>
      tpu.enqueue_dma source(%dma_start3A_239 : memref<80x128xf32, #tpu.memory_space<vmem>>) target(%dma_start3A_235 : memref<80x128xf32, #tpu.memory_space<vmem_shared>>) target_semaphore(%run_scoped3A_227 : memref<!tpu.dma_semaphore, #tpu.memory_space<semaphore_mem>>)
      %dma_wait3A_240 = arith.constant 0 : i32
      %dma_wait3A_241 = arith.constant 0 : i32
      %dma_wait3A_242 = tpu.memref_slice %arg7[%run_scoped3A_21, %dma_wait3A_240, %dma_wait3A_241] : memref<2x80x128xf32, #tpu.memory_space<vmem>> -> memref<1x80x128xf32, #tpu.memory_space<vmem>>
      %dma_wait3A_243 = tpu.memref_squeeze %dma_wait3A_242 : memref<1x80x128xf32, #tpu.memory_space<vmem>> -> memref<80x128xf32, #tpu.memory_space<vmem>>
      %dma_wait3A_244 = arith.constant 0 : i32
      %dma_wait3A_245 = tpu.memref_slice %arg8[%add3A_20, %dma_wait3A_244] : memref<10240x128xf32, #tpu.memory_space<vmem_shared>> -> memref<80x128xf32, #tpu.memory_space<vmem_shared>>
      %dma_wait3A_246 = arith.constant 0 : i32
      %dma_wait3A_247 = tpu.memref_slice %arg8[%add3A_20, %dma_wait3A_246] : memref<10240x128xf32, #tpu.memory_space<vmem_shared>> -> memref<80x128xf32, #tpu.memory_space<vmem_shared>>
      %dma_wait3A_248 = arith.constant 0 : i32
      %dma_wait3A_249 = arith.constant 0 : i32
      %dma_wait3A_250 = tpu.memref_slice %arg7[%run_scoped3A_21, %dma_wait3A_248, %dma_wait3A_249] : memref<2x80x128xf32, #tpu.memory_space<vmem>> -> memref<1x80x128xf32, #tpu.memory_space<vmem>>
      %dma_wait3A_251 = tpu.memref_squeeze %dma_wait3A_250 : memref<1x80x128xf32, #tpu.memory_space<vmem>> -> memref<80x128xf32, #tpu.memory_space<vmem>>
      tpu.wait_dma2 semaphore(%run_scoped3A_227 : memref<!tpu.dma_semaphore, #tpu.memory_space<semaphore_mem>>) src(%dma_wait3A_251 : memref<80x128xf32, #tpu.memory_space<vmem>>) dst(%dma_wait3A_247 : memref<80x128xf32, #tpu.memory_space<vmem_shared>>)
      tpu.yield
    }) : () -> ()
    %add3A_22 = arith.constant 320 : i32
    %add3A_23 = arith.addi %mul3A_10, %add3A_22 : i32
    %run_scoped3A_24 = arith.constant 0 : i32
    "tpu.region"() ({
      %run_scoped3A_227 = tpu.sem_alloc : memref<!tpu.dma_semaphore, #tpu.memory_space<semaphore_mem>>
      %dma_start3A_228 = arith.constant 0 : i32
      %dma_start3A_229 = arith.constant 0 : i32
      %dma_start3A_230 = tpu.memref_slice %arg7[%run_scoped3A_24, %dma_start3A_228, %dma_start3A_229] : memref<2x80x128xf32, #tpu.memory_space<vmem>> -> memref<1x80x128xf32, #tpu.memory_space<vmem>>
      %dma_start3A_231 = tpu.memref_squeeze %dma_start3A_230 : memref<1x80x128xf32, #tpu.memory_space<vmem>> -> memref<80x128xf32, #tpu.memory_space<vmem>>
      %dma_start3A_232 = arith.constant 0 : i32
      %dma_start3A_233 = tpu.memref_slice %arg8[%add3A_23, %dma_start3A_232] : memref<10240x128xf32, #tpu.memory_space<vmem_shared>> -> memref<80x128xf32, #tpu.memory_space<vmem_shared>>
      %dma_start3A_234 = arith.constant 0 : i32
      %dma_start3A_235 = tpu.memref_slice %arg8[%add3A_23, %dma_start3A_234] : memref<10240x128xf32, #tpu.memory_space<vmem_shared>> -> memref<80x128xf32, #tpu.memory_space<vmem_shared>>
      %dma_start3A_236 = arith.constant 0 : i32
      %dma_start3A_237 = arith.constant 0 : i32
      %dma_start3A_238 = tpu.memref_slice %arg7[%run_scoped3A_24, %dma_start3A_236, %dma_start3A_237] : memref<2x80x128xf32, #tpu.memory_space<vmem>> -> memref<1x80x128xf32, #tpu.memory_space<vmem>>
      %dma_start3A_239 = tpu.memref_squeeze %dma_start3A_238 : memref<1x80x128xf32, #tpu.memory_space<vmem>> -> memref<80x128xf32, #tpu.memory_space<vmem>>
      tpu.enqueue_dma source(%dma_start3A_239 : memref<80x128xf32, #tpu.memory_space<vmem>>) target(%dma_start3A_235 : memref<80x128xf32, #tpu.memory_space<vmem_shared>>) target_semaphore(%run_scoped3A_227 : memref<!tpu.dma_semaphore, #tpu.memory_space<semaphore_mem>>)
      %dma_wait3A_240 = arith.constant 0 : i32
      %dma_wait3A_241 = arith.constant 0 : i32
      %dma_wait3A_242 = tpu.memref_slice %arg7[%run_scoped3A_24, %dma_wait3A_240, %dma_wait3A_241] : memref<2x80x128xf32, #tpu.memory_space<vmem>> -> memref<1x80x128xf32, #tpu.memory_space<vmem>>
      %dma_wait3A_243 = tpu.memref_squeeze %dma_wait3A_242 : memref<1x80x128xf32, #tpu.memory_space<vmem>> -> memref<80x128xf32, #tpu.memory_space<vmem>>
      %dma_wait3A_244 = arith.constant 0 : i32
      %dma_wait3A_245 = tpu.memref_slice %arg8[%add3A_23, %dma_wait3A_244] : memref<10240x128xf32, #tpu.memory_space<vmem_shared>> -> memref<80x128xf32, #tpu.memory_space<vmem_shared>>
      %dma_wait3A_246 = arith.constant 0 : i32
      %dma_wait3A_247 = tpu.memref_slice %arg8[%add3A_23, %dma_wait3A_246] : memref<10240x128xf32, #tpu.memory_space<vmem_shared>> -> memref<80x128xf32, #tpu.memory_space<vmem_shared>>
      %dma_wait3A_248 = arith.constant 0 : i32
      %dma_wait3A_249 = arith.constant 0 : i32
      %dma_wait3A_250 = tpu.memref_slice %arg7[%run_scoped3A_24, %dma_wait3A_248, %dma_wait3A_249] : memref<2x80x128xf32, #tpu.memory_space<vmem>> -> memref<1x80x128xf32, #tpu.memory_space<vmem>>
      %dma_wait3A_251 = tpu.memref_squeeze %dma_wait3A_250 : memref<1x80x128xf32, #tpu.memory_space<vmem>> -> memref<80x128xf32, #tpu.memory_space<vmem>>
      tpu.wait_dma2 semaphore(%run_scoped3A_227 : memref<!tpu.dma_semaphore, #tpu.memory_space<semaphore_mem>>) src(%dma_wait3A_251 : memref<80x128xf32, #tpu.memory_space<vmem>>) dst(%dma_wait3A_247 : memref<80x128xf32, #tpu.memory_space<vmem_shared>>)
      tpu.yield
    }) : () -> ()
    %add3A_25 = arith.constant 400 : i32
    %add3A_26 = arith.addi %mul3A_10, %add3A_25 : i32
    %run_scoped3A_27 = arith.constant 0 : i32
    "tpu.region"() ({
      %run_scoped3A_227 = tpu.sem_alloc : memref<!tpu.dma_semaphore, #tpu.memory_space<semaphore_mem>>
      %dma_start3A_228 = arith.constant 0 : i32
      %dma_start3A_229 = arith.constant 0 : i32
      %dma_start3A_230 = tpu.memref_slice %arg7[%run_scoped3A_27, %dma_start3A_228, %dma_start3A_229] : memref<2x80x128xf32, #tpu.memory_space<vmem>> -> memref<1x80x128xf32, #tpu.memory_space<vmem>>
      %dma_start3A_231 = tpu.memref_squeeze %dma_start3A_230 : memref<1x80x128xf32, #tpu.memory_space<vmem>> -> memref<80x128xf32, #tpu.memory_space<vmem>>
      %dma_start3A_232 = arith.constant 0 : i32
      %dma_start3A_233 = tpu.memref_slice %arg8[%add3A_26, %dma_start3A_232] : memref<10240x128xf32, #tpu.memory_space<vmem_shared>> -> memref<80x128xf32, #tpu.memory_space<vmem_shared>>
      %dma_start3A_234 = arith.constant 0 : i32
      %dma_start3A_235 = tpu.memref_slice %arg8[%add3A_26, %dma_start3A_234] : memref<10240x128xf32, #tpu.memory_space<vmem_shared>> -> memref<80x128xf32, #tpu.memory_space<vmem_shared>>
      %dma_start3A_236 = arith.constant 0 : i32
      %dma_start3A_237 = arith.constant 0 : i32
      %dma_start3A_238 = tpu.memref_slice %arg7[%run_scoped3A_27, %dma_start3A_236, %dma_start3A_237] : memref<2x80x128xf32, #tpu.memory_space<vmem>> -> memref<1x80x128xf32, #tpu.memory_space<vmem>>
      %dma_start3A_239 = tpu.memref_squeeze %dma_start3A_238 : memref<1x80x128xf32, #tpu.memory_space<vmem>> -> memref<80x128xf32, #tpu.memory_space<vmem>>
      tpu.enqueue_dma source(%dma_start3A_239 : memref<80x128xf32, #tpu.memory_space<vmem>>) target(%dma_start3A_235 : memref<80x128xf32, #tpu.memory_space<vmem_shared>>) target_semaphore(%run_scoped3A_227 : memref<!tpu.dma_semaphore, #tpu.memory_space<semaphore_mem>>)
      %dma_wait3A_240 = arith.constant 0 : i32
      %dma_wait3A_241 = arith.constant 0 : i32
      %dma_wait3A_242 = tpu.memref_slice %arg7[%run_scoped3A_27, %dma_wait3A_240, %dma_wait3A_241] : memref<2x80x128xf32, #tpu.memory_space<vmem>> -> memref<1x80x128xf32, #tpu.memory_space<vmem>>
      %dma_wait3A_243 = tpu.memref_squeeze %dma_wait3A_242 : memref<1x80x128xf32, #tpu.memory_space<vmem>> -> memref<80x128xf32, #tpu.memory_space<vmem>>
      %dma_wait3A_244 = arith.constant 0 : i32
      %dma_wait3A_245 = tpu.memref_slice %arg8[%add3A_26, %dma_wait3A_244] : memref<10240x128xf32, #tpu.memory_space<vmem_shared>> -> memref<80x128xf32, #tpu.memory_space<vmem_shared>>
      %dma_wait3A_246 = arith.constant 0 : i32
      %dma_wait3A_247 = tpu.memref_slice %arg8[%add3A_26, %dma_wait3A_246] : memref<10240x128xf32, #tpu.memory_space<vmem_shared>> -> memref<80x128xf32, #tpu.memory_space<vmem_shared>>
      %dma_wait3A_248 = arith.constant 0 : i32
      %dma_wait3A_249 = arith.constant 0 : i32
      %dma_wait3A_250 = tpu.memref_slice %arg7[%run_scoped3A_27, %dma_wait3A_248, %dma_wait3A_249] : memref<2x80x128xf32, #tpu.memory_space<vmem>> -> memref<1x80x128xf32, #tpu.memory_space<vmem>>
      %dma_wait3A_251 = tpu.memref_squeeze %dma_wait3A_250 : memref<1x80x128xf32, #tpu.memory_space<vmem>> -> memref<80x128xf32, #tpu.memory_space<vmem>>
      tpu.wait_dma2 semaphore(%run_scoped3A_227 : memref<!tpu.dma_semaphore, #tpu.memory_space<semaphore_mem>>) src(%dma_wait3A_251 : memref<80x128xf32, #tpu.memory_space<vmem>>) dst(%dma_wait3A_247 : memref<80x128xf32, #tpu.memory_space<vmem_shared>>)
      tpu.yield
    }) : () -> ()
    %add3A_28 = arith.constant 480 : i32
    %add3A_29 = arith.addi %mul3A_10, %add3A_28 : i32
    %run_scoped3A_30 = arith.constant 0 : i32
    "tpu.region"() ({
      %run_scoped3A_227 = tpu.sem_alloc : memref<!tpu.dma_semaphore, #tpu.memory_space<semaphore_mem>>
      %dma_start3A_228 = arith.constant 0 : i32
      %dma_start3A_229 = arith.constant 0 : i32
      %dma_start3A_230 = tpu.memref_slice %arg7[%run_scoped3A_30, %dma_start3A_228, %dma_start3A_229] : memref<2x80x128xf32, #tpu.memory_space<vmem>> -> memref<1x80x128xf32, #tpu.memory_space<vmem>>
      %dma_start3A_231 = tpu.memref_squeeze %dma_start3A_230 : memref<1x80x128xf32, #tpu.memory_space<vmem>> -> memref<80x128xf32, #tpu.memory_space<vmem>>
      %dma_start3A_232 = arith.constant 0 : i32
      %dma_start3A_233 = tpu.memref_slice %arg8[%add3A_29, %dma_start3A_232] : memref<10240x128xf32, #tpu.memory_space<vmem_shared>> -> memref<80x128xf32, #tpu.memory_space<vmem_shared>>
      %dma_start3A_234 = arith.constant 0 : i32
      %dma_start3A_235 = tpu.memref_slice %arg8[%add3A_29, %dma_start3A_234] : memref<10240x128xf32, #tpu.memory_space<vmem_shared>> -> memref<80x128xf32, #tpu.memory_space<vmem_shared>>
      %dma_start3A_236 = arith.constant 0 : i32
      %dma_start3A_237 = arith.constant 0 : i32
      %dma_start3A_238 = tpu.memref_slice %arg7[%run_scoped3A_30, %dma_start3A_236, %dma_start3A_237] : memref<2x80x128xf32, #tpu.memory_space<vmem>> -> memref<1x80x128xf32, #tpu.memory_space<vmem>>
      %dma_start3A_239 = tpu.memref_squeeze %dma_start3A_238 : memref<1x80x128xf32, #tpu.memory_space<vmem>> -> memref<80x128xf32, #tpu.memory_space<vmem>>
      tpu.enqueue_dma source(%dma_start3A_239 : memref<80x128xf32, #tpu.memory_space<vmem>>) target(%dma_start3A_235 : memref<80x128xf32, #tpu.memory_space<vmem_shared>>) target_semaphore(%run_scoped3A_227 : memref<!tpu.dma_semaphore, #tpu.memory_space<semaphore_mem>>)
      %dma_wait3A_240 = arith.constant 0 : i32
      %dma_wait3A_241 = arith.constant 0 : i32
      %dma_wait3A_242 = tpu.memref_slice %arg7[%run_scoped3A_30, %dma_wait3A_240, %dma_wait3A_241] : memref<2x80x128xf32, #tpu.memory_space<vmem>> -> memref<1x80x128xf32, #tpu.memory_space<vmem>>
      %dma_wait3A_243 = tpu.memref_squeeze %dma_wait3A_242 : memref<1x80x128xf32, #tpu.memory_space<vmem>> -> memref<80x128xf32, #tpu.memory_space<vmem>>
      %dma_wait3A_244 = arith.constant 0 : i32
      %dma_wait3A_245 = tpu.memref_slice %arg8[%add3A_29, %dma_wait3A_244] : memref<10240x128xf32, #tpu.memory_space<vmem_shared>> -> memref<80x128xf32, #tpu.memory_space<vmem_shared>>
      %dma_wait3A_246 = arith.constant 0 : i32
      %dma_wait3A_247 = tpu.memref_slice %arg8[%add3A_29, %dma_wait3A_246] : memref<10240x128xf32, #tpu.memory_space<vmem_shared>> -> memref<80x128xf32, #tpu.memory_space<vmem_shared>>
      %dma_wait3A_248 = arith.constant 0 : i32
      %dma_wait3A_249 = arith.constant 0 : i32
      %dma_wait3A_250 = tpu.memref_slice %arg7[%run_scoped3A_30, %dma_wait3A_248, %dma_wait3A_249] : memref<2x80x128xf32, #tpu.memory_space<vmem>> -> memref<1x80x128xf32, #tpu.memory_space<vmem>>
      %dma_wait3A_251 = tpu.memref_squeeze %dma_wait3A_250 : memref<1x80x128xf32, #tpu.memory_space<vmem>> -> memref<80x128xf32, #tpu.memory_space<vmem>>
      tpu.wait_dma2 semaphore(%run_scoped3A_227 : memref<!tpu.dma_semaphore, #tpu.memory_space<semaphore_mem>>) src(%dma_wait3A_251 : memref<80x128xf32, #tpu.memory_space<vmem>>) dst(%dma_wait3A_247 : memref<80x128xf32, #tpu.memory_space<vmem_shared>>)
      tpu.yield
    }) : () -> ()
    %add3A_31 = arith.constant 560 : i32
    %add3A_32 = arith.addi %mul3A_10, %add3A_31 : i32
    %run_scoped3A_33 = arith.constant 0 : i32
    "tpu.region"() ({
      %run_scoped3A_227 = tpu.sem_alloc : memref<!tpu.dma_semaphore, #tpu.memory_space<semaphore_mem>>
      %dma_start3A_228 = arith.constant 0 : i32
      %dma_start3A_229 = arith.constant 0 : i32
      %dma_start3A_230 = tpu.memref_slice %arg7[%run_scoped3A_33, %dma_start3A_228, %dma_start3A_229] : memref<2x80x128xf32, #tpu.memory_space<vmem>> -> memref<1x80x128xf32, #tpu.memory_space<vmem>>
      %dma_start3A_231 = tpu.memref_squeeze %dma_start3A_230 : memref<1x80x128xf32, #tpu.memory_space<vmem>> -> memref<80x128xf32, #tpu.memory_space<vmem>>
      %dma_start3A_232 = arith.constant 0 : i32
      %dma_start3A_233 = tpu.memref_slice %arg8[%add3A_32, %dma_start3A_232] : memref<10240x128xf32, #tpu.memory_space<vmem_shared>> -> memref<80x128xf32, #tpu.memory_space<vmem_shared>>
      %dma_start3A_234 = arith.constant 0 : i32
      %dma_start3A_235 = tpu.memref_slice %arg8[%add3A_32, %dma_start3A_234] : memref<10240x128xf32, #tpu.memory_space<vmem_shared>> -> memref<80x128xf32, #tpu.memory_space<vmem_shared>>
      %dma_start3A_236 = arith.constant 0 : i32
      %dma_start3A_237 = arith.constant 0 : i32
      %dma_start3A_238 = tpu.memref_slice %arg7[%run_scoped3A_33, %dma_start3A_236, %dma_start3A_237] : memref<2x80x128xf32, #tpu.memory_space<vmem>> -> memref<1x80x128xf32, #tpu.memory_space<vmem>>
      %dma_start3A_239 = tpu.memref_squeeze %dma_start3A_238 : memref<1x80x128xf32, #tpu.memory_space<vmem>> -> memref<80x128xf32, #tpu.memory_space<vmem>>
      tpu.enqueue_dma source(%dma_start3A_239 : memref<80x128xf32, #tpu.memory_space<vmem>>) target(%dma_start3A_235 : memref<80x128xf32, #tpu.memory_space<vmem_shared>>) target_semaphore(%run_scoped3A_227 : memref<!tpu.dma_semaphore, #tpu.memory_space<semaphore_mem>>)
      %dma_wait3A_240 = arith.constant 0 : i32
      %dma_wait3A_241 = arith.constant 0 : i32
      %dma_wait3A_242 = tpu.memref_slice %arg7[%run_scoped3A_33, %dma_wait3A_240, %dma_wait3A_241] : memref<2x80x128xf32, #tpu.memory_space<vmem>> -> memref<1x80x128xf32, #tpu.memory_space<vmem>>
      %dma_wait3A_243 = tpu.memref_squeeze %dma_wait3A_242 : memref<1x80x128xf32, #tpu.memory_space<vmem>> -> memref<80x128xf32, #tpu.memory_space<vmem>>
      %dma_wait3A_244 = arith.constant 0 : i32
      %dma_wait3A_245 = tpu.memref_slice %arg8[%add3A_32, %dma_wait3A_244] : memref<10240x128xf32, #tpu.memory_space<vmem_shared>> -> memref<80x128xf32, #tpu.memory_space<vmem_shared>>
      %dma_wait3A_246 = arith.constant 0 : i32
      %dma_wait3A_247 = tpu.memref_slice %arg8[%add3A_32, %dma_wait3A_246] : memref<10240x128xf32, #tpu.memory_space<vmem_shared>> -> memref<80x128xf32, #tpu.memory_space<vmem_shared>>
      %dma_wait3A_248 = arith.constant 0 : i32
      %dma_wait3A_249 = arith.constant 0 : i32
      %dma_wait3A_250 = tpu.memref_slice %arg7[%run_scoped3A_33, %dma_wait3A_248, %dma_wait3A_249] : memref<2x80x128xf32, #tpu.memory_space<vmem>> -> memref<1x80x128xf32, #tpu.memory_space<vmem>>
      %dma_wait3A_251 = tpu.memref_squeeze %dma_wait3A_250 : memref<1x80x128xf32, #tpu.memory_space<vmem>> -> memref<80x128xf32, #tpu.memory_space<vmem>>
      tpu.wait_dma2 semaphore(%run_scoped3A_227 : memref<!tpu.dma_semaphore, #tpu.memory_space<semaphore_mem>>) src(%dma_wait3A_251 : memref<80x128xf32, #tpu.memory_space<vmem>>) dst(%dma_wait3A_247 : memref<80x128xf32, #tpu.memory_space<vmem_shared>>)
      tpu.yield
    }) : () -> ()
    %barrier3A = arith.constant 0 : index
    tpu.barrier barrier_id(%barrier3A)
    %dma_start3A = arith.constant 0 : i32
    %dma_start3A_34 = arith.constant 0 : i32
    %dma_start3A_35 = arith.constant 0 : i32
    %dma_start3A_36 = arith.constant 0 : i32
    %dma_start3A_37 = tpu.memref_slice %arg6[%dma_start3A_34, %dma_start3A_35, %dma_start3A_36] : memref<2x2x80xi32, #tpu.memory_space<vmem>> -> memref<1x2x80xi32, #tpu.memory_space<vmem>>
    %dma_start3A_38 = tpu.memref_squeeze %dma_start3A_37 : memref<1x2x80xi32, #tpu.memory_space<vmem>> -> memref<2x80xi32, #tpu.memory_space<vmem>>
    %dma_start3A_39 = arith.constant 0 : i32
    %dma_start3A_40 = arith.constant 0 : i32
    %dma_start3A_41 = tpu.memref_slice %arg4[%add3A, %dma_start3A, %dma_start3A_39, %dma_start3A_40] : memref<32x125x2x80xi32, #tpu.memory_space<hbm>> -> memref<1x1x2x80xi32, #tpu.memory_space<hbm>>
    %dma_start3A_42 = tpu.memref_squeeze %dma_start3A_41 : memref<1x1x2x80xi32, #tpu.memory_space<hbm>> -> memref<2x80xi32, #tpu.memory_space<hbm>>
    %dma_start3A_43 = arith.constant 0 : i32
    %dma_start3A_44 = arith.constant 0 : i32
    %dma_start3A_45 = tpu.memref_slice %arg6[%dma_start3A_34, %dma_start3A_43, %dma_start3A_44] : memref<2x2x80xi32, #tpu.memory_space<vmem>> -> memref<1x2x80xi32, #tpu.memory_space<vmem>>
    %dma_start3A_46 = tpu.memref_squeeze %dma_start3A_45 : memref<1x2x80xi32, #tpu.memory_space<vmem>> -> memref<2x80xi32, #tpu.memory_space<vmem>>
    %dma_start3A_47 = arith.constant 0 : i32
    %dma_start3A_48 = arith.constant 0 : i32
    %dma_start3A_49 = tpu.memref_slice %arg4[%add3A, %dma_start3A, %dma_start3A_47, %dma_start3A_48] : memref<32x125x2x80xi32, #tpu.memory_space<hbm>> -> memref<1x1x2x80xi32, #tpu.memory_space<hbm>>
    %dma_start3A_50 = tpu.memref_squeeze %dma_start3A_49 : memref<1x1x2x80xi32, #tpu.memory_space<hbm>> -> memref<2x80xi32, #tpu.memory_space<hbm>>
    tpu.enqueue_dma source(%dma_start3A_50 : memref<2x80xi32, #tpu.memory_space<hbm>>) target(%dma_start3A_46 : memref<2x80xi32, #tpu.memory_space<vmem>>) target_semaphore(%arg13 : memref<!tpu.dma_semaphore, #tpu.memory_space<semaphore_mem>>)
    %dma_wait3A = arith.constant 0 : i32
    %dma_wait3A_51 = arith.constant 0 : i32
    %dma_wait3A_52 = arith.constant 0 : i32
    %dma_wait3A_53 = arith.constant 0 : i32
    %dma_wait3A_54 = tpu.memref_slice %arg6[%dma_wait3A_51, %dma_wait3A_52, %dma_wait3A_53] : memref<2x2x80xi32, #tpu.memory_space<vmem>> -> memref<1x2x80xi32, #tpu.memory_space<vmem>>
    %dma_wait3A_55 = tpu.memref_squeeze %dma_wait3A_54 : memref<1x2x80xi32, #tpu.memory_space<vmem>> -> memref<2x80xi32, #tpu.memory_space<vmem>>
    %dma_wait3A_56 = arith.constant 0 : i32
    %dma_wait3A_57 = arith.constant 0 : i32
    %dma_wait3A_58 = tpu.memref_slice %arg4[%add3A, %dma_wait3A, %dma_wait3A_56, %dma_wait3A_57] : memref<32x125x2x80xi32, #tpu.memory_space<hbm>> -> memref<1x1x2x80xi32, #tpu.memory_space<hbm>>
    %dma_wait3A_59 = tpu.memref_squeeze %dma_wait3A_58 : memref<1x1x2x80xi32, #tpu.memory_space<hbm>> -> memref<2x80xi32, #tpu.memory_space<hbm>>
    %dma_wait3A_60 = arith.constant 0 : i32
    %dma_wait3A_61 = arith.constant 0 : i32
    %dma_wait3A_62 = tpu.memref_slice %arg6[%dma_wait3A_51, %dma_wait3A_60, %dma_wait3A_61] : memref<2x2x80xi32, #tpu.memory_space<vmem>> -> memref<1x2x80xi32, #tpu.memory_space<vmem>>
    %dma_wait3A_63 = tpu.memref_squeeze %dma_wait3A_62 : memref<1x2x80xi32, #tpu.memory_space<vmem>> -> memref<2x80xi32, #tpu.memory_space<vmem>>
    %dma_wait3A_64 = arith.constant 0 : i32
    %dma_wait3A_65 = arith.constant 0 : i32
    %dma_wait3A_66 = tpu.memref_slice %arg4[%add3A, %dma_wait3A, %dma_wait3A_64, %dma_wait3A_65] : memref<32x125x2x80xi32, #tpu.memory_space<hbm>> -> memref<1x1x2x80xi32, #tpu.memory_space<hbm>>
    %dma_wait3A_67 = tpu.memref_squeeze %dma_wait3A_66 : memref<1x1x2x80xi32, #tpu.memory_space<hbm>> -> memref<2x80xi32, #tpu.memory_space<hbm>>
    tpu.wait_dma2 semaphore(%arg13 : memref<!tpu.dma_semaphore, #tpu.memory_space<semaphore_mem>>) src(%dma_wait3A_67 : memref<2x80xi32, #tpu.memory_space<hbm>>) dst(%dma_wait3A_63 : memref<2x80xi32, #tpu.memory_space<vmem>>)
    %add3A_68 = arith.constant 0 : i32
    %add3A_69 = arith.addi %mul3A_2, %add3A_68 : i32
    %dma_start3A_70 = arith.constant 0 : i32
    %dma_start3A_71 = arith.constant 0 : i32
    %dma_start3A_72 = arith.constant 0 : i32
    %dma_start3A_73 = tpu.memref_slice %arg7[%dma_start3A_70, %dma_start3A_71, %dma_start3A_72] : memref<2x80x128xf32, #tpu.memory_space<vmem>> -> memref<1x80x128xf32, #tpu.memory_space<vmem>>
    %dma_start3A_74 = tpu.memref_squeeze %dma_start3A_73 : memref<1x80x128xf32, #tpu.memory_space<vmem>> -> memref<80x128xf32, #tpu.memory_space<vmem>>
    %dma_start3A_75 = arith.constant 0 : i32
    %dma_start3A_76 = tpu.memref_slice %arg3[%add3A_69, %dma_start3A_75] : memref<320000x128xf32, #tpu.memory_space<hbm>> -> memref<80x128xf32, #tpu.memory_space<hbm>>
    %dma_start3A_77 = arith.constant 0 : i32
    %dma_start3A_78 = arith.constant 0 : i32
    %dma_start3A_79 = tpu.memref_slice %arg7[%dma_start3A_70, %dma_start3A_77, %dma_start3A_78] : memref<2x80x128xf32, #tpu.memory_space<vmem>> -> memref<1x80x128xf32, #tpu.memory_space<vmem>>
    %dma_start3A_80 = tpu.memref_squeeze %dma_start3A_79 : memref<1x80x128xf32, #tpu.memory_space<vmem>> -> memref<80x128xf32, #tpu.memory_space<vmem>>
    %dma_start3A_81 = arith.constant 0 : i32
    %dma_start3A_82 = tpu.memref_slice %arg3[%add3A_69, %dma_start3A_81] : memref<320000x128xf32, #tpu.memory_space<hbm>> -> memref<80x128xf32, #tpu.memory_space<hbm>>
    tpu.enqueue_dma source(%dma_start3A_82 : memref<80x128xf32, #tpu.memory_space<hbm>>) target(%dma_start3A_80 : memref<80x128xf32, #tpu.memory_space<vmem>>) target_semaphore(%arg15 : memref<!tpu.dma_semaphore, #tpu.memory_space<semaphore_mem>>)
    %dma_wait3A_83 = arith.constant 0 : i32
    %dma_wait3A_84 = arith.constant 0 : i32
    %dma_wait3A_85 = arith.constant 0 : i32
    %dma_wait3A_86 = tpu.memref_slice %arg7[%dma_wait3A_83, %dma_wait3A_84, %dma_wait3A_85] : memref<2x80x128xf32, #tpu.memory_space<vmem>> -> memref<1x80x128xf32, #tpu.memory_space<vmem>>
    %dma_wait3A_87 = tpu.memref_squeeze %dma_wait3A_86 : memref<1x80x128xf32, #tpu.memory_space<vmem>> -> memref<80x128xf32, #tpu.memory_space<vmem>>
    %dma_wait3A_88 = arith.constant 0 : i32
    %dma_wait3A_89 = tpu.memref_slice %arg3[%add3A_69, %dma_wait3A_88] : memref<320000x128xf32, #tpu.memory_space<hbm>> -> memref<80x128xf32, #tpu.memory_space<hbm>>
    %dma_wait3A_90 = arith.constant 0 : i32
    %dma_wait3A_91 = arith.constant 0 : i32
    %dma_wait3A_92 = tpu.memref_slice %arg7[%dma_wait3A_83, %dma_wait3A_90, %dma_wait3A_91] : memref<2x80x128xf32, #tpu.memory_space<vmem>> -> memref<1x80x128xf32, #tpu.memory_space<vmem>>
    %dma_wait3A_93 = tpu.memref_squeeze %dma_wait3A_92 : memref<1x80x128xf32, #tpu.memory_space<vmem>> -> memref<80x128xf32, #tpu.memory_space<vmem>>
    %dma_wait3A_94 = arith.constant 0 : i32
    %dma_wait3A_95 = tpu.memref_slice %arg3[%add3A_69, %dma_wait3A_94] : memref<320000x128xf32, #tpu.memory_space<hbm>> -> memref<80x128xf32, #tpu.memory_space<hbm>>
    tpu.wait_dma2 semaphore(%arg15 : memref<!tpu.dma_semaphore, #tpu.memory_space<semaphore_mem>>) src(%dma_wait3A_95 : memref<80x128xf32, #tpu.memory_space<hbm>>) dst(%dma_wait3A_93 : memref<80x128xf32, #tpu.memory_space<vmem>>)
    %dma_start3A_96 = arith.constant 0 : i32
    %dma_start3A_97 = arith.constant 0 : i32
    %dma_start3A_98 = arith.constant 0 : i32
    %dma_start3A_99 = arith.constant 0 : i32
    %dma_start3A_100 = arith.constant 0 : i32
    %dma_start3A_101 = tpu.memref_slice %arg7[%dma_start3A_98, %dma_start3A_99, %dma_start3A_100] : memref<2x80x128xf32, #tpu.memory_space<vmem>> -> memref<1x80x128xf32, #tpu.memory_space<vmem>>
    %dma_start3A_102 = tpu.memref_squeeze %dma_start3A_101 : memref<1x80x128xf32, #tpu.memory_space<vmem>> -> memref<80x128xf32, #tpu.memory_space<vmem>>
    %dma_start3A_103 = arith.constant 0 : i32
    %dma_start3A_104 = tpu.memref_slice %arg6[%dma_start3A_96, %dma_start3A_97, %dma_start3A_103] : memref<2x2x80xi32, #tpu.memory_space<vmem>> -> memref<1x1x80xi32, #tpu.memory_space<vmem>>
    %dma_start3A_105 = tpu.memref_squeeze %dma_start3A_104 : memref<1x1x80xi32, #tpu.memory_space<vmem>> -> memref<80xi32, #tpu.memory_space<vmem>>
    %dma_start3A_106 = arith.constant 0 : i32
    %dma_start3A_107 = arith.constant 0 : i32
    %dma_start3A_108 = tpu.memref_slice %arg2[%dma_start3A_106, %dma_start3A_107] : memref<10000x128xf32, #tpu.memory_space<hbm>> -> memref<10000x128xf32, #tpu.memory_space<hbm>>
    tpu.enqueue_indirect_dma source(%dma_start3A_108 : memref<10000x128xf32, #tpu.memory_space<hbm>>) target(%dma_start3A_102 : memref<80x128xf32, #tpu.memory_space<vmem>>) offsets(%dma_start3A_105 : memref<80xi32, #tpu.memory_space<vmem>>) semaphore(%arg9 : memref<!tpu.dma_semaphore, #tpu.memory_space<semaphore_mem>>) {add = true}
    %dma_start3A_109 = arith.constant 1 : i32
    %dma_start3A_110 = arith.constant 1 : i32
    %dma_start3A_111 = arith.constant 0 : i32
    %dma_start3A_112 = arith.constant 0 : i32
    %dma_start3A_113 = tpu.memref_slice %arg6[%dma_start3A_110, %dma_start3A_111, %dma_start3A_112] : memref<2x2x80xi32, #tpu.memory_space<vmem>> -> memref<1x2x80xi32, #tpu.memory_space<vmem>>
    %dma_start3A_114 = tpu.memref_squeeze %dma_start3A_113 : memref<1x2x80xi32, #tpu.memory_space<vmem>> -> memref<2x80xi32, #tpu.memory_space<vmem>>
    %dma_start3A_115 = arith.constant 0 : i32
    %dma_start3A_116 = arith.constant 0 : i32
    %dma_start3A_117 = tpu.memref_slice %arg4[%add3A, %dma_start3A_109, %dma_start3A_115, %dma_start3A_116] : memref<32x125x2x80xi32, #tpu.memory_space<hbm>> -> memref<1x1x2x80xi32, #tpu.memory_space<hbm>>
    %dma_start3A_118 = tpu.memref_squeeze %dma_start3A_117 : memref<1x1x2x80xi32, #tpu.memory_space<hbm>> -> memref<2x80xi32, #tpu.memory_space<hbm>>
    %dma_start3A_119 = arith.constant 0 : i32
    %dma_start3A_120 = arith.constant 0 : i32
    %dma_start3A_121 = tpu.memref_slice %arg6[%dma_start3A_110, %dma_start3A_119, %dma_start3A_120] : memref<2x2x80xi32, #tpu.memory_space<vmem>> -> memref<1x2x80xi32, #tpu.memory_space<vmem>>
    %dma_start3A_122 = tpu.memref_squeeze %dma_start3A_121 : memref<1x2x80xi32, #tpu.memory_space<vmem>> -> memref<2x80xi32, #tpu.memory_space<vmem>>
    %dma_start3A_123 = arith.constant 0 : i32
    %dma_start3A_124 = arith.constant 0 : i32
    %dma_start3A_125 = tpu.memref_slice %arg4[%add3A, %dma_start3A_109, %dma_start3A_123, %dma_start3A_124] : memref<32x125x2x80xi32, #tpu.memory_space<hbm>> -> memref<1x1x2x80xi32, #tpu.memory_space<hbm>>
    %dma_start3A_126 = tpu.memref_squeeze %dma_start3A_125 : memref<1x1x2x80xi32, #tpu.memory_space<hbm>> -> memref<2x80xi32, #tpu.memory_space<hbm>>
    tpu.enqueue_dma source(%dma_start3A_126 : memref<2x80xi32, #tpu.memory_space<hbm>>) target(%dma_start3A_122 : memref<2x80xi32, #tpu.memory_space<vmem>>) target_semaphore(%arg14 : memref<!tpu.dma_semaphore, #tpu.memory_space<semaphore_mem>>)
    %add3A_127 = arith.constant 80 : i32
    %add3A_128 = arith.addi %mul3A_2, %add3A_127 : i32
    %dma_start3A_129 = arith.constant 1 : i32
    %dma_start3A_130 = arith.constant 0 : i32
    %dma_start3A_131 = arith.constant 0 : i32
    %dma_start3A_132 = tpu.memref_slice %arg7[%dma_start3A_129, %dma_start3A_130, %dma_start3A_131] : memref<2x80x128xf32, #tpu.memory_space<vmem>> -> memref<1x80x128xf32, #tpu.memory_space<vmem>>
    %dma_start3A_133 = tpu.memref_squeeze %dma_start3A_132 : memref<1x80x128xf32, #tpu.memory_space<vmem>> -> memref<80x128xf32, #tpu.memory_space<vmem>>
    %dma_start3A_134 = arith.constant 0 : i32
    %dma_start3A_135 = tpu.memref_slice %arg3[%add3A_128, %dma_start3A_134] : memref<320000x128xf32, #tpu.memory_space<hbm>> -> memref<80x128xf32, #tpu.memory_space<hbm>>
    %dma_start3A_136 = arith.constant 0 : i32
    %dma_start3A_137 = arith.constant 0 : i32
    %dma_start3A_138 = tpu.memref_slice %arg7[%dma_start3A_129, %dma_start3A_136, %dma_start3A_137] : memref<2x80x128xf32, #tpu.memory_space<vmem>> -> memref<1x80x128xf32, #tpu.memory_space<vmem>>
    %dma_start3A_139 = tpu.memref_squeeze %dma_start3A_138 : memref<1x80x128xf32, #tpu.memory_space<vmem>> -> memref<80x128xf32, #tpu.memory_space<vmem>>
    %dma_start3A_140 = arith.constant 0 : i32
    %dma_start3A_141 = tpu.memref_slice %arg3[%add3A_128, %dma_start3A_140] : memref<320000x128xf32, #tpu.memory_space<hbm>> -> memref<80x128xf32, #tpu.memory_space<hbm>>
    tpu.enqueue_dma source(%dma_start3A_141 : memref<80x128xf32, #tpu.memory_space<hbm>>) target(%dma_start3A_139 : memref<80x128xf32, #tpu.memory_space<vmem>>) target_semaphore(%arg16 : memref<!tpu.dma_semaphore, #tpu.memory_space<semaphore_mem>>)
    %scan3A_142 = arith.constant 0 : i32
    %scan3A_143 = arith.constant 0 : i32
    %scan3A_144 = arith.constant 62 : i32
    %scan3A_145 = arith.addi %scan3A_143, %scan3A_144 : i32
    %scan3A_146 = arith.constant 1 : i32
    %scan3A_147 = scf.for %scan3A_227 = %scan3A_143 to %scan3A_145 step %scan3A_146 iter_args(%scan3A_228 = %scan3A_142) -> (i32)  : i32 {
      %mul3A_229 = arith.constant 2 : i32
      %mul3A_230 = arith.muli %mul3A_229, %scan3A_227 : i32
      %add3A_231 = arith.constant 1 : i32
      %add3A_232 = arith.addi %mul3A_230, %add3A_231 : i32
      %dma_wait3A_233 = arith.constant 0 : i32
      %dma_wait3A_234 = arith.constant 0 : i32
      %dma_wait3A_235 = arith.constant 0 : i32
      %dma_wait3A_236 = arith.constant 0 : i32
      %dma_wait3A_237 = arith.constant 0 : i32
      %dma_wait3A_238 = tpu.memref_slice %arg7[%dma_wait3A_235, %dma_wait3A_236, %dma_wait3A_237] : memref<2x80x128xf32, #tpu.memory_space<vmem>> -> memref<1x80x128xf32, #tpu.memory_space<vmem>>
      %dma_wait3A_239 = tpu.memref_squeeze %dma_wait3A_238 : memref<1x80x128xf32, #tpu.memory_space<vmem>> -> memref<80x128xf32, #tpu.memory_space<vmem>>
      %dma_wait3A_240 = arith.constant 0 : i32
      %dma_wait3A_241 = tpu.memref_slice %arg6[%dma_wait3A_233, %dma_wait3A_234, %dma_wait3A_240] : memref<2x2x80xi32, #tpu.memory_space<vmem>> -> memref<1x1x80xi32, #tpu.memory_space<vmem>>
      %dma_wait3A_242 = tpu.memref_squeeze %dma_wait3A_241 : memref<1x1x80xi32, #tpu.memory_space<vmem>> -> memref<80xi32, #tpu.memory_space<vmem>>
      %dma_wait3A_243 = arith.constant 0 : i32
      %dma_wait3A_244 = arith.constant 0 : i32
      %dma_wait3A_245 = tpu.memref_slice %arg2[%dma_wait3A_243, %dma_wait3A_244] : memref<10000x128xf32, #tpu.memory_space<hbm>> -> memref<10000x128xf32, #tpu.memory_space<hbm>>
      tpu.wait_indirect_dma semaphore(%arg9 : memref<!tpu.dma_semaphore, #tpu.memory_space<semaphore_mem>>) src(%dma_wait3A_245 : memref<10000x128xf32, #tpu.memory_space<hbm>>) dst(%dma_wait3A_239 : memref<80x128xf32, #tpu.memory_space<vmem>>)
      %scan3A_246 = arith.constant 0 : i32
      %scan3A_247 = arith.constant 0 : i32
      %scan3A_248 = arith.constant 80 : i32
      %scan3A_249 = arith.addi %scan3A_247, %scan3A_248 : i32
      %scan3A_250 = arith.constant 1 : i32
      %scan3A_251 = scf.for %scan3A_495 = %scan3A_247 to %scan3A_249 step %scan3A_250 iter_args(%scan3A_496 = %scan3A_246) -> (i32)  : i32 {
        %get3A = arith.constant 0 : i32
        %get3A_497 = arith.index_cast %get3A : i32 to index
        %get3A_498 = arith.index_cast %scan3A_495 : i32 to index
        %get3A_499 = arith.constant 0 : index
        %get3A_500 = tpu.vector_load %arg7[%get3A_497, %get3A_498, %get3A_499] {strides = array<i32>} : memref<2x80x128xf32, #tpu.memory_space<vmem>>, vector<1x1x16xf32>,
        %get3A_501 = vector.shape_cast %get3A_500 : vector<1x1x16xf32> to vector<16xf32>
        %max3A = arith.constant 0.000000e+00 : f32
        %max3A_502 = vector.broadcast %max3A : f32 to vector<16xf32>
        %max3A_503 = arith.maximumf %get3A_501, %max3A_502 : vector<16xf32>
        %swap3A = arith.constant 0 : i32
        %swap3A_504 = arith.index_cast %swap3A : i32 to index
        %swap3A_505 = arith.index_cast %scan3A_495 : i32 to index
        %swap3A_506 = arith.constant 0 : index
        %swap3A_507 = tpu.vector_load %arg7[%swap3A_504, %swap3A_505, %swap3A_506] {strides = array<i32>} : memref<2x80x128xf32, #tpu.memory_space<vmem>>, vector<1x1x16xf32>,
        %swap3A_508 = vector.shape_cast %swap3A_507 : vector<1x1x16xf32> to vector<16xf32>
        %swap3A_509 = vector.shape_cast %max3A_503 : vector<16xf32> to vector<1x1x16xf32>
        tpu.vector_store %arg7[%swap3A_504, %swap3A_505, %swap3A_506], %swap3A_509 {strides = array<i32>} : memref<2x80x128xf32, #tpu.memory_space<vmem>>, vector<1x1x16xf32>,
        %get3A_510 = arith.constant 0 : i32
        %get3A_511 = arith.index_cast %get3A_510 : i32 to index
        %get3A_512 = arith.index_cast %scan3A_495 : i32 to index
        %get3A_513 = arith.constant 16 : index
        %get3A_514 = tpu.vector_load %arg7[%get3A_511, %get3A_512, %get3A_513] {strides = array<i32>} : memref<2x80x128xf32, #tpu.memory_space<vmem>>, vector<1x1x16xf32>,
        %get3A_515 = vector.shape_cast %get3A_514 : vector<1x1x16xf32> to vector<16xf32>
        %max3A_516 = arith.constant 0.000000e+00 : f32
        %max3A_517 = vector.broadcast %max3A_516 : f32 to vector<16xf32>
        %max3A_518 = arith.maximumf %get3A_515, %max3A_517 : vector<16xf32>
        %swap3A_519 = arith.constant 0 : i32
        %swap3A_520 = arith.index_cast %swap3A_519 : i32 to index
        %swap3A_521 = arith.index_cast %scan3A_495 : i32 to index
        %swap3A_522 = arith.constant 16 : index
        %swap3A_523 = tpu.vector_load %arg7[%swap3A_520, %swap3A_521, %swap3A_522] {strides = array<i32>} : memref<2x80x128xf32, #tpu.memory_space<vmem>>, vector<1x1x16xf32>,
        %swap3A_524 = vector.shape_cast %swap3A_523 : vector<1x1x16xf32> to vector<16xf32>
        %swap3A_525 = vector.shape_cast %max3A_518 : vector<16xf32> to vector<1x1x16xf32>
        tpu.vector_store %arg7[%swap3A_520, %swap3A_521, %swap3A_522], %swap3A_525 {strides = array<i32>} : memref<2x80x128xf32, #tpu.memory_space<vmem>>, vector<1x1x16xf32>,
        %get3A_526 = arith.constant 0 : i32
        %get3A_527 = arith.index_cast %get3A_526 : i32 to index
        %get3A_528 = arith.index_cast %scan3A_495 : i32 to index
        %get3A_529 = arith.constant 32 : index
        %get3A_530 = tpu.vector_load %arg7[%get3A_527, %get3A_528, %get3A_529] {strides = array<i32>} : memref<2x80x128xf32, #tpu.memory_space<vmem>>, vector<1x1x16xf32>,
        %get3A_531 = vector.shape_cast %get3A_530 : vector<1x1x16xf32> to vector<16xf32>
        %max3A_532 = arith.constant 0.000000e+00 : f32
        %max3A_533 = vector.broadcast %max3A_532 : f32 to vector<16xf32>
        %max3A_534 = arith.maximumf %get3A_531, %max3A_533 : vector<16xf32>
        %swap3A_535 = arith.constant 0 : i32
        %swap3A_536 = arith.index_cast %swap3A_535 : i32 to index
        %swap3A_537 = arith.index_cast %scan3A_495 : i32 to index
        %swap3A_538 = arith.constant 32 : index
        %swap3A_539 = tpu.vector_load %arg7[%swap3A_536, %swap3A_537, %swap3A_538] {strides = array<i32>} : memref<2x80x128xf32, #tpu.memory_space<vmem>>, vector<1x1x16xf32>,
        %swap3A_540 = vector.shape_cast %swap3A_539 : vector<1x1x16xf32> to vector<16xf32>
        %swap3A_541 = vector.shape_cast %max3A_534 : vector<16xf32> to vector<1x1x16xf32>
        tpu.vector_store %arg7[%swap3A_536, %swap3A_537, %swap3A_538], %swap3A_541 {strides = array<i32>} : memref<2x80x128xf32, #tpu.memory_space<vmem>>, vector<1x1x16xf32>,
        %get3A_542 = arith.constant 0 : i32
        %get3A_543 = arith.index_cast %get3A_542 : i32 to index
        %get3A_544 = arith.index_cast %scan3A_495 : i32 to index
        %get3A_545 = arith.constant 48 : index
        %get3A_546 = tpu.vector_load %arg7[%get3A_543, %get3A_544, %get3A_545] {strides = array<i32>} : memref<2x80x128xf32, #tpu.memory_space<vmem>>, vector<1x1x16xf32>,
        %get3A_547 = vector.shape_cast %get3A_546 : vector<1x1x16xf32> to vector<16xf32>
        %max3A_548 = arith.constant 0.000000e+00 : f32
        %max3A_549 = vector.broadcast %max3A_548 : f32 to vector<16xf32>
        %max3A_550 = arith.maximumf %get3A_547, %max3A_549 : vector<16xf32>
        %swap3A_551 = arith.constant 0 : i32
        %swap3A_552 = arith.index_cast %swap3A_551 : i32 to index
        %swap3A_553 = arith.index_cast %scan3A_495 : i32 to index
        %swap3A_554 = arith.constant 48 : index
        %swap3A_555 = tpu.vector_load %arg7[%swap3A_552, %swap3A_553, %swap3A_554] {strides = array<i32>} : memref<2x80x128xf32, #tpu.memory_space<vmem>>, vector<1x1x16xf32>,
        %swap3A_556 = vector.shape_cast %swap3A_555 : vector<1x1x16xf32> to vector<16xf32>
        %swap3A_557 = vector.shape_cast %max3A_550 : vector<16xf32> to vector<1x1x16xf32>
        tpu.vector_store %arg7[%swap3A_552, %swap3A_553, %swap3A_554], %swap3A_557 {strides = array<i32>} : memref<2x80x128xf32, #tpu.memory_space<vmem>>, vector<1x1x16xf32>,
        %get3A_558 = arith.constant 0 : i32
        %get3A_559 = arith.index_cast %get3A_558 : i32 to index
        %get3A_560 = arith.index_cast %scan3A_495 : i32 to index
        %get3A_561 = arith.constant 64 : index
        %get3A_562 = tpu.vector_load %arg7[%get3A_559, %get3A_560, %get3A_561] {strides = array<i32>} : memref<2x80x128xf32, #tpu.memory_space<vmem>>, vector<1x1x16xf32>,
        %get3A_563 = vector.shape_cast %get3A_562 : vector<1x1x16xf32> to vector<16xf32>
        %max3A_564 = arith.constant 0.000000e+00 : f32
        %max3A_565 = vector.broadcast %max3A_564 : f32 to vector<16xf32>
        %max3A_566 = arith.maximumf %get3A_563, %max3A_565 : vector<16xf32>
        %swap3A_567 = arith.constant 0 : i32
        %swap3A_568 = arith.index_cast %swap3A_567 : i32 to index
        %swap3A_569 = arith.index_cast %scan3A_495 : i32 to index
        %swap3A_570 = arith.constant 64 : index
        %swap3A_571 = tpu.vector_load %arg7[%swap3A_568, %swap3A_569, %swap3A_570] {strides = array<i32>} : memref<2x80x128xf32, #tpu.memory_space<vmem>>, vector<1x1x16xf32>,
        %swap3A_572 = vector.shape_cast %swap3A_571 : vector<1x1x16xf32> to vector<16xf32>
        %swap3A_573 = vector.shape_cast %max3A_566 : vector<16xf32> to vector<1x1x16xf32>
        tpu.vector_store %arg7[%swap3A_568, %swap3A_569, %swap3A_570], %swap3A_573 {strides = array<i32>} : memref<2x80x128xf32, #tpu.memory_space<vmem>>, vector<1x1x16xf32>,
        %get3A_574 = arith.constant 0 : i32
        %get3A_575 = arith.index_cast %get3A_574 : i32 to index
        %get3A_576 = arith.index_cast %scan3A_495 : i32 to index
        %get3A_577 = arith.constant 80 : index
        %get3A_578 = tpu.vector_load %arg7[%get3A_575, %get3A_576, %get3A_577] {strides = array<i32>} : memref<2x80x128xf32, #tpu.memory_space<vmem>>, vector<1x1x16xf32>,
        %get3A_579 = vector.shape_cast %get3A_578 : vector<1x1x16xf32> to vector<16xf32>
        %max3A_580 = arith.constant 0.000000e+00 : f32
        %max3A_581 = vector.broadcast %max3A_580 : f32 to vector<16xf32>
        %max3A_582 = arith.maximumf %get3A_579, %max3A_581 : vector<16xf32>
        %swap3A_583 = arith.constant 0 : i32
        %swap3A_584 = arith.index_cast %swap3A_583 : i32 to index
        %swap3A_585 = arith.index_cast %scan3A_495 : i32 to index
        %swap3A_586 = arith.constant 80 : index
        %swap3A_587 = tpu.vector_load %arg7[%swap3A_584, %swap3A_585, %swap3A_586] {strides = array<i32>} : memref<2x80x128xf32, #tpu.memory_space<vmem>>, vector<1x1x16xf32>,
        %swap3A_588 = vector.shape_cast %swap3A_587 : vector<1x1x16xf32> to vector<16xf32>
        %swap3A_589 = vector.shape_cast %max3A_582 : vector<16xf32> to vector<1x1x16xf32>
        tpu.vector_store %arg7[%swap3A_584, %swap3A_585, %swap3A_586], %swap3A_589 {strides = array<i32>} : memref<2x80x128xf32, #tpu.memory_space<vmem>>, vector<1x1x16xf32>,
        %get3A_590 = arith.constant 0 : i32
        %get3A_591 = arith.index_cast %get3A_590 : i32 to index
        %get3A_592 = arith.index_cast %scan3A_495 : i32 to index
        %get3A_593 = arith.constant 96 : index
        %get3A_594 = tpu.vector_load %arg7[%get3A_591, %get3A_592, %get3A_593] {strides = array<i32>} : memref<2x80x128xf32, #tpu.memory_space<vmem>>, vector<1x1x16xf32>,
        %get3A_595 = vector.shape_cast %get3A_594 : vector<1x1x16xf32> to vector<16xf32>
        %max3A_596 = arith.constant 0.000000e+00 : f32
        %max3A_597 = vector.broadcast %max3A_596 : f32 to vector<16xf32>
        %max3A_598 = arith.maximumf %get3A_595, %max3A_597 : vector<16xf32>
        %swap3A_599 = arith.constant 0 : i32
        %swap3A_600 = arith.index_cast %swap3A_599 : i32 to index
        %swap3A_601 = arith.index_cast %scan3A_495 : i32 to index
        %swap3A_602 = arith.constant 96 : index
        %swap3A_603 = tpu.vector_load %arg7[%swap3A_600, %swap3A_601, %swap3A_602] {strides = array<i32>} : memref<2x80x128xf32, #tpu.memory_space<vmem>>, vector<1x1x16xf32>,
        %swap3A_604 = vector.shape_cast %swap3A_603 : vector<1x1x16xf32> to vector<16xf32>
        %swap3A_605 = vector.shape_cast %max3A_598 : vector<16xf32> to vector<1x1x16xf32>
        tpu.vector_store %arg7[%swap3A_600, %swap3A_601, %swap3A_602], %swap3A_605 {strides = array<i32>} : memref<2x80x128xf32, #tpu.memory_space<vmem>>, vector<1x1x16xf32>,
        %get3A_606 = arith.constant 0 : i32
        %get3A_607 = arith.index_cast %get3A_606 : i32 to index
        %get3A_608 = arith.index_cast %scan3A_495 : i32 to index
        %get3A_609 = arith.constant 112 : index
        %get3A_610 = tpu.vector_load %arg7[%get3A_607, %get3A_608, %get3A_609] {strides = array<i32>} : memref<2x80x128xf32, #tpu.memory_space<vmem>>, vector<1x1x16xf32>,
        %get3A_611 = vector.shape_cast %get3A_610 : vector<1x1x16xf32> to vector<16xf32>
        %max3A_612 = arith.constant 0.000000e+00 : f32
        %max3A_613 = vector.broadcast %max3A_612 : f32 to vector<16xf32>
        %max3A_614 = arith.maximumf %get3A_611, %max3A_613 : vector<16xf32>
        %swap3A_615 = arith.constant 0 : i32
        %swap3A_616 = arith.index_cast %swap3A_615 : i32 to index
        %swap3A_617 = arith.index_cast %scan3A_495 : i32 to index
        %swap3A_618 = arith.constant 112 : index
        %swap3A_619 = tpu.vector_load %arg7[%swap3A_616, %swap3A_617, %swap3A_618] {strides = array<i32>} : memref<2x80x128xf32, #tpu.memory_space<vmem>>, vector<1x1x16xf32>,
        %swap3A_620 = vector.shape_cast %swap3A_619 : vector<1x1x16xf32> to vector<16xf32>
        %swap3A_621 = vector.shape_cast %max3A_614 : vector<16xf32> to vector<1x1x16xf32>
        tpu.vector_store %arg7[%swap3A_616, %swap3A_617, %swap3A_618], %swap3A_621 {strides = array<i32>} : memref<2x80x128xf32, #tpu.memory_space<vmem>>, vector<1x1x16xf32>,
        %scan3A_622 = arith.constant 0 : i32
        scf.yield %scan3A_622 : i32
      }
      %scan3A_252 = arith.constant 80 : i32
      %dma_start3A_253 = arith.constant 0 : i32
      %dma_start3A_254 = arith.constant 0 : i32
      %dma_start3A_255 = arith.constant 1 : i32
      %dma_start3A_256 = arith.constant 0 : i32
      %dma_start3A_257 = arith.constant 0 : i32
      %dma_start3A_258 = tpu.memref_slice %arg7[%dma_start3A_253, %dma_start3A_256, %dma_start3A_257] : memref<2x80x128xf32, #tpu.memory_space<vmem>> -> memref<1x80x128xf32, #tpu.memory_space<vmem>>
      %dma_start3A_259 = tpu.memref_squeeze %dma_start3A_258 : memref<1x80x128xf32, #tpu.memory_space<vmem>> -> memref<80x128xf32, #tpu.memory_space<vmem>>
      %dma_start3A_260 = arith.constant 0 : i32
      %dma_start3A_261 = tpu.memref_slice %arg6[%dma_start3A_254, %dma_start3A_255, %dma_start3A_260] : memref<2x2x80xi32, #tpu.memory_space<vmem>> -> memref<1x1x80xi32, #tpu.memory_space<vmem>>
      %dma_start3A_262 = tpu.memref_squeeze %dma_start3A_261 : memref<1x1x80xi32, #tpu.memory_space<vmem>> -> memref<80xi32, #tpu.memory_space<vmem>>
      %dma_start3A_263 = arith.constant 0 : i32
      %dma_start3A_264 = arith.constant 0 : i32
      %dma_start3A_265 = tpu.memref_slice %arg8[%dma_start3A_263, %dma_start3A_264] : memref<10240x128xf32, #tpu.memory_space<vmem_shared>> -> memref<10240x128xf32, #tpu.memory_space<vmem_shared>>
      tpu.enqueue_indirect_dma source(%dma_start3A_259 : memref<80x128xf32, #tpu.memory_space<vmem>>) target(%dma_start3A_265 : memref<10240x128xf32, #tpu.memory_space<vmem_shared>>) offsets(%dma_start3A_262 : memref<80xi32, #tpu.memory_space<vmem>>) semaphore(%arg11 : memref<!tpu.dma_semaphore, #tpu.memory_space<semaphore_mem>>) {add = true}
      %dma_wait3A_266 = arith.constant 1 : i32
      %dma_wait3A_267 = arith.constant 0 : i32
      %dma_wait3A_268 = arith.constant 0 : i32
      %dma_wait3A_269 = tpu.memref_slice %arg6[%dma_wait3A_266, %dma_wait3A_267, %dma_wait3A_268] : memref<2x2x80xi32, #tpu.memory_space<vmem>> -> memref<1x2x80xi32, #tpu.memory_space<vmem>>
      %dma_wait3A_270 = tpu.memref_squeeze %dma_wait3A_269 : memref<1x2x80xi32, #tpu.memory_space<vmem>> -> memref<2x80xi32, #tpu.memory_space<vmem>>
      %dma_wait3A_271 = arith.constant 0 : i32
      %dma_wait3A_272 = arith.constant 0 : i32
      %dma_wait3A_273 = tpu.memref_slice %arg4[%add3A, %add3A_232, %dma_wait3A_271, %dma_wait3A_272] : memref<32x125x2x80xi32, #tpu.memory_space<hbm>> -> memref<1x1x2x80xi32, #tpu.memory_space<hbm>>
      %dma_wait3A_274 = tpu.memref_squeeze %dma_wait3A_273 : memref<1x1x2x80xi32, #tpu.memory_space<hbm>> -> memref<2x80xi32, #tpu.memory_space<hbm>>
      %dma_wait3A_275 = arith.constant 0 : i32
      %dma_wait3A_276 = arith.constant 0 : i32
      %dma_wait3A_277 = tpu.memref_slice %arg6[%dma_wait3A_266, %dma_wait3A_275, %dma_wait3A_276] : memref<2x2x80xi32, #tpu.memory_space<vmem>> -> memref<1x2x80xi32, #tpu.memory_space<vmem>>
      %dma_wait3A_278 = tpu.memref_squeeze %dma_wait3A_277 : memref<1x2x80xi32, #tpu.memory_space<vmem>> -> memref<2x80xi32, #tpu.memory_space<vmem>>
      %dma_wait3A_279 = arith.constant 0 : i32
      %dma_wait3A_280 = arith.constant 0 : i32
      %dma_wait3A_281 = tpu.memref_slice %arg4[%add3A, %add3A_232, %dma_wait3A_279, %dma_wait3A_280] : memref<32x125x2x80xi32, #tpu.memory_space<hbm>> -> memref<1x1x2x80xi32, #tpu.memory_space<hbm>>
      %dma_wait3A_282 = tpu.memref_squeeze %dma_wait3A_281 : memref<1x1x2x80xi32, #tpu.memory_space<hbm>> -> memref<2x80xi32, #tpu.memory_space<hbm>>
      tpu.wait_dma2 semaphore(%arg14 : memref<!tpu.dma_semaphore, #tpu.memory_space<semaphore_mem>>) src(%dma_wait3A_282 : memref<2x80xi32, #tpu.memory_space<hbm>>) dst(%dma_wait3A_278 : memref<2x80xi32, #tpu.memory_space<vmem>>)
      %mul3A_283 = arith.constant 80 : i32
      %mul3A_284 = arith.muli %add3A_232, %mul3A_283 : i32
      %add3A_285 = arith.addi %mul3A_2, %mul3A_284 : i32
      %dma_wait3A_286 = arith.constant 1 : i32
      %dma_wait3A_287 = arith.constant 0 : i32
      %dma_wait3A_288 = arith.constant 0 : i32
      %dma_wait3A_289 = tpu.memref_slice %arg7[%dma_wait3A_286, %dma_wait3A_287, %dma_wait3A_288] : memref<2x80x128xf32, #tpu.memory_space<vmem>> -> memref<1x80x128xf32, #tpu.memory_space<vmem>>
      %dma_wait3A_290 = tpu.memref_squeeze %dma_wait3A_289 : memref<1x80x128xf32, #tpu.memory_space<vmem>> -> memref<80x128xf32, #tpu.memory_space<vmem>>
      %dma_wait3A_291 = arith.constant 0 : i32
      %dma_wait3A_292 = tpu.memref_slice %arg3[%add3A_285, %dma_wait3A_291] : memref<320000x128xf32, #tpu.memory_space<hbm>> -> memref<80x128xf32, #tpu.memory_space<hbm>>
      %dma_wait3A_293 = arith.constant 0 : i32
      %dma_wait3A_294 = arith.constant 0 : i32
      %dma_wait3A_295 = tpu.memref_slice %arg7[%dma_wait3A_286, %dma_wait3A_293, %dma_wait3A_294] : memref<2x80x128xf32, #tpu.memory_space<vmem>> -> memref<1x80x128xf32, #tpu.memory_space<vmem>>
      %dma_wait3A_296 = tpu.memref_squeeze %dma_wait3A_295 : memref<1x80x128xf32, #tpu.memory_space<vmem>> -> memref<80x128xf32, #tpu.memory_space<vmem>>
      %dma_wait3A_297 = arith.constant 0 : i32
      %dma_wait3A_298 = tpu.memref_slice %arg3[%add3A_285, %dma_wait3A_297] : memref<320000x128xf32, #tpu.memory_space<hbm>> -> memref<80x128xf32, #tpu.memory_space<hbm>>
      tpu.wait_dma2 semaphore(%arg16 : memref<!tpu.dma_semaphore, #tpu.memory_space<semaphore_mem>>) src(%dma_wait3A_298 : memref<80x128xf32, #tpu.memory_space<hbm>>) dst(%dma_wait3A_296 : memref<80x128xf32, #tpu.memory_space<vmem>>)
      %dma_start3A_299 = arith.constant 1 : i32
      %dma_start3A_300 = arith.constant 0 : i32
      %dma_start3A_301 = arith.constant 1 : i32
      %dma_start3A_302 = arith.constant 0 : i32
      %dma_start3A_303 = arith.constant 0 : i32
      %dma_start3A_304 = tpu.memref_slice %arg7[%dma_start3A_301, %dma_start3A_302, %dma_start3A_303] : memref<2x80x128xf32, #tpu.memory_space<vmem>> -> memref<1x80x128xf32, #tpu.memory_space<vmem>>
      %dma_start3A_305 = tpu.memref_squeeze %dma_start3A_304 : memref<1x80x128xf32, #tpu.memory_space<vmem>> -> memref<80x128xf32, #tpu.memory_space<vmem>>
      %dma_start3A_306 = arith.constant 0 : i32
      %dma_start3A_307 = tpu.memref_slice %arg6[%dma_start3A_299, %dma_start3A_300, %dma_start3A_306] : memref<2x2x80xi32, #tpu.memory_space<vmem>> -> memref<1x1x80xi32, #tpu.memory_space<vmem>>
      %dma_start3A_308 = tpu.memref_squeeze %dma_start3A_307 : memref<1x1x80xi32, #tpu.memory_space<vmem>> -> memref<80xi32, #tpu.memory_space<vmem>>
      %dma_start3A_309 = arith.constant 0 : i32
      %dma_start3A_310 = arith.constant 0 : i32
      %dma_start3A_311 = tpu.memref_slice %arg2[%dma_start3A_309, %dma_start3A_310] : memref<10000x128xf32, #tpu.memory_space<hbm>> -> memref<10000x128xf32, #tpu.memory_space<hbm>>
      tpu.enqueue_indirect_dma source(%dma_start3A_311 : memref<10000x128xf32, #tpu.memory_space<hbm>>) target(%dma_start3A_305 : memref<80x128xf32, #tpu.memory_space<vmem>>) offsets(%dma_start3A_308 : memref<80xi32, #tpu.memory_space<vmem>>) semaphore(%arg10 : memref<!tpu.dma_semaphore, #tpu.memory_space<semaphore_mem>>) {add = true}
      %dma_wait3A_312 = arith.constant 0 : i32
      %dma_wait3A_313 = arith.constant 0 : i32
      %dma_wait3A_314 = arith.constant 1 : i32
      %dma_wait3A_315 = arith.constant 0 : i32
      %dma_wait3A_316 = arith.constant 0 : i32
      %dma_wait3A_317 = tpu.memref_slice %arg7[%dma_wait3A_312, %dma_wait3A_315, %dma_wait3A_316] : memref<2x80x128xf32, #tpu.memory_space<vmem>> -> memref<1x80x128xf32, #tpu.memory_space<vmem>>
      %dma_wait3A_318 = tpu.memref_squeeze %dma_wait3A_317 : memref<1x80x128xf32, #tpu.memory_space<vmem>> -> memref<80x128xf32, #tpu.memory_space<vmem>>
      %dma_wait3A_319 = arith.constant 0 : i32
      %dma_wait3A_320 = tpu.memref_slice %arg6[%dma_wait3A_313, %dma_wait3A_314, %dma_wait3A_319] : memref<2x2x80xi32, #tpu.memory_space<vmem>> -> memref<1x1x80xi32, #tpu.memory_space<vmem>>
      %dma_wait3A_321 = tpu.memref_squeeze %dma_wait3A_320 : memref<1x1x80xi32, #tpu.memory_space<vmem>> -> memref<80xi32, #tpu.memory_space<vmem>>
      %dma_wait3A_322 = arith.constant 0 : i32
      %dma_wait3A_323 = arith.constant 0 : i32
      %dma_wait3A_324 = tpu.memref_slice %arg8[%dma_wait3A_322, %dma_wait3A_323] : memref<10240x128xf32, #tpu.memory_space<vmem_shared>> -> memref<10240x128xf32, #tpu.memory_space<vmem_shared>>
      tpu.wait_indirect_dma semaphore(%arg11 : memref<!tpu.dma_semaphore, #tpu.memory_space<semaphore_mem>>) src(%dma_wait3A_318 : memref<80x128xf32, #tpu.memory_space<vmem>>) dst(%dma_wait3A_324 : memref<10240x128xf32, #tpu.memory_space<vmem_shared>>)
      %add3A_325 = arith.constant 2 : i32
      %add3A_326 = arith.addi %mul3A_230, %add3A_325 : i32
      %dma_start3A_327 = arith.constant 0 : i32
      %dma_start3A_328 = arith.constant 0 : i32
      %dma_start3A_329 = arith.constant 0 : i32
      %dma_start3A_330 = tpu.memref_slice %arg6[%dma_start3A_327, %dma_start3A_328, %dma_start3A_329] : memref<2x2x80xi32, #tpu.memory_space<vmem>> -> memref<1x2x80xi32, #tpu.memory_space<vmem>>
      %dma_start3A_331 = tpu.memref_squeeze %dma_start3A_330 : memref<1x2x80xi32, #tpu.memory_space<vmem>> -> memref<2x80xi32, #tpu.memory_space<vmem>>
      %dma_start3A_332 = arith.constant 0 : i32
      %dma_start3A_333 = arith.constant 0 : i32
      %dma_start3A_334 = tpu.memref_slice %arg4[%add3A, %add3A_326, %dma_start3A_332, %dma_start3A_333] : memref<32x125x2x80xi32, #tpu.memory_space<hbm>> -> memref<1x1x2x80xi32, #tpu.memory_space<hbm>>
      %dma_start3A_335 = tpu.memref_squeeze %dma_start3A_334 : memref<1x1x2x80xi32, #tpu.memory_space<hbm>> -> memref<2x80xi32, #tpu.memory_space<hbm>>
      %dma_start3A_336 = arith.constant 0 : i32
      %dma_start3A_337 = arith.constant 0 : i32
      %dma_start3A_338 = tpu.memref_slice %arg6[%dma_start3A_327, %dma_start3A_336, %dma_start3A_337] : memref<2x2x80xi32, #tpu.memory_space<vmem>> -> memref<1x2x80xi32, #tpu.memory_space<vmem>>
      %dma_start3A_339 = tpu.memref_squeeze %dma_start3A_338 : memref<1x2x80xi32, #tpu.memory_space<vmem>> -> memref<2x80xi32, #tpu.memory_space<vmem>>
      %dma_start3A_340 = arith.constant 0 : i32
      %dma_start3A_341 = arith.constant 0 : i32
      %dma_start3A_342 = tpu.memref_slice %arg4[%add3A, %add3A_326, %dma_start3A_340, %dma_start3A_341] : memref<32x125x2x80xi32, #tpu.memory_space<hbm>> -> memref<1x1x2x80xi32, #tpu.memory_space<hbm>>
      %dma_start3A_343 = tpu.memref_squeeze %dma_start3A_342 : memref<1x1x2x80xi32, #tpu.memory_space<hbm>> -> memref<2x80xi32, #tpu.memory_space<hbm>>
      tpu.enqueue_dma source(%dma_start3A_343 : memref<2x80xi32, #tpu.memory_space<hbm>>) target(%dma_start3A_339 : memref<2x80xi32, #tpu.memory_space<vmem>>) target_semaphore(%arg13 : memref<!tpu.dma_semaphore, #tpu.memory_space<semaphore_mem>>)
      %add3A_344 = arith.constant 2 : i32
      %add3A_345 = arith.addi %mul3A_230, %add3A_344 : i32
      %mul3A_346 = arith.constant 80 : i32
      %mul3A_347 = arith.muli %add3A_345, %mul3A_346 : i32
      %add3A_348 = arith.addi %mul3A_2, %mul3A_347 : i32
      %dma_start3A_349 = arith.constant 0 : i32
      %dma_start3A_350 = arith.constant 0 : i32
      %dma_start3A_351 = arith.constant 0 : i32
      %dma_start3A_352 = tpu.memref_slice %arg7[%dma_start3A_349, %dma_start3A_350, %dma_start3A_351] : memref<2x80x128xf32, #tpu.memory_space<vmem>> -> memref<1x80x128xf32, #tpu.memory_space<vmem>>
      %dma_start3A_353 = tpu.memref_squeeze %dma_start3A_352 : memref<1x80x128xf32, #tpu.memory_space<vmem>> -> memref<80x128xf32, #tpu.memory_space<vmem>>
      %dma_start3A_354 = arith.constant 0 : i32
      %dma_start3A_355 = tpu.memref_slice %arg3[%add3A_348, %dma_start3A_354] : memref<320000x128xf32, #tpu.memory_space<hbm>> -> memref<80x128xf32, #tpu.memory_space<hbm>>
      %dma_start3A_356 = arith.constant 0 : i32
      %dma_start3A_357 = arith.constant 0 : i32
      %dma_start3A_358 = tpu.memref_slice %arg7[%dma_start3A_349, %dma_start3A_356, %dma_start3A_357] : memref<2x80x128xf32, #tpu.memory_space<vmem>> -> memref<1x80x128xf32, #tpu.memory_space<vmem>>
      %dma_start3A_359 = tpu.memref_squeeze %dma_start3A_358 : memref<1x80x128xf32, #tpu.memory_space<vmem>> -> memref<80x128xf32, #tpu.memory_space<vmem>>
      %dma_start3A_360 = arith.constant 0 : i32
      %dma_start3A_361 = tpu.memref_slice %arg3[%add3A_348, %dma_start3A_360] : memref<320000x128xf32, #tpu.memory_space<hbm>> -> memref<80x128xf32, #tpu.memory_space<hbm>>
      tpu.enqueue_dma source(%dma_start3A_361 : memref<80x128xf32, #tpu.memory_space<hbm>>) target(%dma_start3A_359 : memref<80x128xf32, #tpu.memory_space<vmem>>) target_semaphore(%arg15 : memref<!tpu.dma_semaphore, #tpu.memory_space<semaphore_mem>>)
      %add3A_362 = arith.constant 2 : i32
      %add3A_363 = arith.addi %mul3A_230, %add3A_362 : i32
      %dma_wait3A_364 = arith.constant 0 : i32
      %dma_wait3A_365 = arith.constant 0 : i32
      %dma_wait3A_366 = arith.constant 0 : i32
      %dma_wait3A_367 = tpu.memref_slice %arg6[%dma_wait3A_364, %dma_wait3A_365, %dma_wait3A_366] : memref<2x2x80xi32, #tpu.memory_space<vmem>> -> memref<1x2x80xi32, #tpu.memory_space<vmem>>
      %dma_wait3A_368 = tpu.memref_squeeze %dma_wait3A_367 : memref<1x2x80xi32, #tpu.memory_space<vmem>> -> memref<2x80xi32, #tpu.memory_space<vmem>>
      %dma_wait3A_369 = arith.constant 0 : i32
      %dma_wait3A_370 = arith.constant 0 : i32
      %dma_wait3A_371 = tpu.memref_slice %arg4[%add3A, %add3A_363, %dma_wait3A_369, %dma_wait3A_370] : memref<32x125x2x80xi32, #tpu.memory_space<hbm>> -> memref<1x1x2x80xi32, #tpu.memory_space<hbm>>
      %dma_wait3A_372 = tpu.memref_squeeze %dma_wait3A_371 : memref<1x1x2x80xi32, #tpu.memory_space<hbm>> -> memref<2x80xi32, #tpu.memory_space<hbm>>
      %dma_wait3A_373 = arith.constant 0 : i32
      %dma_wait3A_374 = arith.constant 0 : i32
      %dma_wait3A_375 = tpu.memref_slice %arg6[%dma_wait3A_364, %dma_wait3A_373, %dma_wait3A_374] : memref<2x2x80xi32, #tpu.memory_space<vmem>> -> memref<1x2x80xi32, #tpu.memory_space<vmem>>
      %dma_wait3A_376 = tpu.memref_squeeze %dma_wait3A_375 : memref<1x2x80xi32, #tpu.memory_space<vmem>> -> memref<2x80xi32, #tpu.memory_space<vmem>>
      %dma_wait3A_377 = arith.constant 0 : i32
      %dma_wait3A_378 = arith.constant 0 : i32
      %dma_wait3A_379 = tpu.memref_slice %arg4[%add3A, %add3A_363, %dma_wait3A_377, %dma_wait3A_378] : memref<32x125x2x80xi32, #tpu.memory_space<hbm>> -> memref<1x1x2x80xi32, #tpu.memory_space<hbm>>
      %dma_wait3A_380 = tpu.memref_squeeze %dma_wait3A_379 : memref<1x1x2x80xi32, #tpu.memory_space<hbm>> -> memref<2x80xi32, #tpu.memory_space<hbm>>
      tpu.wait_dma2 semaphore(%arg13 : memref<!tpu.dma_semaphore, #tpu.memory_space<semaphore_mem>>) src(%dma_wait3A_380 : memref<2x80xi32, #tpu.memory_space<hbm>>) dst(%dma_wait3A_376 : memref<2x80xi32, #tpu.memory_space<vmem>>)
      %add3A_381 = arith.constant 2 : i32
      %add3A_382 = arith.addi %mul3A_230, %add3A_381 : i32
      %mul3A_383 = arith.constant 80 : i32
      %mul3A_384 = arith.muli %add3A_382, %mul3A_383 : i32
      %add3A_385 = arith.addi %mul3A_2, %mul3A_384 : i32
      %dma_wait3A_386 = arith.constant 0 : i32
      %dma_wait3A_387 = arith.constant 0 : i32
      %dma_wait3A_388 = arith.constant 0 : i32
      %dma_wait3A_389 = tpu.memref_slice %arg7[%dma_wait3A_386, %dma_wait3A_387, %dma_wait3A_388] : memref<2x80x128xf32, #tpu.memory_space<vmem>> -> memref<1x80x128xf32, #tpu.memory_space<vmem>>
      %dma_wait3A_390 = tpu.memref_squeeze %dma_wait3A_389 : memref<1x80x128xf32, #tpu.memory_space<vmem>> -> memref<80x128xf32, #tpu.memory_space<vmem>>
      %dma_wait3A_391 = arith.constant 0 : i32
      %dma_wait3A_392 = tpu.memref_slice %arg3[%add3A_385, %dma_wait3A_391] : memref<320000x128xf32, #tpu.memory_space<hbm>> -> memref<80x128xf32, #tpu.memory_space<hbm>>
      %dma_wait3A_393 = arith.constant 0 : i32
      %dma_wait3A_394 = arith.constant 0 : i32
      %dma_wait3A_395 = tpu.memref_slice %arg7[%dma_wait3A_386, %dma_wait3A_393, %dma_wait3A_394] : memref<2x80x128xf32, #tpu.memory_space<vmem>> -> memref<1x80x128xf32, #tpu.memory_space<vmem>>
      %dma_wait3A_396 = tpu.memref_squeeze %dma_wait3A_395 : memref<1x80x128xf32, #tpu.memory_space<vmem>> -> memref<80x128xf32, #tpu.memory_space<vmem>>
      %dma_wait3A_397 = arith.constant 0 : i32
      %dma_wait3A_398 = tpu.memref_slice %arg3[%add3A_385, %dma_wait3A_397] : memref<320000x128xf32, #tpu.memory_space<hbm>> -> memref<80x128xf32, #tpu.memory_space<hbm>>
      tpu.wait_dma2 semaphore(%arg15 : memref<!tpu.dma_semaphore, #tpu.memory_space<semaphore_mem>>) src(%dma_wait3A_398 : memref<80x128xf32, #tpu.memory_space<hbm>>) dst(%dma_wait3A_396 : memref<80x128xf32, #tpu.memory_space<vmem>>)
      %dma_start3A_399 = arith.constant 0 : i32
      %dma_start3A_400 = arith.constant 0 : i32
      %dma_start3A_401 = arith.constant 0 : i32
      %dma_start3A_402 = arith.constant 0 : i32
      %dma_start3A_403 = arith.constant 0 : i32
      %dma_start3A_404 = tpu.memref_slice %arg7[%dma_start3A_401, %dma_start3A_402, %dma_start3A_403] : memref<2x80x128xf32, #tpu.memory_space<vmem>> -> memref<1x80x128xf32, #tpu.memory_space<vmem>>
      %dma_start3A_405 = tpu.memref_squeeze %dma_start3A_404 : memref<1x80x128xf32, #tpu.memory_space<vmem>> -> memref<80x128xf32, #tpu.memory_space<vmem>>
      %dma_start3A_406 = arith.constant 0 : i32
      %dma_start3A_407 = tpu.memref_slice %arg6[%dma_start3A_399, %dma_start3A_400, %dma_start3A_406] : memref<2x2x80xi32, #tpu.memory_space<vmem>> -> memref<1x1x80xi32, #tpu.memory_space<vmem>>
      %dma_start3A_408 = tpu.memref_squeeze %dma_start3A_407 : memref<1x1x80xi32, #tpu.memory_space<vmem>> -> memref<80xi32, #tpu.memory_space<vmem>>
      %dma_start3A_409 = arith.constant 0 : i32
      %dma_start3A_410 = arith.constant 0 : i32
      %dma_start3A_411 = tpu.memref_slice %arg2[%dma_start3A_409, %dma_start3A_410] : memref<10000x128xf32, #tpu.memory_space<hbm>> -> memref<10000x128xf32, #tpu.memory_space<hbm>>
      tpu.enqueue_indirect_dma source(%dma_start3A_411 : memref<10000x128xf32, #tpu.memory_space<hbm>>) target(%dma_start3A_405 : memref<80x128xf32, #tpu.memory_space<vmem>>) offsets(%dma_start3A_408 : memref<80xi32, #tpu.memory_space<vmem>>) semaphore(%arg9 : memref<!tpu.dma_semaphore, #tpu.memory_space<semaphore_mem>>) {add = true}
      %dma_wait3A_412 = arith.constant 1 : i32
      %dma_wait3A_413 = arith.constant 0 : i32
      %dma_wait3A_414 = arith.constant 1 : i32
      %dma_wait3A_415 = arith.constant 0 : i32
      %dma_wait3A_416 = arith.constant 0 : i32
      %dma_wait3A_417 = tpu.memref_slice %arg7[%dma_wait3A_414, %dma_wait3A_415, %dma_wait3A_416] : memref<2x80x128xf32, #tpu.memory_space<vmem>> -> memref<1x80x128xf32, #tpu.memory_space<vmem>>
      %dma_wait3A_418 = tpu.memref_squeeze %dma_wait3A_417 : memref<1x80x128xf32, #tpu.memory_space<vmem>> -> memref<80x128xf32, #tpu.memory_space<vmem>>
      %dma_wait3A_419 = arith.constant 0 : i32
      %dma_wait3A_420 = tpu.memref_slice %arg6[%dma_wait3A_412, %dma_wait3A_413, %dma_wait3A_419] : memref<2x2x80xi32, #tpu.memory_space<vmem>> -> memref<1x1x80xi32, #tpu.memory_space<vmem>>
      %dma_wait3A_421 = tpu.memref_squeeze %dma_wait3A_420 : memref<1x1x80xi32, #tpu.memory_space<vmem>> -> memref<80xi32, #tpu.memory_space<vmem>>
      %dma_wait3A_422 = arith.constant 0 : i32
      %dma_wait3A_423 = arith.constant 0 : i32
      %dma_wait3A_424 = tpu.memref_slice %arg2[%dma_wait3A_422, %dma_wait3A_423] : memref<10000x128xf32, #tpu.memory_space<hbm>> -> memref<10000x128xf32, #tpu.memory_space<hbm>>
      tpu.wait_indirect_dma semaphore(%arg10 : memref<!tpu.dma_semaphore, #tpu.memory_space<semaphore_mem>>) src(%dma_wait3A_424 : memref<10000x128xf32, #tpu.memory_space<hbm>>) dst(%dma_wait3A_418 : memref<80x128xf32, #tpu.memory_space<vmem>>)
      %scan3A_425 = arith.constant 0 : i32
      %scan3A_426 = arith.constant 0 : i32
      %scan3A_427 = arith.constant 80 : i32
      %scan3A_428 = arith.addi %scan3A_426, %scan3A_427 : i32
      %scan3A_429 = arith.constant 1 : i32
      %scan3A_430 = scf.for %scan3A_495 = %scan3A_426 to %scan3A_428 step %scan3A_429 iter_args(%scan3A_496 = %scan3A_425) -> (i32)  : i32 {
        %get3A = arith.constant 1 : i32
        %get3A_497 = arith.index_cast %get3A : i32 to index
        %get3A_498 = arith.index_cast %scan3A_495 : i32 to index
        %get3A_499 = arith.constant 0 : index
        %get3A_500 = tpu.vector_load %arg7[%get3A_497, %get3A_498, %get3A_499] {strides = array<i32>} : memref<2x80x128xf32, #tpu.memory_space<vmem>>, vector<1x1x16xf32>,
        %get3A_501 = vector.shape_cast %get3A_500 : vector<1x1x16xf32> to vector<16xf32>
        %max3A = arith.constant 0.000000e+00 : f32
        %max3A_502 = vector.broadcast %max3A : f32 to vector<16xf32>
        %max3A_503 = arith.maximumf %get3A_501, %max3A_502 : vector<16xf32>
        %swap3A = arith.constant 1 : i32
        %swap3A_504 = arith.index_cast %swap3A : i32 to index
        %swap3A_505 = arith.index_cast %scan3A_495 : i32 to index
        %swap3A_506 = arith.constant 0 : index
        %swap3A_507 = tpu.vector_load %arg7[%swap3A_504, %swap3A_505, %swap3A_506] {strides = array<i32>} : memref<2x80x128xf32, #tpu.memory_space<vmem>>, vector<1x1x16xf32>,
        %swap3A_508 = vector.shape_cast %swap3A_507 : vector<1x1x16xf32> to vector<16xf32>
        %swap3A_509 = vector.shape_cast %max3A_503 : vector<16xf32> to vector<1x1x16xf32>
        tpu.vector_store %arg7[%swap3A_504, %swap3A_505, %swap3A_506], %swap3A_509 {strides = array<i32>} : memref<2x80x128xf32, #tpu.memory_space<vmem>>, vector<1x1x16xf32>,
        %get3A_510 = arith.constant 1 : i32
        %get3A_511 = arith.index_cast %get3A_510 : i32 to index
        %get3A_512 = arith.index_cast %scan3A_495 : i32 to index
        %get3A_513 = arith.constant 16 : index
        %get3A_514 = tpu.vector_load %arg7[%get3A_511, %get3A_512, %get3A_513] {strides = array<i32>} : memref<2x80x128xf32, #tpu.memory_space<vmem>>, vector<1x1x16xf32>,
        %get3A_515 = vector.shape_cast %get3A_514 : vector<1x1x16xf32> to vector<16xf32>
        %max3A_516 = arith.constant 0.000000e+00 : f32
        %max3A_517 = vector.broadcast %max3A_516 : f32 to vector<16xf32>
        %max3A_518 = arith.maximumf %get3A_515, %max3A_517 : vector<16xf32>
        %swap3A_519 = arith.constant 1 : i32
        %swap3A_520 = arith.index_cast %swap3A_519 : i32 to index
        %swap3A_521 = arith.index_cast %scan3A_495 : i32 to index
        %swap3A_522 = arith.constant 16 : index
        %swap3A_523 = tpu.vector_load %arg7[%swap3A_520, %swap3A_521, %swap3A_522] {strides = array<i32>} : memref<2x80x128xf32, #tpu.memory_space<vmem>>, vector<1x1x16xf32>,
        %swap3A_524 = vector.shape_cast %swap3A_523 : vector<1x1x16xf32> to vector<16xf32>
        %swap3A_525 = vector.shape_cast %max3A_518 : vector<16xf32> to vector<1x1x16xf32>
        tpu.vector_store %arg7[%swap3A_520, %swap3A_521, %swap3A_522], %swap3A_525 {strides = array<i32>} : memref<2x80x128xf32, #tpu.memory_space<vmem>>, vector<1x1x16xf32>,
        %get3A_526 = arith.constant 1 : i32
        %get3A_527 = arith.index_cast %get3A_526 : i32 to index
        %get3A_528 = arith.index_cast %scan3A_495 : i32 to index
        %get3A_529 = arith.constant 32 : index
        %get3A_530 = tpu.vector_load %arg7[%get3A_527, %get3A_528, %get3A_529] {strides = array<i32>} : memref<2x80x128xf32, #tpu.memory_space<vmem>>, vector<1x1x16xf32>,
        %get3A_531 = vector.shape_cast %get3A_530 : vector<1x1x16xf32> to vector<16xf32>
        %max3A_532 = arith.constant 0.000000e+00 : f32
        %max3A_533 = vector.broadcast %max3A_532 : f32 to vector<16xf32>
        %max3A_534 = arith.maximumf %get3A_531, %max3A_533 : vector<16xf32>
        %swap3A_535 = arith.constant 1 : i32
        %swap3A_536 = arith.index_cast %swap3A_535 : i32 to index
        %swap3A_537 = arith.index_cast %scan3A_495 : i32 to index
        %swap3A_538 = arith.constant 32 : index
        %swap3A_539 = tpu.vector_load %arg7[%swap3A_536, %swap3A_537, %swap3A_538] {strides = array<i32>} : memref<2x80x128xf32, #tpu.memory_space<vmem>>, vector<1x1x16xf32>,
        %swap3A_540 = vector.shape_cast %swap3A_539 : vector<1x1x16xf32> to vector<16xf32>
        %swap3A_541 = vector.shape_cast %max3A_534 : vector<16xf32> to vector<1x1x16xf32>
        tpu.vector_store %arg7[%swap3A_536, %swap3A_537, %swap3A_538], %swap3A_541 {strides = array<i32>} : memref<2x80x128xf32, #tpu.memory_space<vmem>>, vector<1x1x16xf32>,
        %get3A_542 = arith.constant 1 : i32
        %get3A_543 = arith.index_cast %get3A_542 : i32 to index
        %get3A_544 = arith.index_cast %scan3A_495 : i32 to index
        %get3A_545 = arith.constant 48 : index
        %get3A_546 = tpu.vector_load %arg7[%get3A_543, %get3A_544, %get3A_545] {strides = array<i32>} : memref<2x80x128xf32, #tpu.memory_space<vmem>>, vector<1x1x16xf32>,
        %get3A_547 = vector.shape_cast %get3A_546 : vector<1x1x16xf32> to vector<16xf32>
        %max3A_548 = arith.constant 0.000000e+00 : f32
        %max3A_549 = vector.broadcast %max3A_548 : f32 to vector<16xf32>
        %max3A_550 = arith.maximumf %get3A_547, %max3A_549 : vector<16xf32>
        %swap3A_551 = arith.constant 1 : i32
        %swap3A_552 = arith.index_cast %swap3A_551 : i32 to index
        %swap3A_553 = arith.index_cast %scan3A_495 : i32 to index
        %swap3A_554 = arith.constant 48 : index
        %swap3A_555 = tpu.vector_load %arg7[%swap3A_552, %swap3A_553, %swap3A_554] {strides = array<i32>} : memref<2x80x128xf32, #tpu.memory_space<vmem>>, vector<1x1x16xf32>,
        %swap3A_556 = vector.shape_cast %swap3A_555 : vector<1x1x16xf32> to vector<16xf32>
        %swap3A_557 = vector.shape_cast %max3A_550 : vector<16xf32> to vector<1x1x16xf32>
        tpu.vector_store %arg7[%swap3A_552, %swap3A_553, %swap3A_554], %swap3A_557 {strides = array<i32>} : memref<2x80x128xf32, #tpu.memory_space<vmem>>, vector<1x1x16xf32>,
        %get3A_558 = arith.constant 1 : i32
        %get3A_559 = arith.index_cast %get3A_558 : i32 to index
        %get3A_560 = arith.index_cast %scan3A_495 : i32 to index
        %get3A_561 = arith.constant 64 : index
        %get3A_562 = tpu.vector_load %arg7[%get3A_559, %get3A_560, %get3A_561] {strides = array<i32>} : memref<2x80x128xf32, #tpu.memory_space<vmem>>, vector<1x1x16xf32>,
        %get3A_563 = vector.shape_cast %get3A_562 : vector<1x1x16xf32> to vector<16xf32>
        %max3A_564 = arith.constant 0.000000e+00 : f32
        %max3A_565 = vector.broadcast %max3A_564 : f32 to vector<16xf32>
        %max3A_566 = arith.maximumf %get3A_563, %max3A_565 : vector<16xf32>
        %swap3A_567 = arith.constant 1 : i32
        %swap3A_568 = arith.index_cast %swap3A_567 : i32 to index
        %swap3A_569 = arith.index_cast %scan3A_495 : i32 to index
        %swap3A_570 = arith.constant 64 : index
        %swap3A_571 = tpu.vector_load %arg7[%swap3A_568, %swap3A_569, %swap3A_570] {strides = array<i32>} : memref<2x80x128xf32, #tpu.memory_space<vmem>>, vector<1x1x16xf32>,
        %swap3A_572 = vector.shape_cast %swap3A_571 : vector<1x1x16xf32> to vector<16xf32>
        %swap3A_573 = vector.shape_cast %max3A_566 : vector<16xf32> to vector<1x1x16xf32>
        tpu.vector_store %arg7[%swap3A_568, %swap3A_569, %swap3A_570], %swap3A_573 {strides = array<i32>} : memref<2x80x128xf32, #tpu.memory_space<vmem>>, vector<1x1x16xf32>,
        %get3A_574 = arith.constant 1 : i32
        %get3A_575 = arith.index_cast %get3A_574 : i32 to index
        %get3A_576 = arith.index_cast %scan3A_495 : i32 to index
        %get3A_577 = arith.constant 80 : index
        %get3A_578 = tpu.vector_load %arg7[%get3A_575, %get3A_576, %get3A_577] {strides = array<i32>} : memref<2x80x128xf32, #tpu.memory_space<vmem>>, vector<1x1x16xf32>,
        %get3A_579 = vector.shape_cast %get3A_578 : vector<1x1x16xf32> to vector<16xf32>
        %max3A_580 = arith.constant 0.000000e+00 : f32
        %max3A_581 = vector.broadcast %max3A_580 : f32 to vector<16xf32>
        %max3A_582 = arith.maximumf %get3A_579, %max3A_581 : vector<16xf32>
        %swap3A_583 = arith.constant 1 : i32
        %swap3A_584 = arith.index_cast %swap3A_583 : i32 to index
        %swap3A_585 = arith.index_cast %scan3A_495 : i32 to index
        %swap3A_586 = arith.constant 80 : index
        %swap3A_587 = tpu.vector_load %arg7[%swap3A_584, %swap3A_585, %swap3A_586] {strides = array<i32>} : memref<2x80x128xf32, #tpu.memory_space<vmem>>, vector<1x1x16xf32>,
        %swap3A_588 = vector.shape_cast %swap3A_587 : vector<1x1x16xf32> to vector<16xf32>
        %swap3A_589 = vector.shape_cast %max3A_582 : vector<16xf32> to vector<1x1x16xf32>
        tpu.vector_store %arg7[%swap3A_584, %swap3A_585, %swap3A_586], %swap3A_589 {strides = array<i32>} : memref<2x80x128xf32, #tpu.memory_space<vmem>>, vector<1x1x16xf32>,
        %get3A_590 = arith.constant 1 : i32
        %get3A_591 = arith.index_cast %get3A_590 : i32 to index
        %get3A_592 = arith.index_cast %scan3A_495 : i32 to index
        %get3A_593 = arith.constant 96 : index
        %get3A_594 = tpu.vector_load %arg7[%get3A_591, %get3A_592, %get3A_593] {strides = array<i32>} : memref<2x80x128xf32, #tpu.memory_space<vmem>>, vector<1x1x16xf32>,
        %get3A_595 = vector.shape_cast %get3A_594 : vector<1x1x16xf32> to vector<16xf32>
        %max3A_596 = arith.constant 0.000000e+00 : f32
        %max3A_597 = vector.broadcast %max3A_596 : f32 to vector<16xf32>
        %max3A_598 = arith.maximumf %get3A_595, %max3A_597 : vector<16xf32>
        %swap3A_599 = arith.constant 1 : i32
        %swap3A_600 = arith.index_cast %swap3A_599 : i32 to index
        %swap3A_601 = arith.index_cast %scan3A_495 : i32 to index
        %swap3A_602 = arith.constant 96 : index
        %swap3A_603 = tpu.vector_load %arg7[%swap3A_600, %swap3A_601, %swap3A_602] {strides = array<i32>} : memref<2x80x128xf32, #tpu.memory_space<vmem>>, vector<1x1x16xf32>,
        %swap3A_604 = vector.shape_cast %swap3A_603 : vector<1x1x16xf32> to vector<16xf32>
        %swap3A_605 = vector.shape_cast %max3A_598 : vector<16xf32> to vector<1x1x16xf32>
        tpu.vector_store %arg7[%swap3A_600, %swap3A_601, %swap3A_602], %swap3A_605 {strides = array<i32>} : memref<2x80x128xf32, #tpu.memory_space<vmem>>, vector<1x1x16xf32>,
        %get3A_606 = arith.constant 1 : i32
        %get3A_607 = arith.index_cast %get3A_606 : i32 to index
        %get3A_608 = arith.index_cast %scan3A_495 : i32 to index
        %get3A_609 = arith.constant 112 : index
        %get3A_610 = tpu.vector_load %arg7[%get3A_607, %get3A_608, %get3A_609] {strides = array<i32>} : memref<2x80x128xf32, #tpu.memory_space<vmem>>, vector<1x1x16xf32>,
        %get3A_611 = vector.shape_cast %get3A_610 : vector<1x1x16xf32> to vector<16xf32>
        %max3A_612 = arith.constant 0.000000e+00 : f32
        %max3A_613 = vector.broadcast %max3A_612 : f32 to vector<16xf32>
        %max3A_614 = arith.maximumf %get3A_611, %max3A_613 : vector<16xf32>
        %swap3A_615 = arith.constant 1 : i32
        %swap3A_616 = arith.index_cast %swap3A_615 : i32 to index
        %swap3A_617 = arith.index_cast %scan3A_495 : i32 to index
        %swap3A_618 = arith.constant 112 : index
        %swap3A_619 = tpu.vector_load %arg7[%swap3A_616, %swap3A_617, %swap3A_618] {strides = array<i32>} : memref<2x80x128xf32, #tpu.memory_space<vmem>>, vector<1x1x16xf32>,
        %swap3A_620 = vector.shape_cast %swap3A_619 : vector<1x1x16xf32> to vector<16xf32>
        %swap3A_621 = vector.shape_cast %max3A_614 : vector<16xf32> to vector<1x1x16xf32>
        tpu.vector_store %arg7[%swap3A_616, %swap3A_617, %swap3A_618], %swap3A_621 {strides = array<i32>} : memref<2x80x128xf32, #tpu.memory_space<vmem>>, vector<1x1x16xf32>,
        %scan3A_622 = arith.constant 0 : i32
        scf.yield %scan3A_622 : i32
      }
      %scan3A_431 = arith.constant 80 : i32
      %dma_start3A_432 = arith.constant 1 : i32
      %dma_start3A_433 = arith.constant 1 : i32
      %dma_start3A_434 = arith.constant 1 : i32
      %dma_start3A_435 = arith.constant 0 : i32
      %dma_start3A_436 = arith.constant 0 : i32
      %dma_start3A_437 = tpu.memref_slice %arg7[%dma_start3A_432, %dma_start3A_435, %dma_start3A_436] : memref<2x80x128xf32, #tpu.memory_space<vmem>> -> memref<1x80x128xf32, #tpu.memory_space<vmem>>
      %dma_start3A_438 = tpu.memref_squeeze %dma_start3A_437 : memref<1x80x128xf32, #tpu.memory_space<vmem>> -> memref<80x128xf32, #tpu.memory_space<vmem>>
      %dma_start3A_439 = arith.constant 0 : i32
      %dma_start3A_440 = tpu.memref_slice %arg6[%dma_start3A_433, %dma_start3A_434, %dma_start3A_439] : memref<2x2x80xi32, #tpu.memory_space<vmem>> -> memref<1x1x80xi32, #tpu.memory_space<vmem>>
      %dma_start3A_441 = tpu.memref_squeeze %dma_start3A_440 : memref<1x1x80xi32, #tpu.memory_space<vmem>> -> memref<80xi32, #tpu.memory_space<vmem>>
      %dma_start3A_442 = arith.constant 0 : i32
      %dma_start3A_443 = arith.constant 0 : i32
      %dma_start3A_444 = tpu.memref_slice %arg8[%dma_start3A_442, %dma_start3A_443] : memref<10240x128xf32, #tpu.memory_space<vmem_shared>> -> memref<10240x128xf32, #tpu.memory_space<vmem_shared>>
      tpu.enqueue_indirect_dma source(%dma_start3A_438 : memref<80x128xf32, #tpu.memory_space<vmem>>) target(%dma_start3A_444 : memref<10240x128xf32, #tpu.memory_space<vmem_shared>>) offsets(%dma_start3A_441 : memref<80xi32, #tpu.memory_space<vmem>>) semaphore(%arg12 : memref<!tpu.dma_semaphore, #tpu.memory_space<semaphore_mem>>) {add = true}
      %dma_wait3A_445 = arith.constant 1 : i32
      %dma_wait3A_446 = arith.constant 1 : i32
      %dma_wait3A_447 = arith.constant 1 : i32
      %dma_wait3A_448 = arith.constant 0 : i32
      %dma_wait3A_449 = arith.constant 0 : i32
      %dma_wait3A_450 = tpu.memref_slice %arg7[%dma_wait3A_445, %dma_wait3A_448, %dma_wait3A_449] : memref<2x80x128xf32, #tpu.memory_space<vmem>> -> memref<1x80x128xf32, #tpu.memory_space<vmem>>
      %dma_wait3A_451 = tpu.memref_squeeze %dma_wait3A_450 : memref<1x80x128xf32, #tpu.memory_space<vmem>> -> memref<80x128xf32, #tpu.memory_space<vmem>>
      %dma_wait3A_452 = arith.constant 0 : i32
      %dma_wait3A_453 = tpu.memref_slice %arg6[%dma_wait3A_446, %dma_wait3A_447, %dma_wait3A_452] : memref<2x2x80xi32, #tpu.memory_space<vmem>> -> memref<1x1x80xi32, #tpu.memory_space<vmem>>
      %dma_wait3A_454 = tpu.memref_squeeze %dma_wait3A_453 : memref<1x1x80xi32, #tpu.memory_space<vmem>> -> memref<80xi32, #tpu.memory_space<vmem>>
      %dma_wait3A_455 = arith.constant 0 : i32
      %dma_wait3A_456 = arith.constant 0 : i32
      %dma_wait3A_457 = tpu.memref_slice %arg8[%dma_wait3A_455, %dma_wait3A_456] : memref<10240x128xf32, #tpu.memory_space<vmem_shared>> -> memref<10240x128xf32, #tpu.memory_space<vmem_shared>>
      tpu.wait_indirect_dma semaphore(%arg12 : memref<!tpu.dma_semaphore, #tpu.memory_space<semaphore_mem>>) src(%dma_wait3A_451 : memref<80x128xf32, #tpu.memory_space<vmem>>) dst(%dma_wait3A_457 : memref<10240x128xf32, #tpu.memory_space<vmem_shared>>)
      %add3A_458 = arith.constant 2 : i32
      %add3A_459 = arith.addi %add3A_232, %add3A_458 : i32
      %min3A = arith.constant 124 : i32
      %min3A_460 = arith.minsi %add3A_459, %min3A : i32
      %dma_start3A_461 = arith.constant 1 : i32
      %dma_start3A_462 = arith.constant 0 : i32
      %dma_start3A_463 = arith.constant 0 : i32
      %dma_start3A_464 = tpu.memref_slice %arg6[%dma_start3A_461, %dma_start3A_462, %dma_start3A_463] : memref<2x2x80xi32, #tpu.memory_space<vmem>> -> memref<1x2x80xi32, #tpu.memory_space<vmem>>
      %dma_start3A_465 = tpu.memref_squeeze %dma_start3A_464 : memref<1x2x80xi32, #tpu.memory_space<vmem>> -> memref<2x80xi32, #tpu.memory_space<vmem>>
      %dma_start3A_466 = arith.constant 0 : i32
      %dma_start3A_467 = arith.constant 0 : i32
      %dma_start3A_468 = tpu.memref_slice %arg4[%add3A, %min3A_460, %dma_start3A_466, %dma_start3A_467] : memref<32x125x2x80xi32, #tpu.memory_space<hbm>> -> memref<1x1x2x80xi32, #tpu.memory_space<hbm>>
      %dma_start3A_469 = tpu.memref_squeeze %dma_start3A_468 : memref<1x1x2x80xi32, #tpu.memory_space<hbm>> -> memref<2x80xi32, #tpu.memory_space<hbm>>
      %dma_start3A_470 = arith.constant 0 : i32
      %dma_start3A_471 = arith.constant 0 : i32
      %dma_start3A_472 = tpu.memref_slice %arg6[%dma_start3A_461, %dma_start3A_470, %dma_start3A_471] : memref<2x2x80xi32, #tpu.memory_space<vmem>> -> memref<1x2x80xi32, #tpu.memory_space<vmem>>
      %dma_start3A_473 = tpu.memref_squeeze %dma_start3A_472 : memref<1x2x80xi32, #tpu.memory_space<vmem>> -> memref<2x80xi32, #tpu.memory_space<vmem>>
      %dma_start3A_474 = arith.constant 0 : i32
      %dma_start3A_475 = arith.constant 0 : i32
      %dma_start3A_476 = tpu.memref_slice %arg4[%add3A, %min3A_460, %dma_start3A_474, %dma_start3A_475] : memref<32x125x2x80xi32, #tpu.memory_space<hbm>> -> memref<1x1x2x80xi32, #tpu.memory_space<hbm>>
      %dma_start3A_477 = tpu.memref_squeeze %dma_start3A_476 : memref<1x1x2x80xi32, #tpu.memory_space<hbm>> -> memref<2x80xi32, #tpu.memory_space<hbm>>
      tpu.enqueue_dma source(%dma_start3A_477 : memref<2x80xi32, #tpu.memory_space<hbm>>) target(%dma_start3A_473 : memref<2x80xi32, #tpu.memory_space<vmem>>) target_semaphore(%arg14 : memref<!tpu.dma_semaphore, #tpu.memory_space<semaphore_mem>>)
      %mul3A_478 = arith.constant 80 : i32
      %mul3A_479 = arith.muli %min3A_460, %mul3A_478 : i32
      %add3A_480 = arith.addi %mul3A_2, %mul3A_479 : i32
      %dma_start3A_481 = arith.constant 1 : i32
      %dma_start3A_482 = arith.constant 0 : i32
      %dma_start3A_483 = arith.constant 0 : i32
      %dma_start3A_484 = tpu.memref_slice %arg7[%dma_start3A_481, %dma_start3A_482, %dma_start3A_483] : memref<2x80x128xf32, #tpu.memory_space<vmem>> -> memref<1x80x128xf32, #tpu.memory_space<vmem>>
      %dma_start3A_485 = tpu.memref_squeeze %dma_start3A_484 : memref<1x80x128xf32, #tpu.memory_space<vmem>> -> memref<80x128xf32, #tpu.memory_space<vmem>>
      %dma_start3A_486 = arith.constant 0 : i32
      %dma_start3A_487 = tpu.memref_slice %arg3[%add3A_480, %dma_start3A_486] : memref<320000x128xf32, #tpu.memory_space<hbm>> -> memref<80x128xf32, #tpu.memory_space<hbm>>
      %dma_start3A_488 = arith.constant 0 : i32
      %dma_start3A_489 = arith.constant 0 : i32
      %dma_start3A_490 = tpu.memref_slice %arg7[%dma_start3A_481, %dma_start3A_488, %dma_start3A_489] : memref<2x80x128xf32, #tpu.memory_space<vmem>> -> memref<1x80x128xf32, #tpu.memory_space<vmem>>
      %dma_start3A_491 = tpu.memref_squeeze %dma_start3A_490 : memref<1x80x128xf32, #tpu.memory_space<vmem>> -> memref<80x128xf32, #tpu.memory_space<vmem>>
      %dma_start3A_492 = arith.constant 0 : i32
      %dma_start3A_493 = tpu.memref_slice %arg3[%add3A_480, %dma_start3A_492] : memref<320000x128xf32, #tpu.memory_space<hbm>> -> memref<80x128xf32, #tpu.memory_space<hbm>>
      tpu.enqueue_dma source(%dma_start3A_493 : memref<80x128xf32, #tpu.memory_space<hbm>>) target(%dma_start3A_491 : memref<80x128xf32, #tpu.memory_space<vmem>>) target_semaphore(%arg16 : memref<!tpu.dma_semaphore, #tpu.memory_space<semaphore_mem>>)
      %scan3A_494 = arith.constant 0 : i32
      scf.yield %scan3A_494 : i32
    }
    %scan3A_148 = arith.constant 62 : i32
    %dma_wait3A_149 = arith.constant 0 : i32
    %dma_wait3A_150 = arith.constant 0 : i32
    %dma_wait3A_151 = arith.constant 0 : i32
    %dma_wait3A_152 = arith.constant 0 : i32
    %dma_wait3A_153 = arith.constant 0 : i32
    %dma_wait3A_154 = tpu.memref_slice %arg7[%dma_wait3A_151, %dma_wait3A_152, %dma_wait3A_153] : memref<2x80x128xf32, #tpu.memory_space<vmem>> -> memref<1x80x128xf32, #tpu.memory_space<vmem>>
    %dma_wait3A_155 = tpu.memref_squeeze %dma_wait3A_154 : memref<1x80x128xf32, #tpu.memory_space<vmem>> -> memref<80x128xf32, #tpu.memory_space<vmem>>
    %dma_wait3A_156 = arith.constant 0 : i32
    %dma_wait3A_157 = tpu.memref_slice %arg6[%dma_wait3A_149, %dma_wait3A_150, %dma_wait3A_156] : memref<2x2x80xi32, #tpu.memory_space<vmem>> -> memref<1x1x80xi32, #tpu.memory_space<vmem>>
    %dma_wait3A_158 = tpu.memref_squeeze %dma_wait3A_157 : memref<1x1x80xi32, #tpu.memory_space<vmem>> -> memref<80xi32, #tpu.memory_space<vmem>>
    %dma_wait3A_159 = arith.constant 0 : i32
    %dma_wait3A_160 = arith.constant 0 : i32
    %dma_wait3A_161 = tpu.memref_slice %arg2[%dma_wait3A_159, %dma_wait3A_160] : memref<10000x128xf32, #tpu.memory_space<hbm>> -> memref<10000x128xf32, #tpu.memory_space<hbm>>
    tpu.wait_indirect_dma semaphore(%arg9 : memref<!tpu.dma_semaphore, #tpu.memory_space<semaphore_mem>>) src(%dma_wait3A_161 : memref<10000x128xf32, #tpu.memory_space<hbm>>) dst(%dma_wait3A_155 : memref<80x128xf32, #tpu.memory_space<vmem>>)
    %scan3A_162 = arith.constant 0 : i32
    %scan3A_163 = arith.constant 0 : i32
    %scan3A_164 = arith.constant 80 : i32
    %scan3A_165 = arith.addi %scan3A_163, %scan3A_164 : i32
    %scan3A_166 = arith.constant 1 : i32
    %scan3A_167 = scf.for %scan3A_227 = %scan3A_163 to %scan3A_165 step %scan3A_166 iter_args(%scan3A_228 = %scan3A_162) -> (i32)  : i32 {
      %get3A = arith.constant 0 : i32
      %get3A_229 = arith.index_cast %get3A : i32 to index
      %get3A_230 = arith.index_cast %scan3A_227 : i32 to index
      %get3A_231 = arith.constant 0 : index
      %get3A_232 = tpu.vector_load %arg7[%get3A_229, %get3A_230, %get3A_231] {strides = array<i32>} : memref<2x80x128xf32, #tpu.memory_space<vmem>>, vector<1x1x16xf32>,
      %get3A_233 = vector.shape_cast %get3A_232 : vector<1x1x16xf32> to vector<16xf32>
      %max3A = arith.constant 0.000000e+00 : f32
      %max3A_234 = vector.broadcast %max3A : f32 to vector<16xf32>
      %max3A_235 = arith.maximumf %get3A_233, %max3A_234 : vector<16xf32>
      %swap3A = arith.constant 0 : i32
      %swap3A_236 = arith.index_cast %swap3A : i32 to index
      %swap3A_237 = arith.index_cast %scan3A_227 : i32 to index
      %swap3A_238 = arith.constant 0 : index
      %swap3A_239 = tpu.vector_load %arg7[%swap3A_236, %swap3A_237, %swap3A_238] {strides = array<i32>} : memref<2x80x128xf32, #tpu.memory_space<vmem>>, vector<1x1x16xf32>,
      %swap3A_240 = vector.shape_cast %swap3A_239 : vector<1x1x16xf32> to vector<16xf32>
      %swap3A_241 = vector.shape_cast %max3A_235 : vector<16xf32> to vector<1x1x16xf32>
      tpu.vector_store %arg7[%swap3A_236, %swap3A_237, %swap3A_238], %swap3A_241 {strides = array<i32>} : memref<2x80x128xf32, #tpu.memory_space<vmem>>, vector<1x1x16xf32>,
      %get3A_242 = arith.constant 0 : i32
      %get3A_243 = arith.index_cast %get3A_242 : i32 to index
      %get3A_244 = arith.index_cast %scan3A_227 : i32 to index
      %get3A_245 = arith.constant 16 : index
      %get3A_246 = tpu.vector_load %arg7[%get3A_243, %get3A_244, %get3A_245] {strides = array<i32>} : memref<2x80x128xf32, #tpu.memory_space<vmem>>, vector<1x1x16xf32>,
      %get3A_247 = vector.shape_cast %get3A_246 : vector<1x1x16xf32> to vector<16xf32>
      %max3A_248 = arith.constant 0.000000e+00 : f32
      %max3A_249 = vector.broadcast %max3A_248 : f32 to vector<16xf32>
      %max3A_250 = arith.maximumf %get3A_247, %max3A_249 : vector<16xf32>
      %swap3A_251 = arith.constant 0 : i32
      %swap3A_252 = arith.index_cast %swap3A_251 : i32 to index
      %swap3A_253 = arith.index_cast %scan3A_227 : i32 to index
      %swap3A_254 = arith.constant 16 : index
      %swap3A_255 = tpu.vector_load %arg7[%swap3A_252, %swap3A_253, %swap3A_254] {strides = array<i32>} : memref<2x80x128xf32, #tpu.memory_space<vmem>>, vector<1x1x16xf32>,
      %swap3A_256 = vector.shape_cast %swap3A_255 : vector<1x1x16xf32> to vector<16xf32>
      %swap3A_257 = vector.shape_cast %max3A_250 : vector<16xf32> to vector<1x1x16xf32>
      tpu.vector_store %arg7[%swap3A_252, %swap3A_253, %swap3A_254], %swap3A_257 {strides = array<i32>} : memref<2x80x128xf32, #tpu.memory_space<vmem>>, vector<1x1x16xf32>,
      %get3A_258 = arith.constant 0 : i32
      %get3A_259 = arith.index_cast %get3A_258 : i32 to index
      %get3A_260 = arith.index_cast %scan3A_227 : i32 to index
      %get3A_261 = arith.constant 32 : index
      %get3A_262 = tpu.vector_load %arg7[%get3A_259, %get3A_260, %get3A_261] {strides = array<i32>} : memref<2x80x128xf32, #tpu.memory_space<vmem>>, vector<1x1x16xf32>,
      %get3A_263 = vector.shape_cast %get3A_262 : vector<1x1x16xf32> to vector<16xf32>
      %max3A_264 = arith.constant 0.000000e+00 : f32
      %max3A_265 = vector.broadcast %max3A_264 : f32 to vector<16xf32>
      %max3A_266 = arith.maximumf %get3A_263, %max3A_265 : vector<16xf32>
      %swap3A_267 = arith.constant 0 : i32
      %swap3A_268 = arith.index_cast %swap3A_267 : i32 to index
      %swap3A_269 = arith.index_cast %scan3A_227 : i32 to index
      %swap3A_270 = arith.constant 32 : index
      %swap3A_271 = tpu.vector_load %arg7[%swap3A_268, %swap3A_269, %swap3A_270] {strides = array<i32>} : memref<2x80x128xf32, #tpu.memory_space<vmem>>, vector<1x1x16xf32>,
      %swap3A_272 = vector.shape_cast %swap3A_271 : vector<1x1x16xf32> to vector<16xf32>
      %swap3A_273 = vector.shape_cast %max3A_266 : vector<16xf32> to vector<1x1x16xf32>
      tpu.vector_store %arg7[%swap3A_268, %swap3A_269, %swap3A_270], %swap3A_273 {strides = array<i32>} : memref<2x80x128xf32, #tpu.memory_space<vmem>>, vector<1x1x16xf32>,
      %get3A_274 = arith.constant 0 : i32
      %get3A_275 = arith.index_cast %get3A_274 : i32 to index
      %get3A_276 = arith.index_cast %scan3A_227 : i32 to index
      %get3A_277 = arith.constant 48 : index
      %get3A_278 = tpu.vector_load %arg7[%get3A_275, %get3A_276, %get3A_277] {strides = array<i32>} : memref<2x80x128xf32, #tpu.memory_space<vmem>>, vector<1x1x16xf32>,
      %get3A_279 = vector.shape_cast %get3A_278 : vector<1x1x16xf32> to vector<16xf32>
      %max3A_280 = arith.constant 0.000000e+00 : f32
      %max3A_281 = vector.broadcast %max3A_280 : f32 to vector<16xf32>
      %max3A_282 = arith.maximumf %get3A_279, %max3A_281 : vector<16xf32>
      %swap3A_283 = arith.constant 0 : i32
      %swap3A_284 = arith.index_cast %swap3A_283 : i32 to index
      %swap3A_285 = arith.index_cast %scan3A_227 : i32 to index
      %swap3A_286 = arith.constant 48 : index
      %swap3A_287 = tpu.vector_load %arg7[%swap3A_284, %swap3A_285, %swap3A_286] {strides = array<i32>} : memref<2x80x128xf32, #tpu.memory_space<vmem>>, vector<1x1x16xf32>,
      %swap3A_288 = vector.shape_cast %swap3A_287 : vector<1x1x16xf32> to vector<16xf32>
      %swap3A_289 = vector.shape_cast %max3A_282 : vector<16xf32> to vector<1x1x16xf32>
      tpu.vector_store %arg7[%swap3A_284, %swap3A_285, %swap3A_286], %swap3A_289 {strides = array<i32>} : memref<2x80x128xf32, #tpu.memory_space<vmem>>, vector<1x1x16xf32>,
      %get3A_290 = arith.constant 0 : i32
      %get3A_291 = arith.index_cast %get3A_290 : i32 to index
      %get3A_292 = arith.index_cast %scan3A_227 : i32 to index
      %get3A_293 = arith.constant 64 : index
      %get3A_294 = tpu.vector_load %arg7[%get3A_291, %get3A_292, %get3A_293] {strides = array<i32>} : memref<2x80x128xf32, #tpu.memory_space<vmem>>, vector<1x1x16xf32>,
      %get3A_295 = vector.shape_cast %get3A_294 : vector<1x1x16xf32> to vector<16xf32>
      %max3A_296 = arith.constant 0.000000e+00 : f32
      %max3A_297 = vector.broadcast %max3A_296 : f32 to vector<16xf32>
      %max3A_298 = arith.maximumf %get3A_295, %max3A_297 : vector<16xf32>
      %swap3A_299 = arith.constant 0 : i32
      %swap3A_300 = arith.index_cast %swap3A_299 : i32 to index
      %swap3A_301 = arith.index_cast %scan3A_227 : i32 to index
      %swap3A_302 = arith.constant 64 : index
      %swap3A_303 = tpu.vector_load %arg7[%swap3A_300, %swap3A_301, %swap3A_302] {strides = array<i32>} : memref<2x80x128xf32, #tpu.memory_space<vmem>>, vector<1x1x16xf32>,
      %swap3A_304 = vector.shape_cast %swap3A_303 : vector<1x1x16xf32> to vector<16xf32>
      %swap3A_305 = vector.shape_cast %max3A_298 : vector<16xf32> to vector<1x1x16xf32>
      tpu.vector_store %arg7[%swap3A_300, %swap3A_301, %swap3A_302], %swap3A_305 {strides = array<i32>} : memref<2x80x128xf32, #tpu.memory_space<vmem>>, vector<1x1x16xf32>,
      %get3A_306 = arith.constant 0 : i32
      %get3A_307 = arith.index_cast %get3A_306 : i32 to index
      %get3A_308 = arith.index_cast %scan3A_227 : i32 to index
      %get3A_309 = arith.constant 80 : index
      %get3A_310 = tpu.vector_load %arg7[%get3A_307, %get3A_308, %get3A_309] {strides = array<i32>} : memref<2x80x128xf32, #tpu.memory_space<vmem>>, vector<1x1x16xf32>,
      %get3A_311 = vector.shape_cast %get3A_310 : vector<1x1x16xf32> to vector<16xf32>
      %max3A_312 = arith.constant 0.000000e+00 : f32
      %max3A_313 = vector.broadcast %max3A_312 : f32 to vector<16xf32>
      %max3A_314 = arith.maximumf %get3A_311, %max3A_313 : vector<16xf32>
      %swap3A_315 = arith.constant 0 : i32
      %swap3A_316 = arith.index_cast %swap3A_315 : i32 to index
      %swap3A_317 = arith.index_cast %scan3A_227 : i32 to index
      %swap3A_318 = arith.constant 80 : index
      %swap3A_319 = tpu.vector_load %arg7[%swap3A_316, %swap3A_317, %swap3A_318] {strides = array<i32>} : memref<2x80x128xf32, #tpu.memory_space<vmem>>, vector<1x1x16xf32>,
      %swap3A_320 = vector.shape_cast %swap3A_319 : vector<1x1x16xf32> to vector<16xf32>
      %swap3A_321 = vector.shape_cast %max3A_314 : vector<16xf32> to vector<1x1x16xf32>
      tpu.vector_store %arg7[%swap3A_316, %swap3A_317, %swap3A_318], %swap3A_321 {strides = array<i32>} : memref<2x80x128xf32, #tpu.memory_space<vmem>>, vector<1x1x16xf32>,
      %get3A_322 = arith.constant 0 : i32
      %get3A_323 = arith.index_cast %get3A_322 : i32 to index
      %get3A_324 = arith.index_cast %scan3A_227 : i32 to index
      %get3A_325 = arith.constant 96 : index
      %get3A_326 = tpu.vector_load %arg7[%get3A_323, %get3A_324, %get3A_325] {strides = array<i32>} : memref<2x80x128xf32, #tpu.memory_space<vmem>>, vector<1x1x16xf32>,
      %get3A_327 = vector.shape_cast %get3A_326 : vector<1x1x16xf32> to vector<16xf32>
      %max3A_328 = arith.constant 0.000000e+00 : f32
      %max3A_329 = vector.broadcast %max3A_328 : f32 to vector<16xf32>
      %max3A_330 = arith.maximumf %get3A_327, %max3A_329 : vector<16xf32>
      %swap3A_331 = arith.constant 0 : i32
      %swap3A_332 = arith.index_cast %swap3A_331 : i32 to index
      %swap3A_333 = arith.index_cast %scan3A_227 : i32 to index
      %swap3A_334 = arith.constant 96 : index
      %swap3A_335 = tpu.vector_load %arg7[%swap3A_332, %swap3A_333, %swap3A_334] {strides = array<i32>} : memref<2x80x128xf32, #tpu.memory_space<vmem>>, vector<1x1x16xf32>,
      %swap3A_336 = vector.shape_cast %swap3A_335 : vector<1x1x16xf32> to vector<16xf32>
      %swap3A_337 = vector.shape_cast %max3A_330 : vector<16xf32> to vector<1x1x16xf32>
      tpu.vector_store %arg7[%swap3A_332, %swap3A_333, %swap3A_334], %swap3A_337 {strides = array<i32>} : memref<2x80x128xf32, #tpu.memory_space<vmem>>, vector<1x1x16xf32>,
      %get3A_338 = arith.constant 0 : i32
      %get3A_339 = arith.index_cast %get3A_338 : i32 to index
      %get3A_340 = arith.index_cast %scan3A_227 : i32 to index
      %get3A_341 = arith.constant 112 : index
      %get3A_342 = tpu.vector_load %arg7[%get3A_339, %get3A_340, %get3A_341] {strides = array<i32>} : memref<2x80x128xf32, #tpu.memory_space<vmem>>, vector<1x1x16xf32>,
      %get3A_343 = vector.shape_cast %get3A_342 : vector<1x1x16xf32> to vector<16xf32>
      %max3A_344 = arith.constant 0.000000e+00 : f32
      %max3A_345 = vector.broadcast %max3A_344 : f32 to vector<16xf32>
      %max3A_346 = arith.maximumf %get3A_343, %max3A_345 : vector<16xf32>
      %swap3A_347 = arith.constant 0 : i32
      %swap3A_348 = arith.index_cast %swap3A_347 : i32 to index
      %swap3A_349 = arith.index_cast %scan3A_227 : i32 to index
      %swap3A_350 = arith.constant 112 : index
      %swap3A_351 = tpu.vector_load %arg7[%swap3A_348, %swap3A_349, %swap3A_350] {strides = array<i32>} : memref<2x80x128xf32, #tpu.memory_space<vmem>>, vector<1x1x16xf32>,
      %swap3A_352 = vector.shape_cast %swap3A_351 : vector<1x1x16xf32> to vector<16xf32>
      %swap3A_353 = vector.shape_cast %max3A_346 : vector<16xf32> to vector<1x1x16xf32>
      tpu.vector_store %arg7[%swap3A_348, %swap3A_349, %swap3A_350], %swap3A_353 {strides = array<i32>} : memref<2x80x128xf32, #tpu.memory_space<vmem>>, vector<1x1x16xf32>,
      %scan3A_354 = arith.constant 0 : i32
      scf.yield %scan3A_354 : i32
    }
    %scan3A_168 = arith.constant 80 : i32
    %dma_start3A_169 = arith.constant 0 : i32
    %dma_start3A_170 = arith.constant 0 : i32
    %dma_start3A_171 = arith.constant 1 : i32
    %dma_start3A_172 = arith.constant 0 : i32
    %dma_start3A_173 = arith.constant 0 : i32
    %dma_start3A_174 = tpu.memref_slice %arg7[%dma_start3A_169, %dma_start3A_172, %dma_start3A_173] : memref<2x80x128xf32, #tpu.memory_space<vmem>> -> memref<1x80x128xf32, #tpu.memory_space<vmem>>
    %dma_start3A_175 = tpu.memref_squeeze %dma_start3A_174 : memref<1x80x128xf32, #tpu.memory_space<vmem>> -> memref<80x128xf32, #tpu.memory_space<vmem>>
    %dma_start3A_176 = arith.constant 0 : i32
    %dma_start3A_177 = tpu.memref_slice %arg6[%dma_start3A_170, %dma_start3A_171, %dma_start3A_176] : memref<2x2x80xi32, #tpu.memory_space<vmem>> -> memref<1x1x80xi32, #tpu.memory_space<vmem>>
    %dma_start3A_178 = tpu.memref_squeeze %dma_start3A_177 : memref<1x1x80xi32, #tpu.memory_space<vmem>> -> memref<80xi32, #tpu.memory_space<vmem>>
    %dma_start3A_179 = arith.constant 0 : i32
    %dma_start3A_180 = arith.constant 0 : i32
    %dma_start3A_181 = tpu.memref_slice %arg8[%dma_start3A_179, %dma_start3A_180] : memref<10240x128xf32, #tpu.memory_space<vmem_shared>> -> memref<10240x128xf32, #tpu.memory_space<vmem_shared>>
    tpu.enqueue_indirect_dma source(%dma_start3A_175 : memref<80x128xf32, #tpu.memory_space<vmem>>) target(%dma_start3A_181 : memref<10240x128xf32, #tpu.memory_space<vmem_shared>>) offsets(%dma_start3A_178 : memref<80xi32, #tpu.memory_space<vmem>>) semaphore(%arg11 : memref<!tpu.dma_semaphore, #tpu.memory_space<semaphore_mem>>) {add = true}
    %dma_wait3A_182 = arith.constant 0 : i32
    %dma_wait3A_183 = arith.constant 0 : i32
    %dma_wait3A_184 = arith.constant 1 : i32
    %dma_wait3A_185 = arith.constant 0 : i32
    %dma_wait3A_186 = arith.constant 0 : i32
    %dma_wait3A_187 = tpu.memref_slice %arg7[%dma_wait3A_182, %dma_wait3A_185, %dma_wait3A_186] : memref<2x80x128xf32, #tpu.memory_space<vmem>> -> memref<1x80x128xf32, #tpu.memory_space<vmem>>
    %dma_wait3A_188 = tpu.memref_squeeze %dma_wait3A_187 : memref<1x80x128xf32, #tpu.memory_space<vmem>> -> memref<80x128xf32, #tpu.memory_space<vmem>>
    %dma_wait3A_189 = arith.constant 0 : i32
    %dma_wait3A_190 = tpu.memref_slice %arg6[%dma_wait3A_183, %dma_wait3A_184, %dma_wait3A_189] : memref<2x2x80xi32, #tpu.memory_space<vmem>> -> memref<1x1x80xi32, #tpu.memory_space<vmem>>
    %dma_wait3A_191 = tpu.memref_squeeze %dma_wait3A_190 : memref<1x1x80xi32, #tpu.memory_space<vmem>> -> memref<80xi32, #tpu.memory_space<vmem>>
    %dma_wait3A_192 = arith.constant 0 : i32
    %dma_wait3A_193 = arith.constant 0 : i32
    %dma_wait3A_194 = tpu.memref_slice %arg8[%dma_wait3A_192, %dma_wait3A_193] : memref<10240x128xf32, #tpu.memory_space<vmem_shared>> -> memref<10240x128xf32, #tpu.memory_space<vmem_shared>>
    tpu.wait_indirect_dma semaphore(%arg11 : memref<!tpu.dma_semaphore, #tpu.memory_space<semaphore_mem>>) src(%dma_wait3A_188 : memref<80x128xf32, #tpu.memory_space<vmem>>) dst(%dma_wait3A_194 : memref<10240x128xf32, #tpu.memory_space<vmem_shared>>)
    %dma_wait3A_195 = arith.constant 0 : i32
    %dma_wait3A_196 = arith.constant 1 : i32
    %dma_wait3A_197 = arith.constant 0 : i32
    %dma_wait3A_198 = arith.constant 0 : i32
    %dma_wait3A_199 = tpu.memref_slice %arg6[%dma_wait3A_196, %dma_wait3A_197, %dma_wait3A_198] : memref<2x2x80xi32, #tpu.memory_space<vmem>> -> memref<1x2x80xi32, #tpu.memory_space<vmem>>
    %dma_wait3A_200 = tpu.memref_squeeze %dma_wait3A_199 : memref<1x2x80xi32, #tpu.memory_space<vmem>> -> memref<2x80xi32, #tpu.memory_space<vmem>>
    %dma_wait3A_201 = arith.constant 0 : i32
    %dma_wait3A_202 = arith.constant 0 : i32
    %dma_wait3A_203 = tpu.memref_slice %arg4[%add3A, %dma_wait3A_195, %dma_wait3A_201, %dma_wait3A_202] : memref<32x125x2x80xi32, #tpu.memory_space<hbm>> -> memref<1x1x2x80xi32, #tpu.memory_space<hbm>>
    %dma_wait3A_204 = tpu.memref_squeeze %dma_wait3A_203 : memref<1x1x2x80xi32, #tpu.memory_space<hbm>> -> memref<2x80xi32, #tpu.memory_space<hbm>>
    %dma_wait3A_205 = arith.constant 0 : i32
    %dma_wait3A_206 = arith.constant 0 : i32
    %dma_wait3A_207 = tpu.memref_slice %arg6[%dma_wait3A_196, %dma_wait3A_205, %dma_wait3A_206] : memref<2x2x80xi32, #tpu.memory_space<vmem>> -> memref<1x2x80xi32, #tpu.memory_space<vmem>>
    %dma_wait3A_208 = tpu.memref_squeeze %dma_wait3A_207 : memref<1x2x80xi32, #tpu.memory_space<vmem>> -> memref<2x80xi32, #tpu.memory_space<vmem>>
    %dma_wait3A_209 = arith.constant 0 : i32
    %dma_wait3A_210 = arith.constant 0 : i32
    %dma_wait3A_211 = tpu.memref_slice %arg4[%add3A, %dma_wait3A_195, %dma_wait3A_209, %dma_wait3A_210] : memref<32x125x2x80xi32, #tpu.memory_space<hbm>> -> memref<1x1x2x80xi32, #tpu.memory_space<hbm>>
    %dma_wait3A_212 = tpu.memref_squeeze %dma_wait3A_211 : memref<1x1x2x80xi32, #tpu.memory_space<hbm>> -> memref<2x80xi32, #tpu.memory_space<hbm>>
    tpu.wait_dma2 semaphore(%arg14 : memref<!tpu.dma_semaphore, #tpu.memory_space<semaphore_mem>>) src(%dma_wait3A_212 : memref<2x80xi32, #tpu.memory_space<hbm>>) dst(%dma_wait3A_208 : memref<2x80xi32, #tpu.memory_space<vmem>>)
    %dma_wait3A_213 = arith.constant 1 : i32
    %dma_wait3A_214 = arith.constant 0 : i32
    %dma_wait3A_215 = arith.constant 0 : i32
    %dma_wait3A_216 = tpu.memref_slice %arg7[%dma_wait3A_213, %dma_wait3A_214, %dma_wait3A_215] : memref<2x80x128xf32, #tpu.memory_space<vmem>> -> memref<1x80x128xf32, #tpu.memory_space<vmem>>
    %dma_wait3A_217 = tpu.memref_squeeze %dma_wait3A_216 : memref<1x80x128xf32, #tpu.memory_space<vmem>> -> memref<80x128xf32, #tpu.memory_space<vmem>>
    %dma_wait3A_218 = arith.constant 0 : i32
    %dma_wait3A_219 = tpu.memref_slice %arg3[%mul3A_2, %dma_wait3A_218] : memref<320000x128xf32, #tpu.memory_space<hbm>> -> memref<80x128xf32, #tpu.memory_space<hbm>>
    %dma_wait3A_220 = arith.constant 0 : i32
    %dma_wait3A_221 = arith.constant 0 : i32
    %dma_wait3A_222 = tpu.memref_slice %arg7[%dma_wait3A_213, %dma_wait3A_220, %dma_wait3A_221] : memref<2x80x128xf32, #tpu.memory_space<vmem>> -> memref<1x80x128xf32, #tpu.memory_space<vmem>>
    %dma_wait3A_223 = tpu.memref_squeeze %dma_wait3A_222 : memref<1x80x128xf32, #tpu.memory_space<vmem>> -> memref<80x128xf32, #tpu.memory_space<vmem>>
    %dma_wait3A_224 = arith.constant 0 : i32
    %dma_wait3A_225 = tpu.memref_slice %arg3[%mul3A_2, %dma_wait3A_224] : memref<320000x128xf32, #tpu.memory_space<hbm>> -> memref<80x128xf32, #tpu.memory_space<hbm>>
    tpu.wait_dma2 semaphore(%arg16 : memref<!tpu.dma_semaphore, #tpu.memory_space<semaphore_mem>>) src(%dma_wait3A_225 : memref<80x128xf32, #tpu.memory_space<hbm>>) dst(%dma_wait3A_223 : memref<80x128xf32, #tpu.memory_space<vmem>>)
    %barrier3A_226 = arith.constant 0 : index
    tpu.barrier barrier_id(%barrier3A_226)
    "tpu.region"() ({
      %run_scoped3A_227 = tpu.sem_alloc : memref<!tpu.dma_semaphore, #tpu.memory_space<semaphore_mem>>
      %dma_start3A_228 = arith.constant 0 : i32
      %dma_start3A_229 = tpu.memref_slice %arg5[%arg0, %mul3A_10, %dma_start3A_228] : memref<2x10240x128xf32, #tpu.memory_space<hbm>> -> memref<1x640x128xf32, #tpu.memory_space<hbm>>
      %dma_start3A_230 = tpu.memref_squeeze %dma_start3A_229 : memref<1x640x128xf32, #tpu.memory_space<hbm>> -> memref<640x128xf32, #tpu.memory_space<hbm>>
      %dma_start3A_231 = arith.constant 0 : i32
      %dma_start3A_232 = tpu.memref_slice %arg8[%mul3A_10, %dma_start3A_231] : memref<10240x128xf32, #tpu.memory_space<vmem_shared>> -> memref<640x128xf32, #tpu.memory_space<vmem_shared>>
      tpu.enqueue_dma source(%dma_start3A_232 : memref<640x128xf32, #tpu.memory_space<vmem_shared>>) target(%dma_start3A_230 : memref<640x128xf32, #tpu.memory_space<hbm>>) target_semaphore(%run_scoped3A_227 : memref<!tpu.dma_semaphore, #tpu.memory_space<semaphore_mem>>)
      %dma_wait3A_233 = arith.constant 0 : i32
      %dma_wait3A_234 = tpu.memref_slice %arg5[%arg0, %mul3A_10, %dma_wait3A_233] : memref<2x10240x128xf32, #tpu.memory_space<hbm>> -> memref<1x640x128xf32, #tpu.memory_space<hbm>>
      %dma_wait3A_235 = tpu.memref_squeeze %dma_wait3A_234 : memref<1x640x128xf32, #tpu.memory_space<hbm>> -> memref<640x128xf32, #tpu.memory_space<hbm>>
      %dma_wait3A_236 = arith.constant 0 : i32
      %dma_wait3A_237 = tpu.memref_slice %arg8[%mul3A_10, %dma_wait3A_236] : memref<10240x128xf32, #tpu.memory_space<vmem_shared>> -> memref<640x128xf32, #tpu.memory_space<vmem_shared>>
      tpu.wait_dma2 semaphore(%run_scoped3A_227 : memref<!tpu.dma_semaphore, #tpu.memory_space<semaphore_mem>>) src(%dma_wait3A_237 : memref<640x128xf32, #tpu.memory_space<vmem_shared>>) dst(%dma_wait3A_235 : memref<640x128xf32, #tpu.memory_space<hbm>>)
      tpu.yield
    }) : () -> ()
    return
  }
}

#map = affine_map<(d0, d1) -> (0, 0)>
#map1 = affine_map<(d0, d1) -> (0, 0, 0, 0)>
#map2 = affine_map<(d0, d1) -> (0, 0, 0)>
module attributes {stable_mosaic.version = 14 : i64} {
  func.func @sc_edge(%arg0: i32, %arg1: i32, %arg2: memref<10000x128xf32, #tpu.memory_space<hbm>>, %arg3: memref<320000x128xf32, #tpu.memory_space<hbm>>, %arg4: memref<32x125x2x80xi32, #tpu.memory_space<hbm>>, %arg5: memref<2x10240x128xf32, #tpu.memory_space<hbm>>, %arg6: memref<2x2x80xi32, #tpu.memory_space<vmem>>, %arg7: memref<2x80x128xf32, #tpu.memory_space<vmem>>, %arg8: memref<10240x128xf32, #tpu.memory_space<vmem_shared>>, %arg9: memref<!tpu.dma_semaphore, #tpu.memory_space<semaphore_mem>>, %arg10: memref<!tpu.dma_semaphore, #tpu.memory_space<semaphore_mem>>, %arg11: memref<!tpu.dma_semaphore, #tpu.memory_space<semaphore_mem>>, %arg12: memref<!tpu.dma_semaphore, #tpu.memory_space<semaphore_mem>>, %arg13: memref<!tpu.dma_semaphore, #tpu.memory_space<semaphore_mem>>, %arg14: memref<!tpu.dma_semaphore, #tpu.memory_space<semaphore_mem>>, %arg15: memref<!tpu.dma_semaphore, #tpu.memory_space<semaphore_mem>>, %arg16: memref<!tpu.dma_semaphore, #tpu.memory_space<semaphore_mem>>) attributes {dimension_semantics = [#tpu.dimension_semantics<core_parallel>, #tpu.dimension_semantics<subcore_parallel>], iteration_bounds = array<i64: 2, 16>, scalar_prefetch = 0 : i64, scratch_operands = 11 : i64, tpu.core_type = #tpu.core_type<sc_vector_subcore>, window_params = [{transform_indices = #map}, {transform_indices = #map}, {transform_indices = #map1}, {transform_indices = #map2}]} {
    %mul3A = arith.constant 2 : i32
    %mul3A_0 = arith.muli %arg1, %mul3A : i32
    %add3A = arith.addi %mul3A_0, %arg0 : i32
    %mul3A_1 = arith.constant 10000 : i32
    %mul3A_2 = arith.muli %add3A, %mul3A_1 : i32
    %scan3A = arith.constant 0 : i32
    %scan3A_3 = arith.constant 0 : i32
    %scan3A_4 = arith.constant 80 : i32
    %scan3A_5 = arith.addi %scan3A_3, %scan3A_4 : i32
    %scan3A_6 = arith.constant 1 : i32
    %scan3A_7 = scf.for %scan3A_227 = %scan3A_3 to %scan3A_5 step %scan3A_6 iter_args(%scan3A_228 = %scan3A) -> (i32)  : i32 {
      %broadcast_in_dim3A = arith.constant 0.000000e+00 : f32
      %broadcast_in_dim3A_229 = vector.broadcast %broadcast_in_dim3A : f32 to vector<16xf32>
      %swap3A = arith.constant 0 : i32
      %swap3A_230 = arith.index_cast %swap3A : i32 to index
      %swap3A_231 = arith.index_cast %scan3A_227 : i32 to index
      %swap3A_232 = arith.constant 0 : index
      %swap3A_233 = tpu.vector_load %arg7[%swap3A_230, %swap3A_231, %swap3A_232] {strides = array<i32>} : memref<2x80x128xf32, #tpu.memory_space<vmem>>, vector<1x1x16xf32>,
      %swap3A_234 = vector.shape_cast %swap3A_233 : vector<1x1x16xf32> to vector<16xf32>
      %swap3A_235 = vector.shape_cast %broadcast_in_dim3A_229 : vector<16xf32> to vector<1x1x16xf32>
      tpu.vector_store %arg7[%swap3A_230, %swap3A_231, %swap3A_232], %swap3A_235 {strides = array<i32>} : memref<2x80x128xf32, #tpu.memory_space<vmem>>, vector<1x1x16xf32>,
      %broadcast_in_dim3A_236 = arith.constant 0.000000e+00 : f32
      %broadcast_in_dim3A_237 = vector.broadcast %broadcast_in_dim3A_236 : f32 to vector<16xf32>
      %swap3A_238 = arith.constant 0 : i32
      %swap3A_239 = arith.index_cast %swap3A_238 : i32 to index
      %swap3A_240 = arith.index_cast %scan3A_227 : i32 to index
      %swap3A_241 = arith.constant 16 : index
      %swap3A_242 = tpu.vector_load %arg7[%swap3A_239, %swap3A_240, %swap3A_241] {strides = array<i32>} : memref<2x80x128xf32, #tpu.memory_space<vmem>>, vector<1x1x16xf32>,
      %swap3A_243 = vector.shape_cast %swap3A_242 : vector<1x1x16xf32> to vector<16xf32>
      %swap3A_244 = vector.shape_cast %broadcast_in_dim3A_237 : vector<16xf32> to vector<1x1x16xf32>
      tpu.vector_store %arg7[%swap3A_239, %swap3A_240, %swap3A_241], %swap3A_244 {strides = array<i32>} : memref<2x80x128xf32, #tpu.memory_space<vmem>>, vector<1x1x16xf32>,
      %broadcast_in_dim3A_245 = arith.constant 0.000000e+00 : f32
      %broadcast_in_dim3A_246 = vector.broadcast %broadcast_in_dim3A_245 : f32 to vector<16xf32>
      %swap3A_247 = arith.constant 0 : i32
      %swap3A_248 = arith.index_cast %swap3A_247 : i32 to index
      %swap3A_249 = arith.index_cast %scan3A_227 : i32 to index
      %swap3A_250 = arith.constant 32 : index
      %swap3A_251 = tpu.vector_load %arg7[%swap3A_248, %swap3A_249, %swap3A_250] {strides = array<i32>} : memref<2x80x128xf32, #tpu.memory_space<vmem>>, vector<1x1x16xf32>,
      %swap3A_252 = vector.shape_cast %swap3A_251 : vector<1x1x16xf32> to vector<16xf32>
      %swap3A_253 = vector.shape_cast %broadcast_in_dim3A_246 : vector<16xf32> to vector<1x1x16xf32>
      tpu.vector_store %arg7[%swap3A_248, %swap3A_249, %swap3A_250], %swap3A_253 {strides = array<i32>} : memref<2x80x128xf32, #tpu.memory_space<vmem>>, vector<1x1x16xf32>,
      %broadcast_in_dim3A_254 = arith.constant 0.000000e+00 : f32
      %broadcast_in_dim3A_255 = vector.broadcast %broadcast_in_dim3A_254 : f32 to vector<16xf32>
      %swap3A_256 = arith.constant 0 : i32
      %swap3A_257 = arith.index_cast %swap3A_256 : i32 to index
      %swap3A_258 = arith.index_cast %scan3A_227 : i32 to index
      %swap3A_259 = arith.constant 48 : index
      %swap3A_260 = tpu.vector_load %arg7[%swap3A_257, %swap3A_258, %swap3A_259] {strides = array<i32>} : memref<2x80x128xf32, #tpu.memory_space<vmem>>, vector<1x1x16xf32>,
      %swap3A_261 = vector.shape_cast %swap3A_260 : vector<1x1x16xf32> to vector<16xf32>
      %swap3A_262 = vector.shape_cast %broadcast_in_dim3A_255 : vector<16xf32> to vector<1x1x16xf32>
      tpu.vector_store %arg7[%swap3A_257, %swap3A_258, %swap3A_259], %swap3A_262 {strides = array<i32>} : memref<2x80x128xf32, #tpu.memory_space<vmem>>, vector<1x1x16xf32>,
      %broadcast_in_dim3A_263 = arith.constant 0.000000e+00 : f32
      %broadcast_in_dim3A_264 = vector.broadcast %broadcast_in_dim3A_263 : f32 to vector<16xf32>
      %swap3A_265 = arith.constant 0 : i32
      %swap3A_266 = arith.index_cast %swap3A_265 : i32 to index
      %swap3A_267 = arith.index_cast %scan3A_227 : i32 to index
      %swap3A_268 = arith.constant 64 : index
      %swap3A_269 = tpu.vector_load %arg7[%swap3A_266, %swap3A_267, %swap3A_268] {strides = array<i32>} : memref<2x80x128xf32, #tpu.memory_space<vmem>>, vector<1x1x16xf32>,
      %swap3A_270 = vector.shape_cast %swap3A_269 : vector<1x1x16xf32> to vector<16xf32>
      %swap3A_271 = vector.shape_cast %broadcast_in_dim3A_264 : vector<16xf32> to vector<1x1x16xf32>
      tpu.vector_store %arg7[%swap3A_266, %swap3A_267, %swap3A_268], %swap3A_271 {strides = array<i32>} : memref<2x80x128xf32, #tpu.memory_space<vmem>>, vector<1x1x16xf32>,
      %broadcast_in_dim3A_272 = arith.constant 0.000000e+00 : f32
      %broadcast_in_dim3A_273 = vector.broadcast %broadcast_in_dim3A_272 : f32 to vector<16xf32>
      %swap3A_274 = arith.constant 0 : i32
      %swap3A_275 = arith.index_cast %swap3A_274 : i32 to index
      %swap3A_276 = arith.index_cast %scan3A_227 : i32 to index
      %swap3A_277 = arith.constant 80 : index
      %swap3A_278 = tpu.vector_load %arg7[%swap3A_275, %swap3A_276, %swap3A_277] {strides = array<i32>} : memref<2x80x128xf32, #tpu.memory_space<vmem>>, vector<1x1x16xf32>,
      %swap3A_279 = vector.shape_cast %swap3A_278 : vector<1x1x16xf32> to vector<16xf32>
      %swap3A_280 = vector.shape_cast %broadcast_in_dim3A_273 : vector<16xf32> to vector<1x1x16xf32>
      tpu.vector_store %arg7[%swap3A_275, %swap3A_276, %swap3A_277], %swap3A_280 {strides = array<i32>} : memref<2x80x128xf32, #tpu.memory_space<vmem>>, vector<1x1x16xf32>,
      %broadcast_in_dim3A_281 = arith.constant 0.000000e+00 : f32
      %broadcast_in_dim3A_282 = vector.broadcast %broadcast_in_dim3A_281 : f32 to vector<16xf32>
      %swap3A_283 = arith.constant 0 : i32
      %swap3A_284 = arith.index_cast %swap3A_283 : i32 to index
      %swap3A_285 = arith.index_cast %scan3A_227 : i32 to index
      %swap3A_286 = arith.constant 96 : index
      %swap3A_287 = tpu.vector_load %arg7[%swap3A_284, %swap3A_285, %swap3A_286] {strides = array<i32>} : memref<2x80x128xf32, #tpu.memory_space<vmem>>, vector<1x1x16xf32>,
      %swap3A_288 = vector.shape_cast %swap3A_287 : vector<1x1x16xf32> to vector<16xf32>
      %swap3A_289 = vector.shape_cast %broadcast_in_dim3A_282 : vector<16xf32> to vector<1x1x16xf32>
      tpu.vector_store %arg7[%swap3A_284, %swap3A_285, %swap3A_286], %swap3A_289 {strides = array<i32>} : memref<2x80x128xf32, #tpu.memory_space<vmem>>, vector<1x1x16xf32>,
      %broadcast_in_dim3A_290 = arith.constant 0.000000e+00 : f32
      %broadcast_in_dim3A_291 = vector.broadcast %broadcast_in_dim3A_290 : f32 to vector<16xf32>
      %swap3A_292 = arith.constant 0 : i32
      %swap3A_293 = arith.index_cast %swap3A_292 : i32 to index
      %swap3A_294 = arith.index_cast %scan3A_227 : i32 to index
      %swap3A_295 = arith.constant 112 : index
      %swap3A_296 = tpu.vector_load %arg7[%swap3A_293, %swap3A_294, %swap3A_295] {strides = array<i32>} : memref<2x80x128xf32, #tpu.memory_space<vmem>>, vector<1x1x16xf32>,
      %swap3A_297 = vector.shape_cast %swap3A_296 : vector<1x1x16xf32> to vector<16xf32>
      %swap3A_298 = vector.shape_cast %broadcast_in_dim3A_291 : vector<16xf32> to vector<1x1x16xf32>
      tpu.vector_store %arg7[%swap3A_293, %swap3A_294, %swap3A_295], %swap3A_298 {strides = array<i32>} : memref<2x80x128xf32, #tpu.memory_space<vmem>>, vector<1x1x16xf32>,
      %scan3A_299 = arith.constant 0 : i32
      scf.yield %scan3A_299 : i32
    }
    %scan3A_8 = arith.constant 80 : i32
    %mul3A_9 = arith.constant 640 : i32
    %mul3A_10 = arith.muli %arg1, %mul3A_9 : i32
    %add3A_11 = arith.constant 0 : i32
    %add3A_12 = arith.addi %mul3A_10, %add3A_11 : i32
    %run_scoped3A = arith.constant 0 : i32
    "tpu.region"() ({
      %run_scoped3A_227 = tpu.sem_alloc : memref<!tpu.dma_semaphore, #tpu.memory_space<semaphore_mem>>
      %dma_start3A_228 = arith.constant 0 : i32
      %dma_start3A_229 = arith.constant 0 : i32
      %dma_start3A_230 = tpu.memref_slice %arg7[%run_scoped3A, %dma_start3A_228, %dma_start3A_229] : memref<2x80x128xf32, #tpu.memory_space<vmem>> -> memref<1x80x128xf32, #tpu.memory_space<vmem>>
      %dma_start3A_231 = tpu.memref_squeeze %dma_start3A_230 : memref<1x80x128xf32, #tpu.memory_space<vmem>> -> memref<80x128xf32, #tpu.memory_space<vmem>>
      %dma_start3A_232 = arith.constant 0 : i32
      %dma_start3A_233 = tpu.memref_slice %arg8[%add3A_12, %dma_start3A_232] : memref<10240x128xf32, #tpu.memory_space<vmem_shared>> -> memref<80x128xf32, #tpu.memory_space<vmem_shared>>
      %dma_start3A_234 = arith.constant 0 : i32
      %dma_start3A_235 = tpu.memref_slice %arg8[%add3A_12, %dma_start3A_234] : memref<10240x128xf32, #tpu.memory_space<vmem_shared>> -> memref<80x128xf32, #tpu.memory_space<vmem_shared>>
      %dma_start3A_236 = arith.constant 0 : i32
      %dma_start3A_237 = arith.constant 0 : i32
      %dma_start3A_238 = tpu.memref_slice %arg7[%run_scoped3A, %dma_start3A_236, %dma_start3A_237] : memref<2x80x128xf32, #tpu.memory_space<vmem>> -> memref<1x80x128xf32, #tpu.memory_space<vmem>>
      %dma_start3A_239 = tpu.memref_squeeze %dma_start3A_238 : memref<1x80x128xf32, #tpu.memory_space<vmem>> -> memref<80x128xf32, #tpu.memory_space<vmem>>
      tpu.enqueue_dma source(%dma_start3A_239 : memref<80x128xf32, #tpu.memory_space<vmem>>) target(%dma_start3A_235 : memref<80x128xf32, #tpu.memory_space<vmem_shared>>) target_semaphore(%run_scoped3A_227 : memref<!tpu.dma_semaphore, #tpu.memory_space<semaphore_mem>>)
      %dma_wait3A_240 = arith.constant 0 : i32
      %dma_wait3A_241 = arith.constant 0 : i32
      %dma_wait3A_242 = tpu.memref_slice %arg7[%run_scoped3A, %dma_wait3A_240, %dma_wait3A_241] : memref<2x80x128xf32, #tpu.memory_space<vmem>> -> memref<1x80x128xf32, #tpu.memory_space<vmem>>
      %dma_wait3A_243 = tpu.memref_squeeze %dma_wait3A_242 : memref<1x80x128xf32, #tpu.memory_space<vmem>> -> memref<80x128xf32, #tpu.memory_space<vmem>>
      %dma_wait3A_244 = arith.constant 0 : i32
      %dma_wait3A_245 = tpu.memref_slice %arg8[%add3A_12, %dma_wait3A_244] : memref<10240x128xf32, #tpu.memory_space<vmem_shared>> -> memref<80x128xf32, #tpu.memory_space<vmem_shared>>
      %dma_wait3A_246 = arith.constant 0 : i32
      %dma_wait3A_247 = tpu.memref_slice %arg8[%add3A_12, %dma_wait3A_246] : memref<10240x128xf32, #tpu.memory_space<vmem_shared>> -> memref<80x128xf32, #tpu.memory_space<vmem_shared>>
      %dma_wait3A_248 = arith.constant 0 : i32
      %dma_wait3A_249 = arith.constant 0 : i32
      %dma_wait3A_250 = tpu.memref_slice %arg7[%run_scoped3A, %dma_wait3A_248, %dma_wait3A_249] : memref<2x80x128xf32, #tpu.memory_space<vmem>> -> memref<1x80x128xf32, #tpu.memory_space<vmem>>
      %dma_wait3A_251 = tpu.memref_squeeze %dma_wait3A_250 : memref<1x80x128xf32, #tpu.memory_space<vmem>> -> memref<80x128xf32, #tpu.memory_space<vmem>>
      tpu.wait_dma2 semaphore(%run_scoped3A_227 : memref<!tpu.dma_semaphore, #tpu.memory_space<semaphore_mem>>) src(%dma_wait3A_251 : memref<80x128xf32, #tpu.memory_space<vmem>>) dst(%dma_wait3A_247 : memref<80x128xf32, #tpu.memory_space<vmem_shared>>)
      tpu.yield
    }) : () -> ()
    %add3A_13 = arith.constant 80 : i32
    %add3A_14 = arith.addi %mul3A_10, %add3A_13 : i32
    %run_scoped3A_15 = arith.constant 0 : i32
    "tpu.region"() ({
      %run_scoped3A_227 = tpu.sem_alloc : memref<!tpu.dma_semaphore, #tpu.memory_space<semaphore_mem>>
      %dma_start3A_228 = arith.constant 0 : i32
      %dma_start3A_229 = arith.constant 0 : i32
      %dma_start3A_230 = tpu.memref_slice %arg7[%run_scoped3A_15, %dma_start3A_228, %dma_start3A_229] : memref<2x80x128xf32, #tpu.memory_space<vmem>> -> memref<1x80x128xf32, #tpu.memory_space<vmem>>
      %dma_start3A_231 = tpu.memref_squeeze %dma_start3A_230 : memref<1x80x128xf32, #tpu.memory_space<vmem>> -> memref<80x128xf32, #tpu.memory_space<vmem>>
      %dma_start3A_232 = arith.constant 0 : i32
      %dma_start3A_233 = tpu.memref_slice %arg8[%add3A_14, %dma_start3A_232] : memref<10240x128xf32, #tpu.memory_space<vmem_shared>> -> memref<80x128xf32, #tpu.memory_space<vmem_shared>>
      %dma_start3A_234 = arith.constant 0 : i32
      %dma_start3A_235 = tpu.memref_slice %arg8[%add3A_14, %dma_start3A_234] : memref<10240x128xf32, #tpu.memory_space<vmem_shared>> -> memref<80x128xf32, #tpu.memory_space<vmem_shared>>
      %dma_start3A_236 = arith.constant 0 : i32
      %dma_start3A_237 = arith.constant 0 : i32
      %dma_start3A_238 = tpu.memref_slice %arg7[%run_scoped3A_15, %dma_start3A_236, %dma_start3A_237] : memref<2x80x128xf32, #tpu.memory_space<vmem>> -> memref<1x80x128xf32, #tpu.memory_space<vmem>>
      %dma_start3A_239 = tpu.memref_squeeze %dma_start3A_238 : memref<1x80x128xf32, #tpu.memory_space<vmem>> -> memref<80x128xf32, #tpu.memory_space<vmem>>
      tpu.enqueue_dma source(%dma_start3A_239 : memref<80x128xf32, #tpu.memory_space<vmem>>) target(%dma_start3A_235 : memref<80x128xf32, #tpu.memory_space<vmem_shared>>) target_semaphore(%run_scoped3A_227 : memref<!tpu.dma_semaphore, #tpu.memory_space<semaphore_mem>>)
      %dma_wait3A_240 = arith.constant 0 : i32
      %dma_wait3A_241 = arith.constant 0 : i32
      %dma_wait3A_242 = tpu.memref_slice %arg7[%run_scoped3A_15, %dma_wait3A_240, %dma_wait3A_241] : memref<2x80x128xf32, #tpu.memory_space<vmem>> -> memref<1x80x128xf32, #tpu.memory_space<vmem>>
      %dma_wait3A_243 = tpu.memref_squeeze %dma_wait3A_242 : memref<1x80x128xf32, #tpu.memory_space<vmem>> -> memref<80x128xf32, #tpu.memory_space<vmem>>
      %dma_wait3A_244 = arith.constant 0 : i32
      %dma_wait3A_245 = tpu.memref_slice %arg8[%add3A_14, %dma_wait3A_244] : memref<10240x128xf32, #tpu.memory_space<vmem_shared>> -> memref<80x128xf32, #tpu.memory_space<vmem_shared>>
      %dma_wait3A_246 = arith.constant 0 : i32
      %dma_wait3A_247 = tpu.memref_slice %arg8[%add3A_14, %dma_wait3A_246] : memref<10240x128xf32, #tpu.memory_space<vmem_shared>> -> memref<80x128xf32, #tpu.memory_space<vmem_shared>>
      %dma_wait3A_248 = arith.constant 0 : i32
      %dma_wait3A_249 = arith.constant 0 : i32
      %dma_wait3A_250 = tpu.memref_slice %arg7[%run_scoped3A_15, %dma_wait3A_248, %dma_wait3A_249] : memref<2x80x128xf32, #tpu.memory_space<vmem>> -> memref<1x80x128xf32, #tpu.memory_space<vmem>>
      %dma_wait3A_251 = tpu.memref_squeeze %dma_wait3A_250 : memref<1x80x128xf32, #tpu.memory_space<vmem>> -> memref<80x128xf32, #tpu.memory_space<vmem>>
      tpu.wait_dma2 semaphore(%run_scoped3A_227 : memref<!tpu.dma_semaphore, #tpu.memory_space<semaphore_mem>>) src(%dma_wait3A_251 : memref<80x128xf32, #tpu.memory_space<vmem>>) dst(%dma_wait3A_247 : memref<80x128xf32, #tpu.memory_space<vmem_shared>>)
      tpu.yield
    }) : () -> ()
    %add3A_16 = arith.constant 160 : i32
    %add3A_17 = arith.addi %mul3A_10, %add3A_16 : i32
    %run_scoped3A_18 = arith.constant 0 : i32
    "tpu.region"() ({
      %run_scoped3A_227 = tpu.sem_alloc : memref<!tpu.dma_semaphore, #tpu.memory_space<semaphore_mem>>
      %dma_start3A_228 = arith.constant 0 : i32
      %dma_start3A_229 = arith.constant 0 : i32
      %dma_start3A_230 = tpu.memref_slice %arg7[%run_scoped3A_18, %dma_start3A_228, %dma_start3A_229] : memref<2x80x128xf32, #tpu.memory_space<vmem>> -> memref<1x80x128xf32, #tpu.memory_space<vmem>>
      %dma_start3A_231 = tpu.memref_squeeze %dma_start3A_230 : memref<1x80x128xf32, #tpu.memory_space<vmem>> -> memref<80x128xf32, #tpu.memory_space<vmem>>
      %dma_start3A_232 = arith.constant 0 : i32
      %dma_start3A_233 = tpu.memref_slice %arg8[%add3A_17, %dma_start3A_232] : memref<10240x128xf32, #tpu.memory_space<vmem_shared>> -> memref<80x128xf32, #tpu.memory_space<vmem_shared>>
      %dma_start3A_234 = arith.constant 0 : i32
      %dma_start3A_235 = tpu.memref_slice %arg8[%add3A_17, %dma_start3A_234] : memref<10240x128xf32, #tpu.memory_space<vmem_shared>> -> memref<80x128xf32, #tpu.memory_space<vmem_shared>>
      %dma_start3A_236 = arith.constant 0 : i32
      %dma_start3A_237 = arith.constant 0 : i32
      %dma_start3A_238 = tpu.memref_slice %arg7[%run_scoped3A_18, %dma_start3A_236, %dma_start3A_237] : memref<2x80x128xf32, #tpu.memory_space<vmem>> -> memref<1x80x128xf32, #tpu.memory_space<vmem>>
      %dma_start3A_239 = tpu.memref_squeeze %dma_start3A_238 : memref<1x80x128xf32, #tpu.memory_space<vmem>> -> memref<80x128xf32, #tpu.memory_space<vmem>>
      tpu.enqueue_dma source(%dma_start3A_239 : memref<80x128xf32, #tpu.memory_space<vmem>>) target(%dma_start3A_235 : memref<80x128xf32, #tpu.memory_space<vmem_shared>>) target_semaphore(%run_scoped3A_227 : memref<!tpu.dma_semaphore, #tpu.memory_space<semaphore_mem>>)
      %dma_wait3A_240 = arith.constant 0 : i32
      %dma_wait3A_241 = arith.constant 0 : i32
      %dma_wait3A_242 = tpu.memref_slice %arg7[%run_scoped3A_18, %dma_wait3A_240, %dma_wait3A_241] : memref<2x80x128xf32, #tpu.memory_space<vmem>> -> memref<1x80x128xf32, #tpu.memory_space<vmem>>
      %dma_wait3A_243 = tpu.memref_squeeze %dma_wait3A_242 : memref<1x80x128xf32, #tpu.memory_space<vmem>> -> memref<80x128xf32, #tpu.memory_space<vmem>>
      %dma_wait3A_244 = arith.constant 0 : i32
      %dma_wait3A_245 = tpu.memref_slice %arg8[%add3A_17, %dma_wait3A_244] : memref<10240x128xf32, #tpu.memory_space<vmem_shared>> -> memref<80x128xf32, #tpu.memory_space<vmem_shared>>
      %dma_wait3A_246 = arith.constant 0 : i32
      %dma_wait3A_247 = tpu.memref_slice %arg8[%add3A_17, %dma_wait3A_246] : memref<10240x128xf32, #tpu.memory_space<vmem_shared>> -> memref<80x128xf32, #tpu.memory_space<vmem_shared>>
      %dma_wait3A_248 = arith.constant 0 : i32
      %dma_wait3A_249 = arith.constant 0 : i32
      %dma_wait3A_250 = tpu.memref_slice %arg7[%run_scoped3A_18, %dma_wait3A_248, %dma_wait3A_249] : memref<2x80x128xf32, #tpu.memory_space<vmem>> -> memref<1x80x128xf32, #tpu.memory_space<vmem>>
      %dma_wait3A_251 = tpu.memref_squeeze %dma_wait3A_250 : memref<1x80x128xf32, #tpu.memory_space<vmem>> -> memref<80x128xf32, #tpu.memory_space<vmem>>
      tpu.wait_dma2 semaphore(%run_scoped3A_227 : memref<!tpu.dma_semaphore, #tpu.memory_space<semaphore_mem>>) src(%dma_wait3A_251 : memref<80x128xf32, #tpu.memory_space<vmem>>) dst(%dma_wait3A_247 : memref<80x128xf32, #tpu.memory_space<vmem_shared>>)
      tpu.yield
    }) : () -> ()
    %add3A_19 = arith.constant 240 : i32
    %add3A_20 = arith.addi %mul3A_10, %add3A_19 : i32
    %run_scoped3A_21 = arith.constant 0 : i32
    "tpu.region"() ({
      %run_scoped3A_227 = tpu.sem_alloc : memref<!tpu.dma_semaphore, #tpu.memory_space<semaphore_mem>>
      %dma_start3A_228 = arith.constant 0 : i32
      %dma_start3A_229 = arith.constant 0 : i32
      %dma_start3A_230 = tpu.memref_slice %arg7[%run_scoped3A_21, %dma_start3A_228, %dma_start3A_229] : memref<2x80x128xf32, #tpu.memory_space<vmem>> -> memref<1x80x128xf32, #tpu.memory_space<vmem>>
      %dma_start3A_231 = tpu.memref_squeeze %dma_start3A_230 : memref<1x80x128xf32, #tpu.memory_space<vmem>> -> memref<80x128xf32, #tpu.memory_space<vmem>>
      %dma_start3A_232 = arith.constant 0 : i32
      %dma_start3A_233 = tpu.memref_slice %arg8[%add3A_20, %dma_start3A_232] : memref<10240x128xf32, #tpu.memory_space<vmem_shared>> -> memref<80x128xf32, #tpu.memory_space<vmem_shared>>
      %dma_start3A_234 = arith.constant 0 : i32
      %dma_start3A_235 = tpu.memref_slice %arg8[%add3A_20, %dma_start3A_234] : memref<10240x128xf32, #tpu.memory_space<vmem_shared>> -> memref<80x128xf32, #tpu.memory_space<vmem_shared>>
      %dma_start3A_236 = arith.constant 0 : i32
      %dma_start3A_237 = arith.constant 0 : i32
      %dma_start3A_238 = tpu.memref_slice %arg7[%run_scoped3A_21, %dma_start3A_236, %dma_start3A_237] : memref<2x80x128xf32, #tpu.memory_space<vmem>> -> memref<1x80x128xf32, #tpu.memory_space<vmem>>
      %dma_start3A_239 = tpu.memref_squeeze %dma_start3A_238 : memref<1x80x128xf32, #tpu.memory_space<vmem>> -> memref<80x128xf32, #tpu.memory_space<vmem>>
      tpu.enqueue_dma source(%dma_start3A_239 : memref<80x128xf32, #tpu.memory_space<vmem>>) target(%dma_start3A_235 : memref<80x128xf32, #tpu.memory_space<vmem_shared>>) target_semaphore(%run_scoped3A_227 : memref<!tpu.dma_semaphore, #tpu.memory_space<semaphore_mem>>)
      %dma_wait3A_240 = arith.constant 0 : i32
      %dma_wait3A_241 = arith.constant 0 : i32
      %dma_wait3A_242 = tpu.memref_slice %arg7[%run_scoped3A_21, %dma_wait3A_240, %dma_wait3A_241] : memref<2x80x128xf32, #tpu.memory_space<vmem>> -> memref<1x80x128xf32, #tpu.memory_space<vmem>>
      %dma_wait3A_243 = tpu.memref_squeeze %dma_wait3A_242 : memref<1x80x128xf32, #tpu.memory_space<vmem>> -> memref<80x128xf32, #tpu.memory_space<vmem>>
      %dma_wait3A_244 = arith.constant 0 : i32
      %dma_wait3A_245 = tpu.memref_slice %arg8[%add3A_20, %dma_wait3A_244] : memref<10240x128xf32, #tpu.memory_space<vmem_shared>> -> memref<80x128xf32, #tpu.memory_space<vmem_shared>>
      %dma_wait3A_246 = arith.constant 0 : i32
      %dma_wait3A_247 = tpu.memref_slice %arg8[%add3A_20, %dma_wait3A_246] : memref<10240x128xf32, #tpu.memory_space<vmem_shared>> -> memref<80x128xf32, #tpu.memory_space<vmem_shared>>
      %dma_wait3A_248 = arith.constant 0 : i32
      %dma_wait3A_249 = arith.constant 0 : i32
      %dma_wait3A_250 = tpu.memref_slice %arg7[%run_scoped3A_21, %dma_wait3A_248, %dma_wait3A_249] : memref<2x80x128xf32, #tpu.memory_space<vmem>> -> memref<1x80x128xf32, #tpu.memory_space<vmem>>
      %dma_wait3A_251 = tpu.memref_squeeze %dma_wait3A_250 : memref<1x80x128xf32, #tpu.memory_space<vmem>> -> memref<80x128xf32, #tpu.memory_space<vmem>>
      tpu.wait_dma2 semaphore(%run_scoped3A_227 : memref<!tpu.dma_semaphore, #tpu.memory_space<semaphore_mem>>) src(%dma_wait3A_251 : memref<80x128xf32, #tpu.memory_space<vmem>>) dst(%dma_wait3A_247 : memref<80x128xf32, #tpu.memory_space<vmem_shared>>)
      tpu.yield
    }) : () -> ()
    %add3A_22 = arith.constant 320 : i32
    %add3A_23 = arith.addi %mul3A_10, %add3A_22 : i32
    %run_scoped3A_24 = arith.constant 0 : i32
    "tpu.region"() ({
      %run_scoped3A_227 = tpu.sem_alloc : memref<!tpu.dma_semaphore, #tpu.memory_space<semaphore_mem>>
      %dma_start3A_228 = arith.constant 0 : i32
      %dma_start3A_229 = arith.constant 0 : i32
      %dma_start3A_230 = tpu.memref_slice %arg7[%run_scoped3A_24, %dma_start3A_228, %dma_start3A_229] : memref<2x80x128xf32, #tpu.memory_space<vmem>> -> memref<1x80x128xf32, #tpu.memory_space<vmem>>
      %dma_start3A_231 = tpu.memref_squeeze %dma_start3A_230 : memref<1x80x128xf32, #tpu.memory_space<vmem>> -> memref<80x128xf32, #tpu.memory_space<vmem>>
      %dma_start3A_232 = arith.constant 0 : i32
      %dma_start3A_233 = tpu.memref_slice %arg8[%add3A_23, %dma_start3A_232] : memref<10240x128xf32, #tpu.memory_space<vmem_shared>> -> memref<80x128xf32, #tpu.memory_space<vmem_shared>>
      %dma_start3A_234 = arith.constant 0 : i32
      %dma_start3A_235 = tpu.memref_slice %arg8[%add3A_23, %dma_start3A_234] : memref<10240x128xf32, #tpu.memory_space<vmem_shared>> -> memref<80x128xf32, #tpu.memory_space<vmem_shared>>
      %dma_start3A_236 = arith.constant 0 : i32
      %dma_start3A_237 = arith.constant 0 : i32
      %dma_start3A_238 = tpu.memref_slice %arg7[%run_scoped3A_24, %dma_start3A_236, %dma_start3A_237] : memref<2x80x128xf32, #tpu.memory_space<vmem>> -> memref<1x80x128xf32, #tpu.memory_space<vmem>>
      %dma_start3A_239 = tpu.memref_squeeze %dma_start3A_238 : memref<1x80x128xf32, #tpu.memory_space<vmem>> -> memref<80x128xf32, #tpu.memory_space<vmem>>
      tpu.enqueue_dma source(%dma_start3A_239 : memref<80x128xf32, #tpu.memory_space<vmem>>) target(%dma_start3A_235 : memref<80x128xf32, #tpu.memory_space<vmem_shared>>) target_semaphore(%run_scoped3A_227 : memref<!tpu.dma_semaphore, #tpu.memory_space<semaphore_mem>>)
      %dma_wait3A_240 = arith.constant 0 : i32
      %dma_wait3A_241 = arith.constant 0 : i32
      %dma_wait3A_242 = tpu.memref_slice %arg7[%run_scoped3A_24, %dma_wait3A_240, %dma_wait3A_241] : memref<2x80x128xf32, #tpu.memory_space<vmem>> -> memref<1x80x128xf32, #tpu.memory_space<vmem>>
      %dma_wait3A_243 = tpu.memref_squeeze %dma_wait3A_242 : memref<1x80x128xf32, #tpu.memory_space<vmem>> -> memref<80x128xf32, #tpu.memory_space<vmem>>
      %dma_wait3A_244 = arith.constant 0 : i32
      %dma_wait3A_245 = tpu.memref_slice %arg8[%add3A_23, %dma_wait3A_244] : memref<10240x128xf32, #tpu.memory_space<vmem_shared>> -> memref<80x128xf32, #tpu.memory_space<vmem_shared>>
      %dma_wait3A_246 = arith.constant 0 : i32
      %dma_wait3A_247 = tpu.memref_slice %arg8[%add3A_23, %dma_wait3A_246] : memref<10240x128xf32, #tpu.memory_space<vmem_shared>> -> memref<80x128xf32, #tpu.memory_space<vmem_shared>>
      %dma_wait3A_248 = arith.constant 0 : i32
      %dma_wait3A_249 = arith.constant 0 : i32
      %dma_wait3A_250 = tpu.memref_slice %arg7[%run_scoped3A_24, %dma_wait3A_248, %dma_wait3A_249] : memref<2x80x128xf32, #tpu.memory_space<vmem>> -> memref<1x80x128xf32, #tpu.memory_space<vmem>>
      %dma_wait3A_251 = tpu.memref_squeeze %dma_wait3A_250 : memref<1x80x128xf32, #tpu.memory_space<vmem>> -> memref<80x128xf32, #tpu.memory_space<vmem>>
      tpu.wait_dma2 semaphore(%run_scoped3A_227 : memref<!tpu.dma_semaphore, #tpu.memory_space<semaphore_mem>>) src(%dma_wait3A_251 : memref<80x128xf32, #tpu.memory_space<vmem>>) dst(%dma_wait3A_247 : memref<80x128xf32, #tpu.memory_space<vmem_shared>>)
      tpu.yield
    }) : () -> ()
    %add3A_25 = arith.constant 400 : i32
    %add3A_26 = arith.addi %mul3A_10, %add3A_25 : i32
    %run_scoped3A_27 = arith.constant 0 : i32
    "tpu.region"() ({
      %run_scoped3A_227 = tpu.sem_alloc : memref<!tpu.dma_semaphore, #tpu.memory_space<semaphore_mem>>
      %dma_start3A_228 = arith.constant 0 : i32
      %dma_start3A_229 = arith.constant 0 : i32
      %dma_start3A_230 = tpu.memref_slice %arg7[%run_scoped3A_27, %dma_start3A_228, %dma_start3A_229] : memref<2x80x128xf32, #tpu.memory_space<vmem>> -> memref<1x80x128xf32, #tpu.memory_space<vmem>>
      %dma_start3A_231 = tpu.memref_squeeze %dma_start3A_230 : memref<1x80x128xf32, #tpu.memory_space<vmem>> -> memref<80x128xf32, #tpu.memory_space<vmem>>
      %dma_start3A_232 = arith.constant 0 : i32
      %dma_start3A_233 = tpu.memref_slice %arg8[%add3A_26, %dma_start3A_232] : memref<10240x128xf32, #tpu.memory_space<vmem_shared>> -> memref<80x128xf32, #tpu.memory_space<vmem_shared>>
      %dma_start3A_234 = arith.constant 0 : i32
      %dma_start3A_235 = tpu.memref_slice %arg8[%add3A_26, %dma_start3A_234] : memref<10240x128xf32, #tpu.memory_space<vmem_shared>> -> memref<80x128xf32, #tpu.memory_space<vmem_shared>>
      %dma_start3A_236 = arith.constant 0 : i32
      %dma_start3A_237 = arith.constant 0 : i32
      %dma_start3A_238 = tpu.memref_slice %arg7[%run_scoped3A_27, %dma_start3A_236, %dma_start3A_237] : memref<2x80x128xf32, #tpu.memory_space<vmem>> -> memref<1x80x128xf32, #tpu.memory_space<vmem>>
      %dma_start3A_239 = tpu.memref_squeeze %dma_start3A_238 : memref<1x80x128xf32, #tpu.memory_space<vmem>> -> memref<80x128xf32, #tpu.memory_space<vmem>>
      tpu.enqueue_dma source(%dma_start3A_239 : memref<80x128xf32, #tpu.memory_space<vmem>>) target(%dma_start3A_235 : memref<80x128xf32, #tpu.memory_space<vmem_shared>>) target_semaphore(%run_scoped3A_227 : memref<!tpu.dma_semaphore, #tpu.memory_space<semaphore_mem>>)
      %dma_wait3A_240 = arith.constant 0 : i32
      %dma_wait3A_241 = arith.constant 0 : i32
      %dma_wait3A_242 = tpu.memref_slice %arg7[%run_scoped3A_27, %dma_wait3A_240, %dma_wait3A_241] : memref<2x80x128xf32, #tpu.memory_space<vmem>> -> memref<1x80x128xf32, #tpu.memory_space<vmem>>
      %dma_wait3A_243 = tpu.memref_squeeze %dma_wait3A_242 : memref<1x80x128xf32, #tpu.memory_space<vmem>> -> memref<80x128xf32, #tpu.memory_space<vmem>>
      %dma_wait3A_244 = arith.constant 0 : i32
      %dma_wait3A_245 = tpu.memref_slice %arg8[%add3A_26, %dma_wait3A_244] : memref<10240x128xf32, #tpu.memory_space<vmem_shared>> -> memref<80x128xf32, #tpu.memory_space<vmem_shared>>
      %dma_wait3A_246 = arith.constant 0 : i32
      %dma_wait3A_247 = tpu.memref_slice %arg8[%add3A_26, %dma_wait3A_246] : memref<10240x128xf32, #tpu.memory_space<vmem_shared>> -> memref<80x128xf32, #tpu.memory_space<vmem_shared>>
      %dma_wait3A_248 = arith.constant 0 : i32
      %dma_wait3A_249 = arith.constant 0 : i32
      %dma_wait3A_250 = tpu.memref_slice %arg7[%run_scoped3A_27, %dma_wait3A_248, %dma_wait3A_249] : memref<2x80x128xf32, #tpu.memory_space<vmem>> -> memref<1x80x128xf32, #tpu.memory_space<vmem>>
      %dma_wait3A_251 = tpu.memref_squeeze %dma_wait3A_250 : memref<1x80x128xf32, #tpu.memory_space<vmem>> -> memref<80x128xf32, #tpu.memory_space<vmem>>
      tpu.wait_dma2 semaphore(%run_scoped3A_227 : memref<!tpu.dma_semaphore, #tpu.memory_space<semaphore_mem>>) src(%dma_wait3A_251 : memref<80x128xf32, #tpu.memory_space<vmem>>) dst(%dma_wait3A_247 : memref<80x128xf32, #tpu.memory_space<vmem_shared>>)
      tpu.yield
    }) : () -> ()
    %add3A_28 = arith.constant 480 : i32
    %add3A_29 = arith.addi %mul3A_10, %add3A_28 : i32
    %run_scoped3A_30 = arith.constant 0 : i32
    "tpu.region"() ({
      %run_scoped3A_227 = tpu.sem_alloc : memref<!tpu.dma_semaphore, #tpu.memory_space<semaphore_mem>>
      %dma_start3A_228 = arith.constant 0 : i32
      %dma_start3A_229 = arith.constant 0 : i32
      %dma_start3A_230 = tpu.memref_slice %arg7[%run_scoped3A_30, %dma_start3A_228, %dma_start3A_229] : memref<2x80x128xf32, #tpu.memory_space<vmem>> -> memref<1x80x128xf32, #tpu.memory_space<vmem>>
      %dma_start3A_231 = tpu.memref_squeeze %dma_start3A_230 : memref<1x80x128xf32, #tpu.memory_space<vmem>> -> memref<80x128xf32, #tpu.memory_space<vmem>>
      %dma_start3A_232 = arith.constant 0 : i32
      %dma_start3A_233 = tpu.memref_slice %arg8[%add3A_29, %dma_start3A_232] : memref<10240x128xf32, #tpu.memory_space<vmem_shared>> -> memref<80x128xf32, #tpu.memory_space<vmem_shared>>
      %dma_start3A_234 = arith.constant 0 : i32
      %dma_start3A_235 = tpu.memref_slice %arg8[%add3A_29, %dma_start3A_234] : memref<10240x128xf32, #tpu.memory_space<vmem_shared>> -> memref<80x128xf32, #tpu.memory_space<vmem_shared>>
      %dma_start3A_236 = arith.constant 0 : i32
      %dma_start3A_237 = arith.constant 0 : i32
      %dma_start3A_238 = tpu.memref_slice %arg7[%run_scoped3A_30, %dma_start3A_236, %dma_start3A_237] : memref<2x80x128xf32, #tpu.memory_space<vmem>> -> memref<1x80x128xf32, #tpu.memory_space<vmem>>
      %dma_start3A_239 = tpu.memref_squeeze %dma_start3A_238 : memref<1x80x128xf32, #tpu.memory_space<vmem>> -> memref<80x128xf32, #tpu.memory_space<vmem>>
      tpu.enqueue_dma source(%dma_start3A_239 : memref<80x128xf32, #tpu.memory_space<vmem>>) target(%dma_start3A_235 : memref<80x128xf32, #tpu.memory_space<vmem_shared>>) target_semaphore(%run_scoped3A_227 : memref<!tpu.dma_semaphore, #tpu.memory_space<semaphore_mem>>)
      %dma_wait3A_240 = arith.constant 0 : i32
      %dma_wait3A_241 = arith.constant 0 : i32
      %dma_wait3A_242 = tpu.memref_slice %arg7[%run_scoped3A_30, %dma_wait3A_240, %dma_wait3A_241] : memref<2x80x128xf32, #tpu.memory_space<vmem>> -> memref<1x80x128xf32, #tpu.memory_space<vmem>>
      %dma_wait3A_243 = tpu.memref_squeeze %dma_wait3A_242 : memref<1x80x128xf32, #tpu.memory_space<vmem>> -> memref<80x128xf32, #tpu.memory_space<vmem>>
      %dma_wait3A_244 = arith.constant 0 : i32
      %dma_wait3A_245 = tpu.memref_slice %arg8[%add3A_29, %dma_wait3A_244] : memref<10240x128xf32, #tpu.memory_space<vmem_shared>> -> memref<80x128xf32, #tpu.memory_space<vmem_shared>>
      %dma_wait3A_246 = arith.constant 0 : i32
      %dma_wait3A_247 = tpu.memref_slice %arg8[%add3A_29, %dma_wait3A_246] : memref<10240x128xf32, #tpu.memory_space<vmem_shared>> -> memref<80x128xf32, #tpu.memory_space<vmem_shared>>
      %dma_wait3A_248 = arith.constant 0 : i32
      %dma_wait3A_249 = arith.constant 0 : i32
      %dma_wait3A_250 = tpu.memref_slice %arg7[%run_scoped3A_30, %dma_wait3A_248, %dma_wait3A_249] : memref<2x80x128xf32, #tpu.memory_space<vmem>> -> memref<1x80x128xf32, #tpu.memory_space<vmem>>
      %dma_wait3A_251 = tpu.memref_squeeze %dma_wait3A_250 : memref<1x80x128xf32, #tpu.memory_space<vmem>> -> memref<80x128xf32, #tpu.memory_space<vmem>>
      tpu.wait_dma2 semaphore(%run_scoped3A_227 : memref<!tpu.dma_semaphore, #tpu.memory_space<semaphore_mem>>) src(%dma_wait3A_251 : memref<80x128xf32, #tpu.memory_space<vmem>>) dst(%dma_wait3A_247 : memref<80x128xf32, #tpu.memory_space<vmem_shared>>)
      tpu.yield
    }) : () -> ()
    %add3A_31 = arith.constant 560 : i32
    %add3A_32 = arith.addi %mul3A_10, %add3A_31 : i32
    %run_scoped3A_33 = arith.constant 0 : i32
    "tpu.region"() ({
      %run_scoped3A_227 = tpu.sem_alloc : memref<!tpu.dma_semaphore, #tpu.memory_space<semaphore_mem>>
      %dma_start3A_228 = arith.constant 0 : i32
      %dma_start3A_229 = arith.constant 0 : i32
      %dma_start3A_230 = tpu.memref_slice %arg7[%run_scoped3A_33, %dma_start3A_228, %dma_start3A_229] : memref<2x80x128xf32, #tpu.memory_space<vmem>> -> memref<1x80x128xf32, #tpu.memory_space<vmem>>
      %dma_start3A_231 = tpu.memref_squeeze %dma_start3A_230 : memref<1x80x128xf32, #tpu.memory_space<vmem>> -> memref<80x128xf32, #tpu.memory_space<vmem>>
      %dma_start3A_232 = arith.constant 0 : i32
      %dma_start3A_233 = tpu.memref_slice %arg8[%add3A_32, %dma_start3A_232] : memref<10240x128xf32, #tpu.memory_space<vmem_shared>> -> memref<80x128xf32, #tpu.memory_space<vmem_shared>>
      %dma_start3A_234 = arith.constant 0 : i32
      %dma_start3A_235 = tpu.memref_slice %arg8[%add3A_32, %dma_start3A_234] : memref<10240x128xf32, #tpu.memory_space<vmem_shared>> -> memref<80x128xf32, #tpu.memory_space<vmem_shared>>
      %dma_start3A_236 = arith.constant 0 : i32
      %dma_start3A_237 = arith.constant 0 : i32
      %dma_start3A_238 = tpu.memref_slice %arg7[%run_scoped3A_33, %dma_start3A_236, %dma_start3A_237] : memref<2x80x128xf32, #tpu.memory_space<vmem>> -> memref<1x80x128xf32, #tpu.memory_space<vmem>>
      %dma_start3A_239 = tpu.memref_squeeze %dma_start3A_238 : memref<1x80x128xf32, #tpu.memory_space<vmem>> -> memref<80x128xf32, #tpu.memory_space<vmem>>
      tpu.enqueue_dma source(%dma_start3A_239 : memref<80x128xf32, #tpu.memory_space<vmem>>) target(%dma_start3A_235 : memref<80x128xf32, #tpu.memory_space<vmem_shared>>) target_semaphore(%run_scoped3A_227 : memref<!tpu.dma_semaphore, #tpu.memory_space<semaphore_mem>>)
      %dma_wait3A_240 = arith.constant 0 : i32
      %dma_wait3A_241 = arith.constant 0 : i32
      %dma_wait3A_242 = tpu.memref_slice %arg7[%run_scoped3A_33, %dma_wait3A_240, %dma_wait3A_241] : memref<2x80x128xf32, #tpu.memory_space<vmem>> -> memref<1x80x128xf32, #tpu.memory_space<vmem>>
      %dma_wait3A_243 = tpu.memref_squeeze %dma_wait3A_242 : memref<1x80x128xf32, #tpu.memory_space<vmem>> -> memref<80x128xf32, #tpu.memory_space<vmem>>
      %dma_wait3A_244 = arith.constant 0 : i32
      %dma_wait3A_245 = tpu.memref_slice %arg8[%add3A_32, %dma_wait3A_244] : memref<10240x128xf32, #tpu.memory_space<vmem_shared>> -> memref<80x128xf32, #tpu.memory_space<vmem_shared>>
      %dma_wait3A_246 = arith.constant 0 : i32
      %dma_wait3A_247 = tpu.memref_slice %arg8[%add3A_32, %dma_wait3A_246] : memref<10240x128xf32, #tpu.memory_space<vmem_shared>> -> memref<80x128xf32, #tpu.memory_space<vmem_shared>>
      %dma_wait3A_248 = arith.constant 0 : i32
      %dma_wait3A_249 = arith.constant 0 : i32
      %dma_wait3A_250 = tpu.memref_slice %arg7[%run_scoped3A_33, %dma_wait3A_248, %dma_wait3A_249] : memref<2x80x128xf32, #tpu.memory_space<vmem>> -> memref<1x80x128xf32, #tpu.memory_space<vmem>>
      %dma_wait3A_251 = tpu.memref_squeeze %dma_wait3A_250 : memref<1x80x128xf32, #tpu.memory_space<vmem>> -> memref<80x128xf32, #tpu.memory_space<vmem>>
      tpu.wait_dma2 semaphore(%run_scoped3A_227 : memref<!tpu.dma_semaphore, #tpu.memory_space<semaphore_mem>>) src(%dma_wait3A_251 : memref<80x128xf32, #tpu.memory_space<vmem>>) dst(%dma_wait3A_247 : memref<80x128xf32, #tpu.memory_space<vmem_shared>>)
      tpu.yield
    }) : () -> ()
    %barrier3A = arith.constant 0 : index
    tpu.barrier barrier_id(%barrier3A)
    %dma_start3A = arith.constant 0 : i32
    %dma_start3A_34 = arith.constant 0 : i32
    %dma_start3A_35 = arith.constant 0 : i32
    %dma_start3A_36 = arith.constant 0 : i32
    %dma_start3A_37 = tpu.memref_slice %arg6[%dma_start3A_34, %dma_start3A_35, %dma_start3A_36] : memref<2x2x80xi32, #tpu.memory_space<vmem>> -> memref<1x2x80xi32, #tpu.memory_space<vmem>>
    %dma_start3A_38 = tpu.memref_squeeze %dma_start3A_37 : memref<1x2x80xi32, #tpu.memory_space<vmem>> -> memref<2x80xi32, #tpu.memory_space<vmem>>
    %dma_start3A_39 = arith.constant 0 : i32
    %dma_start3A_40 = arith.constant 0 : i32
    %dma_start3A_41 = tpu.memref_slice %arg4[%add3A, %dma_start3A, %dma_start3A_39, %dma_start3A_40] : memref<32x125x2x80xi32, #tpu.memory_space<hbm>> -> memref<1x1x2x80xi32, #tpu.memory_space<hbm>>
    %dma_start3A_42 = tpu.memref_squeeze %dma_start3A_41 : memref<1x1x2x80xi32, #tpu.memory_space<hbm>> -> memref<2x80xi32, #tpu.memory_space<hbm>>
    %dma_start3A_43 = arith.constant 0 : i32
    %dma_start3A_44 = arith.constant 0 : i32
    %dma_start3A_45 = tpu.memref_slice %arg6[%dma_start3A_34, %dma_start3A_43, %dma_start3A_44] : memref<2x2x80xi32, #tpu.memory_space<vmem>> -> memref<1x2x80xi32, #tpu.memory_space<vmem>>
    %dma_start3A_46 = tpu.memref_squeeze %dma_start3A_45 : memref<1x2x80xi32, #tpu.memory_space<vmem>> -> memref<2x80xi32, #tpu.memory_space<vmem>>
    %dma_start3A_47 = arith.constant 0 : i32
    %dma_start3A_48 = arith.constant 0 : i32
    %dma_start3A_49 = tpu.memref_slice %arg4[%add3A, %dma_start3A, %dma_start3A_47, %dma_start3A_48] : memref<32x125x2x80xi32, #tpu.memory_space<hbm>> -> memref<1x1x2x80xi32, #tpu.memory_space<hbm>>
    %dma_start3A_50 = tpu.memref_squeeze %dma_start3A_49 : memref<1x1x2x80xi32, #tpu.memory_space<hbm>> -> memref<2x80xi32, #tpu.memory_space<hbm>>
    tpu.enqueue_dma source(%dma_start3A_50 : memref<2x80xi32, #tpu.memory_space<hbm>>) target(%dma_start3A_46 : memref<2x80xi32, #tpu.memory_space<vmem>>) target_semaphore(%arg13 : memref<!tpu.dma_semaphore, #tpu.memory_space<semaphore_mem>>)
    %dma_wait3A = arith.constant 0 : i32
    %dma_wait3A_51 = arith.constant 0 : i32
    %dma_wait3A_52 = arith.constant 0 : i32
    %dma_wait3A_53 = arith.constant 0 : i32
    %dma_wait3A_54 = tpu.memref_slice %arg6[%dma_wait3A_51, %dma_wait3A_52, %dma_wait3A_53] : memref<2x2x80xi32, #tpu.memory_space<vmem>> -> memref<1x2x80xi32, #tpu.memory_space<vmem>>
    %dma_wait3A_55 = tpu.memref_squeeze %dma_wait3A_54 : memref<1x2x80xi32, #tpu.memory_space<vmem>> -> memref<2x80xi32, #tpu.memory_space<vmem>>
    %dma_wait3A_56 = arith.constant 0 : i32
    %dma_wait3A_57 = arith.constant 0 : i32
    %dma_wait3A_58 = tpu.memref_slice %arg4[%add3A, %dma_wait3A, %dma_wait3A_56, %dma_wait3A_57] : memref<32x125x2x80xi32, #tpu.memory_space<hbm>> -> memref<1x1x2x80xi32, #tpu.memory_space<hbm>>
    %dma_wait3A_59 = tpu.memref_squeeze %dma_wait3A_58 : memref<1x1x2x80xi32, #tpu.memory_space<hbm>> -> memref<2x80xi32, #tpu.memory_space<hbm>>
    %dma_wait3A_60 = arith.constant 0 : i32
    %dma_wait3A_61 = arith.constant 0 : i32
    %dma_wait3A_62 = tpu.memref_slice %arg6[%dma_wait3A_51, %dma_wait3A_60, %dma_wait3A_61] : memref<2x2x80xi32, #tpu.memory_space<vmem>> -> memref<1x2x80xi32, #tpu.memory_space<vmem>>
    %dma_wait3A_63 = tpu.memref_squeeze %dma_wait3A_62 : memref<1x2x80xi32, #tpu.memory_space<vmem>> -> memref<2x80xi32, #tpu.memory_space<vmem>>
    %dma_wait3A_64 = arith.constant 0 : i32
    %dma_wait3A_65 = arith.constant 0 : i32
    %dma_wait3A_66 = tpu.memref_slice %arg4[%add3A, %dma_wait3A, %dma_wait3A_64, %dma_wait3A_65] : memref<32x125x2x80xi32, #tpu.memory_space<hbm>> -> memref<1x1x2x80xi32, #tpu.memory_space<hbm>>
    %dma_wait3A_67 = tpu.memref_squeeze %dma_wait3A_66 : memref<1x1x2x80xi32, #tpu.memory_space<hbm>> -> memref<2x80xi32, #tpu.memory_space<hbm>>
    tpu.wait_dma2 semaphore(%arg13 : memref<!tpu.dma_semaphore, #tpu.memory_space<semaphore_mem>>) src(%dma_wait3A_67 : memref<2x80xi32, #tpu.memory_space<hbm>>) dst(%dma_wait3A_63 : memref<2x80xi32, #tpu.memory_space<vmem>>)
    %add3A_68 = arith.constant 0 : i32
    %add3A_69 = arith.addi %mul3A_2, %add3A_68 : i32
    %dma_start3A_70 = arith.constant 0 : i32
    %dma_start3A_71 = arith.constant 0 : i32
    %dma_start3A_72 = arith.constant 0 : i32
    %dma_start3A_73 = tpu.memref_slice %arg7[%dma_start3A_70, %dma_start3A_71, %dma_start3A_72] : memref<2x80x128xf32, #tpu.memory_space<vmem>> -> memref<1x80x128xf32, #tpu.memory_space<vmem>>
    %dma_start3A_74 = tpu.memref_squeeze %dma_start3A_73 : memref<1x80x128xf32, #tpu.memory_space<vmem>> -> memref<80x128xf32, #tpu.memory_space<vmem>>
    %dma_start3A_75 = arith.constant 0 : i32
    %dma_start3A_76 = tpu.memref_slice %arg3[%add3A_69, %dma_start3A_75] : memref<320000x128xf32, #tpu.memory_space<hbm>> -> memref<80x128xf32, #tpu.memory_space<hbm>>
    %dma_start3A_77 = arith.constant 0 : i32
    %dma_start3A_78 = arith.constant 0 : i32
    %dma_start3A_79 = tpu.memref_slice %arg7[%dma_start3A_70, %dma_start3A_77, %dma_start3A_78] : memref<2x80x128xf32, #tpu.memory_space<vmem>> -> memref<1x80x128xf32, #tpu.memory_space<vmem>>
    %dma_start3A_80 = tpu.memref_squeeze %dma_start3A_79 : memref<1x80x128xf32, #tpu.memory_space<vmem>> -> memref<80x128xf32, #tpu.memory_space<vmem>>
    %dma_start3A_81 = arith.constant 0 : i32
    %dma_start3A_82 = tpu.memref_slice %arg3[%add3A_69, %dma_start3A_81] : memref<320000x128xf32, #tpu.memory_space<hbm>> -> memref<80x128xf32, #tpu.memory_space<hbm>>
    tpu.enqueue_dma source(%dma_start3A_82 : memref<80x128xf32, #tpu.memory_space<hbm>>) target(%dma_start3A_80 : memref<80x128xf32, #tpu.memory_space<vmem>>) target_semaphore(%arg15 : memref<!tpu.dma_semaphore, #tpu.memory_space<semaphore_mem>>)
    %dma_wait3A_83 = arith.constant 0 : i32
    %dma_wait3A_84 = arith.constant 0 : i32
    %dma_wait3A_85 = arith.constant 0 : i32
    %dma_wait3A_86 = tpu.memref_slice %arg7[%dma_wait3A_83, %dma_wait3A_84, %dma_wait3A_85] : memref<2x80x128xf32, #tpu.memory_space<vmem>> -> memref<1x80x128xf32, #tpu.memory_space<vmem>>
    %dma_wait3A_87 = tpu.memref_squeeze %dma_wait3A_86 : memref<1x80x128xf32, #tpu.memory_space<vmem>> -> memref<80x128xf32, #tpu.memory_space<vmem>>
    %dma_wait3A_88 = arith.constant 0 : i32
    %dma_wait3A_89 = tpu.memref_slice %arg3[%add3A_69, %dma_wait3A_88] : memref<320000x128xf32, #tpu.memory_space<hbm>> -> memref<80x128xf32, #tpu.memory_space<hbm>>
    %dma_wait3A_90 = arith.constant 0 : i32
    %dma_wait3A_91 = arith.constant 0 : i32
    %dma_wait3A_92 = tpu.memref_slice %arg7[%dma_wait3A_83, %dma_wait3A_90, %dma_wait3A_91] : memref<2x80x128xf32, #tpu.memory_space<vmem>> -> memref<1x80x128xf32, #tpu.memory_space<vmem>>
    %dma_wait3A_93 = tpu.memref_squeeze %dma_wait3A_92 : memref<1x80x128xf32, #tpu.memory_space<vmem>> -> memref<80x128xf32, #tpu.memory_space<vmem>>
    %dma_wait3A_94 = arith.constant 0 : i32
    %dma_wait3A_95 = tpu.memref_slice %arg3[%add3A_69, %dma_wait3A_94] : memref<320000x128xf32, #tpu.memory_space<hbm>> -> memref<80x128xf32, #tpu.memory_space<hbm>>
    tpu.wait_dma2 semaphore(%arg15 : memref<!tpu.dma_semaphore, #tpu.memory_space<semaphore_mem>>) src(%dma_wait3A_95 : memref<80x128xf32, #tpu.memory_space<hbm>>) dst(%dma_wait3A_93 : memref<80x128xf32, #tpu.memory_space<vmem>>)
    %dma_start3A_96 = arith.constant 0 : i32
    %dma_start3A_97 = arith.constant 0 : i32
    %dma_start3A_98 = arith.constant 0 : i32
    %dma_start3A_99 = arith.constant 0 : i32
    %dma_start3A_100 = arith.constant 0 : i32
    %dma_start3A_101 = tpu.memref_slice %arg7[%dma_start3A_98, %dma_start3A_99, %dma_start3A_100] : memref<2x80x128xf32, #tpu.memory_space<vmem>> -> memref<1x80x128xf32, #tpu.memory_space<vmem>>
    %dma_start3A_102 = tpu.memref_squeeze %dma_start3A_101 : memref<1x80x128xf32, #tpu.memory_space<vmem>> -> memref<80x128xf32, #tpu.memory_space<vmem>>
    %dma_start3A_103 = arith.constant 0 : i32
    %dma_start3A_104 = tpu.memref_slice %arg6[%dma_start3A_96, %dma_start3A_97, %dma_start3A_103] : memref<2x2x80xi32, #tpu.memory_space<vmem>> -> memref<1x1x80xi32, #tpu.memory_space<vmem>>
    %dma_start3A_105 = tpu.memref_squeeze %dma_start3A_104 : memref<1x1x80xi32, #tpu.memory_space<vmem>> -> memref<80xi32, #tpu.memory_space<vmem>>
    %dma_start3A_106 = arith.constant 0 : i32
    %dma_start3A_107 = arith.constant 0 : i32
    %dma_start3A_108 = tpu.memref_slice %arg2[%dma_start3A_106, %dma_start3A_107] : memref<10000x128xf32, #tpu.memory_space<hbm>> -> memref<10000x128xf32, #tpu.memory_space<hbm>>
    tpu.enqueue_indirect_dma source(%dma_start3A_108 : memref<10000x128xf32, #tpu.memory_space<hbm>>) target(%dma_start3A_102 : memref<80x128xf32, #tpu.memory_space<vmem>>) offsets(%dma_start3A_105 : memref<80xi32, #tpu.memory_space<vmem>>) semaphore(%arg9 : memref<!tpu.dma_semaphore, #tpu.memory_space<semaphore_mem>>) {add = true}
    %dma_start3A_109 = arith.constant 1 : i32
    %dma_start3A_110 = arith.constant 1 : i32
    %dma_start3A_111 = arith.constant 0 : i32
    %dma_start3A_112 = arith.constant 0 : i32
    %dma_start3A_113 = tpu.memref_slice %arg6[%dma_start3A_110, %dma_start3A_111, %dma_start3A_112] : memref<2x2x80xi32, #tpu.memory_space<vmem>> -> memref<1x2x80xi32, #tpu.memory_space<vmem>>
    %dma_start3A_114 = tpu.memref_squeeze %dma_start3A_113 : memref<1x2x80xi32, #tpu.memory_space<vmem>> -> memref<2x80xi32, #tpu.memory_space<vmem>>
    %dma_start3A_115 = arith.constant 0 : i32
    %dma_start3A_116 = arith.constant 0 : i32
    %dma_start3A_117 = tpu.memref_slice %arg4[%add3A, %dma_start3A_109, %dma_start3A_115, %dma_start3A_116] : memref<32x125x2x80xi32, #tpu.memory_space<hbm>> -> memref<1x1x2x80xi32, #tpu.memory_space<hbm>>
    %dma_start3A_118 = tpu.memref_squeeze %dma_start3A_117 : memref<1x1x2x80xi32, #tpu.memory_space<hbm>> -> memref<2x80xi32, #tpu.memory_space<hbm>>
    %dma_start3A_119 = arith.constant 0 : i32
    %dma_start3A_120 = arith.constant 0 : i32
    %dma_start3A_121 = tpu.memref_slice %arg6[%dma_start3A_110, %dma_start3A_119, %dma_start3A_120] : memref<2x2x80xi32, #tpu.memory_space<vmem>> -> memref<1x2x80xi32, #tpu.memory_space<vmem>>
    %dma_start3A_122 = tpu.memref_squeeze %dma_start3A_121 : memref<1x2x80xi32, #tpu.memory_space<vmem>> -> memref<2x80xi32, #tpu.memory_space<vmem>>
    %dma_start3A_123 = arith.constant 0 : i32
    %dma_start3A_124 = arith.constant 0 : i32
    %dma_start3A_125 = tpu.memref_slice %arg4[%add3A, %dma_start3A_109, %dma_start3A_123, %dma_start3A_124] : memref<32x125x2x80xi32, #tpu.memory_space<hbm>> -> memref<1x1x2x80xi32, #tpu.memory_space<hbm>>
    %dma_start3A_126 = tpu.memref_squeeze %dma_start3A_125 : memref<1x1x2x80xi32, #tpu.memory_space<hbm>> -> memref<2x80xi32, #tpu.memory_space<hbm>>
    tpu.enqueue_dma source(%dma_start3A_126 : memref<2x80xi32, #tpu.memory_space<hbm>>) target(%dma_start3A_122 : memref<2x80xi32, #tpu.memory_space<vmem>>) target_semaphore(%arg14 : memref<!tpu.dma_semaphore, #tpu.memory_space<semaphore_mem>>)
    %add3A_127 = arith.constant 80 : i32
    %add3A_128 = arith.addi %mul3A_2, %add3A_127 : i32
    %dma_start3A_129 = arith.constant 1 : i32
    %dma_start3A_130 = arith.constant 0 : i32
    %dma_start3A_131 = arith.constant 0 : i32
    %dma_start3A_132 = tpu.memref_slice %arg7[%dma_start3A_129, %dma_start3A_130, %dma_start3A_131] : memref<2x80x128xf32, #tpu.memory_space<vmem>> -> memref<1x80x128xf32, #tpu.memory_space<vmem>>
    %dma_start3A_133 = tpu.memref_squeeze %dma_start3A_132 : memref<1x80x128xf32, #tpu.memory_space<vmem>> -> memref<80x128xf32, #tpu.memory_space<vmem>>
    %dma_start3A_134 = arith.constant 0 : i32
    %dma_start3A_135 = tpu.memref_slice %arg3[%add3A_128, %dma_start3A_134] : memref<320000x128xf32, #tpu.memory_space<hbm>> -> memref<80x128xf32, #tpu.memory_space<hbm>>
    %dma_start3A_136 = arith.constant 0 : i32
    %dma_start3A_137 = arith.constant 0 : i32
    %dma_start3A_138 = tpu.memref_slice %arg7[%dma_start3A_129, %dma_start3A_136, %dma_start3A_137] : memref<2x80x128xf32, #tpu.memory_space<vmem>> -> memref<1x80x128xf32, #tpu.memory_space<vmem>>
    %dma_start3A_139 = tpu.memref_squeeze %dma_start3A_138 : memref<1x80x128xf32, #tpu.memory_space<vmem>> -> memref<80x128xf32, #tpu.memory_space<vmem>>
    %dma_start3A_140 = arith.constant 0 : i32
    %dma_start3A_141 = tpu.memref_slice %arg3[%add3A_128, %dma_start3A_140] : memref<320000x128xf32, #tpu.memory_space<hbm>> -> memref<80x128xf32, #tpu.memory_space<hbm>>
    tpu.enqueue_dma source(%dma_start3A_141 : memref<80x128xf32, #tpu.memory_space<hbm>>) target(%dma_start3A_139 : memref<80x128xf32, #tpu.memory_space<vmem>>) target_semaphore(%arg16 : memref<!tpu.dma_semaphore, #tpu.memory_space<semaphore_mem>>)
    %scan3A_142 = arith.constant 0 : i32
    %scan3A_143 = arith.constant 0 : i32
    %scan3A_144 = arith.constant 62 : i32
    %scan3A_145 = arith.addi %scan3A_143, %scan3A_144 : i32
    %scan3A_146 = arith.constant 1 : i32
    %scan3A_147 = scf.for %scan3A_227 = %scan3A_143 to %scan3A_145 step %scan3A_146 iter_args(%scan3A_228 = %scan3A_142) -> (i32)  : i32 {
      %mul3A_229 = arith.constant 2 : i32
      %mul3A_230 = arith.muli %mul3A_229, %scan3A_227 : i32
      %add3A_231 = arith.constant 1 : i32
      %add3A_232 = arith.addi %mul3A_230, %add3A_231 : i32
      %dma_wait3A_233 = arith.constant 0 : i32
      %dma_wait3A_234 = arith.constant 0 : i32
      %dma_wait3A_235 = arith.constant 0 : i32
      %dma_wait3A_236 = arith.constant 0 : i32
      %dma_wait3A_237 = arith.constant 0 : i32
      %dma_wait3A_238 = tpu.memref_slice %arg7[%dma_wait3A_235, %dma_wait3A_236, %dma_wait3A_237] : memref<2x80x128xf32, #tpu.memory_space<vmem>> -> memref<1x80x128xf32, #tpu.memory_space<vmem>>
      %dma_wait3A_239 = tpu.memref_squeeze %dma_wait3A_238 : memref<1x80x128xf32, #tpu.memory_space<vmem>> -> memref<80x128xf32, #tpu.memory_space<vmem>>
      %dma_wait3A_240 = arith.constant 0 : i32
      %dma_wait3A_241 = tpu.memref_slice %arg6[%dma_wait3A_233, %dma_wait3A_234, %dma_wait3A_240] : memref<2x2x80xi32, #tpu.memory_space<vmem>> -> memref<1x1x80xi32, #tpu.memory_space<vmem>>
      %dma_wait3A_242 = tpu.memref_squeeze %dma_wait3A_241 : memref<1x1x80xi32, #tpu.memory_space<vmem>> -> memref<80xi32, #tpu.memory_space<vmem>>
      %dma_wait3A_243 = arith.constant 0 : i32
      %dma_wait3A_244 = arith.constant 0 : i32
      %dma_wait3A_245 = tpu.memref_slice %arg2[%dma_wait3A_243, %dma_wait3A_244] : memref<10000x128xf32, #tpu.memory_space<hbm>> -> memref<10000x128xf32, #tpu.memory_space<hbm>>
      tpu.wait_indirect_dma semaphore(%arg9 : memref<!tpu.dma_semaphore, #tpu.memory_space<semaphore_mem>>) src(%dma_wait3A_245 : memref<10000x128xf32, #tpu.memory_space<hbm>>) dst(%dma_wait3A_239 : memref<80x128xf32, #tpu.memory_space<vmem>>)
      %scan3A_246 = arith.constant 0 : i32
      %scan3A_247 = arith.constant 0 : i32
      %scan3A_248 = arith.constant 80 : i32
      %scan3A_249 = arith.addi %scan3A_247, %scan3A_248 : i32
      %scan3A_250 = arith.constant 1 : i32
      %scan3A_251 = scf.for %scan3A_495 = %scan3A_247 to %scan3A_249 step %scan3A_250 iter_args(%scan3A_496 = %scan3A_246) -> (i32)  : i32 {
        %get3A = arith.constant 0 : i32
        %get3A_497 = arith.index_cast %get3A : i32 to index
        %get3A_498 = arith.index_cast %scan3A_495 : i32 to index
        %get3A_499 = arith.constant 0 : index
        %get3A_500 = tpu.vector_load %arg7[%get3A_497, %get3A_498, %get3A_499] {strides = array<i32>} : memref<2x80x128xf32, #tpu.memory_space<vmem>>, vector<1x1x16xf32>,
        %get3A_501 = vector.shape_cast %get3A_500 : vector<1x1x16xf32> to vector<16xf32>
        %max3A = arith.constant 0.000000e+00 : f32
        %max3A_502 = vector.broadcast %max3A : f32 to vector<16xf32>
        %max3A_503 = arith.maximumf %get3A_501, %max3A_502 : vector<16xf32>
        %swap3A = arith.constant 0 : i32
        %swap3A_504 = arith.index_cast %swap3A : i32 to index
        %swap3A_505 = arith.index_cast %scan3A_495 : i32 to index
        %swap3A_506 = arith.constant 0 : index
        %swap3A_507 = tpu.vector_load %arg7[%swap3A_504, %swap3A_505, %swap3A_506] {strides = array<i32>} : memref<2x80x128xf32, #tpu.memory_space<vmem>>, vector<1x1x16xf32>,
        %swap3A_508 = vector.shape_cast %swap3A_507 : vector<1x1x16xf32> to vector<16xf32>
        %swap3A_509 = vector.shape_cast %max3A_503 : vector<16xf32> to vector<1x1x16xf32>
        tpu.vector_store %arg7[%swap3A_504, %swap3A_505, %swap3A_506], %swap3A_509 {strides = array<i32>} : memref<2x80x128xf32, #tpu.memory_space<vmem>>, vector<1x1x16xf32>,
        %get3A_510 = arith.constant 0 : i32
        %get3A_511 = arith.index_cast %get3A_510 : i32 to index
        %get3A_512 = arith.index_cast %scan3A_495 : i32 to index
        %get3A_513 = arith.constant 16 : index
        %get3A_514 = tpu.vector_load %arg7[%get3A_511, %get3A_512, %get3A_513] {strides = array<i32>} : memref<2x80x128xf32, #tpu.memory_space<vmem>>, vector<1x1x16xf32>,
        %get3A_515 = vector.shape_cast %get3A_514 : vector<1x1x16xf32> to vector<16xf32>
        %max3A_516 = arith.constant 0.000000e+00 : f32
        %max3A_517 = vector.broadcast %max3A_516 : f32 to vector<16xf32>
        %max3A_518 = arith.maximumf %get3A_515, %max3A_517 : vector<16xf32>
        %swap3A_519 = arith.constant 0 : i32
        %swap3A_520 = arith.index_cast %swap3A_519 : i32 to index
        %swap3A_521 = arith.index_cast %scan3A_495 : i32 to index
        %swap3A_522 = arith.constant 16 : index
        %swap3A_523 = tpu.vector_load %arg7[%swap3A_520, %swap3A_521, %swap3A_522] {strides = array<i32>} : memref<2x80x128xf32, #tpu.memory_space<vmem>>, vector<1x1x16xf32>,
        %swap3A_524 = vector.shape_cast %swap3A_523 : vector<1x1x16xf32> to vector<16xf32>
        %swap3A_525 = vector.shape_cast %max3A_518 : vector<16xf32> to vector<1x1x16xf32>
        tpu.vector_store %arg7[%swap3A_520, %swap3A_521, %swap3A_522], %swap3A_525 {strides = array<i32>} : memref<2x80x128xf32, #tpu.memory_space<vmem>>, vector<1x1x16xf32>,
        %get3A_526 = arith.constant 0 : i32
        %get3A_527 = arith.index_cast %get3A_526 : i32 to index
        %get3A_528 = arith.index_cast %scan3A_495 : i32 to index
        %get3A_529 = arith.constant 32 : index
        %get3A_530 = tpu.vector_load %arg7[%get3A_527, %get3A_528, %get3A_529] {strides = array<i32>} : memref<2x80x128xf32, #tpu.memory_space<vmem>>, vector<1x1x16xf32>,
        %get3A_531 = vector.shape_cast %get3A_530 : vector<1x1x16xf32> to vector<16xf32>
        %max3A_532 = arith.constant 0.000000e+00 : f32
        %max3A_533 = vector.broadcast %max3A_532 : f32 to vector<16xf32>
        %max3A_534 = arith.maximumf %get3A_531, %max3A_533 : vector<16xf32>
        %swap3A_535 = arith.constant 0 : i32
        %swap3A_536 = arith.index_cast %swap3A_535 : i32 to index
        %swap3A_537 = arith.index_cast %scan3A_495 : i32 to index
        %swap3A_538 = arith.constant 32 : index
        %swap3A_539 = tpu.vector_load %arg7[%swap3A_536, %swap3A_537, %swap3A_538] {strides = array<i32>} : memref<2x80x128xf32, #tpu.memory_space<vmem>>, vector<1x1x16xf32>,
        %swap3A_540 = vector.shape_cast %swap3A_539 : vector<1x1x16xf32> to vector<16xf32>
        %swap3A_541 = vector.shape_cast %max3A_534 : vector<16xf32> to vector<1x1x16xf32>
        tpu.vector_store %arg7[%swap3A_536, %swap3A_537, %swap3A_538], %swap3A_541 {strides = array<i32>} : memref<2x80x128xf32, #tpu.memory_space<vmem>>, vector<1x1x16xf32>,
        %get3A_542 = arith.constant 0 : i32
        %get3A_543 = arith.index_cast %get3A_542 : i32 to index
        %get3A_544 = arith.index_cast %scan3A_495 : i32 to index
        %get3A_545 = arith.constant 48 : index
        %get3A_546 = tpu.vector_load %arg7[%get3A_543, %get3A_544, %get3A_545] {strides = array<i32>} : memref<2x80x128xf32, #tpu.memory_space<vmem>>, vector<1x1x16xf32>,
        %get3A_547 = vector.shape_cast %get3A_546 : vector<1x1x16xf32> to vector<16xf32>
        %max3A_548 = arith.constant 0.000000e+00 : f32
        %max3A_549 = vector.broadcast %max3A_548 : f32 to vector<16xf32>
        %max3A_550 = arith.maximumf %get3A_547, %max3A_549 : vector<16xf32>
        %swap3A_551 = arith.constant 0 : i32
        %swap3A_552 = arith.index_cast %swap3A_551 : i32 to index
        %swap3A_553 = arith.index_cast %scan3A_495 : i32 to index
        %swap3A_554 = arith.constant 48 : index
        %swap3A_555 = tpu.vector_load %arg7[%swap3A_552, %swap3A_553, %swap3A_554] {strides = array<i32>} : memref<2x80x128xf32, #tpu.memory_space<vmem>>, vector<1x1x16xf32>,
        %swap3A_556 = vector.shape_cast %swap3A_555 : vector<1x1x16xf32> to vector<16xf32>
        %swap3A_557 = vector.shape_cast %max3A_550 : vector<16xf32> to vector<1x1x16xf32>
        tpu.vector_store %arg7[%swap3A_552, %swap3A_553, %swap3A_554], %swap3A_557 {strides = array<i32>} : memref<2x80x128xf32, #tpu.memory_space<vmem>>, vector<1x1x16xf32>,
        %get3A_558 = arith.constant 0 : i32
        %get3A_559 = arith.index_cast %get3A_558 : i32 to index
        %get3A_560 = arith.index_cast %scan3A_495 : i32 to index
        %get3A_561 = arith.constant 64 : index
        %get3A_562 = tpu.vector_load %arg7[%get3A_559, %get3A_560, %get3A_561] {strides = array<i32>} : memref<2x80x128xf32, #tpu.memory_space<vmem>>, vector<1x1x16xf32>,
        %get3A_563 = vector.shape_cast %get3A_562 : vector<1x1x16xf32> to vector<16xf32>
        %max3A_564 = arith.constant 0.000000e+00 : f32
        %max3A_565 = vector.broadcast %max3A_564 : f32 to vector<16xf32>
        %max3A_566 = arith.maximumf %get3A_563, %max3A_565 : vector<16xf32>
        %swap3A_567 = arith.constant 0 : i32
        %swap3A_568 = arith.index_cast %swap3A_567 : i32 to index
        %swap3A_569 = arith.index_cast %scan3A_495 : i32 to index
        %swap3A_570 = arith.constant 64 : index
        %swap3A_571 = tpu.vector_load %arg7[%swap3A_568, %swap3A_569, %swap3A_570] {strides = array<i32>} : memref<2x80x128xf32, #tpu.memory_space<vmem>>, vector<1x1x16xf32>,
        %swap3A_572 = vector.shape_cast %swap3A_571 : vector<1x1x16xf32> to vector<16xf32>
        %swap3A_573 = vector.shape_cast %max3A_566 : vector<16xf32> to vector<1x1x16xf32>
        tpu.vector_store %arg7[%swap3A_568, %swap3A_569, %swap3A_570], %swap3A_573 {strides = array<i32>} : memref<2x80x128xf32, #tpu.memory_space<vmem>>, vector<1x1x16xf32>,
        %get3A_574 = arith.constant 0 : i32
        %get3A_575 = arith.index_cast %get3A_574 : i32 to index
        %get3A_576 = arith.index_cast %scan3A_495 : i32 to index
        %get3A_577 = arith.constant 80 : index
        %get3A_578 = tpu.vector_load %arg7[%get3A_575, %get3A_576, %get3A_577] {strides = array<i32>} : memref<2x80x128xf32, #tpu.memory_space<vmem>>, vector<1x1x16xf32>,
        %get3A_579 = vector.shape_cast %get3A_578 : vector<1x1x16xf32> to vector<16xf32>
        %max3A_580 = arith.constant 0.000000e+00 : f32
        %max3A_581 = vector.broadcast %max3A_580 : f32 to vector<16xf32>
        %max3A_582 = arith.maximumf %get3A_579, %max3A_581 : vector<16xf32>
        %swap3A_583 = arith.constant 0 : i32
        %swap3A_584 = arith.index_cast %swap3A_583 : i32 to index
        %swap3A_585 = arith.index_cast %scan3A_495 : i32 to index
        %swap3A_586 = arith.constant 80 : index
        %swap3A_587 = tpu.vector_load %arg7[%swap3A_584, %swap3A_585, %swap3A_586] {strides = array<i32>} : memref<2x80x128xf32, #tpu.memory_space<vmem>>, vector<1x1x16xf32>,
        %swap3A_588 = vector.shape_cast %swap3A_587 : vector<1x1x16xf32> to vector<16xf32>
        %swap3A_589 = vector.shape_cast %max3A_582 : vector<16xf32> to vector<1x1x16xf32>
        tpu.vector_store %arg7[%swap3A_584, %swap3A_585, %swap3A_586], %swap3A_589 {strides = array<i32>} : memref<2x80x128xf32, #tpu.memory_space<vmem>>, vector<1x1x16xf32>,
        %get3A_590 = arith.constant 0 : i32
        %get3A_591 = arith.index_cast %get3A_590 : i32 to index
        %get3A_592 = arith.index_cast %scan3A_495 : i32 to index
        %get3A_593 = arith.constant 96 : index
        %get3A_594 = tpu.vector_load %arg7[%get3A_591, %get3A_592, %get3A_593] {strides = array<i32>} : memref<2x80x128xf32, #tpu.memory_space<vmem>>, vector<1x1x16xf32>,
        %get3A_595 = vector.shape_cast %get3A_594 : vector<1x1x16xf32> to vector<16xf32>
        %max3A_596 = arith.constant 0.000000e+00 : f32
        %max3A_597 = vector.broadcast %max3A_596 : f32 to vector<16xf32>
        %max3A_598 = arith.maximumf %get3A_595, %max3A_597 : vector<16xf32>
        %swap3A_599 = arith.constant 0 : i32
        %swap3A_600 = arith.index_cast %swap3A_599 : i32 to index
        %swap3A_601 = arith.index_cast %scan3A_495 : i32 to index
        %swap3A_602 = arith.constant 96 : index
        %swap3A_603 = tpu.vector_load %arg7[%swap3A_600, %swap3A_601, %swap3A_602] {strides = array<i32>} : memref<2x80x128xf32, #tpu.memory_space<vmem>>, vector<1x1x16xf32>,
        %swap3A_604 = vector.shape_cast %swap3A_603 : vector<1x1x16xf32> to vector<16xf32>
        %swap3A_605 = vector.shape_cast %max3A_598 : vector<16xf32> to vector<1x1x16xf32>
        tpu.vector_store %arg7[%swap3A_600, %swap3A_601, %swap3A_602], %swap3A_605 {strides = array<i32>} : memref<2x80x128xf32, #tpu.memory_space<vmem>>, vector<1x1x16xf32>,
        %get3A_606 = arith.constant 0 : i32
        %get3A_607 = arith.index_cast %get3A_606 : i32 to index
        %get3A_608 = arith.index_cast %scan3A_495 : i32 to index
        %get3A_609 = arith.constant 112 : index
        %get3A_610 = tpu.vector_load %arg7[%get3A_607, %get3A_608, %get3A_609] {strides = array<i32>} : memref<2x80x128xf32, #tpu.memory_space<vmem>>, vector<1x1x16xf32>,
        %get3A_611 = vector.shape_cast %get3A_610 : vector<1x1x16xf32> to vector<16xf32>
        %max3A_612 = arith.constant 0.000000e+00 : f32
        %max3A_613 = vector.broadcast %max3A_612 : f32 to vector<16xf32>
        %max3A_614 = arith.maximumf %get3A_611, %max3A_613 : vector<16xf32>
        %swap3A_615 = arith.constant 0 : i32
        %swap3A_616 = arith.index_cast %swap3A_615 : i32 to index
        %swap3A_617 = arith.index_cast %scan3A_495 : i32 to index
        %swap3A_618 = arith.constant 112 : index
        %swap3A_619 = tpu.vector_load %arg7[%swap3A_616, %swap3A_617, %swap3A_618] {strides = array<i32>} : memref<2x80x128xf32, #tpu.memory_space<vmem>>, vector<1x1x16xf32>,
        %swap3A_620 = vector.shape_cast %swap3A_619 : vector<1x1x16xf32> to vector<16xf32>
        %swap3A_621 = vector.shape_cast %max3A_614 : vector<16xf32> to vector<1x1x16xf32>
        tpu.vector_store %arg7[%swap3A_616, %swap3A_617, %swap3A_618], %swap3A_621 {strides = array<i32>} : memref<2x80x128xf32, #tpu.memory_space<vmem>>, vector<1x1x16xf32>,
        %scan3A_622 = arith.constant 0 : i32
        scf.yield %scan3A_622 : i32
      }
      %scan3A_252 = arith.constant 80 : i32
      %dma_start3A_253 = arith.constant 0 : i32
      %dma_start3A_254 = arith.constant 0 : i32
      %dma_start3A_255 = arith.constant 1 : i32
      %dma_start3A_256 = arith.constant 0 : i32
      %dma_start3A_257 = arith.constant 0 : i32
      %dma_start3A_258 = tpu.memref_slice %arg7[%dma_start3A_253, %dma_start3A_256, %dma_start3A_257] : memref<2x80x128xf32, #tpu.memory_space<vmem>> -> memref<1x80x128xf32, #tpu.memory_space<vmem>>
      %dma_start3A_259 = tpu.memref_squeeze %dma_start3A_258 : memref<1x80x128xf32, #tpu.memory_space<vmem>> -> memref<80x128xf32, #tpu.memory_space<vmem>>
      %dma_start3A_260 = arith.constant 0 : i32
      %dma_start3A_261 = tpu.memref_slice %arg6[%dma_start3A_254, %dma_start3A_255, %dma_start3A_260] : memref<2x2x80xi32, #tpu.memory_space<vmem>> -> memref<1x1x80xi32, #tpu.memory_space<vmem>>
      %dma_start3A_262 = tpu.memref_squeeze %dma_start3A_261 : memref<1x1x80xi32, #tpu.memory_space<vmem>> -> memref<80xi32, #tpu.memory_space<vmem>>
      %dma_start3A_263 = arith.constant 0 : i32
      %dma_start3A_264 = arith.constant 0 : i32
      %dma_start3A_265 = tpu.memref_slice %arg8[%dma_start3A_263, %dma_start3A_264] : memref<10240x128xf32, #tpu.memory_space<vmem_shared>> -> memref<10240x128xf32, #tpu.memory_space<vmem_shared>>
      tpu.enqueue_indirect_dma source(%dma_start3A_259 : memref<80x128xf32, #tpu.memory_space<vmem>>) target(%dma_start3A_265 : memref<10240x128xf32, #tpu.memory_space<vmem_shared>>) offsets(%dma_start3A_262 : memref<80xi32, #tpu.memory_space<vmem>>) semaphore(%arg11 : memref<!tpu.dma_semaphore, #tpu.memory_space<semaphore_mem>>) {add = true}
      %dma_wait3A_266 = arith.constant 1 : i32
      %dma_wait3A_267 = arith.constant 0 : i32
      %dma_wait3A_268 = arith.constant 0 : i32
      %dma_wait3A_269 = tpu.memref_slice %arg6[%dma_wait3A_266, %dma_wait3A_267, %dma_wait3A_268] : memref<2x2x80xi32, #tpu.memory_space<vmem>> -> memref<1x2x80xi32, #tpu.memory_space<vmem>>
      %dma_wait3A_270 = tpu.memref_squeeze %dma_wait3A_269 : memref<1x2x80xi32, #tpu.memory_space<vmem>> -> memref<2x80xi32, #tpu.memory_space<vmem>>
      %dma_wait3A_271 = arith.constant 0 : i32
      %dma_wait3A_272 = arith.constant 0 : i32
      %dma_wait3A_273 = tpu.memref_slice %arg4[%add3A, %add3A_232, %dma_wait3A_271, %dma_wait3A_272] : memref<32x125x2x80xi32, #tpu.memory_space<hbm>> -> memref<1x1x2x80xi32, #tpu.memory_space<hbm>>
      %dma_wait3A_274 = tpu.memref_squeeze %dma_wait3A_273 : memref<1x1x2x80xi32, #tpu.memory_space<hbm>> -> memref<2x80xi32, #tpu.memory_space<hbm>>
      %dma_wait3A_275 = arith.constant 0 : i32
      %dma_wait3A_276 = arith.constant 0 : i32
      %dma_wait3A_277 = tpu.memref_slice %arg6[%dma_wait3A_266, %dma_wait3A_275, %dma_wait3A_276] : memref<2x2x80xi32, #tpu.memory_space<vmem>> -> memref<1x2x80xi32, #tpu.memory_space<vmem>>
      %dma_wait3A_278 = tpu.memref_squeeze %dma_wait3A_277 : memref<1x2x80xi32, #tpu.memory_space<vmem>> -> memref<2x80xi32, #tpu.memory_space<vmem>>
      %dma_wait3A_279 = arith.constant 0 : i32
      %dma_wait3A_280 = arith.constant 0 : i32
      %dma_wait3A_281 = tpu.memref_slice %arg4[%add3A, %add3A_232, %dma_wait3A_279, %dma_wait3A_280] : memref<32x125x2x80xi32, #tpu.memory_space<hbm>> -> memref<1x1x2x80xi32, #tpu.memory_space<hbm>>
      %dma_wait3A_282 = tpu.memref_squeeze %dma_wait3A_281 : memref<1x1x2x80xi32, #tpu.memory_space<hbm>> -> memref<2x80xi32, #tpu.memory_space<hbm>>
      tpu.wait_dma2 semaphore(%arg14 : memref<!tpu.dma_semaphore, #tpu.memory_space<semaphore_mem>>) src(%dma_wait3A_282 : memref<2x80xi32, #tpu.memory_space<hbm>>) dst(%dma_wait3A_278 : memref<2x80xi32, #tpu.memory_space<vmem>>)
      %mul3A_283 = arith.constant 80 : i32
      %mul3A_284 = arith.muli %add3A_232, %mul3A_283 : i32
      %add3A_285 = arith.addi %mul3A_2, %mul3A_284 : i32
      %dma_wait3A_286 = arith.constant 1 : i32
      %dma_wait3A_287 = arith.constant 0 : i32
      %dma_wait3A_288 = arith.constant 0 : i32
      %dma_wait3A_289 = tpu.memref_slice %arg7[%dma_wait3A_286, %dma_wait3A_287, %dma_wait3A_288] : memref<2x80x128xf32, #tpu.memory_space<vmem>> -> memref<1x80x128xf32, #tpu.memory_space<vmem>>
      %dma_wait3A_290 = tpu.memref_squeeze %dma_wait3A_289 : memref<1x80x128xf32, #tpu.memory_space<vmem>> -> memref<80x128xf32, #tpu.memory_space<vmem>>
      %dma_wait3A_291 = arith.constant 0 : i32
      %dma_wait3A_292 = tpu.memref_slice %arg3[%add3A_285, %dma_wait3A_291] : memref<320000x128xf32, #tpu.memory_space<hbm>> -> memref<80x128xf32, #tpu.memory_space<hbm>>
      %dma_wait3A_293 = arith.constant 0 : i32
      %dma_wait3A_294 = arith.constant 0 : i32
      %dma_wait3A_295 = tpu.memref_slice %arg7[%dma_wait3A_286, %dma_wait3A_293, %dma_wait3A_294] : memref<2x80x128xf32, #tpu.memory_space<vmem>> -> memref<1x80x128xf32, #tpu.memory_space<vmem>>
      %dma_wait3A_296 = tpu.memref_squeeze %dma_wait3A_295 : memref<1x80x128xf32, #tpu.memory_space<vmem>> -> memref<80x128xf32, #tpu.memory_space<vmem>>
      %dma_wait3A_297 = arith.constant 0 : i32
      %dma_wait3A_298 = tpu.memref_slice %arg3[%add3A_285, %dma_wait3A_297] : memref<320000x128xf32, #tpu.memory_space<hbm>> -> memref<80x128xf32, #tpu.memory_space<hbm>>
      tpu.wait_dma2 semaphore(%arg16 : memref<!tpu.dma_semaphore, #tpu.memory_space<semaphore_mem>>) src(%dma_wait3A_298 : memref<80x128xf32, #tpu.memory_space<hbm>>) dst(%dma_wait3A_296 : memref<80x128xf32, #tpu.memory_space<vmem>>)
      %dma_start3A_299 = arith.constant 1 : i32
      %dma_start3A_300 = arith.constant 0 : i32
      %dma_start3A_301 = arith.constant 1 : i32
      %dma_start3A_302 = arith.constant 0 : i32
      %dma_start3A_303 = arith.constant 0 : i32
      %dma_start3A_304 = tpu.memref_slice %arg7[%dma_start3A_301, %dma_start3A_302, %dma_start3A_303] : memref<2x80x128xf32, #tpu.memory_space<vmem>> -> memref<1x80x128xf32, #tpu.memory_space<vmem>>
      %dma_start3A_305 = tpu.memref_squeeze %dma_start3A_304 : memref<1x80x128xf32, #tpu.memory_space<vmem>> -> memref<80x128xf32, #tpu.memory_space<vmem>>
      %dma_start3A_306 = arith.constant 0 : i32
      %dma_start3A_307 = tpu.memref_slice %arg6[%dma_start3A_299, %dma_start3A_300, %dma_start3A_306] : memref<2x2x80xi32, #tpu.memory_space<vmem>> -> memref<1x1x80xi32, #tpu.memory_space<vmem>>
      %dma_start3A_308 = tpu.memref_squeeze %dma_start3A_307 : memref<1x1x80xi32, #tpu.memory_space<vmem>> -> memref<80xi32, #tpu.memory_space<vmem>>
      %dma_start3A_309 = arith.constant 0 : i32
      %dma_start3A_310 = arith.constant 0 : i32
      %dma_start3A_311 = tpu.memref_slice %arg2[%dma_start3A_309, %dma_start3A_310] : memref<10000x128xf32, #tpu.memory_space<hbm>> -> memref<10000x128xf32, #tpu.memory_space<hbm>>
      tpu.enqueue_indirect_dma source(%dma_start3A_311 : memref<10000x128xf32, #tpu.memory_space<hbm>>) target(%dma_start3A_305 : memref<80x128xf32, #tpu.memory_space<vmem>>) offsets(%dma_start3A_308 : memref<80xi32, #tpu.memory_space<vmem>>) semaphore(%arg10 : memref<!tpu.dma_semaphore, #tpu.memory_space<semaphore_mem>>) {add = true}
      %dma_wait3A_312 = arith.constant 0 : i32
      %dma_wait3A_313 = arith.constant 0 : i32
      %dma_wait3A_314 = arith.constant 1 : i32
      %dma_wait3A_315 = arith.constant 0 : i32
      %dma_wait3A_316 = arith.constant 0 : i32
      %dma_wait3A_317 = tpu.memref_slice %arg7[%dma_wait3A_312, %dma_wait3A_315, %dma_wait3A_316] : memref<2x80x128xf32, #tpu.memory_space<vmem>> -> memref<1x80x128xf32, #tpu.memory_space<vmem>>
      %dma_wait3A_318 = tpu.memref_squeeze %dma_wait3A_317 : memref<1x80x128xf32, #tpu.memory_space<vmem>> -> memref<80x128xf32, #tpu.memory_space<vmem>>
      %dma_wait3A_319 = arith.constant 0 : i32
      %dma_wait3A_320 = tpu.memref_slice %arg6[%dma_wait3A_313, %dma_wait3A_314, %dma_wait3A_319] : memref<2x2x80xi32, #tpu.memory_space<vmem>> -> memref<1x1x80xi32, #tpu.memory_space<vmem>>
      %dma_wait3A_321 = tpu.memref_squeeze %dma_wait3A_320 : memref<1x1x80xi32, #tpu.memory_space<vmem>> -> memref<80xi32, #tpu.memory_space<vmem>>
      %dma_wait3A_322 = arith.constant 0 : i32
      %dma_wait3A_323 = arith.constant 0 : i32
      %dma_wait3A_324 = tpu.memref_slice %arg8[%dma_wait3A_322, %dma_wait3A_323] : memref<10240x128xf32, #tpu.memory_space<vmem_shared>> -> memref<10240x128xf32, #tpu.memory_space<vmem_shared>>
      tpu.wait_indirect_dma semaphore(%arg11 : memref<!tpu.dma_semaphore, #tpu.memory_space<semaphore_mem>>) src(%dma_wait3A_318 : memref<80x128xf32, #tpu.memory_space<vmem>>) dst(%dma_wait3A_324 : memref<10240x128xf32, #tpu.memory_space<vmem_shared>>)
      %add3A_325 = arith.constant 2 : i32
      %add3A_326 = arith.addi %mul3A_230, %add3A_325 : i32
      %dma_start3A_327 = arith.constant 0 : i32
      %dma_start3A_328 = arith.constant 0 : i32
      %dma_start3A_329 = arith.constant 0 : i32
      %dma_start3A_330 = tpu.memref_slice %arg6[%dma_start3A_327, %dma_start3A_328, %dma_start3A_329] : memref<2x2x80xi32, #tpu.memory_space<vmem>> -> memref<1x2x80xi32, #tpu.memory_space<vmem>>
      %dma_start3A_331 = tpu.memref_squeeze %dma_start3A_330 : memref<1x2x80xi32, #tpu.memory_space<vmem>> -> memref<2x80xi32, #tpu.memory_space<vmem>>
      %dma_start3A_332 = arith.constant 0 : i32
      %dma_start3A_333 = arith.constant 0 : i32
      %dma_start3A_334 = tpu.memref_slice %arg4[%add3A, %add3A_326, %dma_start3A_332, %dma_start3A_333] : memref<32x125x2x80xi32, #tpu.memory_space<hbm>> -> memref<1x1x2x80xi32, #tpu.memory_space<hbm>>
      %dma_start3A_335 = tpu.memref_squeeze %dma_start3A_334 : memref<1x1x2x80xi32, #tpu.memory_space<hbm>> -> memref<2x80xi32, #tpu.memory_space<hbm>>
      %dma_start3A_336 = arith.constant 0 : i32
      %dma_start3A_337 = arith.constant 0 : i32
      %dma_start3A_338 = tpu.memref_slice %arg6[%dma_start3A_327, %dma_start3A_336, %dma_start3A_337] : memref<2x2x80xi32, #tpu.memory_space<vmem>> -> memref<1x2x80xi32, #tpu.memory_space<vmem>>
      %dma_start3A_339 = tpu.memref_squeeze %dma_start3A_338 : memref<1x2x80xi32, #tpu.memory_space<vmem>> -> memref<2x80xi32, #tpu.memory_space<vmem>>
      %dma_start3A_340 = arith.constant 0 : i32
      %dma_start3A_341 = arith.constant 0 : i32
      %dma_start3A_342 = tpu.memref_slice %arg4[%add3A, %add3A_326, %dma_start3A_340, %dma_start3A_341] : memref<32x125x2x80xi32, #tpu.memory_space<hbm>> -> memref<1x1x2x80xi32, #tpu.memory_space<hbm>>
      %dma_start3A_343 = tpu.memref_squeeze %dma_start3A_342 : memref<1x1x2x80xi32, #tpu.memory_space<hbm>> -> memref<2x80xi32, #tpu.memory_space<hbm>>
      tpu.enqueue_dma source(%dma_start3A_343 : memref<2x80xi32, #tpu.memory_space<hbm>>) target(%dma_start3A_339 : memref<2x80xi32, #tpu.memory_space<vmem>>) target_semaphore(%arg13 : memref<!tpu.dma_semaphore, #tpu.memory_space<semaphore_mem>>)
      %add3A_344 = arith.constant 2 : i32
      %add3A_345 = arith.addi %mul3A_230, %add3A_344 : i32
      %mul3A_346 = arith.constant 80 : i32
      %mul3A_347 = arith.muli %add3A_345, %mul3A_346 : i32
      %add3A_348 = arith.addi %mul3A_2, %mul3A_347 : i32
      %dma_start3A_349 = arith.constant 0 : i32
      %dma_start3A_350 = arith.constant 0 : i32
      %dma_start3A_351 = arith.constant 0 : i32
      %dma_start3A_352 = tpu.memref_slice %arg7[%dma_start3A_349, %dma_start3A_350, %dma_start3A_351] : memref<2x80x128xf32, #tpu.memory_space<vmem>> -> memref<1x80x128xf32, #tpu.memory_space<vmem>>
      %dma_start3A_353 = tpu.memref_squeeze %dma_start3A_352 : memref<1x80x128xf32, #tpu.memory_space<vmem>> -> memref<80x128xf32, #tpu.memory_space<vmem>>
      %dma_start3A_354 = arith.constant 0 : i32
      %dma_start3A_355 = tpu.memref_slice %arg3[%add3A_348, %dma_start3A_354] : memref<320000x128xf32, #tpu.memory_space<hbm>> -> memref<80x128xf32, #tpu.memory_space<hbm>>
      %dma_start3A_356 = arith.constant 0 : i32
      %dma_start3A_357 = arith.constant 0 : i32
      %dma_start3A_358 = tpu.memref_slice %arg7[%dma_start3A_349, %dma_start3A_356, %dma_start3A_357] : memref<2x80x128xf32, #tpu.memory_space<vmem>> -> memref<1x80x128xf32, #tpu.memory_space<vmem>>
      %dma_start3A_359 = tpu.memref_squeeze %dma_start3A_358 : memref<1x80x128xf32, #tpu.memory_space<vmem>> -> memref<80x128xf32, #tpu.memory_space<vmem>>
      %dma_start3A_360 = arith.constant 0 : i32
      %dma_start3A_361 = tpu.memref_slice %arg3[%add3A_348, %dma_start3A_360] : memref<320000x128xf32, #tpu.memory_space<hbm>> -> memref<80x128xf32, #tpu.memory_space<hbm>>
      tpu.enqueue_dma source(%dma_start3A_361 : memref<80x128xf32, #tpu.memory_space<hbm>>) target(%dma_start3A_359 : memref<80x128xf32, #tpu.memory_space<vmem>>) target_semaphore(%arg15 : memref<!tpu.dma_semaphore, #tpu.memory_space<semaphore_mem>>)
      %add3A_362 = arith.constant 2 : i32
      %add3A_363 = arith.addi %mul3A_230, %add3A_362 : i32
      %dma_wait3A_364 = arith.constant 0 : i32
      %dma_wait3A_365 = arith.constant 0 : i32
      %dma_wait3A_366 = arith.constant 0 : i32
      %dma_wait3A_367 = tpu.memref_slice %arg6[%dma_wait3A_364, %dma_wait3A_365, %dma_wait3A_366] : memref<2x2x80xi32, #tpu.memory_space<vmem>> -> memref<1x2x80xi32, #tpu.memory_space<vmem>>
      %dma_wait3A_368 = tpu.memref_squeeze %dma_wait3A_367 : memref<1x2x80xi32, #tpu.memory_space<vmem>> -> memref<2x80xi32, #tpu.memory_space<vmem>>
      %dma_wait3A_369 = arith.constant 0 : i32
      %dma_wait3A_370 = arith.constant 0 : i32
      %dma_wait3A_371 = tpu.memref_slice %arg4[%add3A, %add3A_363, %dma_wait3A_369, %dma_wait3A_370] : memref<32x125x2x80xi32, #tpu.memory_space<hbm>> -> memref<1x1x2x80xi32, #tpu.memory_space<hbm>>
      %dma_wait3A_372 = tpu.memref_squeeze %dma_wait3A_371 : memref<1x1x2x80xi32, #tpu.memory_space<hbm>> -> memref<2x80xi32, #tpu.memory_space<hbm>>
      %dma_wait3A_373 = arith.constant 0 : i32
      %dma_wait3A_374 = arith.constant 0 : i32
      %dma_wait3A_375 = tpu.memref_slice %arg6[%dma_wait3A_364, %dma_wait3A_373, %dma_wait3A_374] : memref<2x2x80xi32, #tpu.memory_space<vmem>> -> memref<1x2x80xi32, #tpu.memory_space<vmem>>
      %dma_wait3A_376 = tpu.memref_squeeze %dma_wait3A_375 : memref<1x2x80xi32, #tpu.memory_space<vmem>> -> memref<2x80xi32, #tpu.memory_space<vmem>>
      %dma_wait3A_377 = arith.constant 0 : i32
      %dma_wait3A_378 = arith.constant 0 : i32
      %dma_wait3A_379 = tpu.memref_slice %arg4[%add3A, %add3A_363, %dma_wait3A_377, %dma_wait3A_378] : memref<32x125x2x80xi32, #tpu.memory_space<hbm>> -> memref<1x1x2x80xi32, #tpu.memory_space<hbm>>
      %dma_wait3A_380 = tpu.memref_squeeze %dma_wait3A_379 : memref<1x1x2x80xi32, #tpu.memory_space<hbm>> -> memref<2x80xi32, #tpu.memory_space<hbm>>
      tpu.wait_dma2 semaphore(%arg13 : memref<!tpu.dma_semaphore, #tpu.memory_space<semaphore_mem>>) src(%dma_wait3A_380 : memref<2x80xi32, #tpu.memory_space<hbm>>) dst(%dma_wait3A_376 : memref<2x80xi32, #tpu.memory_space<vmem>>)
      %add3A_381 = arith.constant 2 : i32
      %add3A_382 = arith.addi %mul3A_230, %add3A_381 : i32
      %mul3A_383 = arith.constant 80 : i32
      %mul3A_384 = arith.muli %add3A_382, %mul3A_383 : i32
      %add3A_385 = arith.addi %mul3A_2, %mul3A_384 : i32
      %dma_wait3A_386 = arith.constant 0 : i32
      %dma_wait3A_387 = arith.constant 0 : i32
      %dma_wait3A_388 = arith.constant 0 : i32
      %dma_wait3A_389 = tpu.memref_slice %arg7[%dma_wait3A_386, %dma_wait3A_387, %dma_wait3A_388] : memref<2x80x128xf32, #tpu.memory_space<vmem>> -> memref<1x80x128xf32, #tpu.memory_space<vmem>>
      %dma_wait3A_390 = tpu.memref_squeeze %dma_wait3A_389 : memref<1x80x128xf32, #tpu.memory_space<vmem>> -> memref<80x128xf32, #tpu.memory_space<vmem>>
      %dma_wait3A_391 = arith.constant 0 : i32
      %dma_wait3A_392 = tpu.memref_slice %arg3[%add3A_385, %dma_wait3A_391] : memref<320000x128xf32, #tpu.memory_space<hbm>> -> memref<80x128xf32, #tpu.memory_space<hbm>>
      %dma_wait3A_393 = arith.constant 0 : i32
      %dma_wait3A_394 = arith.constant 0 : i32
      %dma_wait3A_395 = tpu.memref_slice %arg7[%dma_wait3A_386, %dma_wait3A_393, %dma_wait3A_394] : memref<2x80x128xf32, #tpu.memory_space<vmem>> -> memref<1x80x128xf32, #tpu.memory_space<vmem>>
      %dma_wait3A_396 = tpu.memref_squeeze %dma_wait3A_395 : memref<1x80x128xf32, #tpu.memory_space<vmem>> -> memref<80x128xf32, #tpu.memory_space<vmem>>
      %dma_wait3A_397 = arith.constant 0 : i32
      %dma_wait3A_398 = tpu.memref_slice %arg3[%add3A_385, %dma_wait3A_397] : memref<320000x128xf32, #tpu.memory_space<hbm>> -> memref<80x128xf32, #tpu.memory_space<hbm>>
      tpu.wait_dma2 semaphore(%arg15 : memref<!tpu.dma_semaphore, #tpu.memory_space<semaphore_mem>>) src(%dma_wait3A_398 : memref<80x128xf32, #tpu.memory_space<hbm>>) dst(%dma_wait3A_396 : memref<80x128xf32, #tpu.memory_space<vmem>>)
      %dma_start3A_399 = arith.constant 0 : i32
      %dma_start3A_400 = arith.constant 0 : i32
      %dma_start3A_401 = arith.constant 0 : i32
      %dma_start3A_402 = arith.constant 0 : i32
      %dma_start3A_403 = arith.constant 0 : i32
      %dma_start3A_404 = tpu.memref_slice %arg7[%dma_start3A_401, %dma_start3A_402, %dma_start3A_403] : memref<2x80x128xf32, #tpu.memory_space<vmem>> -> memref<1x80x128xf32, #tpu.memory_space<vmem>>
      %dma_start3A_405 = tpu.memref_squeeze %dma_start3A_404 : memref<1x80x128xf32, #tpu.memory_space<vmem>> -> memref<80x128xf32, #tpu.memory_space<vmem>>
      %dma_start3A_406 = arith.constant 0 : i32
      %dma_start3A_407 = tpu.memref_slice %arg6[%dma_start3A_399, %dma_start3A_400, %dma_start3A_406] : memref<2x2x80xi32, #tpu.memory_space<vmem>> -> memref<1x1x80xi32, #tpu.memory_space<vmem>>
      %dma_start3A_408 = tpu.memref_squeeze %dma_start3A_407 : memref<1x1x80xi32, #tpu.memory_space<vmem>> -> memref<80xi32, #tpu.memory_space<vmem>>
      %dma_start3A_409 = arith.constant 0 : i32
      %dma_start3A_410 = arith.constant 0 : i32
      %dma_start3A_411 = tpu.memref_slice %arg2[%dma_start3A_409, %dma_start3A_410] : memref<10000x128xf32, #tpu.memory_space<hbm>> -> memref<10000x128xf32, #tpu.memory_space<hbm>>
      tpu.enqueue_indirect_dma source(%dma_start3A_411 : memref<10000x128xf32, #tpu.memory_space<hbm>>) target(%dma_start3A_405 : memref<80x128xf32, #tpu.memory_space<vmem>>) offsets(%dma_start3A_408 : memref<80xi32, #tpu.memory_space<vmem>>) semaphore(%arg9 : memref<!tpu.dma_semaphore, #tpu.memory_space<semaphore_mem>>) {add = true}
      %dma_wait3A_412 = arith.constant 1 : i32
      %dma_wait3A_413 = arith.constant 0 : i32
      %dma_wait3A_414 = arith.constant 1 : i32
      %dma_wait3A_415 = arith.constant 0 : i32
      %dma_wait3A_416 = arith.constant 0 : i32
      %dma_wait3A_417 = tpu.memref_slice %arg7[%dma_wait3A_414, %dma_wait3A_415, %dma_wait3A_416] : memref<2x80x128xf32, #tpu.memory_space<vmem>> -> memref<1x80x128xf32, #tpu.memory_space<vmem>>
      %dma_wait3A_418 = tpu.memref_squeeze %dma_wait3A_417 : memref<1x80x128xf32, #tpu.memory_space<vmem>> -> memref<80x128xf32, #tpu.memory_space<vmem>>
      %dma_wait3A_419 = arith.constant 0 : i32
      %dma_wait3A_420 = tpu.memref_slice %arg6[%dma_wait3A_412, %dma_wait3A_413, %dma_wait3A_419] : memref<2x2x80xi32, #tpu.memory_space<vmem>> -> memref<1x1x80xi32, #tpu.memory_space<vmem>>
      %dma_wait3A_421 = tpu.memref_squeeze %dma_wait3A_420 : memref<1x1x80xi32, #tpu.memory_space<vmem>> -> memref<80xi32, #tpu.memory_space<vmem>>
      %dma_wait3A_422 = arith.constant 0 : i32
      %dma_wait3A_423 = arith.constant 0 : i32
      %dma_wait3A_424 = tpu.memref_slice %arg2[%dma_wait3A_422, %dma_wait3A_423] : memref<10000x128xf32, #tpu.memory_space<hbm>> -> memref<10000x128xf32, #tpu.memory_space<hbm>>
      tpu.wait_indirect_dma semaphore(%arg10 : memref<!tpu.dma_semaphore, #tpu.memory_space<semaphore_mem>>) src(%dma_wait3A_424 : memref<10000x128xf32, #tpu.memory_space<hbm>>) dst(%dma_wait3A_418 : memref<80x128xf32, #tpu.memory_space<vmem>>)
      %scan3A_425 = arith.constant 0 : i32
      %scan3A_426 = arith.constant 0 : i32
      %scan3A_427 = arith.constant 80 : i32
      %scan3A_428 = arith.addi %scan3A_426, %scan3A_427 : i32
      %scan3A_429 = arith.constant 1 : i32
      %scan3A_430 = scf.for %scan3A_495 = %scan3A_426 to %scan3A_428 step %scan3A_429 iter_args(%scan3A_496 = %scan3A_425) -> (i32)  : i32 {
        %get3A = arith.constant 1 : i32
        %get3A_497 = arith.index_cast %get3A : i32 to index
        %get3A_498 = arith.index_cast %scan3A_495 : i32 to index
        %get3A_499 = arith.constant 0 : index
        %get3A_500 = tpu.vector_load %arg7[%get3A_497, %get3A_498, %get3A_499] {strides = array<i32>} : memref<2x80x128xf32, #tpu.memory_space<vmem>>, vector<1x1x16xf32>,
        %get3A_501 = vector.shape_cast %get3A_500 : vector<1x1x16xf32> to vector<16xf32>
        %max3A = arith.constant 0.000000e+00 : f32
        %max3A_502 = vector.broadcast %max3A : f32 to vector<16xf32>
        %max3A_503 = arith.maximumf %get3A_501, %max3A_502 : vector<16xf32>
        %swap3A = arith.constant 1 : i32
        %swap3A_504 = arith.index_cast %swap3A : i32 to index
        %swap3A_505 = arith.index_cast %scan3A_495 : i32 to index
        %swap3A_506 = arith.constant 0 : index
        %swap3A_507 = tpu.vector_load %arg7[%swap3A_504, %swap3A_505, %swap3A_506] {strides = array<i32>} : memref<2x80x128xf32, #tpu.memory_space<vmem>>, vector<1x1x16xf32>,
        %swap3A_508 = vector.shape_cast %swap3A_507 : vector<1x1x16xf32> to vector<16xf32>
        %swap3A_509 = vector.shape_cast %max3A_503 : vector<16xf32> to vector<1x1x16xf32>
        tpu.vector_store %arg7[%swap3A_504, %swap3A_505, %swap3A_506], %swap3A_509 {strides = array<i32>} : memref<2x80x128xf32, #tpu.memory_space<vmem>>, vector<1x1x16xf32>,
        %get3A_510 = arith.constant 1 : i32
        %get3A_511 = arith.index_cast %get3A_510 : i32 to index
        %get3A_512 = arith.index_cast %scan3A_495 : i32 to index
        %get3A_513 = arith.constant 16 : index
        %get3A_514 = tpu.vector_load %arg7[%get3A_511, %get3A_512, %get3A_513] {strides = array<i32>} : memref<2x80x128xf32, #tpu.memory_space<vmem>>, vector<1x1x16xf32>,
        %get3A_515 = vector.shape_cast %get3A_514 : vector<1x1x16xf32> to vector<16xf32>
        %max3A_516 = arith.constant 0.000000e+00 : f32
        %max3A_517 = vector.broadcast %max3A_516 : f32 to vector<16xf32>
        %max3A_518 = arith.maximumf %get3A_515, %max3A_517 : vector<16xf32>
        %swap3A_519 = arith.constant 1 : i32
        %swap3A_520 = arith.index_cast %swap3A_519 : i32 to index
        %swap3A_521 = arith.index_cast %scan3A_495 : i32 to index
        %swap3A_522 = arith.constant 16 : index
        %swap3A_523 = tpu.vector_load %arg7[%swap3A_520, %swap3A_521, %swap3A_522] {strides = array<i32>} : memref<2x80x128xf32, #tpu.memory_space<vmem>>, vector<1x1x16xf32>,
        %swap3A_524 = vector.shape_cast %swap3A_523 : vector<1x1x16xf32> to vector<16xf32>
        %swap3A_525 = vector.shape_cast %max3A_518 : vector<16xf32> to vector<1x1x16xf32>
        tpu.vector_store %arg7[%swap3A_520, %swap3A_521, %swap3A_522], %swap3A_525 {strides = array<i32>} : memref<2x80x128xf32, #tpu.memory_space<vmem>>, vector<1x1x16xf32>,
        %get3A_526 = arith.constant 1 : i32
        %get3A_527 = arith.index_cast %get3A_526 : i32 to index
        %get3A_528 = arith.index_cast %scan3A_495 : i32 to index
        %get3A_529 = arith.constant 32 : index
        %get3A_530 = tpu.vector_load %arg7[%get3A_527, %get3A_528, %get3A_529] {strides = array<i32>} : memref<2x80x128xf32, #tpu.memory_space<vmem>>, vector<1x1x16xf32>,
        %get3A_531 = vector.shape_cast %get3A_530 : vector<1x1x16xf32> to vector<16xf32>
        %max3A_532 = arith.constant 0.000000e+00 : f32
        %max3A_533 = vector.broadcast %max3A_532 : f32 to vector<16xf32>
        %max3A_534 = arith.maximumf %get3A_531, %max3A_533 : vector<16xf32>
        %swap3A_535 = arith.constant 1 : i32
        %swap3A_536 = arith.index_cast %swap3A_535 : i32 to index
        %swap3A_537 = arith.index_cast %scan3A_495 : i32 to index
        %swap3A_538 = arith.constant 32 : index
        %swap3A_539 = tpu.vector_load %arg7[%swap3A_536, %swap3A_537, %swap3A_538] {strides = array<i32>} : memref<2x80x128xf32, #tpu.memory_space<vmem>>, vector<1x1x16xf32>,
        %swap3A_540 = vector.shape_cast %swap3A_539 : vector<1x1x16xf32> to vector<16xf32>
        %swap3A_541 = vector.shape_cast %max3A_534 : vector<16xf32> to vector<1x1x16xf32>
        tpu.vector_store %arg7[%swap3A_536, %swap3A_537, %swap3A_538], %swap3A_541 {strides = array<i32>} : memref<2x80x128xf32, #tpu.memory_space<vmem>>, vector<1x1x16xf32>,
        %get3A_542 = arith.constant 1 : i32
        %get3A_543 = arith.index_cast %get3A_542 : i32 to index
        %get3A_544 = arith.index_cast %scan3A_495 : i32 to index
        %get3A_545 = arith.constant 48 : index
        %get3A_546 = tpu.vector_load %arg7[%get3A_543, %get3A_544, %get3A_545] {strides = array<i32>} : memref<2x80x128xf32, #tpu.memory_space<vmem>>, vector<1x1x16xf32>,
        %get3A_547 = vector.shape_cast %get3A_546 : vector<1x1x16xf32> to vector<16xf32>
        %max3A_548 = arith.constant 0.000000e+00 : f32
        %max3A_549 = vector.broadcast %max3A_548 : f32 to vector<16xf32>
        %max3A_550 = arith.maximumf %get3A_547, %max3A_549 : vector<16xf32>
        %swap3A_551 = arith.constant 1 : i32
        %swap3A_552 = arith.index_cast %swap3A_551 : i32 to index
        %swap3A_553 = arith.index_cast %scan3A_495 : i32 to index
        %swap3A_554 = arith.constant 48 : index
        %swap3A_555 = tpu.vector_load %arg7[%swap3A_552, %swap3A_553, %swap3A_554] {strides = array<i32>} : memref<2x80x128xf32, #tpu.memory_space<vmem>>, vector<1x1x16xf32>,
        %swap3A_556 = vector.shape_cast %swap3A_555 : vector<1x1x16xf32> to vector<16xf32>
        %swap3A_557 = vector.shape_cast %max3A_550 : vector<16xf32> to vector<1x1x16xf32>
        tpu.vector_store %arg7[%swap3A_552, %swap3A_553, %swap3A_554], %swap3A_557 {strides = array<i32>} : memref<2x80x128xf32, #tpu.memory_space<vmem>>, vector<1x1x16xf32>,
        %get3A_558 = arith.constant 1 : i32
        %get3A_559 = arith.index_cast %get3A_558 : i32 to index
        %get3A_560 = arith.index_cast %scan3A_495 : i32 to index
        %get3A_561 = arith.constant 64 : index
        %get3A_562 = tpu.vector_load %arg7[%get3A_559, %get3A_560, %get3A_561] {strides = array<i32>} : memref<2x80x128xf32, #tpu.memory_space<vmem>>, vector<1x1x16xf32>,
        %get3A_563 = vector.shape_cast %get3A_562 : vector<1x1x16xf32> to vector<16xf32>
        %max3A_564 = arith.constant 0.000000e+00 : f32
        %max3A_565 = vector.broadcast %max3A_564 : f32 to vector<16xf32>
        %max3A_566 = arith.maximumf %get3A_563, %max3A_565 : vector<16xf32>
        %swap3A_567 = arith.constant 1 : i32
        %swap3A_568 = arith.index_cast %swap3A_567 : i32 to index
        %swap3A_569 = arith.index_cast %scan3A_495 : i32 to index
        %swap3A_570 = arith.constant 64 : index
        %swap3A_571 = tpu.vector_load %arg7[%swap3A_568, %swap3A_569, %swap3A_570] {strides = array<i32>} : memref<2x80x128xf32, #tpu.memory_space<vmem>>, vector<1x1x16xf32>,
        %swap3A_572 = vector.shape_cast %swap3A_571 : vector<1x1x16xf32> to vector<16xf32>
        %swap3A_573 = vector.shape_cast %max3A_566 : vector<16xf32> to vector<1x1x16xf32>
        tpu.vector_store %arg7[%swap3A_568, %swap3A_569, %swap3A_570], %swap3A_573 {strides = array<i32>} : memref<2x80x128xf32, #tpu.memory_space<vmem>>, vector<1x1x16xf32>,
        %get3A_574 = arith.constant 1 : i32
        %get3A_575 = arith.index_cast %get3A_574 : i32 to index
        %get3A_576 = arith.index_cast %scan3A_495 : i32 to index
        %get3A_577 = arith.constant 80 : index
        %get3A_578 = tpu.vector_load %arg7[%get3A_575, %get3A_576, %get3A_577] {strides = array<i32>} : memref<2x80x128xf32, #tpu.memory_space<vmem>>, vector<1x1x16xf32>,
        %get3A_579 = vector.shape_cast %get3A_578 : vector<1x1x16xf32> to vector<16xf32>
        %max3A_580 = arith.constant 0.000000e+00 : f32
        %max3A_581 = vector.broadcast %max3A_580 : f32 to vector<16xf32>
        %max3A_582 = arith.maximumf %get3A_579, %max3A_581 : vector<16xf32>
        %swap3A_583 = arith.constant 1 : i32
        %swap3A_584 = arith.index_cast %swap3A_583 : i32 to index
        %swap3A_585 = arith.index_cast %scan3A_495 : i32 to index
        %swap3A_586 = arith.constant 80 : index
        %swap3A_587 = tpu.vector_load %arg7[%swap3A_584, %swap3A_585, %swap3A_586] {strides = array<i32>} : memref<2x80x128xf32, #tpu.memory_space<vmem>>, vector<1x1x16xf32>,
        %swap3A_588 = vector.shape_cast %swap3A_587 : vector<1x1x16xf32> to vector<16xf32>
        %swap3A_589 = vector.shape_cast %max3A_582 : vector<16xf32> to vector<1x1x16xf32>
        tpu.vector_store %arg7[%swap3A_584, %swap3A_585, %swap3A_586], %swap3A_589 {strides = array<i32>} : memref<2x80x128xf32, #tpu.memory_space<vmem>>, vector<1x1x16xf32>,
        %get3A_590 = arith.constant 1 : i32
        %get3A_591 = arith.index_cast %get3A_590 : i32 to index
        %get3A_592 = arith.index_cast %scan3A_495 : i32 to index
        %get3A_593 = arith.constant 96 : index
        %get3A_594 = tpu.vector_load %arg7[%get3A_591, %get3A_592, %get3A_593] {strides = array<i32>} : memref<2x80x128xf32, #tpu.memory_space<vmem>>, vector<1x1x16xf32>,
        %get3A_595 = vector.shape_cast %get3A_594 : vector<1x1x16xf32> to vector<16xf32>
        %max3A_596 = arith.constant 0.000000e+00 : f32
        %max3A_597 = vector.broadcast %max3A_596 : f32 to vector<16xf32>
        %max3A_598 = arith.maximumf %get3A_595, %max3A_597 : vector<16xf32>
        %swap3A_599 = arith.constant 1 : i32
        %swap3A_600 = arith.index_cast %swap3A_599 : i32 to index
        %swap3A_601 = arith.index_cast %scan3A_495 : i32 to index
        %swap3A_602 = arith.constant 96 : index
        %swap3A_603 = tpu.vector_load %arg7[%swap3A_600, %swap3A_601, %swap3A_602] {strides = array<i32>} : memref<2x80x128xf32, #tpu.memory_space<vmem>>, vector<1x1x16xf32>,
        %swap3A_604 = vector.shape_cast %swap3A_603 : vector<1x1x16xf32> to vector<16xf32>
        %swap3A_605 = vector.shape_cast %max3A_598 : vector<16xf32> to vector<1x1x16xf32>
        tpu.vector_store %arg7[%swap3A_600, %swap3A_601, %swap3A_602], %swap3A_605 {strides = array<i32>} : memref<2x80x128xf32, #tpu.memory_space<vmem>>, vector<1x1x16xf32>,
        %get3A_606 = arith.constant 1 : i32
        %get3A_607 = arith.index_cast %get3A_606 : i32 to index
        %get3A_608 = arith.index_cast %scan3A_495 : i32 to index
        %get3A_609 = arith.constant 112 : index
        %get3A_610 = tpu.vector_load %arg7[%get3A_607, %get3A_608, %get3A_609] {strides = array<i32>} : memref<2x80x128xf32, #tpu.memory_space<vmem>>, vector<1x1x16xf32>,
        %get3A_611 = vector.shape_cast %get3A_610 : vector<1x1x16xf32> to vector<16xf32>
        %max3A_612 = arith.constant 0.000000e+00 : f32
        %max3A_613 = vector.broadcast %max3A_612 : f32 to vector<16xf32>
        %max3A_614 = arith.maximumf %get3A_611, %max3A_613 : vector<16xf32>
        %swap3A_615 = arith.constant 1 : i32
        %swap3A_616 = arith.index_cast %swap3A_615 : i32 to index
        %swap3A_617 = arith.index_cast %scan3A_495 : i32 to index
        %swap3A_618 = arith.constant 112 : index
        %swap3A_619 = tpu.vector_load %arg7[%swap3A_616, %swap3A_617, %swap3A_618] {strides = array<i32>} : memref<2x80x128xf32, #tpu.memory_space<vmem>>, vector<1x1x16xf32>,
        %swap3A_620 = vector.shape_cast %swap3A_619 : vector<1x1x16xf32> to vector<16xf32>
        %swap3A_621 = vector.shape_cast %max3A_614 : vector<16xf32> to vector<1x1x16xf32>
        tpu.vector_store %arg7[%swap3A_616, %swap3A_617, %swap3A_618], %swap3A_621 {strides = array<i32>} : memref<2x80x128xf32, #tpu.memory_space<vmem>>, vector<1x1x16xf32>,
        %scan3A_622 = arith.constant 0 : i32
        scf.yield %scan3A_622 : i32
      }
      %scan3A_431 = arith.constant 80 : i32
      %dma_start3A_432 = arith.constant 1 : i32
      %dma_start3A_433 = arith.constant 1 : i32
      %dma_start3A_434 = arith.constant 1 : i32
      %dma_start3A_435 = arith.constant 0 : i32
      %dma_start3A_436 = arith.constant 0 : i32
      %dma_start3A_437 = tpu.memref_slice %arg7[%dma_start3A_432, %dma_start3A_435, %dma_start3A_436] : memref<2x80x128xf32, #tpu.memory_space<vmem>> -> memref<1x80x128xf32, #tpu.memory_space<vmem>>
      %dma_start3A_438 = tpu.memref_squeeze %dma_start3A_437 : memref<1x80x128xf32, #tpu.memory_space<vmem>> -> memref<80x128xf32, #tpu.memory_space<vmem>>
      %dma_start3A_439 = arith.constant 0 : i32
      %dma_start3A_440 = tpu.memref_slice %arg6[%dma_start3A_433, %dma_start3A_434, %dma_start3A_439] : memref<2x2x80xi32, #tpu.memory_space<vmem>> -> memref<1x1x80xi32, #tpu.memory_space<vmem>>
      %dma_start3A_441 = tpu.memref_squeeze %dma_start3A_440 : memref<1x1x80xi32, #tpu.memory_space<vmem>> -> memref<80xi32, #tpu.memory_space<vmem>>
      %dma_start3A_442 = arith.constant 0 : i32
      %dma_start3A_443 = arith.constant 0 : i32
      %dma_start3A_444 = tpu.memref_slice %arg8[%dma_start3A_442, %dma_start3A_443] : memref<10240x128xf32, #tpu.memory_space<vmem_shared>> -> memref<10240x128xf32, #tpu.memory_space<vmem_shared>>
      tpu.enqueue_indirect_dma source(%dma_start3A_438 : memref<80x128xf32, #tpu.memory_space<vmem>>) target(%dma_start3A_444 : memref<10240x128xf32, #tpu.memory_space<vmem_shared>>) offsets(%dma_start3A_441 : memref<80xi32, #tpu.memory_space<vmem>>) semaphore(%arg12 : memref<!tpu.dma_semaphore, #tpu.memory_space<semaphore_mem>>) {add = true}
      %dma_wait3A_445 = arith.constant 1 : i32
      %dma_wait3A_446 = arith.constant 1 : i32
      %dma_wait3A_447 = arith.constant 1 : i32
      %dma_wait3A_448 = arith.constant 0 : i32
      %dma_wait3A_449 = arith.constant 0 : i32
      %dma_wait3A_450 = tpu.memref_slice %arg7[%dma_wait3A_445, %dma_wait3A_448, %dma_wait3A_449] : memref<2x80x128xf32, #tpu.memory_space<vmem>> -> memref<1x80x128xf32, #tpu.memory_space<vmem>>
      %dma_wait3A_451 = tpu.memref_squeeze %dma_wait3A_450 : memref<1x80x128xf32, #tpu.memory_space<vmem>> -> memref<80x128xf32, #tpu.memory_space<vmem>>
      %dma_wait3A_452 = arith.constant 0 : i32
      %dma_wait3A_453 = tpu.memref_slice %arg6[%dma_wait3A_446, %dma_wait3A_447, %dma_wait3A_452] : memref<2x2x80xi32, #tpu.memory_space<vmem>> -> memref<1x1x80xi32, #tpu.memory_space<vmem>>
      %dma_wait3A_454 = tpu.memref_squeeze %dma_wait3A_453 : memref<1x1x80xi32, #tpu.memory_space<vmem>> -> memref<80xi32, #tpu.memory_space<vmem>>
      %dma_wait3A_455 = arith.constant 0 : i32
      %dma_wait3A_456 = arith.constant 0 : i32
      %dma_wait3A_457 = tpu.memref_slice %arg8[%dma_wait3A_455, %dma_wait3A_456] : memref<10240x128xf32, #tpu.memory_space<vmem_shared>> -> memref<10240x128xf32, #tpu.memory_space<vmem_shared>>
      tpu.wait_indirect_dma semaphore(%arg12 : memref<!tpu.dma_semaphore, #tpu.memory_space<semaphore_mem>>) src(%dma_wait3A_451 : memref<80x128xf32, #tpu.memory_space<vmem>>) dst(%dma_wait3A_457 : memref<10240x128xf32, #tpu.memory_space<vmem_shared>>)
      %add3A_458 = arith.constant 2 : i32
      %add3A_459 = arith.addi %add3A_232, %add3A_458 : i32
      %min3A = arith.constant 124 : i32
      %min3A_460 = arith.minsi %add3A_459, %min3A : i32
      %dma_start3A_461 = arith.constant 1 : i32
      %dma_start3A_462 = arith.constant 0 : i32
      %dma_start3A_463 = arith.constant 0 : i32
      %dma_start3A_464 = tpu.memref_slice %arg6[%dma_start3A_461, %dma_start3A_462, %dma_start3A_463] : memref<2x2x80xi32, #tpu.memory_space<vmem>> -> memref<1x2x80xi32, #tpu.memory_space<vmem>>
      %dma_start3A_465 = tpu.memref_squeeze %dma_start3A_464 : memref<1x2x80xi32, #tpu.memory_space<vmem>> -> memref<2x80xi32, #tpu.memory_space<vmem>>
      %dma_start3A_466 = arith.constant 0 : i32
      %dma_start3A_467 = arith.constant 0 : i32
      %dma_start3A_468 = tpu.memref_slice %arg4[%add3A, %min3A_460, %dma_start3A_466, %dma_start3A_467] : memref<32x125x2x80xi32, #tpu.memory_space<hbm>> -> memref<1x1x2x80xi32, #tpu.memory_space<hbm>>
      %dma_start3A_469 = tpu.memref_squeeze %dma_start3A_468 : memref<1x1x2x80xi32, #tpu.memory_space<hbm>> -> memref<2x80xi32, #tpu.memory_space<hbm>>
      %dma_start3A_470 = arith.constant 0 : i32
      %dma_start3A_471 = arith.constant 0 : i32
      %dma_start3A_472 = tpu.memref_slice %arg6[%dma_start3A_461, %dma_start3A_470, %dma_start3A_471] : memref<2x2x80xi32, #tpu.memory_space<vmem>> -> memref<1x2x80xi32, #tpu.memory_space<vmem>>
      %dma_start3A_473 = tpu.memref_squeeze %dma_start3A_472 : memref<1x2x80xi32, #tpu.memory_space<vmem>> -> memref<2x80xi32, #tpu.memory_space<vmem>>
      %dma_start3A_474 = arith.constant 0 : i32
      %dma_start3A_475 = arith.constant 0 : i32
      %dma_start3A_476 = tpu.memref_slice %arg4[%add3A, %min3A_460, %dma_start3A_474, %dma_start3A_475] : memref<32x125x2x80xi32, #tpu.memory_space<hbm>> -> memref<1x1x2x80xi32, #tpu.memory_space<hbm>>
      %dma_start3A_477 = tpu.memref_squeeze %dma_start3A_476 : memref<1x1x2x80xi32, #tpu.memory_space<hbm>> -> memref<2x80xi32, #tpu.memory_space<hbm>>
      tpu.enqueue_dma source(%dma_start3A_477 : memref<2x80xi32, #tpu.memory_space<hbm>>) target(%dma_start3A_473 : memref<2x80xi32, #tpu.memory_space<vmem>>) target_semaphore(%arg14 : memref<!tpu.dma_semaphore, #tpu.memory_space<semaphore_mem>>)
      %mul3A_478 = arith.constant 80 : i32
      %mul3A_479 = arith.muli %min3A_460, %mul3A_478 : i32
      %add3A_480 = arith.addi %mul3A_2, %mul3A_479 : i32
      %dma_start3A_481 = arith.constant 1 : i32
      %dma_start3A_482 = arith.constant 0 : i32
      %dma_start3A_483 = arith.constant 0 : i32
      %dma_start3A_484 = tpu.memref_slice %arg7[%dma_start3A_481, %dma_start3A_482, %dma_start3A_483] : memref<2x80x128xf32, #tpu.memory_space<vmem>> -> memref<1x80x128xf32, #tpu.memory_space<vmem>>
      %dma_start3A_485 = tpu.memref_squeeze %dma_start3A_484 : memref<1x80x128xf32, #tpu.memory_space<vmem>> -> memref<80x128xf32, #tpu.memory_space<vmem>>
      %dma_start3A_486 = arith.constant 0 : i32
      %dma_start3A_487 = tpu.memref_slice %arg3[%add3A_480, %dma_start3A_486] : memref<320000x128xf32, #tpu.memory_space<hbm>> -> memref<80x128xf32, #tpu.memory_space<hbm>>
      %dma_start3A_488 = arith.constant 0 : i32
      %dma_start3A_489 = arith.constant 0 : i32
      %dma_start3A_490 = tpu.memref_slice %arg7[%dma_start3A_481, %dma_start3A_488, %dma_start3A_489] : memref<2x80x128xf32, #tpu.memory_space<vmem>> -> memref<1x80x128xf32, #tpu.memory_space<vmem>>
      %dma_start3A_491 = tpu.memref_squeeze %dma_start3A_490 : memref<1x80x128xf32, #tpu.memory_space<vmem>> -> memref<80x128xf32, #tpu.memory_space<vmem>>
      %dma_start3A_492 = arith.constant 0 : i32
      %dma_start3A_493 = tpu.memref_slice %arg3[%add3A_480, %dma_start3A_492] : memref<320000x128xf32, #tpu.memory_space<hbm>> -> memref<80x128xf32, #tpu.memory_space<hbm>>
      tpu.enqueue_dma source(%dma_start3A_493 : memref<80x128xf32, #tpu.memory_space<hbm>>) target(%dma_start3A_491 : memref<80x128xf32, #tpu.memory_space<vmem>>) target_semaphore(%arg16 : memref<!tpu.dma_semaphore, #tpu.memory_space<semaphore_mem>>)
      %scan3A_494 = arith.constant 0 : i32
      scf.yield %scan3A_494 : i32
    }
    %scan3A_148 = arith.constant 62 : i32
    %dma_wait3A_149 = arith.constant 0 : i32
    %dma_wait3A_150 = arith.constant 0 : i32
    %dma_wait3A_151 = arith.constant 0 : i32
    %dma_wait3A_152 = arith.constant 0 : i32
    %dma_wait3A_153 = arith.constant 0 : i32
    %dma_wait3A_154 = tpu.memref_slice %arg7[%dma_wait3A_151, %dma_wait3A_152, %dma_wait3A_153] : memref<2x80x128xf32, #tpu.memory_space<vmem>> -> memref<1x80x128xf32, #tpu.memory_space<vmem>>
    %dma_wait3A_155 = tpu.memref_squeeze %dma_wait3A_154 : memref<1x80x128xf32, #tpu.memory_space<vmem>> -> memref<80x128xf32, #tpu.memory_space<vmem>>
    %dma_wait3A_156 = arith.constant 0 : i32
    %dma_wait3A_157 = tpu.memref_slice %arg6[%dma_wait3A_149, %dma_wait3A_150, %dma_wait3A_156] : memref<2x2x80xi32, #tpu.memory_space<vmem>> -> memref<1x1x80xi32, #tpu.memory_space<vmem>>
    %dma_wait3A_158 = tpu.memref_squeeze %dma_wait3A_157 : memref<1x1x80xi32, #tpu.memory_space<vmem>> -> memref<80xi32, #tpu.memory_space<vmem>>
    %dma_wait3A_159 = arith.constant 0 : i32
    %dma_wait3A_160 = arith.constant 0 : i32
    %dma_wait3A_161 = tpu.memref_slice %arg2[%dma_wait3A_159, %dma_wait3A_160] : memref<10000x128xf32, #tpu.memory_space<hbm>> -> memref<10000x128xf32, #tpu.memory_space<hbm>>
    tpu.wait_indirect_dma semaphore(%arg9 : memref<!tpu.dma_semaphore, #tpu.memory_space<semaphore_mem>>) src(%dma_wait3A_161 : memref<10000x128xf32, #tpu.memory_space<hbm>>) dst(%dma_wait3A_155 : memref<80x128xf32, #tpu.memory_space<vmem>>)
    %scan3A_162 = arith.constant 0 : i32
    %scan3A_163 = arith.constant 0 : i32
    %scan3A_164 = arith.constant 80 : i32
    %scan3A_165 = arith.addi %scan3A_163, %scan3A_164 : i32
    %scan3A_166 = arith.constant 1 : i32
    %scan3A_167 = scf.for %scan3A_227 = %scan3A_163 to %scan3A_165 step %scan3A_166 iter_args(%scan3A_228 = %scan3A_162) -> (i32)  : i32 {
      %get3A = arith.constant 0 : i32
      %get3A_229 = arith.index_cast %get3A : i32 to index
      %get3A_230 = arith.index_cast %scan3A_227 : i32 to index
      %get3A_231 = arith.constant 0 : index
      %get3A_232 = tpu.vector_load %arg7[%get3A_229, %get3A_230, %get3A_231] {strides = array<i32>} : memref<2x80x128xf32, #tpu.memory_space<vmem>>, vector<1x1x16xf32>,
      %get3A_233 = vector.shape_cast %get3A_232 : vector<1x1x16xf32> to vector<16xf32>
      %max3A = arith.constant 0.000000e+00 : f32
      %max3A_234 = vector.broadcast %max3A : f32 to vector<16xf32>
      %max3A_235 = arith.maximumf %get3A_233, %max3A_234 : vector<16xf32>
      %swap3A = arith.constant 0 : i32
      %swap3A_236 = arith.index_cast %swap3A : i32 to index
      %swap3A_237 = arith.index_cast %scan3A_227 : i32 to index
      %swap3A_238 = arith.constant 0 : index
      %swap3A_239 = tpu.vector_load %arg7[%swap3A_236, %swap3A_237, %swap3A_238] {strides = array<i32>} : memref<2x80x128xf32, #tpu.memory_space<vmem>>, vector<1x1x16xf32>,
      %swap3A_240 = vector.shape_cast %swap3A_239 : vector<1x1x16xf32> to vector<16xf32>
      %swap3A_241 = vector.shape_cast %max3A_235 : vector<16xf32> to vector<1x1x16xf32>
      tpu.vector_store %arg7[%swap3A_236, %swap3A_237, %swap3A_238], %swap3A_241 {strides = array<i32>} : memref<2x80x128xf32, #tpu.memory_space<vmem>>, vector<1x1x16xf32>,
      %get3A_242 = arith.constant 0 : i32
      %get3A_243 = arith.index_cast %get3A_242 : i32 to index
      %get3A_244 = arith.index_cast %scan3A_227 : i32 to index
      %get3A_245 = arith.constant 16 : index
      %get3A_246 = tpu.vector_load %arg7[%get3A_243, %get3A_244, %get3A_245] {strides = array<i32>} : memref<2x80x128xf32, #tpu.memory_space<vmem>>, vector<1x1x16xf32>,
      %get3A_247 = vector.shape_cast %get3A_246 : vector<1x1x16xf32> to vector<16xf32>
      %max3A_248 = arith.constant 0.000000e+00 : f32
      %max3A_249 = vector.broadcast %max3A_248 : f32 to vector<16xf32>
      %max3A_250 = arith.maximumf %get3A_247, %max3A_249 : vector<16xf32>
      %swap3A_251 = arith.constant 0 : i32
      %swap3A_252 = arith.index_cast %swap3A_251 : i32 to index
      %swap3A_253 = arith.index_cast %scan3A_227 : i32 to index
      %swap3A_254 = arith.constant 16 : index
      %swap3A_255 = tpu.vector_load %arg7[%swap3A_252, %swap3A_253, %swap3A_254] {strides = array<i32>} : memref<2x80x128xf32, #tpu.memory_space<vmem>>, vector<1x1x16xf32>,
      %swap3A_256 = vector.shape_cast %swap3A_255 : vector<1x1x16xf32> to vector<16xf32>
      %swap3A_257 = vector.shape_cast %max3A_250 : vector<16xf32> to vector<1x1x16xf32>
      tpu.vector_store %arg7[%swap3A_252, %swap3A_253, %swap3A_254], %swap3A_257 {strides = array<i32>} : memref<2x80x128xf32, #tpu.memory_space<vmem>>, vector<1x1x16xf32>,
      %get3A_258 = arith.constant 0 : i32
      %get3A_259 = arith.index_cast %get3A_258 : i32 to index
      %get3A_260 = arith.index_cast %scan3A_227 : i32 to index
      %get3A_261 = arith.constant 32 : index
      %get3A_262 = tpu.vector_load %arg7[%get3A_259, %get3A_260, %get3A_261] {strides = array<i32>} : memref<2x80x128xf32, #tpu.memory_space<vmem>>, vector<1x1x16xf32>,
      %get3A_263 = vector.shape_cast %get3A_262 : vector<1x1x16xf32> to vector<16xf32>
      %max3A_264 = arith.constant 0.000000e+00 : f32
      %max3A_265 = vector.broadcast %max3A_264 : f32 to vector<16xf32>
      %max3A_266 = arith.maximumf %get3A_263, %max3A_265 : vector<16xf32>
      %swap3A_267 = arith.constant 0 : i32
      %swap3A_268 = arith.index_cast %swap3A_267 : i32 to index
      %swap3A_269 = arith.index_cast %scan3A_227 : i32 to index
      %swap3A_270 = arith.constant 32 : index
      %swap3A_271 = tpu.vector_load %arg7[%swap3A_268, %swap3A_269, %swap3A_270] {strides = array<i32>} : memref<2x80x128xf32, #tpu.memory_space<vmem>>, vector<1x1x16xf32>,
      %swap3A_272 = vector.shape_cast %swap3A_271 : vector<1x1x16xf32> to vector<16xf32>
      %swap3A_273 = vector.shape_cast %max3A_266 : vector<16xf32> to vector<1x1x16xf32>
      tpu.vector_store %arg7[%swap3A_268, %swap3A_269, %swap3A_270], %swap3A_273 {strides = array<i32>} : memref<2x80x128xf32, #tpu.memory_space<vmem>>, vector<1x1x16xf32>,
      %get3A_274 = arith.constant 0 : i32
      %get3A_275 = arith.index_cast %get3A_274 : i32 to index
      %get3A_276 = arith.index_cast %scan3A_227 : i32 to index
      %get3A_277 = arith.constant 48 : index
      %get3A_278 = tpu.vector_load %arg7[%get3A_275, %get3A_276, %get3A_277] {strides = array<i32>} : memref<2x80x128xf32, #tpu.memory_space<vmem>>, vector<1x1x16xf32>,
      %get3A_279 = vector.shape_cast %get3A_278 : vector<1x1x16xf32> to vector<16xf32>
      %max3A_280 = arith.constant 0.000000e+00 : f32
      %max3A_281 = vector.broadcast %max3A_280 : f32 to vector<16xf32>
      %max3A_282 = arith.maximumf %get3A_279, %max3A_281 : vector<16xf32>
      %swap3A_283 = arith.constant 0 : i32
      %swap3A_284 = arith.index_cast %swap3A_283 : i32 to index
      %swap3A_285 = arith.index_cast %scan3A_227 : i32 to index
      %swap3A_286 = arith.constant 48 : index
      %swap3A_287 = tpu.vector_load %arg7[%swap3A_284, %swap3A_285, %swap3A_286] {strides = array<i32>} : memref<2x80x128xf32, #tpu.memory_space<vmem>>, vector<1x1x16xf32>,
      %swap3A_288 = vector.shape_cast %swap3A_287 : vector<1x1x16xf32> to vector<16xf32>
      %swap3A_289 = vector.shape_cast %max3A_282 : vector<16xf32> to vector<1x1x16xf32>
      tpu.vector_store %arg7[%swap3A_284, %swap3A_285, %swap3A_286], %swap3A_289 {strides = array<i32>} : memref<2x80x128xf32, #tpu.memory_space<vmem>>, vector<1x1x16xf32>,
      %get3A_290 = arith.constant 0 : i32
      %get3A_291 = arith.index_cast %get3A_290 : i32 to index
      %get3A_292 = arith.index_cast %scan3A_227 : i32 to index
      %get3A_293 = arith.constant 64 : index
      %get3A_294 = tpu.vector_load %arg7[%get3A_291, %get3A_292, %get3A_293] {strides = array<i32>} : memref<2x80x128xf32, #tpu.memory_space<vmem>>, vector<1x1x16xf32>,
      %get3A_295 = vector.shape_cast %get3A_294 : vector<1x1x16xf32> to vector<16xf32>
      %max3A_296 = arith.constant 0.000000e+00 : f32
      %max3A_297 = vector.broadcast %max3A_296 : f32 to vector<16xf32>
      %max3A_298 = arith.maximumf %get3A_295, %max3A_297 : vector<16xf32>
      %swap3A_299 = arith.constant 0 : i32
      %swap3A_300 = arith.index_cast %swap3A_299 : i32 to index
      %swap3A_301 = arith.index_cast %scan3A_227 : i32 to index
      %swap3A_302 = arith.constant 64 : index
      %swap3A_303 = tpu.vector_load %arg7[%swap3A_300, %swap3A_301, %swap3A_302] {strides = array<i32>} : memref<2x80x128xf32, #tpu.memory_space<vmem>>, vector<1x1x16xf32>,
      %swap3A_304 = vector.shape_cast %swap3A_303 : vector<1x1x16xf32> to vector<16xf32>
      %swap3A_305 = vector.shape_cast %max3A_298 : vector<16xf32> to vector<1x1x16xf32>
      tpu.vector_store %arg7[%swap3A_300, %swap3A_301, %swap3A_302], %swap3A_305 {strides = array<i32>} : memref<2x80x128xf32, #tpu.memory_space<vmem>>, vector<1x1x16xf32>,
      %get3A_306 = arith.constant 0 : i32
      %get3A_307 = arith.index_cast %get3A_306 : i32 to index
      %get3A_308 = arith.index_cast %scan3A_227 : i32 to index
      %get3A_309 = arith.constant 80 : index
      %get3A_310 = tpu.vector_load %arg7[%get3A_307, %get3A_308, %get3A_309] {strides = array<i32>} : memref<2x80x128xf32, #tpu.memory_space<vmem>>, vector<1x1x16xf32>,
      %get3A_311 = vector.shape_cast %get3A_310 : vector<1x1x16xf32> to vector<16xf32>
      %max3A_312 = arith.constant 0.000000e+00 : f32
      %max3A_313 = vector.broadcast %max3A_312 : f32 to vector<16xf32>
      %max3A_314 = arith.maximumf %get3A_311, %max3A_313 : vector<16xf32>
      %swap3A_315 = arith.constant 0 : i32
      %swap3A_316 = arith.index_cast %swap3A_315 : i32 to index
      %swap3A_317 = arith.index_cast %scan3A_227 : i32 to index
      %swap3A_318 = arith.constant 80 : index
      %swap3A_319 = tpu.vector_load %arg7[%swap3A_316, %swap3A_317, %swap3A_318] {strides = array<i32>} : memref<2x80x128xf32, #tpu.memory_space<vmem>>, vector<1x1x16xf32>,
      %swap3A_320 = vector.shape_cast %swap3A_319 : vector<1x1x16xf32> to vector<16xf32>
      %swap3A_321 = vector.shape_cast %max3A_314 : vector<16xf32> to vector<1x1x16xf32>
      tpu.vector_store %arg7[%swap3A_316, %swap3A_317, %swap3A_318], %swap3A_321 {strides = array<i32>} : memref<2x80x128xf32, #tpu.memory_space<vmem>>, vector<1x1x16xf32>,
      %get3A_322 = arith.constant 0 : i32
      %get3A_323 = arith.index_cast %get3A_322 : i32 to index
      %get3A_324 = arith.index_cast %scan3A_227 : i32 to index
      %get3A_325 = arith.constant 96 : index
      %get3A_326 = tpu.vector_load %arg7[%get3A_323, %get3A_324, %get3A_325] {strides = array<i32>} : memref<2x80x128xf32, #tpu.memory_space<vmem>>, vector<1x1x16xf32>,
      %get3A_327 = vector.shape_cast %get3A_326 : vector<1x1x16xf32> to vector<16xf32>
      %max3A_328 = arith.constant 0.000000e+00 : f32
      %max3A_329 = vector.broadcast %max3A_328 : f32 to vector<16xf32>
      %max3A_330 = arith.maximumf %get3A_327, %max3A_329 : vector<16xf32>
      %swap3A_331 = arith.constant 0 : i32
      %swap3A_332 = arith.index_cast %swap3A_331 : i32 to index
      %swap3A_333 = arith.index_cast %scan3A_227 : i32 to index
      %swap3A_334 = arith.constant 96 : index
      %swap3A_335 = tpu.vector_load %arg7[%swap3A_332, %swap3A_333, %swap3A_334] {strides = array<i32>} : memref<2x80x128xf32, #tpu.memory_space<vmem>>, vector<1x1x16xf32>,
      %swap3A_336 = vector.shape_cast %swap3A_335 : vector<1x1x16xf32> to vector<16xf32>
      %swap3A_337 = vector.shape_cast %max3A_330 : vector<16xf32> to vector<1x1x16xf32>
      tpu.vector_store %arg7[%swap3A_332, %swap3A_333, %swap3A_334], %swap3A_337 {strides = array<i32>} : memref<2x80x128xf32, #tpu.memory_space<vmem>>, vector<1x1x16xf32>,
      %get3A_338 = arith.constant 0 : i32
      %get3A_339 = arith.index_cast %get3A_338 : i32 to index
      %get3A_340 = arith.index_cast %scan3A_227 : i32 to index
      %get3A_341 = arith.constant 112 : index
      %get3A_342 = tpu.vector_load %arg7[%get3A_339, %get3A_340, %get3A_341] {strides = array<i32>} : memref<2x80x128xf32, #tpu.memory_space<vmem>>, vector<1x1x16xf32>,
      %get3A_343 = vector.shape_cast %get3A_342 : vector<1x1x16xf32> to vector<16xf32>
      %max3A_344 = arith.constant 0.000000e+00 : f32
      %max3A_345 = vector.broadcast %max3A_344 : f32 to vector<16xf32>
      %max3A_346 = arith.maximumf %get3A_343, %max3A_345 : vector<16xf32>
      %swap3A_347 = arith.constant 0 : i32
      %swap3A_348 = arith.index_cast %swap3A_347 : i32 to index
      %swap3A_349 = arith.index_cast %scan3A_227 : i32 to index
      %swap3A_350 = arith.constant 112 : index
      %swap3A_351 = tpu.vector_load %arg7[%swap3A_348, %swap3A_349, %swap3A_350] {strides = array<i32>} : memref<2x80x128xf32, #tpu.memory_space<vmem>>, vector<1x1x16xf32>,
      %swap3A_352 = vector.shape_cast %swap3A_351 : vector<1x1x16xf32> to vector<16xf32>
      %swap3A_353 = vector.shape_cast %max3A_346 : vector<16xf32> to vector<1x1x16xf32>
      tpu.vector_store %arg7[%swap3A_348, %swap3A_349, %swap3A_350], %swap3A_353 {strides = array<i32>} : memref<2x80x128xf32, #tpu.memory_space<vmem>>, vector<1x1x16xf32>,
      %scan3A_354 = arith.constant 0 : i32
      scf.yield %scan3A_354 : i32
    }
    %scan3A_168 = arith.constant 80 : i32
    %dma_start3A_169 = arith.constant 0 : i32
    %dma_start3A_170 = arith.constant 0 : i32
    %dma_start3A_171 = arith.constant 1 : i32
    %dma_start3A_172 = arith.constant 0 : i32
    %dma_start3A_173 = arith.constant 0 : i32
    %dma_start3A_174 = tpu.memref_slice %arg7[%dma_start3A_169, %dma_start3A_172, %dma_start3A_173] : memref<2x80x128xf32, #tpu.memory_space<vmem>> -> memref<1x80x128xf32, #tpu.memory_space<vmem>>
    %dma_start3A_175 = tpu.memref_squeeze %dma_start3A_174 : memref<1x80x128xf32, #tpu.memory_space<vmem>> -> memref<80x128xf32, #tpu.memory_space<vmem>>
    %dma_start3A_176 = arith.constant 0 : i32
    %dma_start3A_177 = tpu.memref_slice %arg6[%dma_start3A_170, %dma_start3A_171, %dma_start3A_176] : memref<2x2x80xi32, #tpu.memory_space<vmem>> -> memref<1x1x80xi32, #tpu.memory_space<vmem>>
    %dma_start3A_178 = tpu.memref_squeeze %dma_start3A_177 : memref<1x1x80xi32, #tpu.memory_space<vmem>> -> memref<80xi32, #tpu.memory_space<vmem>>
    %dma_start3A_179 = arith.constant 0 : i32
    %dma_start3A_180 = arith.constant 0 : i32
    %dma_start3A_181 = tpu.memref_slice %arg8[%dma_start3A_179, %dma_start3A_180] : memref<10240x128xf32, #tpu.memory_space<vmem_shared>> -> memref<10240x128xf32, #tpu.memory_space<vmem_shared>>
    tpu.enqueue_indirect_dma source(%dma_start3A_175 : memref<80x128xf32, #tpu.memory_space<vmem>>) target(%dma_start3A_181 : memref<10240x128xf32, #tpu.memory_space<vmem_shared>>) offsets(%dma_start3A_178 : memref<80xi32, #tpu.memory_space<vmem>>) semaphore(%arg11 : memref<!tpu.dma_semaphore, #tpu.memory_space<semaphore_mem>>) {add = true}
    %dma_wait3A_182 = arith.constant 0 : i32
    %dma_wait3A_183 = arith.constant 0 : i32
    %dma_wait3A_184 = arith.constant 1 : i32
    %dma_wait3A_185 = arith.constant 0 : i32
    %dma_wait3A_186 = arith.constant 0 : i32
    %dma_wait3A_187 = tpu.memref_slice %arg7[%dma_wait3A_182, %dma_wait3A_185, %dma_wait3A_186] : memref<2x80x128xf32, #tpu.memory_space<vmem>> -> memref<1x80x128xf32, #tpu.memory_space<vmem>>
    %dma_wait3A_188 = tpu.memref_squeeze %dma_wait3A_187 : memref<1x80x128xf32, #tpu.memory_space<vmem>> -> memref<80x128xf32, #tpu.memory_space<vmem>>
    %dma_wait3A_189 = arith.constant 0 : i32
    %dma_wait3A_190 = tpu.memref_slice %arg6[%dma_wait3A_183, %dma_wait3A_184, %dma_wait3A_189] : memref<2x2x80xi32, #tpu.memory_space<vmem>> -> memref<1x1x80xi32, #tpu.memory_space<vmem>>
    %dma_wait3A_191 = tpu.memref_squeeze %dma_wait3A_190 : memref<1x1x80xi32, #tpu.memory_space<vmem>> -> memref<80xi32, #tpu.memory_space<vmem>>
    %dma_wait3A_192 = arith.constant 0 : i32
    %dma_wait3A_193 = arith.constant 0 : i32
    %dma_wait3A_194 = tpu.memref_slice %arg8[%dma_wait3A_192, %dma_wait3A_193] : memref<10240x128xf32, #tpu.memory_space<vmem_shared>> -> memref<10240x128xf32, #tpu.memory_space<vmem_shared>>
    tpu.wait_indirect_dma semaphore(%arg11 : memref<!tpu.dma_semaphore, #tpu.memory_space<semaphore_mem>>) src(%dma_wait3A_188 : memref<80x128xf32, #tpu.memory_space<vmem>>) dst(%dma_wait3A_194 : memref<10240x128xf32, #tpu.memory_space<vmem_shared>>)
    %dma_wait3A_195 = arith.constant 0 : i32
    %dma_wait3A_196 = arith.constant 1 : i32
    %dma_wait3A_197 = arith.constant 0 : i32
    %dma_wait3A_198 = arith.constant 0 : i32
    %dma_wait3A_199 = tpu.memref_slice %arg6[%dma_wait3A_196, %dma_wait3A_197, %dma_wait3A_198] : memref<2x2x80xi32, #tpu.memory_space<vmem>> -> memref<1x2x80xi32, #tpu.memory_space<vmem>>
    %dma_wait3A_200 = tpu.memref_squeeze %dma_wait3A_199 : memref<1x2x80xi32, #tpu.memory_space<vmem>> -> memref<2x80xi32, #tpu.memory_space<vmem>>
    %dma_wait3A_201 = arith.constant 0 : i32
    %dma_wait3A_202 = arith.constant 0 : i32
    %dma_wait3A_203 = tpu.memref_slice %arg4[%add3A, %dma_wait3A_195, %dma_wait3A_201, %dma_wait3A_202] : memref<32x125x2x80xi32, #tpu.memory_space<hbm>> -> memref<1x1x2x80xi32, #tpu.memory_space<hbm>>
    %dma_wait3A_204 = tpu.memref_squeeze %dma_wait3A_203 : memref<1x1x2x80xi32, #tpu.memory_space<hbm>> -> memref<2x80xi32, #tpu.memory_space<hbm>>
    %dma_wait3A_205 = arith.constant 0 : i32
    %dma_wait3A_206 = arith.constant 0 : i32
    %dma_wait3A_207 = tpu.memref_slice %arg6[%dma_wait3A_196, %dma_wait3A_205, %dma_wait3A_206] : memref<2x2x80xi32, #tpu.memory_space<vmem>> -> memref<1x2x80xi32, #tpu.memory_space<vmem>>
    %dma_wait3A_208 = tpu.memref_squeeze %dma_wait3A_207 : memref<1x2x80xi32, #tpu.memory_space<vmem>> -> memref<2x80xi32, #tpu.memory_space<vmem>>
    %dma_wait3A_209 = arith.constant 0 : i32
    %dma_wait3A_210 = arith.constant 0 : i32
    %dma_wait3A_211 = tpu.memref_slice %arg4[%add3A, %dma_wait3A_195, %dma_wait3A_209, %dma_wait3A_210] : memref<32x125x2x80xi32, #tpu.memory_space<hbm>> -> memref<1x1x2x80xi32, #tpu.memory_space<hbm>>
    %dma_wait3A_212 = tpu.memref_squeeze %dma_wait3A_211 : memref<1x1x2x80xi32, #tpu.memory_space<hbm>> -> memref<2x80xi32, #tpu.memory_space<hbm>>
    tpu.wait_dma2 semaphore(%arg14 : memref<!tpu.dma_semaphore, #tpu.memory_space<semaphore_mem>>) src(%dma_wait3A_212 : memref<2x80xi32, #tpu.memory_space<hbm>>) dst(%dma_wait3A_208 : memref<2x80xi32, #tpu.memory_space<vmem>>)
    %dma_wait3A_213 = arith.constant 1 : i32
    %dma_wait3A_214 = arith.constant 0 : i32
    %dma_wait3A_215 = arith.constant 0 : i32
    %dma_wait3A_216 = tpu.memref_slice %arg7[%dma_wait3A_213, %dma_wait3A_214, %dma_wait3A_215] : memref<2x80x128xf32, #tpu.memory_space<vmem>> -> memref<1x80x128xf32, #tpu.memory_space<vmem>>
    %dma_wait3A_217 = tpu.memref_squeeze %dma_wait3A_216 : memref<1x80x128xf32, #tpu.memory_space<vmem>> -> memref<80x128xf32, #tpu.memory_space<vmem>>
    %dma_wait3A_218 = arith.constant 0 : i32
    %dma_wait3A_219 = tpu.memref_slice %arg3[%mul3A_2, %dma_wait3A_218] : memref<320000x128xf32, #tpu.memory_space<hbm>> -> memref<80x128xf32, #tpu.memory_space<hbm>>
    %dma_wait3A_220 = arith.constant 0 : i32
    %dma_wait3A_221 = arith.constant 0 : i32
    %dma_wait3A_222 = tpu.memref_slice %arg7[%dma_wait3A_213, %dma_wait3A_220, %dma_wait3A_221] : memref<2x80x128xf32, #tpu.memory_space<vmem>> -> memref<1x80x128xf32, #tpu.memory_space<vmem>>
    %dma_wait3A_223 = tpu.memref_squeeze %dma_wait3A_222 : memref<1x80x128xf32, #tpu.memory_space<vmem>> -> memref<80x128xf32, #tpu.memory_space<vmem>>
    %dma_wait3A_224 = arith.constant 0 : i32
    %dma_wait3A_225 = tpu.memref_slice %arg3[%mul3A_2, %dma_wait3A_224] : memref<320000x128xf32, #tpu.memory_space<hbm>> -> memref<80x128xf32, #tpu.memory_space<hbm>>
    tpu.wait_dma2 semaphore(%arg16 : memref<!tpu.dma_semaphore, #tpu.memory_space<semaphore_mem>>) src(%dma_wait3A_225 : memref<80x128xf32, #tpu.memory_space<hbm>>) dst(%dma_wait3A_223 : memref<80x128xf32, #tpu.memory_space<vmem>>)
    %barrier3A_226 = arith.constant 0 : index
    tpu.barrier barrier_id(%barrier3A_226)
    "tpu.region"() ({
      %run_scoped3A_227 = tpu.sem_alloc : memref<!tpu.dma_semaphore, #tpu.memory_space<semaphore_mem>>
      %dma_start3A_228 = arith.constant 0 : i32
      %dma_start3A_229 = tpu.memref_slice %arg5[%arg0, %mul3A_10, %dma_start3A_228] : memref<2x10240x128xf32, #tpu.memory_space<hbm>> -> memref<1x640x128xf32, #tpu.memory_space<hbm>>
      %dma_start3A_230 = tpu.memref_squeeze %dma_start3A_229 : memref<1x640x128xf32, #tpu.memory_space<hbm>> -> memref<640x128xf32, #tpu.memory_space<hbm>>
      %dma_start3A_231 = arith.constant 0 : i32
      %dma_start3A_232 = tpu.memref_slice %arg8[%mul3A_10, %dma_start3A_231] : memref<10240x128xf32, #tpu.memory_space<vmem_shared>> -> memref<640x128xf32, #tpu.memory_space<vmem_shared>>
      tpu.enqueue_dma source(%dma_start3A_232 : memref<640x128xf32, #tpu.memory_space<vmem_shared>>) target(%dma_start3A_230 : memref<640x128xf32, #tpu.memory_space<hbm>>) target_semaphore(%run_scoped3A_227 : memref<!tpu.dma_semaphore, #tpu.memory_space<semaphore_mem>>)
      %dma_wait3A_233 = arith.constant 0 : i32
      %dma_wait3A_234 = tpu.memref_slice %arg5[%arg0, %mul3A_10, %dma_wait3A_233] : memref<2x10240x128xf32, #tpu.memory_space<hbm>> -> memref<1x640x128xf32, #tpu.memory_space<hbm>>
      %dma_wait3A_235 = tpu.memref_squeeze %dma_wait3A_234 : memref<1x640x128xf32, #tpu.memory_space<hbm>> -> memref<640x128xf32, #tpu.memory_space<hbm>>
      %dma_wait3A_236 = arith.constant 0 : i32
      %dma_wait3A_237 = tpu.memref_slice %arg8[%mul3A_10, %dma_wait3A_236] : memref<10240x128xf32, #tpu.memory_space<vmem_shared>> -> memref<640x128xf32, #tpu.memory_space<vmem_shared>>
      tpu.wait_dma2 semaphore(%run_scoped3A_227 : memref<!tpu.dma_semaphore, #tpu.memory_space<semaphore_mem>>) src(%dma_wait3A_237 : memref<640x128xf32, #tpu.memory_space<vmem_shared>>) dst(%dma_wait3A_235 : memref<640x128xf32, #tpu.memory_space<hbm>>)
      tpu.yield
    }) : () -> ()
    return
  }
}

module attributes {stable_mosaic.version = 14 : i64} {
  func.func @_e_body(%arg0: i32, %arg1: memref<6400x16xf32, #tpu.memory_space<vmem>>, %arg2: memref<16x128xf32, #tpu.memory_space<vmem>>, %arg3: memref<1x128xf32, #tpu.memory_space<vmem>>, %arg4: memref<6400x128xf32, #tpu.memory_space<vmem>>) attributes {dimension_semantics = [#tpu.dimension_semantics<arbitrary>], iteration_bounds = array<i64: 50>, scalar_prefetch = 0 : i64, scratch_operands = 0 : i64, tpu.core_type = #tpu.core_type<tc>, window_params = [{transform_indices = @transform_0, window_bounds = array<i64: 6400, 16>}, {pipeline_mode = #tpu.pipeline_mode<synchronous>, transform_indices = @transform_1, window_bounds = array<i64: 16, 128>}, {pipeline_mode = #tpu.pipeline_mode<synchronous>, transform_indices = @transform_2, window_bounds = array<i64: 1, 128>}, {transform_indices = @transform_3, window_bounds = array<i64: 6400, 128>}]} {
    %get3A = arith.constant 0 : index
    %get3A_0 = arith.constant 0 : index
    %get3A_1 = vector.load %arg1[%get3A, %get3A_0] : memref<6400x16xf32, #tpu.memory_space<vmem>>, vector<6400x16xf32>
    %get3A_2 = arith.constant 0 : index
    %get3A_3 = arith.constant 0 : index
    %get3A_4 = vector.load %arg2[%get3A_2, %get3A_3] : memref<16x128xf32, #tpu.memory_space<vmem>>, vector<16x128xf32>
    %dot_general3A = arith.constant dense<0.000000e+00> : vector<6400x128xf32>
    %dot_general3A_5 = tpu.matmul %get3A_1, %get3A_4, %dot_general3A {dimension_numbers = #tpu.dot_dimension_numbers<[1], [0], [0], [1], [0, 0, 1, 1], [], []>, transpose_lhs_hint = false} : vector<6400x16xf32>, vector<16x128xf32>, vector<6400x128xf32> -> vector<6400x128xf32>
    %get3A_6 = arith.constant 0 : index
    %get3A_7 = arith.constant 0 : index
    %get3A_8 = vector.load %arg3[%get3A_6, %get3A_7] : memref<1x128xf32, #tpu.memory_space<vmem>>, vector<1x128xf32>
    %add3A = vector.broadcast %get3A_8 : vector<1x128xf32> to vector<6400x128xf32>
    %add3A_9 = arith.addf %dot_general3A_5, %add3A : vector<6400x128xf32>
    %swap3A = arith.constant 0 : index
    %swap3A_10 = arith.constant 0 : index
    %swap3A_11 = vector.load %arg4[%swap3A, %swap3A_10] : memref<6400x128xf32, #tpu.memory_space<vmem>>, vector<6400x128xf32>
    tpu.vector_store %arg4[%swap3A, %swap3A_10], %add3A_9 {strides = array<i32>} : memref<6400x128xf32, #tpu.memory_space<vmem>>, vector<6400x128xf32>,
    return
  }
  func.func @transform_0(%arg0: i32) -> (i32, i32) {
    %c0_i32 = arith.constant 0 : i32
    %c0_i32_0 = arith.constant 0 : i32
    return %arg0, %c0_i32 : i32, i32
  }
  func.func @transform_1(%arg0: i32) -> (i32, i32) {
    %c0_i32 = arith.constant 0 : i32
    %c0_i32_0 = arith.constant 0 : i32
    %c0_i32_1 = arith.constant 0 : i32
    return %c0_i32, %c0_i32_0 : i32, i32
  }
  func.func @transform_2(%arg0: i32) -> (i32, i32) {
    %c0_i32 = arith.constant 0 : i32
    %c0_i32_0 = arith.constant 0 : i32
    %c0_i32_1 = arith.constant 0 : i32
    return %c0_i32, %c0_i32_0 : i32, i32
  }
  func.func @transform_3(%arg0: i32) -> (i32, i32) {
    %c0_i32 = arith.constant 0 : i32
    %c0_i32_0 = arith.constant 0 : i32
    return %arg0, %c0_i32 : i32, i32
  }
}

module attributes {stable_mosaic.version = 14 : i64} {
  func.func @_node_body(%arg0: i32, %arg1: memref<10000x128xf32, #tpu.memory_space<vmem>>, %arg2: memref<2x10000x128xf32, #tpu.memory_space<vmem>>, %arg3: memref<128x256xf32, #tpu.memory_space<vmem>>, %arg4: memref<1x256xf32, #tpu.memory_space<vmem>>, %arg5: memref<1x256xf32, #tpu.memory_space<vmem>>, %arg6: memref<1x256xf32, #tpu.memory_space<vmem>>, %arg7: memref<256x128xf32, #tpu.memory_space<vmem>>, %arg8: memref<1x128xf32, #tpu.memory_space<vmem>>, %arg9: memref<1x128xf32, #tpu.memory_space<vmem>>, %arg10: memref<1x128xf32, #tpu.memory_space<vmem>>, %arg11: memref<1x1xf32, #tpu.memory_space<vmem>>, %arg12: memref<10000x128xf32, #tpu.memory_space<vmem>>) attributes {dimension_semantics = [#tpu.dimension_semantics<arbitrary>], iteration_bounds = array<i64: 1>, scalar_prefetch = 0 : i64, scratch_operands = 0 : i64, tpu.core_type = #tpu.core_type<tc>, window_params = [{pipeline_mode = #tpu.pipeline_mode<synchronous>, transform_indices = @transform_0, window_bounds = array<i64: 10000, 128>}, {transform_indices = @transform_1, window_bounds = array<i64: 2, 10000, 128>}, {pipeline_mode = #tpu.pipeline_mode<synchronous>, transform_indices = @transform_2, window_bounds = array<i64: 128, 256>}, {pipeline_mode = #tpu.pipeline_mode<synchronous>, transform_indices = @transform_3, window_bounds = array<i64: 1, 256>}, {pipeline_mode = #tpu.pipeline_mode<synchronous>, transform_indices = @transform_4, window_bounds = array<i64: 1, 256>}, {pipeline_mode = #tpu.pipeline_mode<synchronous>, transform_indices = @transform_5, window_bounds = array<i64: 1, 256>}, {pipeline_mode = #tpu.pipeline_mode<synchronous>, transform_indices = @transform_6, window_bounds = array<i64: 256, 128>}, {pipeline_mode = #tpu.pipeline_mode<synchronous>, transform_indices = @transform_7, window_bounds = array<i64: 1, 128>}, {pipeline_mode = #tpu.pipeline_mode<synchronous>, transform_indices = @transform_8, window_bounds = array<i64: 1, 128>}, {pipeline_mode = #tpu.pipeline_mode<synchronous>, transform_indices = @transform_9, window_bounds = array<i64: 1, 128>}, {pipeline_mode = #tpu.pipeline_mode<synchronous>, transform_indices = @transform_10, window_bounds = array<i64: 1, 1>}, {pipeline_mode = #tpu.pipeline_mode<synchronous>, transform_indices = @transform_11, window_bounds = array<i64: 10000, 128>}]} {
    %get3A = arith.constant 0 : index
    %get3A_0 = arith.constant 0 : index
    %get3A_1 = vector.load %arg11[%get3A, %get3A_0] : memref<1x1xf32, #tpu.memory_space<vmem>>, vector<1x1xf32>
    %get3A_2 = vector.extract %get3A_1[0, 0] : f32 from vector<1x1xf32>
    %add3A = arith.constant 1.000000e+00 : f32
    %add3A_3 = arith.addf %add3A, %get3A_2 : f32
    %get3A_4 = arith.constant 0 : index
    %get3A_5 = arith.constant 0 : index
    %get3A_6 = vector.load %arg1[%get3A_4, %get3A_5] : memref<10000x128xf32, #tpu.memory_space<vmem>>, vector<10000x128xf32>
    %mul3A = vector.broadcast %add3A_3 : f32 to vector<10000x128xf32>
    %mul3A_7 = arith.mulf %mul3A, %get3A_6 : vector<10000x128xf32>
    %get3A_8 = arith.constant 0 : index
    %get3A_9 = arith.constant 0 : index
    %get3A_10 = arith.constant 0 : index
    %get3A_11 = vector.load %arg2[%get3A_8, %get3A_9, %get3A_10] : memref<2x10000x128xf32, #tpu.memory_space<vmem>>, vector<1x10000x128xf32>
    %get3A_12 = vector.shape_cast %get3A_11 : vector<1x10000x128xf32> to vector<10000x128xf32>
    %add3A_13 = arith.addf %mul3A_7, %get3A_12 : vector<10000x128xf32>
    %get3A_14 = arith.constant 1 : index
    %get3A_15 = arith.constant 0 : index
    %get3A_16 = arith.constant 0 : index
    %get3A_17 = vector.load %arg2[%get3A_14, %get3A_15, %get3A_16] : memref<2x10000x128xf32, #tpu.memory_space<vmem>>, vector<1x10000x128xf32>
    %get3A_18 = vector.shape_cast %get3A_17 : vector<1x10000x128xf32> to vector<10000x128xf32>
    %add3A_19 = arith.addf %add3A_13, %get3A_18 : vector<10000x128xf32>
    %get3A_20 = arith.constant 0 : index
    %get3A_21 = arith.constant 0 : index
    %get3A_22 = vector.load %arg3[%get3A_20, %get3A_21] : memref<128x256xf32, #tpu.memory_space<vmem>>, vector<128x256xf32>
    %dot_general3A = arith.constant dense<0.000000e+00> : vector<10000x256xf32>
    %dot_general3A_23 = tpu.matmul %add3A_19, %get3A_22, %dot_general3A {dimension_numbers = #tpu.dot_dimension_numbers<[1], [0], [0], [1], [0, 0, 1, 1], [], []>, transpose_lhs_hint = false} : vector<10000x128xf32>, vector<128x256xf32>, vector<10000x256xf32> -> vector<10000x256xf32>
    %get3A_24 = arith.constant 0 : index
    %get3A_25 = arith.constant 0 : index
    %get3A_26 = vector.load %arg4[%get3A_24, %get3A_25] : memref<1x256xf32, #tpu.memory_space<vmem>>, vector<1x256xf32>
    %add3A_27 = vector.broadcast %get3A_26 : vector<1x256xf32> to vector<10000x256xf32>
    %add3A_28 = arith.addf %dot_general3A_23, %add3A_27 : vector<10000x256xf32>
    %reduce_sum3A = arith.constant dense<0.000000e+00> : vector<256xf32>
    %reduce_sum3A_29 = vector.multi_reduction <add>, %add3A_28, %reduce_sum3A [0] : vector<10000x256xf32> to vector<256xf32>
    %broadcast_in_dim3A = vector.shape_cast %reduce_sum3A_29 : vector<256xf32> to vector<1x256xf32>
    %div3A = arith.constant 1.000000e+04 : f32
    %div3A_30 = vector.broadcast %div3A : f32 to vector<1x256xf32>
    %div3A_31 = arith.divf %broadcast_in_dim3A, %div3A_30 : vector<1x256xf32>
    %sub3A = vector.broadcast %div3A_31 : vector<1x256xf32> to vector<10000x256xf32>
    %sub3A_32 = arith.subf %add3A_28, %sub3A : vector<10000x256xf32>
    %integer_pow3A = arith.mulf %sub3A_32, %sub3A_32 : vector<10000x256xf32>
    %reduce_sum3A_33 = arith.constant dense<0.000000e+00> : vector<256xf32>
    %reduce_sum3A_34 = vector.multi_reduction <add>, %integer_pow3A, %reduce_sum3A_33 [0] : vector<10000x256xf32> to vector<256xf32>
    %broadcast_in_dim3A_35 = vector.shape_cast %reduce_sum3A_34 : vector<256xf32> to vector<1x256xf32>
    %div3A_36 = arith.constant 1.000000e+04 : f32
    %div3A_37 = vector.broadcast %div3A_36 : f32 to vector<1x256xf32>
    %div3A_38 = arith.divf %broadcast_in_dim3A_35, %div3A_37 : vector<1x256xf32>
    %sub3A_39 = vector.broadcast %div3A_31 : vector<1x256xf32> to vector<10000x256xf32>
    %sub3A_40 = arith.subf %add3A_28, %sub3A_39 : vector<10000x256xf32>
    %add3A_41 = arith.constant 9.99999974E-6 : f32
    %add3A_42 = vector.broadcast %add3A_41 : f32 to vector<1x256xf32>
    %add3A_43 = arith.addf %div3A_38, %add3A_42 : vector<1x256xf32>
    %rsqrt3A = math.rsqrt %add3A_43 : vector<1x256xf32>
    %mul3A_44 = vector.broadcast %rsqrt3A : vector<1x256xf32> to vector<10000x256xf32>
    %mul3A_45 = arith.mulf %sub3A_40, %mul3A_44 : vector<10000x256xf32>
    %get3A_46 = arith.constant 0 : index
    %get3A_47 = arith.constant 0 : index
    %get3A_48 = vector.load %arg5[%get3A_46, %get3A_47] : memref<1x256xf32, #tpu.memory_space<vmem>>, vector<1x256xf32>
    %mul3A_49 = vector.broadcast %get3A_48 : vector<1x256xf32> to vector<10000x256xf32>
    %mul3A_50 = arith.mulf %mul3A_45, %mul3A_49 : vector<10000x256xf32>
    %get3A_51 = arith.constant 0 : index
    %get3A_52 = arith.constant 0 : index
    %get3A_53 = vector.load %arg6[%get3A_51, %get3A_52] : memref<1x256xf32, #tpu.memory_space<vmem>>, vector<1x256xf32>
    %add3A_54 = vector.broadcast %get3A_53 : vector<1x256xf32> to vector<10000x256xf32>
    %add3A_55 = arith.addf %mul3A_50, %add3A_54 : vector<10000x256xf32>
    %max3A = arith.constant 0.000000e+00 : f32
    %max3A_56 = vector.broadcast %max3A : f32 to vector<10000x256xf32>
    %max3A_57 = arith.maximumf %add3A_55, %max3A_56 : vector<10000x256xf32>
    %get3A_58 = arith.constant 0 : index
    %get3A_59 = arith.constant 0 : index
    %get3A_60 = vector.load %arg7[%get3A_58, %get3A_59] : memref<256x128xf32, #tpu.memory_space<vmem>>, vector<256x128xf32>
    %dot_general3A_61 = arith.constant dense<0.000000e+00> : vector<10000x128xf32>
    %dot_general3A_62 = tpu.matmul %max3A_57, %get3A_60, %dot_general3A_61 {dimension_numbers = #tpu.dot_dimension_numbers<[1], [0], [0], [1], [0, 0, 1, 1], [], []>, transpose_lhs_hint = false} : vector<10000x256xf32>, vector<256x128xf32>, vector<10000x128xf32> -> vector<10000x128xf32>
    %get3A_63 = arith.constant 0 : index
    %get3A_64 = arith.constant 0 : index
    %get3A_65 = vector.load %arg8[%get3A_63, %get3A_64] : memref<1x128xf32, #tpu.memory_space<vmem>>, vector<1x128xf32>
    %add3A_66 = vector.broadcast %get3A_65 : vector<1x128xf32> to vector<10000x128xf32>
    %add3A_67 = arith.addf %dot_general3A_62, %add3A_66 : vector<10000x128xf32>
    %reduce_sum3A_68 = arith.constant dense<0.000000e+00> : vector<128xf32>
    %reduce_sum3A_69 = vector.multi_reduction <add>, %add3A_67, %reduce_sum3A_68 [0] : vector<10000x128xf32> to vector<128xf32>
    %broadcast_in_dim3A_70 = vector.shape_cast %reduce_sum3A_69 : vector<128xf32> to vector<1x128xf32>
    %div3A_71 = arith.constant 1.000000e+04 : f32
    %div3A_72 = vector.broadcast %div3A_71 : f32 to vector<1x128xf32>
    %div3A_73 = arith.divf %broadcast_in_dim3A_70, %div3A_72 : vector<1x128xf32>
    %sub3A_74 = vector.broadcast %div3A_73 : vector<1x128xf32> to vector<10000x128xf32>
    %sub3A_75 = arith.subf %add3A_67, %sub3A_74 : vector<10000x128xf32>
    %integer_pow3A_76 = arith.mulf %sub3A_75, %sub3A_75 : vector<10000x128xf32>
    %reduce_sum3A_77 = arith.constant dense<0.000000e+00> : vector<128xf32>
    %reduce_sum3A_78 = vector.multi_reduction <add>, %integer_pow3A_76, %reduce_sum3A_77 [0] : vector<10000x128xf32> to vector<128xf32>
    %broadcast_in_dim3A_79 = vector.shape_cast %reduce_sum3A_78 : vector<128xf32> to vector<1x128xf32>
    %div3A_80 = arith.constant 1.000000e+04 : f32
    %div3A_81 = vector.broadcast %div3A_80 : f32 to vector<1x128xf32>
    %div3A_82 = arith.divf %broadcast_in_dim3A_79, %div3A_81 : vector<1x128xf32>
    %sub3A_83 = vector.broadcast %div3A_73 : vector<1x128xf32> to vector<10000x128xf32>
    %sub3A_84 = arith.subf %add3A_67, %sub3A_83 : vector<10000x128xf32>
    %add3A_85 = arith.constant 9.99999974E-6 : f32
    %add3A_86 = vector.broadcast %add3A_85 : f32 to vector<1x128xf32>
    %add3A_87 = arith.addf %div3A_82, %add3A_86 : vector<1x128xf32>
    %rsqrt3A_88 = math.rsqrt %add3A_87 : vector<1x128xf32>
    %mul3A_89 = vector.broadcast %rsqrt3A_88 : vector<1x128xf32> to vector<10000x128xf32>
    %mul3A_90 = arith.mulf %sub3A_84, %mul3A_89 : vector<10000x128xf32>
    %get3A_91 = arith.constant 0 : index
    %get3A_92 = arith.constant 0 : index
    %get3A_93 = vector.load %arg9[%get3A_91, %get3A_92] : memref<1x128xf32, #tpu.memory_space<vmem>>, vector<1x128xf32>
    %mul3A_94 = vector.broadcast %get3A_93 : vector<1x128xf32> to vector<10000x128xf32>
    %mul3A_95 = arith.mulf %mul3A_90, %mul3A_94 : vector<10000x128xf32>
    %get3A_96 = arith.constant 0 : index
    %get3A_97 = arith.constant 0 : index
    %get3A_98 = vector.load %arg10[%get3A_96, %get3A_97] : memref<1x128xf32, #tpu.memory_space<vmem>>, vector<1x128xf32>
    %add3A_99 = vector.broadcast %get3A_98 : vector<1x128xf32> to vector<10000x128xf32>
    %add3A_100 = arith.addf %mul3A_95, %add3A_99 : vector<10000x128xf32>
    %max3A_101 = arith.constant 0.000000e+00 : f32
    %max3A_102 = vector.broadcast %max3A_101 : f32 to vector<10000x128xf32>
    %max3A_103 = arith.maximumf %add3A_100, %max3A_102 : vector<10000x128xf32>
    %swap3A = arith.constant 0 : index
    %swap3A_104 = arith.constant 0 : index
    %swap3A_105 = vector.load %arg12[%swap3A, %swap3A_104] : memref<10000x128xf32, #tpu.memory_space<vmem>>, vector<10000x128xf32>
    tpu.vector_store %arg12[%swap3A, %swap3A_104], %max3A_103 {strides = array<i32>} : memref<10000x128xf32, #tpu.memory_space<vmem>>, vector<10000x128xf32>,
    return
  }
  func.func @transform_0(%arg0: i32) -> (i32, i32) {
    %c0_i32 = arith.constant 0 : i32
    %c0_i32_0 = arith.constant 0 : i32
    %c0_i32_1 = arith.constant 0 : i32
    return %c0_i32, %c0_i32_0 : i32, i32
  }
  func.func @transform_1(%arg0: i32) -> (i32, i32, i32) {
    %c0_i32 = arith.constant 0 : i32
    %c0_i32_0 = arith.constant 0 : i32
    %c0_i32_1 = arith.constant 0 : i32
    %c0_i32_2 = arith.constant 0 : i32
    return %c0_i32, %c0_i32_0, %c0_i32_1 : i32, i32, i32
  }
  func.func @transform_2(%arg0: i32) -> (i32, i32) {
    %c0_i32 = arith.constant 0 : i32
    %c0_i32_0 = arith.constant 0 : i32
    %c0_i32_1 = arith.constant 0 : i32
    return %c0_i32, %c0_i32_0 : i32, i32
  }
  func.func @transform_3(%arg0: i32) -> (i32, i32) {
    %c0_i32 = arith.constant 0 : i32
    %c0_i32_0 = arith.constant 0 : i32
    %c0_i32_1 = arith.constant 0 : i32
    return %c0_i32, %c0_i32_0 : i32, i32
  }
  func.func @transform_4(%arg0: i32) -> (i32, i32) {
    %c0_i32 = arith.constant 0 : i32
    %c0_i32_0 = arith.constant 0 : i32
    %c0_i32_1 = arith.constant 0 : i32
    return %c0_i32, %c0_i32_0 : i32, i32
  }
  func.func @transform_5(%arg0: i32) -> (i32, i32) {
    %c0_i32 = arith.constant 0 : i32
    %c0_i32_0 = arith.constant 0 : i32
    %c0_i32_1 = arith.constant 0 : i32
    return %c0_i32, %c0_i32_0 : i32, i32
  }
  func.func @transform_6(%arg0: i32) -> (i32, i32) {
    %c0_i32 = arith.constant 0 : i32
    %c0_i32_0 = arith.constant 0 : i32
    %c0_i32_1 = arith.constant 0 : i32
    return %c0_i32, %c0_i32_0 : i32, i32
  }
  func.func @transform_7(%arg0: i32) -> (i32, i32) {
    %c0_i32 = arith.constant 0 : i32
    %c0_i32_0 = arith.constant 0 : i32
    %c0_i32_1 = arith.constant 0 : i32
    return %c0_i32, %c0_i32_0 : i32, i32
  }
  func.func @transform_8(%arg0: i32) -> (i32, i32) {
    %c0_i32 = arith.constant 0 : i32
    %c0_i32_0 = arith.constant 0 : i32
    %c0_i32_1 = arith.constant 0 : i32
    return %c0_i32, %c0_i32_0 : i32, i32
  }
  func.func @transform_9(%arg0: i32) -> (i32, i32) {
    %c0_i32 = arith.constant 0 : i32
    %c0_i32_0 = arith.constant 0 : i32
    %c0_i32_1 = arith.constant 0 : i32
    return %c0_i32, %c0_i32_0 : i32, i32
  }
  func.func @transform_10(%arg0: i32) -> (i32, i32) {
    %c0_i32 = arith.constant 0 : i32
    %c0_i32_0 = arith.constant 0 : i32
    %c0_i32_1 = arith.constant 0 : i32
    return %c0_i32, %c0_i32_0 : i32, i32
  }
  func.func @transform_11(%arg0: i32) -> (i32, i32) {
    %c0_i32 = arith.constant 0 : i32
    %c0_i32_0 = arith.constant 0 : i32
    %c0_i32_1 = arith.constant 0 : i32
    return %c0_i32, %c0_i32_0 : i32, i32
  }
}

module attributes {stable_mosaic.version = 14 : i64} {
  func.func @_node_body(%arg0: i32, %arg1: memref<10000x128xf32, #tpu.memory_space<vmem>>, %arg2: memref<2x10000x128xf32, #tpu.memory_space<vmem>>, %arg3: memref<128x256xf32, #tpu.memory_space<vmem>>, %arg4: memref<1x256xf32, #tpu.memory_space<vmem>>, %arg5: memref<1x256xf32, #tpu.memory_space<vmem>>, %arg6: memref<1x256xf32, #tpu.memory_space<vmem>>, %arg7: memref<256x128xf32, #tpu.memory_space<vmem>>, %arg8: memref<1x128xf32, #tpu.memory_space<vmem>>, %arg9: memref<1x128xf32, #tpu.memory_space<vmem>>, %arg10: memref<1x128xf32, #tpu.memory_space<vmem>>, %arg11: memref<1x1xf32, #tpu.memory_space<vmem>>, %arg12: memref<10000x128xf32, #tpu.memory_space<vmem>>) attributes {dimension_semantics = [#tpu.dimension_semantics<arbitrary>], iteration_bounds = array<i64: 1>, scalar_prefetch = 0 : i64, scratch_operands = 0 : i64, tpu.core_type = #tpu.core_type<tc>, window_params = [{pipeline_mode = #tpu.pipeline_mode<synchronous>, transform_indices = @transform_0, window_bounds = array<i64: 10000, 128>}, {transform_indices = @transform_1, window_bounds = array<i64: 2, 10000, 128>}, {pipeline_mode = #tpu.pipeline_mode<synchronous>, transform_indices = @transform_2, window_bounds = array<i64: 128, 256>}, {pipeline_mode = #tpu.pipeline_mode<synchronous>, transform_indices = @transform_3, window_bounds = array<i64: 1, 256>}, {pipeline_mode = #tpu.pipeline_mode<synchronous>, transform_indices = @transform_4, window_bounds = array<i64: 1, 256>}, {pipeline_mode = #tpu.pipeline_mode<synchronous>, transform_indices = @transform_5, window_bounds = array<i64: 1, 256>}, {pipeline_mode = #tpu.pipeline_mode<synchronous>, transform_indices = @transform_6, window_bounds = array<i64: 256, 128>}, {pipeline_mode = #tpu.pipeline_mode<synchronous>, transform_indices = @transform_7, window_bounds = array<i64: 1, 128>}, {pipeline_mode = #tpu.pipeline_mode<synchronous>, transform_indices = @transform_8, window_bounds = array<i64: 1, 128>}, {pipeline_mode = #tpu.pipeline_mode<synchronous>, transform_indices = @transform_9, window_bounds = array<i64: 1, 128>}, {pipeline_mode = #tpu.pipeline_mode<synchronous>, transform_indices = @transform_10, window_bounds = array<i64: 1, 1>}, {pipeline_mode = #tpu.pipeline_mode<synchronous>, transform_indices = @transform_11, window_bounds = array<i64: 10000, 128>}]} {
    %get3A = arith.constant 0 : index
    %get3A_0 = arith.constant 0 : index
    %get3A_1 = vector.load %arg11[%get3A, %get3A_0] : memref<1x1xf32, #tpu.memory_space<vmem>>, vector<1x1xf32>
    %get3A_2 = vector.extract %get3A_1[0, 0] : f32 from vector<1x1xf32>
    %add3A = arith.constant 1.000000e+00 : f32
    %add3A_3 = arith.addf %add3A, %get3A_2 : f32
    %get3A_4 = arith.constant 0 : index
    %get3A_5 = arith.constant 0 : index
    %get3A_6 = vector.load %arg1[%get3A_4, %get3A_5] : memref<10000x128xf32, #tpu.memory_space<vmem>>, vector<10000x128xf32>
    %mul3A = vector.broadcast %add3A_3 : f32 to vector<10000x128xf32>
    %mul3A_7 = arith.mulf %mul3A, %get3A_6 : vector<10000x128xf32>
    %get3A_8 = arith.constant 0 : index
    %get3A_9 = arith.constant 0 : index
    %get3A_10 = arith.constant 0 : index
    %get3A_11 = vector.load %arg2[%get3A_8, %get3A_9, %get3A_10] : memref<2x10000x128xf32, #tpu.memory_space<vmem>>, vector<1x10000x128xf32>
    %get3A_12 = vector.shape_cast %get3A_11 : vector<1x10000x128xf32> to vector<10000x128xf32>
    %add3A_13 = arith.addf %mul3A_7, %get3A_12 : vector<10000x128xf32>
    %get3A_14 = arith.constant 1 : index
    %get3A_15 = arith.constant 0 : index
    %get3A_16 = arith.constant 0 : index
    %get3A_17 = vector.load %arg2[%get3A_14, %get3A_15, %get3A_16] : memref<2x10000x128xf32, #tpu.memory_space<vmem>>, vector<1x10000x128xf32>
    %get3A_18 = vector.shape_cast %get3A_17 : vector<1x10000x128xf32> to vector<10000x128xf32>
    %add3A_19 = arith.addf %add3A_13, %get3A_18 : vector<10000x128xf32>
    %get3A_20 = arith.constant 0 : index
    %get3A_21 = arith.constant 0 : index
    %get3A_22 = vector.load %arg3[%get3A_20, %get3A_21] : memref<128x256xf32, #tpu.memory_space<vmem>>, vector<128x256xf32>
    %dot_general3A = arith.constant dense<0.000000e+00> : vector<10000x256xf32>
    %dot_general3A_23 = tpu.matmul %add3A_19, %get3A_22, %dot_general3A {dimension_numbers = #tpu.dot_dimension_numbers<[1], [0], [0], [1], [0, 0, 1, 1], [], []>, transpose_lhs_hint = false} : vector<10000x128xf32>, vector<128x256xf32>, vector<10000x256xf32> -> vector<10000x256xf32>
    %get3A_24 = arith.constant 0 : index
    %get3A_25 = arith.constant 0 : index
    %get3A_26 = vector.load %arg4[%get3A_24, %get3A_25] : memref<1x256xf32, #tpu.memory_space<vmem>>, vector<1x256xf32>
    %add3A_27 = vector.broadcast %get3A_26 : vector<1x256xf32> to vector<10000x256xf32>
    %add3A_28 = arith.addf %dot_general3A_23, %add3A_27 : vector<10000x256xf32>
    %reduce_sum3A = arith.constant dense<0.000000e+00> : vector<256xf32>
    %reduce_sum3A_29 = vector.multi_reduction <add>, %add3A_28, %reduce_sum3A [0] : vector<10000x256xf32> to vector<256xf32>
    %broadcast_in_dim3A = vector.shape_cast %reduce_sum3A_29 : vector<256xf32> to vector<1x256xf32>
    %div3A = arith.constant 1.000000e+04 : f32
    %div3A_30 = vector.broadcast %div3A : f32 to vector<1x256xf32>
    %div3A_31 = arith.divf %broadcast_in_dim3A, %div3A_30 : vector<1x256xf32>
    %sub3A = vector.broadcast %div3A_31 : vector<1x256xf32> to vector<10000x256xf32>
    %sub3A_32 = arith.subf %add3A_28, %sub3A : vector<10000x256xf32>
    %integer_pow3A = arith.mulf %sub3A_32, %sub3A_32 : vector<10000x256xf32>
    %reduce_sum3A_33 = arith.constant dense<0.000000e+00> : vector<256xf32>
    %reduce_sum3A_34 = vector.multi_reduction <add>, %integer_pow3A, %reduce_sum3A_33 [0] : vector<10000x256xf32> to vector<256xf32>
    %broadcast_in_dim3A_35 = vector.shape_cast %reduce_sum3A_34 : vector<256xf32> to vector<1x256xf32>
    %div3A_36 = arith.constant 1.000000e+04 : f32
    %div3A_37 = vector.broadcast %div3A_36 : f32 to vector<1x256xf32>
    %div3A_38 = arith.divf %broadcast_in_dim3A_35, %div3A_37 : vector<1x256xf32>
    %sub3A_39 = vector.broadcast %div3A_31 : vector<1x256xf32> to vector<10000x256xf32>
    %sub3A_40 = arith.subf %add3A_28, %sub3A_39 : vector<10000x256xf32>
    %add3A_41 = arith.constant 9.99999974E-6 : f32
    %add3A_42 = vector.broadcast %add3A_41 : f32 to vector<1x256xf32>
    %add3A_43 = arith.addf %div3A_38, %add3A_42 : vector<1x256xf32>
    %rsqrt3A = math.rsqrt %add3A_43 : vector<1x256xf32>
    %mul3A_44 = vector.broadcast %rsqrt3A : vector<1x256xf32> to vector<10000x256xf32>
    %mul3A_45 = arith.mulf %sub3A_40, %mul3A_44 : vector<10000x256xf32>
    %get3A_46 = arith.constant 0 : index
    %get3A_47 = arith.constant 0 : index
    %get3A_48 = vector.load %arg5[%get3A_46, %get3A_47] : memref<1x256xf32, #tpu.memory_space<vmem>>, vector<1x256xf32>
    %mul3A_49 = vector.broadcast %get3A_48 : vector<1x256xf32> to vector<10000x256xf32>
    %mul3A_50 = arith.mulf %mul3A_45, %mul3A_49 : vector<10000x256xf32>
    %get3A_51 = arith.constant 0 : index
    %get3A_52 = arith.constant 0 : index
    %get3A_53 = vector.load %arg6[%get3A_51, %get3A_52] : memref<1x256xf32, #tpu.memory_space<vmem>>, vector<1x256xf32>
    %add3A_54 = vector.broadcast %get3A_53 : vector<1x256xf32> to vector<10000x256xf32>
    %add3A_55 = arith.addf %mul3A_50, %add3A_54 : vector<10000x256xf32>
    %max3A = arith.constant 0.000000e+00 : f32
    %max3A_56 = vector.broadcast %max3A : f32 to vector<10000x256xf32>
    %max3A_57 = arith.maximumf %add3A_55, %max3A_56 : vector<10000x256xf32>
    %get3A_58 = arith.constant 0 : index
    %get3A_59 = arith.constant 0 : index
    %get3A_60 = vector.load %arg7[%get3A_58, %get3A_59] : memref<256x128xf32, #tpu.memory_space<vmem>>, vector<256x128xf32>
    %dot_general3A_61 = arith.constant dense<0.000000e+00> : vector<10000x128xf32>
    %dot_general3A_62 = tpu.matmul %max3A_57, %get3A_60, %dot_general3A_61 {dimension_numbers = #tpu.dot_dimension_numbers<[1], [0], [0], [1], [0, 0, 1, 1], [], []>, transpose_lhs_hint = false} : vector<10000x256xf32>, vector<256x128xf32>, vector<10000x128xf32> -> vector<10000x128xf32>
    %get3A_63 = arith.constant 0 : index
    %get3A_64 = arith.constant 0 : index
    %get3A_65 = vector.load %arg8[%get3A_63, %get3A_64] : memref<1x128xf32, #tpu.memory_space<vmem>>, vector<1x128xf32>
    %add3A_66 = vector.broadcast %get3A_65 : vector<1x128xf32> to vector<10000x128xf32>
    %add3A_67 = arith.addf %dot_general3A_62, %add3A_66 : vector<10000x128xf32>
    %reduce_sum3A_68 = arith.constant dense<0.000000e+00> : vector<128xf32>
    %reduce_sum3A_69 = vector.multi_reduction <add>, %add3A_67, %reduce_sum3A_68 [0] : vector<10000x128xf32> to vector<128xf32>
    %broadcast_in_dim3A_70 = vector.shape_cast %reduce_sum3A_69 : vector<128xf32> to vector<1x128xf32>
    %div3A_71 = arith.constant 1.000000e+04 : f32
    %div3A_72 = vector.broadcast %div3A_71 : f32 to vector<1x128xf32>
    %div3A_73 = arith.divf %broadcast_in_dim3A_70, %div3A_72 : vector<1x128xf32>
    %sub3A_74 = vector.broadcast %div3A_73 : vector<1x128xf32> to vector<10000x128xf32>
    %sub3A_75 = arith.subf %add3A_67, %sub3A_74 : vector<10000x128xf32>
    %integer_pow3A_76 = arith.mulf %sub3A_75, %sub3A_75 : vector<10000x128xf32>
    %reduce_sum3A_77 = arith.constant dense<0.000000e+00> : vector<128xf32>
    %reduce_sum3A_78 = vector.multi_reduction <add>, %integer_pow3A_76, %reduce_sum3A_77 [0] : vector<10000x128xf32> to vector<128xf32>
    %broadcast_in_dim3A_79 = vector.shape_cast %reduce_sum3A_78 : vector<128xf32> to vector<1x128xf32>
    %div3A_80 = arith.constant 1.000000e+04 : f32
    %div3A_81 = vector.broadcast %div3A_80 : f32 to vector<1x128xf32>
    %div3A_82 = arith.divf %broadcast_in_dim3A_79, %div3A_81 : vector<1x128xf32>
    %sub3A_83 = vector.broadcast %div3A_73 : vector<1x128xf32> to vector<10000x128xf32>
    %sub3A_84 = arith.subf %add3A_67, %sub3A_83 : vector<10000x128xf32>
    %add3A_85 = arith.constant 9.99999974E-6 : f32
    %add3A_86 = vector.broadcast %add3A_85 : f32 to vector<1x128xf32>
    %add3A_87 = arith.addf %div3A_82, %add3A_86 : vector<1x128xf32>
    %rsqrt3A_88 = math.rsqrt %add3A_87 : vector<1x128xf32>
    %mul3A_89 = vector.broadcast %rsqrt3A_88 : vector<1x128xf32> to vector<10000x128xf32>
    %mul3A_90 = arith.mulf %sub3A_84, %mul3A_89 : vector<10000x128xf32>
    %get3A_91 = arith.constant 0 : index
    %get3A_92 = arith.constant 0 : index
    %get3A_93 = vector.load %arg9[%get3A_91, %get3A_92] : memref<1x128xf32, #tpu.memory_space<vmem>>, vector<1x128xf32>
    %mul3A_94 = vector.broadcast %get3A_93 : vector<1x128xf32> to vector<10000x128xf32>
    %mul3A_95 = arith.mulf %mul3A_90, %mul3A_94 : vector<10000x128xf32>
    %get3A_96 = arith.constant 0 : index
    %get3A_97 = arith.constant 0 : index
    %get3A_98 = vector.load %arg10[%get3A_96, %get3A_97] : memref<1x128xf32, #tpu.memory_space<vmem>>, vector<1x128xf32>
    %add3A_99 = vector.broadcast %get3A_98 : vector<1x128xf32> to vector<10000x128xf32>
    %add3A_100 = arith.addf %mul3A_95, %add3A_99 : vector<10000x128xf32>
    %swap3A = arith.constant 0 : index
    %swap3A_101 = arith.constant 0 : index
    %swap3A_102 = vector.load %arg12[%swap3A, %swap3A_101] : memref<10000x128xf32, #tpu.memory_space<vmem>>, vector<10000x128xf32>
    tpu.vector_store %arg12[%swap3A, %swap3A_101], %add3A_100 {strides = array<i32>} : memref<10000x128xf32, #tpu.memory_space<vmem>>, vector<10000x128xf32>,
    return
  }
  func.func @transform_0(%arg0: i32) -> (i32, i32) {
    %c0_i32 = arith.constant 0 : i32
    %c0_i32_0 = arith.constant 0 : i32
    %c0_i32_1 = arith.constant 0 : i32
    return %c0_i32, %c0_i32_0 : i32, i32
  }
  func.func @transform_1(%arg0: i32) -> (i32, i32, i32) {
    %c0_i32 = arith.constant 0 : i32
    %c0_i32_0 = arith.constant 0 : i32
    %c0_i32_1 = arith.constant 0 : i32
    %c0_i32_2 = arith.constant 0 : i32
    return %c0_i32, %c0_i32_0, %c0_i32_1 : i32, i32, i32
  }
  func.func @transform_2(%arg0: i32) -> (i32, i32) {
    %c0_i32 = arith.constant 0 : i32
    %c0_i32_0 = arith.constant 0 : i32
    %c0_i32_1 = arith.constant 0 : i32
    return %c0_i32, %c0_i32_0 : i32, i32
  }
  func.func @transform_3(%arg0: i32) -> (i32, i32) {
    %c0_i32 = arith.constant 0 : i32
    %c0_i32_0 = arith.constant 0 : i32
    %c0_i32_1 = arith.constant 0 : i32
    return %c0_i32, %c0_i32_0 : i32, i32
  }
  func.func @transform_4(%arg0: i32) -> (i32, i32) {
    %c0_i32 = arith.constant 0 : i32
    %c0_i32_0 = arith.constant 0 : i32
    %c0_i32_1 = arith.constant 0 : i32
    return %c0_i32, %c0_i32_0 : i32, i32
  }
  func.func @transform_5(%arg0: i32) -> (i32, i32) {
    %c0_i32 = arith.constant 0 : i32
    %c0_i32_0 = arith.constant 0 : i32
    %c0_i32_1 = arith.constant 0 : i32
    return %c0_i32, %c0_i32_0 : i32, i32
  }
  func.func @transform_6(%arg0: i32) -> (i32, i32) {
    %c0_i32 = arith.constant 0 : i32
    %c0_i32_0 = arith.constant 0 : i32
    %c0_i32_1 = arith.constant 0 : i32
    return %c0_i32, %c0_i32_0 : i32, i32
  }
  func.func @transform_7(%arg0: i32) -> (i32, i32) {
    %c0_i32 = arith.constant 0 : i32
    %c0_i32_0 = arith.constant 0 : i32
    %c0_i32_1 = arith.constant 0 : i32
    return %c0_i32, %c0_i32_0 : i32, i32
  }
  func.func @transform_8(%arg0: i32) -> (i32, i32) {
    %c0_i32 = arith.constant 0 : i32
    %c0_i32_0 = arith.constant 0 : i32
    %c0_i32_1 = arith.constant 0 : i32
    return %c0_i32, %c0_i32_0 : i32, i32
  }
  func.func @transform_9(%arg0: i32) -> (i32, i32) {
    %c0_i32 = arith.constant 0 : i32
    %c0_i32_0 = arith.constant 0 : i32
    %c0_i32_1 = arith.constant 0 : i32
    return %c0_i32, %c0_i32_0 : i32, i32
  }
  func.func @transform_10(%arg0: i32) -> (i32, i32) {
    %c0_i32 = arith.constant 0 : i32
    %c0_i32_0 = arith.constant 0 : i32
    %c0_i32_1 = arith.constant 0 : i32
    return %c0_i32, %c0_i32_0 : i32, i32
  }
  func.func @transform_11(%arg0: i32) -> (i32, i32) {
    %c0_i32 = arith.constant 0 : i32
    %c0_i32_0 = arith.constant 0 : i32
    %c0_i32_1 = arith.constant 0 : i32
    return %c0_i32, %c0_i32_0 : i32, i32
  }
}

</mosaic_0001>

<sc_bundles>
// kernel: kernel.11.cloned.1.call-start
scs
__scs_entry_jumppad:
0x0: {  	(pc) =	sbr.rel $0x88, $3  }
0x1: {  	(tag) =	ssettag $0x0;
	lr =	simm.s32 $0x1  }
0x2: {  	[smem:$0x3F93] =	sst lr;
	_ =	strace $0xD0000000  }
0x3: {  	_ = 	snop  }
0x4: {  	_ = 	snop  }
0x5: {  	_ = 	snop  }
0x6: {  	_ = 	snop  }
0x7: {  	_ = 	snop  }
__scs_overlays_trampoline_lowered:
0x8: {  	[smem:$0x3FA2] =	sst s0  }
0x9: {  	[smem:$0x3FA3] =	sst s1  }
0xa: {  	[smem:$0x3FA4] =	sst s2  }
0xb: {  	[smem:$0x3FA5] =	sst s3  }
0xc: {  	[smem:$0x3FA6] =	sst s4  }
0xd: {  	[smem:$0x3FA7] =	sst s5  }
0xe: {  	[smem:$0x3FA8] =	sst s6  }
0xf: {  	[smem:$0x3FA9] =	sst s7  }
0x10: {  	[smem:$0x3FAA] =	sst s8  }
0x11: {  	[smem:$0x3FAB] =	sst s9;
	s0 =	simm.s32 @!p0 $0x0  }
0x12: {  	s1 =	sld [smem:$0x3F91];
	s0 =	simm.s32 @p0 $0x1  }
0x13: {  	[smem:$0x3FAC] =	sst s0;
	s0 =	simm.s32 @!p1 $0x0  }
0x14: {  	s2 =	sld [smem:$0x3F90];
	s0 =	simm.s32 @p1 $0x1  }
0x15: {  	[smem:$0x3FAD] =	sst s0;
	s0 =	simm.s32 @!p2 $0x0  }
0x16: {  	s3 =	sld [smem:$0x3FDB];
	s0 =	simm.s32 @p2 $0x1  }
0x17: {  	s4 =	simm.s32 $0x1BF5;
	[smem:$0x3FAF] =	sst s0  }
0x18: {  	s0 =	sld [smem:$0x3F92];
	_ =	swait.ge [sflag:s4], $0x0  }
0x19: {  	s7 =	sld [smem:$0x3F93]  }
0x1a: {  	s8 =	sadd.s32 $0xFFFFE003, lr  }
0x1b: {  	s9 =	sadd.s32 $0xFFFFFEF7, lr;
	s5 =	simm.s32 $0xFFFFFFFF;
	p2 =	slt.u32 s8, $0xFFFFF086  }
0x1c: {  	p1 =	slt.u32 s9, $0xF7A;
	s5 =	simm.s32 @!p2 $0x0  }
0x1d: {  	s5 =	simm.s32 @p1 $0x1;
	p0 =	seq.s32 s7, s2  }
0x1e: {  	s7 =	smul.u32 @!p0 $0xF7A, s2;
	p2 =	seq.s32 @!p0 s5, $0x0  }
0x1f: {  	s9 =	smul.u32 $0xF7A, s1;
	s8 =	simm.s32 @!p0 $0x1BF5;
	p2 =	por !p2, p0  }
0x20: {  	[sflag:s8] =	ssyncset.s32 @!p0 $0xFFFFF086;
	s6 =	sadd.s32 @!p0 s3, s7;
	s7 =	simm.s32 @!p0 $0x108  }
0x21: {  	s3 =	sadd.s32 s3, s9;
	s6 =	sadd.s32 @!p0 $0x88, s6;
	s7 =	simm.s32 @p2 $0x1082  }
0x22: {  	[simem:s7], [sflag:s8] =	dma.local @!p0 [hbm:s6], $0xF7A  }
0x23: {  	s9 =	sor.u32 $0xD0000000, s2;
	s6 =	simm.s32 $0x108;
	_ =	swait.ge @!p0 [sflag:s8], $0x0  }
0x24: {  	s3 =	sadd.s32 $0x88, s3;
	s6 =	simm.s32 @!p1 $0x1082;
	[sflag:s4] =	ssyncset.s32 $0xFFFFF086  }
0x25: {  	[simem:s6], [sflag:s4] =	dma.local [hbm:s3], $0xF7A  }
0x26: {  	[smem:$0x3F93] =	sst s1;
	(tag) =	ssettag s2;
	_ =	strace s9  }
0x27: {  	s1 =	sld [smem:$0x3FA3]  }
0x28: {  	s2 =	sld [smem:$0x3FA4]  }
0x29: {  	s4 =	sld [smem:$0x3FA6]  }
0x2a: {  	p0 =	seq.s32 s5, $0x0;
	s5 =	sld [smem:$0x3FA7]  }
0x2b: {  	s6 =	sld [smem:$0x3FA8]  }
0x2c: {  	s7 =	sld [smem:$0x3FA9]  }
0x2d: {  	s3 =	simm.s32 $0x108;
	s8 =	sld [smem:$0x3FAA]  }
0x2e: {  	s3 =	simm.s32 @!p0 $0x1082;
	s9 =	sld [smem:$0x3FAB]  }
0x2f: {  	lr =	sadd.s32 s0, s3;
	s0 =	sld [smem:$0x3FA2]  }
0x30: {  	s3 =	sld [smem:$0x3FA5]  }
0x31: {  	[smem:$0x3FAE] =	sst s10  }
0x32: {  	s10 =	sld [smem:$0x3FAC];
	_ =	sdelay $0x3  }
0x33: {  	p0 =	seq.s32 s10, $0x1;
	s10 =	sld [smem:$0x3FAE];
	_ =	sdelay $0x3  }
0x34: {  	[smem:$0x3FAE] =	sst s10  }
0x35: {  	s10 =	sld [smem:$0x3FAD];
	_ =	sdelay $0x3  }
0x36: {  	p1 =	seq.s32 s10, $0x1;
	s10 =	sld [smem:$0x3FAE];
	_ =	sdelay $0x3  }
0x37: {  	[smem:$0x3FAE] =	sst s10  }
0x38: {  	s10 =	sld [smem:$0x3FAF]  }
0x39: {  	_ = 	snop;
	(pc) =	sbr.ind lr, $3  }
0x3a: {  	_ = 	snop  }
0x3b: {  	_ = 	snop  }
0x3c: {  	p2 =	seq.s32 s10, $0x1;
	s10 =	sld [smem:$0x3FAE]  }
0x3d: {  	_ =	shalt  }
0x3e: {  	_ =	shalt  }
0x3f: {  	_ =	shalt  }
0x40: {  	_ =	shalt  }
0x41: {  	_ =	shalt  }
0x42: {  	_ =	shalt  }
0x43: {  	_ =	shalt  }
0x44: {  	_ =	shalt  }
0x45: {  	_ =	shalt  }
0x46: {  	_ =	shalt  }
0x47: {  	_ =	shalt  }
0x48: {  	_ =	shalt  }
0x49: {  	_ =	shalt  }
0x4a: {  	_ =	shalt  }
0x4b: {  	_ =	shalt  }
0x4c: {  	_ =	shalt  }
0x4d: {  	_ =	shalt  }
0x4e: {  	_ =	shalt  }
0x4f: {  	_ =	shalt  }
0x50: {  	_ =	shalt  }
0x51: {  	_ =	shalt  }
0x52: {  	_ =	shalt  }
0x53: {  	_ =	shalt  }
0x54: {  	_ =	shalt  }
0x55: {  	_ =	shalt  }
0x56: {  	_ =	shalt  }
0x57: {  	_ =	shalt  }
0x58: {  	_ =	shalt  }
0x59: {  	_ =	shalt  }
0x5a: {  	_ =	shalt  }
0x5b: {  	_ =	shalt  }
0x5c: {  	_ =	shalt  }
0x5d: {  	_ =	shalt  }
0x5e: {  	_ =	shalt  }
0x5f: {  	_ =	shalt  }
0x60: {  	_ =	shalt  }
0x61: {  	_ =	shalt  }
0x62: {  	_ =	shalt  }
0x63: {  	_ =	shalt  }
0x64: {  	_ =	shalt  }
0x65: {  	_ =	shalt  }
0x66: {  	_ =	shalt  }
0x67: {  	_ =	shalt  }
0x68: {  	_ =	shalt  }
0x69: {  	_ =	shalt  }
0x6a: {  	_ =	shalt  }
0x6b: {  	_ =	shalt  }
0x6c: {  	_ =	shalt  }
0x6d: {  	_ =	shalt  }
0x6e: {  	_ =	shalt  }
0x6f: {  	_ =	shalt  }
0x70: {  	_ =	shalt  }
0x71: {  	_ =	shalt  }
0x72: {  	_ =	shalt  }
0x73: {  	_ =	shalt  }
0x74: {  	_ =	shalt  }
0x75: {  	_ =	shalt  }
0x76: {  	_ =	shalt  }
0x77: {  	_ =	shalt  }
0x78: {  	_ =	shalt  }
0x79: {  	_ =	shalt  }
0x7a: {  	_ =	shalt  }
0x7b: {  	_ =	shalt  }
0x7c: {  	_ =	shalt  }
0x7d: {  	_ =	shalt  }
0x7e: {  	_ =	shalt  }
0x7f: {  	_ =	shalt  }
0x80: {  	_ =	shalt  }
0x81: {  	_ =	shalt  }
0x82: {  	_ =	shalt  }
0x83: {  	_ =	shalt  }
0x84: {  	_ =	shalt  }
0x85: {  	_ =	shalt  }
0x86: {  	_ =	shalt  }
0x87: {  	_ =	shalt  }
.Lfunc_end0:
.L_simem_size_0:
called_computation_lowered:
.L_overlay_start_0:
0x88: {  	s2 =	sld [smem:$0x3FD9]  }
0x89: {  	s3 =	sld [smem:$0x3FFE];
	_ =	sdelay $0x1  }
0x8a: {  	s1 =	srdreg.scid  }
0x8b: {  	s0 =	sand.u32 $0x1, s1  }
0x8c: {  	s17 =	sshll.u32 s0, $0xA;
	s2 =	sadd.s32 s3, s2  }
0x8d: {  	s2 =	sadd.s32 s2, s17  }
0x8e: {  	[smem:$0x3FBA] =	sst s2  }
0x8f: {  	_ = 	snop  }
0x90: {  	s2 =	sld [smem:$0x3FC9];
	(tm) =	ssettm $0x1  }
0x91: {  	s18 =	sld [smem:$0x3FFB];
	_ =	sdelay $0x3  }
0x92: {  	_ =	strace s18  }
0x93: {  	s3 =	sld [smem:$0x3FFC];
	_ =	sdelay $0x3  }
0x94: {  	_ =	strace s3  }
0x95: {  	s3 =	sld [smem:$0x3FFD];
	_ =	sdelay $0x3  }
0x96: {  	_ =	strace s3  }
0x97: {  	_ =	strace $0x8FFFFFFF  }
0x98: {  	s19 =	sld [smem:$0x3FDB];
	_ =	sdelay $0x1  }
0x99: {  	s4 =	simm.s32 $_scs_section_size  }
0x9a: {  	s5 =	simm.s32 $_size__tile_overlayer_lowered;
	s6 =	simm.s32 $_tile_overlayer_lowered  }
0x9b: {  	s22 =	simm.s32 $0x1BFF;
	s21 =	sshll.u32 s6, $0x1;
	s3 =	sadd.s32 s4, s19  }
0x9c: {  	s7 =	simm.s32 $0x0;
	s20 =	sshll.u32 s5, $0x1;
	s5 =	sadd.s32 s21, s3  }
0x9d: {  	[timem:s7], [sflag:s22] =	dma.local [hbm:s5], s20  }
0x9e: {  	_ =	swait.ge [sflag:s22], s20  }
0x9f: {  	s4 =	ssub.s32 $0x0, s20;
	[sflag:s22] =	ssyncset.done $0x0  }
0xa0: {  	[sflag:s22] =	ssyncadd.s32 s4;
	_ =	sdelay $0x1  }
0xa1: {  	s23 =	simm.s32 $0x1B8B  }
0xa2: {  	_ =	swait.ge [sflag:s23], $0x1  }
0xa3: {  	[sflag:s23] =	ssyncset.done $0x0  }
0xa4: {  	s25 =	simm.s32 $0x1B8E;
	s24 =	sld [smem:$0x3FFE];
	[sflag:s23] =	ssyncadd.s32 $0xFFFFFFFF  }
0xa5: {  	s26 =	simm.s32 $execute0_lowered;
	[smem:$0x3FD2] =	sst s25  }
0xa6: {  	s5 =	sshll.u32 s26, $0x1;
	_ =	strace $0x80000046;
	[dreg:$0x1] =	wrdreg $0xFFFFFFFF  }
0xa7: {  	s28 =	simm.s32 $_size_execute0_lowered;
	s3 =	sadd.s32 s3, s5;
	[dreg:$0x0] =	wrdreg $0x0  }
0xa8: {  	s5 =	sshll.u32 s28, $0x1;
	[dreg:$0x2] =	wrdreg s3  }
0xa9: {  	[dreg:$0x3] =	wrdreg s5  }
0xaa: {  	[dreg:$0x4] =	wrdreg $0xC0  }
0xab: {  	_ =	task [dreg:s7], $0x5FFFF  }
0xac: {  	[dreg:$0x1] =	wrdreg $0xFFFFFFFF  }
0xad: {  	[dreg:$0x0] =	wrdreg $0x60  }
0xae: {  	[dreg:$0x2] =	wrdreg s2  }
0xaf: {  	[dreg:$0x3] =	wrdreg s24  }
0xb0: {  	[dreg:$0x4] =	wrdreg $0x52000  }
0xb1: {  	[dreg:$0x5] =	wrdreg $0x9  }
0xb2: {  	_ =	task.clear_ibuf [dreg:s7], $0x6FFFF;
	_ =	strace $0x90000046  }
0xb3: {  	s29 =	simm.s32 $0x9;
	_ =	strace $0x80000048  }
0xb4: {  	_ =	swait.ge [sflag:s29], $0x1  }
0xb5: {  	[sflag:s29] =	ssyncadd.s32 $0xFFFFFFFF  }
0xb6: {  	_ =	strace $0x90000048  }
0xb7: {  	_ =	sfence  }
0xb8: {  	s30 =	sld [smem:$0x0];
	_ =	sdelay $0x2  }
0xb9: {  	s31 =	sshll.u32 s1, $0xD;
	s1 =	sshrl.u32 s1, $0x2  }
0xba: {  	s3 =	sand.u32 $0x4000, s31;
	s1 =	sadd.s32 s1, s30  }
0xbb: {  	s0 =	sor.u32 s3, s0;
	s1 =	sshll.u32 s1, $0x11  }
0xbc: {  	s0 =	sor.u32 s1, s0  }
0xbd: {  	s0 =	sadd.s32 $0x8F2B, s0  }
0xbe: {  	[sflag:s0] =	ssyncadd.remote.s32 $0x1  }
0xbf: {  	_ =	sfence.sel $0xFFFF  }
0xc0: {  	[dreg:$0x0] =	wrdreg $0xFFFFFFFF;
	(pc) =	sbr.abs _section_cstart, $3  }
0xc1: {  	[dreg:$0x1] =	wrdreg $0xFFFFFFFF  }
0xc2: {  	_ =	task.clear_ibuf [dreg:s7], $0x2FFFF;
	_ =	strace $0x9FFFFFFF  }
0xc3: {  	(tm) =	ssettm $0x7FFFFFFF  }
tec
execute0_lowered:
.L_overlay_start_1:
0x0: {  	(tag) =	ssettag $0x1  }
0x1: {  	s0 =	rddreg [dreg:$0x0]  }
0x2: {  	s1 =	rddreg [dreg:$0x1];
	s2 =	srdreg.scid  }
0x3: {  	s3 =	rddreg [dreg:$0x2];
	s9 =	stileid.u32  }
0x4: {  	s4 =	simm.s32 $0x0;
	s28 =	simm.s32 $0x50;
	s29 =	simm.s32 $0x100  }
0x5: {  	s30 =	simm.s32 $0x2A00;
	s31 =	simm.s32 $0x1;
	s14 =	simm.s32 $0x4  }
0x6: {  	s15 =	simm.s32 $0x0;
	s2 =	sand.u32 $0x1, s2;
	s6 =	smul.u32 $0x14000, s9  }
0x7: {  	[smem:$0x7FF] =	sst s4;
	s8 =	smul.u32 $0x50000, s9;
	s17 =	sshll.u32 s9, $0x1  }
0x8: {  	s5 =	smul.u32 $0x140000, s2;
	_ =	strace $0x80000047;
	s18 =	ssub.s32 $0x2, s2  }
0x9: {  	s2 =	sor.u32 s2, s17;
	s8 =	sshrl.u32 s8, $0x2;
	s10 =	sshrl.u32 s18, $0x1  }
0xa: {  	s21 =	smul.u32 $0x138800, s2;
	s6 =	sadd.s32 s6, s5;
	s8 =	sadd.s32 s8, s3  }
0xb: {  	s5 =	sadd.s32 $0x508600, s1;
	s9 =	ssub.s32 s18, s10;
	s19 =	sadd.s32 $0x2800, s8  }
0xc: {  	s10 =	smul.u32 $0x7D00, s2;
	s11 =	sadd.s32 $0x5000, s8;
	[dreg:$0x4] =	wrdreg s19  }
0xd: {  	s7 =	sshrl.u32 s6, $0x3;
	s20 =	sadd.s32 $0x7800, s8;
	[dreg:$0x5] =	wrdreg s11  }
0xe: {  	s6 =	sadd.s32 $0x4E9200, s1;
	s12 =	sadd.s32 $0xA000, s8;
	[dreg:$0x6] =	wrdreg s20  }
0xf: {  	s22 =	sadd.s32 $0xC800, s8;
	s23 =	sadd.s32 $0xF000, s8;
	[dreg:$0x7] =	wrdreg s12  }
0x10: {  	s13 =	sadd.s32 $0x11800, s8;
	s1 =	sadd.s32 s7, s1;
	[dreg:$0x8] =	wrdreg s22  }
0x11: {  	s7 =	smul.u32 $0x2710, s2;
	[dreg:$0x9] =	wrdreg s23;
	s24 =	sshrl.u32 s10, $0x3  }
0x12: {  	s2 =	smul.u32 $0x27100, s2;
	s11 =	sshrl.u32 s21, $0x3;
	[dreg:$0xa] =	wrdreg s13  }
0x13: {  	s22 =	smax.u32 s9, $0x1;
	s23 =	simm.s32 $0x200;
	s9 =	simm.s32 $0x8  }
0x14: {  	s12 =	simm.s32 $0x2;
	s13 =	simm.s32 $0x180;
	s1 =	sadd.s32 $0x9EA600, s1  }
0x15: {  	s17 =	sadd.s32 s6, s24;
	s2 =	sadd.s32 s5, s2;
	[dreg:$0xe] =	wrdreg s1  }
0x16: {  	s11 =	sadd.s32 s5, s11;
	s25 =	sadd.s32 $0x20, s17;
	[dreg:$0xb] =	wrdreg s2  }
0x17: {  	s24 =	simm.s32 $0x9;
	s26 =	sadd.s32 $0x500, s11;
	[dreg:$0xc] =	wrdreg s25  }
0x18: {  	s1 =	simm.s32 $0x80;
	s11 =	simm.s32 $0x3;
	[dreg:$0xd] =	wrdreg s26  }
0x19: {  	v0 =	vimm.f32 $0.0e+00;
	s25 =	simm.s32 $0x5;
	s26 =	simm.s32 $0x7;
	s2 =	simm.s32 $0x6  }
.LBB2_1:
0x1a: {  	s16 =	simm.s32 $0x0;
	s18 =	simm.s32 $0x200  }
.LBB2_2:
0x1b: {  	p0 =	sne.s32 s18, $0x9E00;
	[tilespmem:s16+$0x270] =	vst v0  }
0x1c: {  	[tilespmem:s16+$0x200] =	vst v0  }
0x1d: {  	[tilespmem:s16+$0x210] =	vst v0  }
.Ltmp0:
0x1e: {  	[tilespmem:s16+$0x220] =	vst v0;
	(pc) =	sbr.rel @p0 .LBB2_2-.Ltmp0, $4  }
0x1f: {  	[tilespmem:s16+$0x230] =	vst v0  }
0x20: {  	[tilespmem:s16+$0x240] =	vst v0  }
0x21: {  	[tilespmem:s16+$0x250] =	vst v0  }
0x22: {  	[tilespmem:s16+$0x260] =	vst v0;
	s16 =	sshra.s32 s18, $0x2;
	s18 =	sadd.s32 $0x200, s18  }
0x23: {  	[tilespmem:s16+$0x270] =	vst v0  }
0x24: {  	[tilespmem:s16+$0x200] =	vst v0  }
0x25: {  	[tilespmem:s16+$0x210] =	vst v0  }
0x26: {  	[tilespmem:s16+$0x220] =	vst v0  }
0x27: {  	[tilespmem:s16+$0x230] =	vst v0  }
0x28: {  	[tilespmem:s16+$0x240] =	vst v0  }
0x29: {  	[tilespmem:s16+$0x250] =	vst v0  }
0x2a: {  	[tilespmem:s16+$0x260] =	vst v0  }
0x2b: {  	[spmem:s8] =	stream.linear.scatter [tilespmem:s23], [sflag:$0x9], $0x2800, $0x38;
	[tilespmem:$0x19200] =	vst v63  }
0x2c: {  	_ =	swait.ge [sflag:s24], $0x2800  }
0x2d: {  	[sflag:s24] =	ssyncset.done $0x0  }
0x2e: {  	s21 =	rddreg [dreg:$0x4];
	[sflag:s24] =	ssyncadd.s32 $0xFFFFD800  }
0x2f: {  	[spmem:s21] =	stream.linear.scatter [tilespmem:s23], [sflag:$0x9], $0x2800, $0x38;
	[tilespmem:$0x19200] =	vst v63  }
0x30: {  	_ =	swait.ge [sflag:s24], $0x2800  }
0x31: {  	[sflag:s24] =	ssyncset.done $0x0  }
0x32: {  	s18 =	rddreg [dreg:$0x5];
	[sflag:s24] =	ssyncadd.s32 $0xFFFFD800  }
0x33: {  	[spmem:s18] =	stream.linear.scatter [tilespmem:s23], [sflag:$0x9], $0x2800, $0x38;
	[tilespmem:$0x19200] =	vst v63  }
0x34: {  	_ =	swait.ge [sflag:s24], $0x2800  }
0x35: {  	[sflag:s24] =	ssyncset.done $0x0  }
0x36: {  	s19 =	rddreg [dreg:$0x6];
	[sflag:s24] =	ssyncadd.s32 $0xFFFFD800  }
0x37: {  	[spmem:s19] =	stream.linear.scatter [tilespmem:s23], [sflag:$0x9], $0x2800, $0x38;
	[tilespmem:$0x19200] =	vst v63  }
0x38: {  	_ =	swait.ge [sflag:s24], $0x2800  }
0x39: {  	[sflag:s24] =	ssyncset.done $0x0  }
0x3a: {  	s20 =	rddreg [dreg:$0x7];
	[sflag:s24] =	ssyncadd.s32 $0xFFFFD800  }
0x3b: {  	[spmem:s20] =	stream.linear.scatter [tilespmem:s23], [sflag:$0x9], $0x2800, $0x38;
	[tilespmem:$0x19200] =	vst v63  }
0x3c: {  	_ =	swait.ge [sflag:s24], $0x2800  }
0x3d: {  	[sflag:s24] =	ssyncset.done $0x0  }
0x3e: {  	s21 =	rddreg [dreg:$0x8];
	[sflag:s24] =	ssyncadd.s32 $0xFFFFD800  }
0x3f: {  	[spmem:s21] =	stream.linear.scatter [tilespmem:s23], [sflag:$0x9], $0x2800, $0x38;
	[tilespmem:$0x19200] =	vst v63  }
0x40: {  	_ =	swait.ge [sflag:s24], $0x2800  }
0x41: {  	[sflag:s24] =	ssyncset.done $0x0  }
0x42: {  	s18 =	rddreg [dreg:$0x9];
	[sflag:s24] =	ssyncadd.s32 $0xFFFFD800  }
0x43: {  	[spmem:s18] =	stream.linear.scatter [tilespmem:s23], [sflag:$0x9], $0x2800, $0x38;
	[tilespmem:$0x19200] =	vst v63  }
0x44: {  	_ =	swait.ge [sflag:s24], $0x2800  }
0x45: {  	[sflag:s24] =	ssyncset.done $0x0  }
0x46: {  	s19 =	rddreg [dreg:$0xa];
	[sflag:s24] =	ssyncadd.s32 $0xFFFFD800  }
0x47: {  	[spmem:s19] =	stream.linear.scatter [tilespmem:s23], [sflag:$0x9], $0x2800, $0x38;
	[tilespmem:$0x19200] =	vst v63  }
0x48: {  	_ =	swait.ge [sflag:s24], $0x2800  }
0x49: {  	[sflag:s24] =	ssyncset.done $0x0  }
0x4a: {  	[sflag:s24] =	ssyncadd.s32 $0xFFFFD800  }
0x4b: {  	s16 =	simm.s32 $0x0;
	[bflag:$0x0] =	sbarrier.arrive $0xFFFF  }
0x4c: {  	[tilespmem:s16], [sflag:$0x5] =	stream.linear.gather [hbm4b:s17+s16], $0x100, $0x38;
	[tilespmem:$0x19200] =	vst v63  }
0x4d: {  	_ =	swait.ge [sflag:s25], $0x100  }
0x4e: {  	[sflag:s25] =	ssyncset.done $0x0  }
0x4f: {  	s18 =	rddreg [dreg:$0xb];
	[sflag:s25] =	ssyncadd.s32 $0xFFFFFF00  }
0x50: {  	[tilespmem:s23], [sflag:$0x7] =	stream.linear.gather [hbm4b:s18+s16], $0x2800, $0x38;
	[tilespmem:$0x19200] =	vst v63  }
0x51: {  	_ =	swait.ge [sflag:s26], $0x2800  }
0x52: {  	[sflag:s26] =	ssyncset.done $0x0  }
0x53: {  	[sflag:s26] =	ssyncadd.s32 $0xFFFFD800  }
0x54: {  	[tilespmem:s23], [sflag:$0x1] =	stream.indirect.gather.add.f32 [hbm:s0], $0x80, s16, s28, $0xb8;
	[tilespmem:$0x19200] =	vst v63  }
0x55: {  	s20 =	rddreg [dreg:$0xc]  }
0x56: {  	[tilespmem:s29], [sflag:$0x6] =	stream.linear.gather [hbm4b:s20+s16], $0x100, $0x38;
	[tilespmem:$0x19200] =	vst v63  }
0x57: {  	s21 =	rddreg [dreg:$0xd]  }
0x58: {  	[tilespmem:s30], [sflag:$0x8] =	stream.linear.gather [hbm4b:s21+s16], $0x2800, $0x38;
	[tilespmem:$0x19200] =	vst v63  }
.LBB2_4:
0x59: {  	_ =	swait.ge [sflag:s31], $0x2800  }
0x5a: {  	[sflag:s31] =	ssyncset.done $0x0  }
0x5b: {  	s18 =	simm.s32 $0x0;
	[sflag:s31] =	ssyncadd.s32 $0xFFFFD800  }
0x5c: {  	v3 =	vld [tilespmem:s18+$0x200]  }
0x5d: {  	v5 =	vld [tilespmem:s18+$0x210]  }
0x5e: {  	v4 =	vld [tilespmem:s18+$0x220]  }
0x5f: {  	v2 =	vld [tilespmem:s18+$0x230]  }
0x60: {  	v1 =	vld [tilespmem:s18+$0x240]  }
0x61: {  	v6 =	vmax.f32 v3, $0.0e+00;
	v3 =	vld [tilespmem:s18+$0x250]  }
0x62: {  	s19 =	simm.s32 $0x200;
	[tilespmem:s18+$0x200] =	vst v6;
	v6 =	vmax.f32 v5, $0.0e+00;
	v5 =	vld [tilespmem:s18+$0x260]  }
.LBB2_5:
0x63: {  	s20 =	sshra.s32 s19, $0x2;
	p0 =	sne.s32 s19, $0x9E00;
	[tilespmem:s18+$0x210] =	vst v6;
	v4 =	vmax.f32 v4, $0.0e+00;
	v6 =	vld [tilespmem:s18+$0x270]  }
0x64: {  	v7 =	vld [tilespmem:s20+$0x200];
	[tilespmem:s18+$0x220] =	vst v4;
	v2 =	vmax.f32 v2, $0.0e+00  }
0x65: {  	v8 =	vld [tilespmem:s20+$0x210];
	[tilespmem:s18+$0x230] =	vst v2;
	v1 =	vmax.f32 v1, $0.0e+00  }
.Ltmp1:
0x66: {  	v4 =	vld [tilespmem:s20+$0x220];
	[tilespmem:s18+$0x240] =	vst v1;
	v1 =	vmax.f32 v3, $0.0e+00;
	(pc) =	sbr.rel @p0 .LBB2_5-.Ltmp1, $4  }
0x67: {  	v2 =	vld [tilespmem:s20+$0x230];
	[tilespmem:s18+$0x250] =	vst v1;
	v3 =	vmax.f32 v5, $0.0e+00  }
0x68: {  	v1 =	vld [tilespmem:s20+$0x240];
	[tilespmem:s18+$0x260] =	vst v3;
	v5 =	vmax.f32 v6, $0.0e+00  }
0x69: {  	v6 =	vmax.f32 v7, $0.0e+00;
	v3 =	vld [tilespmem:s20+$0x250];
	[tilespmem:s18+$0x270] =	vst v5;
	s18 =	smov.u32 s20  }
0x6a: {  	s19 =	sadd.s32 $0x200, s19;
	[tilespmem:s18+$0x200] =	vst v6;
	v6 =	vmax.f32 v8, $0.0e+00;
	v5 =	vld [tilespmem:s18+$0x260]  }
0x6b: {  	[tilespmem:s18+$0x210] =	vst v6;
	v4 =	vmax.f32 v4, $0.0e+00;
	v6 =	vld [tilespmem:s18+$0x270]  }
0x6c: {  	[tilespmem:s18+$0x220] =	vst v4;
	v2 =	vmax.f32 v2, $0.0e+00  }
0x6d: {  	[tilespmem:s18+$0x230] =	vst v2;
	v1 =	vmax.f32 v1, $0.0e+00  }
0x6e: {  	[tilespmem:s18+$0x240] =	vst v1;
	v1 =	vmax.f32 v3, $0.0e+00  }
0x6f: {  	[tilespmem:s18+$0x250] =	vst v1;
	v1 =	vmax.f32 v5, $0.0e+00  }
0x70: {  	[tilespmem:s18+$0x260] =	vst v1;
	v1 =	vmax.f32 v6, $0.0e+00  }
0x71: {  	[tilespmem:s18+$0x270] =	vst v1  }
0x72: {  	[spmem:s3] =	stream.indirect.scatter.add.f32 [tilespmem:s23], [sflag:$0x3], $0x80, s1, s28, $0xb8;
	[tilespmem:$0x19200] =	vst v63  }
0x73: {  	_ =	swait.ge [sflag:s2], $0x100  }
0x74: {  	[sflag:s2] =	ssyncset.done $0x0  }
0x75: {  	[sflag:s2] =	ssyncadd.s32 $0xFFFFFF00  }
0x76: {  	s18 =	sshll.u32 s16, $0x1;
	_ =	swait.ge [sflag:s9], $0x2800  }
0x77: {  	s19 =	sadd.s32 $0x2, s18;
	[sflag:s9] =	ssyncset.done $0x0  }
0x78: {  	s20 =	sshll.u32 s19, $0x8;
	s19 =	smul.u32 $0x50, s19;
	[sflag:s9] =	ssyncadd.s32 $0xFFFFD800  }
0x79: {  	[tilespmem:s30], [sflag:$0x2] =	stream.indirect.gather.add.f32 [hbm:s0], $0x80, s29, s28, $0xb8;
	[tilespmem:$0x19200] =	vst v63  }
0x7a: {  	s21 =	simm.s32 $0x0;
	s20 =	sadd.s32 s10, s20;
	_ =	swait.ge [sflag:s11], $0x2800  }
0x7b: {  	s20 =	sshrl.u32 s20, $0x3;
	s19 =	sadd.s32 s7, s19;
	[sflag:s11] =	ssyncset.done $0x0  }
0x7c: {  	s20 =	sadd.s32 s6, s20;
	s19 =	sshll.u32 s19, $0x4;
	[sflag:s11] =	ssyncadd.s32 $0xFFFFD800  }
0x7d: {  	[tilespmem:s21], [sflag:$0x5] =	stream.linear.gather [hbm4b:s20+s21], $0x100, $0x38;
	[tilespmem:$0x19200] =	vst v63  }
0x7e: {  	s19 =	sadd.s32 s5, s19  }
0x7f: {  	[tilespmem:s23], [sflag:$0x7] =	stream.linear.gather [hbm4b:s19+s21], $0x2800, $0x38;
	[tilespmem:$0x19200] =	vst v63  }
0x80: {  	_ =	swait.ge [sflag:s25], $0x100  }
0x81: {  	[sflag:s25] =	ssyncset.done $0x0  }
0x82: {  	[sflag:s25] =	ssyncadd.s32 $0xFFFFFF00  }
0x83: {  	_ =	swait.ge [sflag:s26], $0x2800  }
0x84: {  	[sflag:s26] =	ssyncset.done $0x0  }
0x85: {  	[sflag:s26] =	ssyncadd.s32 $0xFFFFD800  }
0x86: {  	[tilespmem:s23], [sflag:$0x1] =	stream.indirect.gather.add.f32 [hbm:s0], $0x80, s21, s28, $0xb8;
	[tilespmem:$0x19200] =	vst v63  }
0x87: {  	_ =	swait.ge [sflag:s12], $0x2800  }
0x88: {  	[sflag:s12] =	ssyncset.done $0x0  }
0x89: {  	s19 =	simm.s32 $0x0;
	[sflag:s12] =	ssyncadd.s32 $0xFFFFD800  }
0x8a: {  	v3 =	vld [tilespmem:s19+$0x2A00]  }
0x8b: {  	v5 =	vld [tilespmem:s19+$0x2A10]  }
0x8c: {  	v4 =	vld [tilespmem:s19+$0x2A20]  }
0x8d: {  	v2 =	vld [tilespmem:s19+$0x2A30]  }
0x8e: {  	v1 =	vld [tilespmem:s19+$0x2A40]  }
0x8f: {  	v6 =	vmax.f32 v3, $0.0e+00;
	v3 =	vld [tilespmem:s19+$0x2A50]  }
0x90: {  	s20 =	simm.s32 $0x200;
	[tilespmem:s19+$0x2A00] =	vst v6;
	v6 =	vmax.f32 v5, $0.0e+00;
	v5 =	vld [tilespmem:s19+$0x2A60]  }
.LBB2_7:
0x91: {  	s21 =	sshra.s32 s20, $0x2;
	p0 =	sne.s32 s20, $0x9E00;
	[tilespmem:s19+$0x2A10] =	vst v6;
	v4 =	vmax.f32 v4, $0.0e+00;
	v6 =	vld [tilespmem:s19+$0x2A70]  }
0x92: {  	v7 =	vld [tilespmem:s21+$0x2A00];
	[tilespmem:s19+$0x2A20] =	vst v4;
	v2 =	vmax.f32 v2, $0.0e+00  }
0x93: {  	v8 =	vld [tilespmem:s21+$0x2A10];
	[tilespmem:s19+$0x2A30] =	vst v2;
	v1 =	vmax.f32 v1, $0.0e+00  }
.Ltmp2:
0x94: {  	v4 =	vld [tilespmem:s21+$0x2A20];
	[tilespmem:s19+$0x2A40] =	vst v1;
	v1 =	vmax.f32 v3, $0.0e+00;
	(pc) =	sbr.rel @p0 .LBB2_7-.Ltmp2, $4  }
0x95: {  	v2 =	vld [tilespmem:s21+$0x2A30];
	[tilespmem:s19+$0x2A50] =	vst v1;
	v3 =	vmax.f32 v5, $0.0e+00  }
0x96: {  	v1 =	vld [tilespmem:s21+$0x2A40];
	[tilespmem:s19+$0x2A60] =	vst v3;
	v5 =	vmax.f32 v6, $0.0e+00  }
0x97: {  	v6 =	vmax.f32 v7, $0.0e+00;
	v3 =	vld [tilespmem:s21+$0x2A50];
	[tilespmem:s19+$0x2A70] =	vst v5;
	s19 =	smov.u32 s21  }
0x98: {  	s20 =	sadd.s32 $0x200, s20;
	[tilespmem:s19+$0x2A00] =	vst v6;
	v6 =	vmax.f32 v8, $0.0e+00;
	v5 =	vld [tilespmem:s19+$0x2A60]  }
0x99: {  	[tilespmem:s19+$0x2A10] =	vst v6;
	v4 =	vmax.f32 v4, $0.0e+00;
	v63 =	vld [tilespmem:s19+$0x2A70]  }
0x9a: {  	[tilespmem:s19+$0x2A20] =	vst v4;
	v2 =	vmax.f32 v2, $0.0e+00  }
0x9b: {  	[tilespmem:s19+$0x2A30] =	vst v2;
	v1 =	vmax.f32 v1, $0.0e+00  }
0x9c: {  	[tilespmem:s19+$0x2A40] =	vst v1;
	v1 =	vmax.f32 v3, $0.0e+00  }
0x9d: {  	s18 =	smin.u32 s18, $0x79;
	[tilespmem:s19+$0x2A50] =	vst v1;
	v1 =	vmax.f32 v5, $0.0e+00  }
0x9e: {  	s16 =	sadd.s32 $0x1, s16;
	s18 =	sadd.s32 $0x3, s18;
	[tilespmem:s19+$0x2A60] =	vst v1;
	v1 =	vmax.f32 v63, $0.0e+00  }
0x9f: {  	p0 =	sne.s32 s16, $0x3E;
	s21 =	sshll.u32 s18, $0x8;
	s18 =	smul.u32 $0x50, s18;
	[tilespmem:s19+$0x2A70] =	vst v1  }
0xa0: {  	[spmem:s3] =	stream.indirect.scatter.add.f32 [tilespmem:s30], [sflag:$0x4], $0x80, s13, s28, $0xb8;
	[tilespmem:$0x19200] =	vst v63  }
0xa1: {  	s18 =	sadd.s32 s7, s18;
	s19 =	sadd.s32 s10, s21;
	_ =	swait.ge [sflag:s14], $0x2800  }
.Ltmp3:
0xa2: {  	s19 =	sshrl.u32 s19, $0x3;
	[sflag:s14] =	ssyncset.done $0x0;
	(pc) =	sbr.rel @p0 .LBB2_4-.Ltmp3, $4  }
0xa3: {  	s18 =	sshll.u32 s18, $0x4;
	s19 =	sadd.s32 s6, s19;
	[sflag:s14] =	ssyncadd.s32 $0xFFFFD800  }
0xa4: {  	[tilespmem:s29], [sflag:$0x6] =	stream.linear.gather [hbm4b:s19+s4], $0x100, $0x38;
	[tilespmem:$0x19200] =	vst v63  }
0xa5: {  	s18 =	sadd.s32 s5, s18  }
0xa6: {  	[tilespmem:s30], [sflag:$0x8] =	stream.linear.gather [hbm4b:s18+s4], $0x2800, $0x38;
	[tilespmem:$0x19200] =	vst v63  }
0xa7: {  	_ =	swait.ge [sflag:s31], $0x2800  }
0xa8: {  	[sflag:s31] =	ssyncset.done $0x0  }
0xa9: {  	s16 =	simm.s32 $0x0;
	[sflag:s31] =	ssyncadd.s32 $0xFFFFD800  }
0xaa: {  	v3 =	vld [tilespmem:s16+$0x200]  }
0xab: {  	v5 =	vld [tilespmem:s16+$0x210]  }
0xac: {  	v4 =	vld [tilespmem:s16+$0x220]  }
0xad: {  	v2 =	vld [tilespmem:s16+$0x230]  }
0xae: {  	v1 =	vld [tilespmem:s16+$0x240]  }
0xaf: {  	v6 =	vmax.f32 v3, $0.0e+00;
	v3 =	vld [tilespmem:s16+$0x250]  }
0xb0: {  	s18 =	simm.s32 $0x200;
	[tilespmem:s16+$0x200] =	vst v6;
	v6 =	vmax.f32 v5, $0.0e+00;
	v5 =	vld [tilespmem:s16+$0x260]  }
.LBB2_10:
0xb1: {  	s19 =	sshra.s32 s18, $0x2;
	p0 =	sne.s32 s18, $0x9E00;
	[tilespmem:s16+$0x210] =	vst v6;
	v4 =	vmax.f32 v4, $0.0e+00;
	v6 =	vld [tilespmem:s16+$0x270]  }
0xb2: {  	v7 =	vld [tilespmem:s19+$0x200];
	[tilespmem:s16+$0x220] =	vst v4;
	v2 =	vmax.f32 v2, $0.0e+00  }
0xb3: {  	v8 =	vld [tilespmem:s19+$0x210];
	[tilespmem:s16+$0x230] =	vst v2;
	v1 =	vmax.f32 v1, $0.0e+00  }
.Ltmp4:
0xb4: {  	v4 =	vld [tilespmem:s19+$0x220];
	[tilespmem:s16+$0x240] =	vst v1;
	v1 =	vmax.f32 v3, $0.0e+00;
	(pc) =	sbr.rel @p0 .LBB2_10-.Ltmp4, $4  }
0xb5: {  	v2 =	vld [tilespmem:s19+$0x230];
	[tilespmem:s16+$0x250] =	vst v1;
	v3 =	vmax.f32 v5, $0.0e+00  }
0xb6: {  	v1 =	vld [tilespmem:s19+$0x240];
	[tilespmem:s16+$0x260] =	vst v3;
	v5 =	vmax.f32 v6, $0.0e+00  }
0xb7: {  	v6 =	vmax.f32 v7, $0.0e+00;
	v3 =	vld [tilespmem:s19+$0x250];
	[tilespmem:s16+$0x270] =	vst v5;
	s16 =	smov.u32 s19  }
0xb8: {  	s18 =	sadd.s32 $0x200, s18;
	[tilespmem:s16+$0x200] =	vst v6;
	v6 =	vmax.f32 v8, $0.0e+00;
	v5 =	vld [tilespmem:s16+$0x260]  }
0xb9: {  	[tilespmem:s16+$0x210] =	vst v6;
	v4 =	vmax.f32 v4, $0.0e+00;
	v63 =	vld [tilespmem:s16+$0x270]  }
0xba: {  	[tilespmem:s16+$0x220] =	vst v4;
	v2 =	vmax.f32 v2, $0.0e+00  }
0xbb: {  	[tilespmem:s16+$0x230] =	vst v2;
	v1 =	vmax.f32 v1, $0.0e+00  }
0xbc: {  	[tilespmem:s16+$0x240] =	vst v1;
	v1 =	vmax.f32 v3, $0.0e+00  }
0xbd: {  	[tilespmem:s16+$0x250] =	vst v1;
	v1 =	vmax.f32 v5, $0.0e+00  }
0xbe: {  	[tilespmem:s16+$0x260] =	vst v1;
	v1 =	vmax.f32 v63, $0.0e+00  }
0xbf: {  	[tilespmem:s16+$0x270] =	vst v1  }
0xc0: {  	[spmem:s3] =	stream.indirect.scatter.add.f32 [tilespmem:s23], [sflag:$0x3], $0x80, s1, s28, $0xb8;
	[tilespmem:$0x19200] =	vst v63  }
0xc1: {  	_ =	swait.ge [sflag:s11], $0x2800  }
0xc2: {  	[sflag:s11] =	ssyncset.done $0x0  }
0xc3: {  	[sflag:s11] =	ssyncadd.s32 $0xFFFFD800  }
0xc4: {  	_ =	swait.ge [sflag:s2], $0x100  }
0xc5: {  	[sflag:s2] =	ssyncset.done $0x0  }
0xc6: {  	[sflag:s2] =	ssyncadd.s32 $0xFFFFFF00  }
0xc7: {  	_ =	swait.ge [sflag:s9], $0x2800  }
0xc8: {  	s21 =	stileid.u32;
	[sflag:s9] =	ssyncset.done $0x0  }
0xc9: {  	s18 =	sshrl.u32 s8, $0x3;
	s15 =	sadd.s32 $0x1, s15;
	[sflag:s9] =	ssyncadd.s32 $0xFFFFD800  }
0xca: {  	p0 =	sne.s32 s15, s22;
	s16 =	sshll.u32 s21, $0x6;
	[bflag:$0x0] =	sbarrier.arrive $0xFFFF  }
.Ltmp5:
0xcb: {  	s16 =	sor.u32 $0x1C09, s16;
	s19 =	rddreg [dreg:$0xe];
	(pc) =	sbr.rel @p0 .LBB2_1-.Ltmp5, $4  }
0xcc: {  	[hbm:s19], [sflag:s16] =	dma.local [spmem:s18], $0x2800  }
0xcd: {  	_ =	swait.ge [sflag:s24], $0x2800  }
0xce: {  	[sflag:s24] =	ssyncset.done $0x0  }
0xcf: {  	[sflag:s24] =	ssyncadd.s32 $0xFFFFD800  }
0xd0: {  	_ =	sfence.sel $0x180000  }
0xd1: {  	[bflag:$0x0] =	sbarrier.arrive $0xFFFF  }
0xd2: {  	_ =	strace $0x90000047  }
0xd3: {  	s0 =	stileid.u32;
	[bflag:$0x2] =	sbarrier.arrive $0xFFFF  }
0xd4: {  	p0 =	sne.s32 s0, $0x0;
	s0 =	rddreg [dreg:$0x3]  }
0xd5: {  	s0 =	sadd.s32 @!p0 $0x100000, s0  }
0xd6: {  	[sflag:s0] =	ssyncadd.tile.s32 @!p0 $0x1;
	_ =	shalt  }
.Lfunc_end2:
_tile_overlayer_lowered:
.L_overlay_start_2:
0xd7: {  	(tag) =	ssettag $0x2  }
0xd8: {  	s0 =	rddreg [dreg:$0x0];
	s2 =	stileid.u32  }
0xd9: {  	s1 =	rddreg [dreg:$0x1];
	p0 =	sne.s32 s2, $0x0  }
0xda: {  	s3 =	rddreg [dreg:$0x2];
	[bflag:$0x3] =	sbarrier.arrive $0xFFFF;
	s2 =	simm.s32 @!p0 $0x1C09  }
0xdb: {  	[timem:s3], [sflag:s2] =	dma.local @!p0 [hbm:s0], s1  }
0xdc: {  	s0 =	simm.s32 @!p0 $0x9  }
0xdd: {  	_ =	swait.ge @!p0 [sflag:s0], s1  }
0xde: {  	s1 =	ssub.s32 @!p0 $0x0, s1;
	[sflag:s0] =	ssyncset.done @!p0 $0x0  }
0xdf: {  	[sflag:s0] =	ssyncadd.s32 @!p0 s1  }
0xe0: {  	[bflag:$0x3] =	sbarrier.arrive $0xFFFF  }
0xe1: {  	_ =	shalt  }

// kernel: kernel.14.cloned.1.call-start
scs
__scs_entry_jumppad:
0x0: {  	(pc) =	sbr.rel $0x88, $3  }
0x1: {  	(tag) =	ssettag $0x0;
	lr =	simm.s32 $0x1  }
0x2: {  	[smem:$0x3F93] =	sst lr;
	_ =	strace $0xD0000000  }
0x3: {  	_ = 	snop  }
0x4: {  	_ = 	snop  }
0x5: {  	_ = 	snop  }
0x6: {  	_ = 	snop  }
0x7: {  	_ = 	snop  }
__scs_overlays_trampoline_lowered:
0x8: {  	[smem:$0x3FA2] =	sst s0  }
0x9: {  	[smem:$0x3FA3] =	sst s1  }
0xa: {  	[smem:$0x3FA4] =	sst s2  }
0xb: {  	[smem:$0x3FA5] =	sst s3  }
0xc: {  	[smem:$0x3FA6] =	sst s4  }
0xd: {  	[smem:$0x3FA7] =	sst s5  }
0xe: {  	[smem:$0x3FA8] =	sst s6  }
0xf: {  	[smem:$0x3FA9] =	sst s7  }
0x10: {  	[smem:$0x3FAA] =	sst s8  }
0x11: {  	[smem:$0x3FAB] =	sst s9;
	s0 =	simm.s32 @!p0 $0x0  }
0x12: {  	s1 =	sld [smem:$0x3F91];
	s0 =	simm.s32 @p0 $0x1  }
0x13: {  	[smem:$0x3FAC] =	sst s0;
	s0 =	simm.s32 @!p1 $0x0  }
0x14: {  	s2 =	sld [smem:$0x3F90];
	s0 =	simm.s32 @p1 $0x1  }
0x15: {  	[smem:$0x3FAD] =	sst s0;
	s0 =	simm.s32 @!p2 $0x0  }
0x16: {  	s3 =	sld [smem:$0x3FDB];
	s0 =	simm.s32 @p2 $0x1  }
0x17: {  	s4 =	simm.s32 $0x1BF5;
	[smem:$0x3FAF] =	sst s0  }
0x18: {  	s0 =	sld [smem:$0x3F92];
	_ =	swait.ge [sflag:s4], $0x0  }
0x19: {  	s7 =	sld [smem:$0x3F93]  }
0x1a: {  	s8 =	sadd.s32 $0xFFFFE003, lr  }
0x1b: {  	s9 =	sadd.s32 $0xFFFFFEF7, lr;
	s5 =	simm.s32 $0xFFFFFFFF;
	p2 =	slt.u32 s8, $0xFFFFF086  }
0x1c: {  	p1 =	slt.u32 s9, $0xF7A;
	s5 =	simm.s32 @!p2 $0x0  }
0x1d: {  	s5 =	simm.s32 @p1 $0x1;
	p0 =	seq.s32 s7, s2  }
0x1e: {  	s7 =	smul.u32 @!p0 $0xF7A, s2;
	p2 =	seq.s32 @!p0 s5, $0x0  }
0x1f: {  	s9 =	smul.u32 $0xF7A, s1;
	s8 =	simm.s32 @!p0 $0x1BF5;
	p2 =	por !p2, p0  }
0x20: {  	[sflag:s8] =	ssyncset.s32 @!p0 $0xFFFFF086;
	s6 =	sadd.s32 @!p0 s3, s7;
	s7 =	simm.s32 @!p0 $0x108  }
0x21: {  	s3 =	sadd.s32 s3, s9;
	s6 =	sadd.s32 @!p0 $0x88, s6;
	s7 =	simm.s32 @p2 $0x1082  }
0x22: {  	[simem:s7], [sflag:s8] =	dma.local @!p0 [hbm:s6], $0xF7A  }
0x23: {  	s9 =	sor.u32 $0xD0000000, s2;
	s6 =	simm.s32 $0x108;
	_ =	swait.ge @!p0 [sflag:s8], $0x0  }
0x24: {  	s3 =	sadd.s32 $0x88, s3;
	s6 =	simm.s32 @!p1 $0x1082;
	[sflag:s4] =	ssyncset.s32 $0xFFFFF086  }
0x25: {  	[simem:s6], [sflag:s4] =	dma.local [hbm:s3], $0xF7A  }
0x26: {  	[smem:$0x3F93] =	sst s1;
	(tag) =	ssettag s2;
	_ =	strace s9  }
0x27: {  	s1 =	sld [smem:$0x3FA3]  }
0x28: {  	s2 =	sld [smem:$0x3FA4]  }
0x29: {  	s4 =	sld [smem:$0x3FA6]  }
0x2a: {  	p0 =	seq.s32 s5, $0x0;
	s5 =	sld [smem:$0x3FA7]  }
0x2b: {  	s6 =	sld [smem:$0x3FA8]  }
0x2c: {  	s7 =	sld [smem:$0x3FA9]  }
0x2d: {  	s3 =	simm.s32 $0x108;
	s8 =	sld [smem:$0x3FAA]  }
0x2e: {  	s3 =	simm.s32 @!p0 $0x1082;
	s9 =	sld [smem:$0x3FAB]  }
0x2f: {  	lr =	sadd.s32 s0, s3;
	s0 =	sld [smem:$0x3FA2]  }
0x30: {  	s3 =	sld [smem:$0x3FA5]  }
0x31: {  	[smem:$0x3FAE] =	sst s10  }
0x32: {  	s10 =	sld [smem:$0x3FAC];
	_ =	sdelay $0x3  }
0x33: {  	p0 =	seq.s32 s10, $0x1;
	s10 =	sld [smem:$0x3FAE];
	_ =	sdelay $0x3  }
0x34: {  	[smem:$0x3FAE] =	sst s10  }
0x35: {  	s10 =	sld [smem:$0x3FAD];
	_ =	sdelay $0x3  }
0x36: {  	p1 =	seq.s32 s10, $0x1;
	s10 =	sld [smem:$0x3FAE];
	_ =	sdelay $0x3  }
0x37: {  	[smem:$0x3FAE] =	sst s10  }
0x38: {  	s10 =	sld [smem:$0x3FAF]  }
0x39: {  	_ = 	snop;
	(pc) =	sbr.ind lr, $3  }
0x3a: {  	_ = 	snop  }
0x3b: {  	_ = 	snop  }
0x3c: {  	p2 =	seq.s32 s10, $0x1;
	s10 =	sld [smem:$0x3FAE]  }
0x3d: {  	_ =	shalt  }
0x3e: {  	_ =	shalt  }
0x3f: {  	_ =	shalt  }
0x40: {  	_ =	shalt  }
0x41: {  	_ =	shalt  }
0x42: {  	_ =	shalt  }
0x43: {  	_ =	shalt  }
0x44: {  	_ =	shalt  }
0x45: {  	_ =	shalt  }
0x46: {  	_ =	shalt  }
0x47: {  	_ =	shalt  }
0x48: {  	_ =	shalt  }
0x49: {  	_ =	shalt  }
0x4a: {  	_ =	shalt  }
0x4b: {  	_ =	shalt  }
0x4c: {  	_ =	shalt  }
0x4d: {  	_ =	shalt  }
0x4e: {  	_ =	shalt  }
0x4f: {  	_ =	shalt  }
0x50: {  	_ =	shalt  }
0x51: {  	_ =	shalt  }
0x52: {  	_ =	shalt  }
0x53: {  	_ =	shalt  }
0x54: {  	_ =	shalt  }
0x55: {  	_ =	shalt  }
0x56: {  	_ =	shalt  }
0x57: {  	_ =	shalt  }
0x58: {  	_ =	shalt  }
0x59: {  	_ =	shalt  }
0x5a: {  	_ =	shalt  }
0x5b: {  	_ =	shalt  }
0x5c: {  	_ =	shalt  }
0x5d: {  	_ =	shalt  }
0x5e: {  	_ =	shalt  }
0x5f: {  	_ =	shalt  }
0x60: {  	_ =	shalt  }
0x61: {  	_ =	shalt  }
0x62: {  	_ =	shalt  }
0x63: {  	_ =	shalt  }
0x64: {  	_ =	shalt  }
0x65: {  	_ =	shalt  }
0x66: {  	_ =	shalt  }
0x67: {  	_ =	shalt  }
0x68: {  	_ =	shalt  }
0x69: {  	_ =	shalt  }
0x6a: {  	_ =	shalt  }
0x6b: {  	_ =	shalt  }
0x6c: {  	_ =	shalt  }
0x6d: {  	_ =	shalt  }
0x6e: {  	_ =	shalt  }
0x6f: {  	_ =	shalt  }
0x70: {  	_ =	shalt  }
0x71: {  	_ =	shalt  }
0x72: {  	_ =	shalt  }
0x73: {  	_ =	shalt  }
0x74: {  	_ =	shalt  }
0x75: {  	_ =	shalt  }
0x76: {  	_ =	shalt  }
0x77: {  	_ =	shalt  }
0x78: {  	_ =	shalt  }
0x79: {  	_ =	shalt  }
0x7a: {  	_ =	shalt  }
0x7b: {  	_ =	shalt  }
0x7c: {  	_ =	shalt  }
0x7d: {  	_ =	shalt  }
0x7e: {  	_ =	shalt  }
0x7f: {  	_ =	shalt  }
0x80: {  	_ =	shalt  }
0x81: {  	_ =	shalt  }
0x82: {  	_ =	shalt  }
0x83: {  	_ =	shalt  }
0x84: {  	_ =	shalt  }
0x85: {  	_ =	shalt  }
0x86: {  	_ =	shalt  }
0x87: {  	_ =	shalt  }
.Lfunc_end0:
.L_simem_size_0:
called_computation.1_lowered:
.L_overlay_start_0:
0x88: {  	s2 =	sld [smem:$0x3FD9]  }
0x89: {  	s3 =	sld [smem:$0x3FFE];
	_ =	sdelay $0x1  }
0x8a: {  	s1 =	srdreg.scid  }
0x8b: {  	s0 =	sand.u32 $0x1, s1  }
0x8c: {  	s17 =	sshll.u32 s0, $0xA;
	s2 =	sadd.s32 s3, s2  }
0x8d: {  	s2 =	sadd.s32 s2, s17  }
0x8e: {  	[smem:$0x3FBA] =	sst s2  }
0x8f: {  	_ = 	snop  }
0x90: {  	s2 =	sld [smem:$0x3FD0];
	(tm) =	ssettm $0x1  }
0x91: {  	s18 =	sld [smem:$0x3FFB];
	_ =	sdelay $0x3  }
0x92: {  	_ =	strace s18  }
0x93: {  	s3 =	sld [smem:$0x3FFC];
	_ =	sdelay $0x3  }
0x94: {  	_ =	strace s3  }
0x95: {  	s3 =	sld [smem:$0x3FFD];
	_ =	sdelay $0x3  }
0x96: {  	_ =	strace s3  }
0x97: {  	_ =	strace $0x8FFFFFFF  }
0x98: {  	s19 =	sld [smem:$0x3FDB];
	_ =	sdelay $0x1  }
0x99: {  	s4 =	simm.s32 $_scs_section_size  }
0x9a: {  	s5 =	simm.s32 $_size__tile_overlayer_lowered;
	s6 =	simm.s32 $_tile_overlayer_lowered  }
0x9b: {  	s22 =	simm.s32 $0x1BFF;
	s21 =	sshll.u32 s6, $0x1;
	s3 =	sadd.s32 s4, s19  }
0x9c: {  	s7 =	simm.s32 $0x0;
	s20 =	sshll.u32 s5, $0x1;
	s5 =	sadd.s32 s21, s3  }
0x9d: {  	[timem:s7], [sflag:s22] =	dma.local [hbm:s5], s20  }
0x9e: {  	_ =	swait.ge [sflag:s22], s20  }
0x9f: {  	s4 =	ssub.s32 $0x0, s20;
	[sflag:s22] =	ssyncset.done $0x0  }
0xa0: {  	[sflag:s22] =	ssyncadd.s32 s4;
	_ =	sdelay $0x1  }
0xa1: {  	s23 =	simm.s32 $0x1B8B  }
0xa2: {  	_ =	swait.ge [sflag:s23], $0x1  }
0xa3: {  	[sflag:s23] =	ssyncset.done $0x0  }
0xa4: {  	s25 =	simm.s32 $0x1B8E;
	s24 =	sld [smem:$0x3FFE];
	[sflag:s23] =	ssyncadd.s32 $0xFFFFFFFF  }
0xa5: {  	s26 =	simm.s32 $execute0_lowered;
	[smem:$0x3FD2] =	sst s25  }
0xa6: {  	s5 =	sshll.u32 s26, $0x1;
	_ =	strace $0x80000049;
	[dreg:$0x1] =	wrdreg $0xFFFFFFFF  }
0xa7: {  	s28 =	simm.s32 $_size_execute0_lowered;
	s3 =	sadd.s32 s3, s5;
	[dreg:$0x0] =	wrdreg $0x0  }
0xa8: {  	s5 =	sshll.u32 s28, $0x1;
	[dreg:$0x2] =	wrdreg s3  }
0xa9: {  	[dreg:$0x3] =	wrdreg s5  }
0xaa: {  	[dreg:$0x4] =	wrdreg $0xC0  }
0xab: {  	_ =	task [dreg:s7], $0x5FFFF  }
0xac: {  	[dreg:$0x1] =	wrdreg $0xFFFFFFFF  }
0xad: {  	[dreg:$0x0] =	wrdreg $0x60  }
0xae: {  	[dreg:$0x2] =	wrdreg s2  }
0xaf: {  	[dreg:$0x3] =	wrdreg s24  }
0xb0: {  	[dreg:$0x4] =	wrdreg $0x52000  }
0xb1: {  	[dreg:$0x5] =	wrdreg $0x9  }
0xb2: {  	_ =	task.clear_ibuf [dreg:s7], $0x6FFFF;
	_ =	strace $0x90000049  }
0xb3: {  	s29 =	simm.s32 $0x9;
	_ =	strace $0x8000004B  }
0xb4: {  	_ =	swait.ge [sflag:s29], $0x1  }
0xb5: {  	[sflag:s29] =	ssyncadd.s32 $0xFFFFFFFF  }
0xb6: {  	_ =	strace $0x9000004B  }
0xb7: {  	_ =	sfence  }
0xb8: {  	s30 =	sld [smem:$0x0];
	_ =	sdelay $0x2  }
0xb9: {  	s31 =	sshll.u32 s1, $0xD;
	s1 =	sshrl.u32 s1, $0x2  }
0xba: {  	s3 =	sand.u32 $0x4000, s31;
	s1 =	sadd.s32 s1, s30  }
0xbb: {  	s0 =	sor.u32 s3, s0;
	s1 =	sshll.u32 s1, $0x11  }
0xbc: {  	s0 =	sor.u32 s1, s0  }
0xbd: {  	s0 =	sadd.s32 $0x8F2B, s0  }
0xbe: {  	[sflag:s0] =	ssyncadd.remote.s32 $0x1  }
0xbf: {  	_ =	sfence.sel $0xFFFF  }
0xc0: {  	[dreg:$0x0] =	wrdreg $0xFFFFFFFF;
	(pc) =	sbr.abs _section_cstart, $3  }
0xc1: {  	[dreg:$0x1] =	wrdreg $0xFFFFFFFF  }
0xc2: {  	_ =	task.clear_ibuf [dreg:s7], $0x2FFFF;
	_ =	strace $0x9FFFFFFF  }
0xc3: {  	(tm) =	ssettm $0x7FFFFFFF  }
tec
execute0_lowered:
.L_overlay_start_1:
0x0: {  	(tag) =	ssettag $0x1  }
0x1: {  	s0 =	rddreg [dreg:$0x0]  }
0x2: {  	s1 =	rddreg [dreg:$0x1];
	s2 =	srdreg.scid  }
0x3: {  	s3 =	rddreg [dreg:$0x2];
	s9 =	stileid.u32  }
0x4: {  	s4 =	simm.s32 $0x0;
	s28 =	simm.s32 $0x50;
	s29 =	simm.s32 $0x100  }
0x5: {  	s30 =	simm.s32 $0x2A00;
	s31 =	simm.s32 $0x1;
	s14 =	simm.s32 $0x4  }
0x6: {  	s15 =	simm.s32 $0x0;
	s2 =	sand.u32 $0x1, s2;
	s6 =	smul.u32 $0x14000, s9  }
0x7: {  	[smem:$0x7FF] =	sst s4;
	s8 =	smul.u32 $0x50000, s9;
	s17 =	sshll.u32 s9, $0x1  }
0x8: {  	s5 =	smul.u32 $0x140000, s2;
	_ =	strace $0x8000004A;
	s18 =	ssub.s32 $0x2, s2  }
0x9: {  	s2 =	sor.u32 s2, s17;
	s8 =	sshrl.u32 s8, $0x2;
	s10 =	sshrl.u32 s18, $0x1  }
0xa: {  	s21 =	smul.u32 $0x138800, s2;
	s6 =	sadd.s32 s6, s5;
	s8 =	sadd.s32 s8, s3  }
0xb: {  	s5 =	sadd.s32 $0xA3A600, s1;
	s9 =	ssub.s32 s18, s10;
	s19 =	sadd.s32 $0x2800, s8  }
0xc: {  	s10 =	smul.u32 $0x7D00, s2;
	s11 =	sadd.s32 $0x5000, s8;
	[dreg:$0x4] =	wrdreg s19  }
0xd: {  	s7 =	sshrl.u32 s6, $0x3;
	s20 =	sadd.s32 $0x7800, s8;
	[dreg:$0x5] =	wrdreg s11  }
0xe: {  	s6 =	sadd.s32 $0x4E9200, s1;
	s12 =	sadd.s32 $0xA000, s8;
	[dreg:$0x6] =	wrdreg s20  }
0xf: {  	s22 =	sadd.s32 $0xC800, s8;
	s23 =	sadd.s32 $0xF000, s8;
	[dreg:$0x7] =	wrdreg s12  }
0x10: {  	s13 =	sadd.s32 $0x11800, s8;
	s1 =	sadd.s32 s7, s1;
	[dreg:$0x8] =	wrdreg s22  }
0x11: {  	s7 =	smul.u32 $0x2710, s2;
	[dreg:$0x9] =	wrdreg s23;
	s24 =	sshrl.u32 s10, $0x3  }
0x12: {  	s2 =	smul.u32 $0x27100, s2;
	s11 =	sshrl.u32 s21, $0x3;
	[dreg:$0xa] =	wrdreg s13  }
0x13: {  	s22 =	smax.u32 s9, $0x1;
	s23 =	simm.s32 $0x200;
	s9 =	simm.s32 $0x8  }
0x14: {  	s12 =	simm.s32 $0x2;
	s13 =	simm.s32 $0x180;
	s1 =	sadd.s32 $0x508600, s1  }
0x15: {  	s17 =	sadd.s32 s6, s24;
	s2 =	sadd.s32 s5, s2;
	[dreg:$0xe] =	wrdreg s1  }
0x16: {  	s11 =	sadd.s32 s5, s11;
	s25 =	sadd.s32 $0x20, s17;
	[dreg:$0xb] =	wrdreg s2  }
0x17: {  	s24 =	simm.s32 $0x9;
	s26 =	sadd.s32 $0x500, s11;
	[dreg:$0xc] =	wrdreg s25  }
0x18: {  	s1 =	simm.s32 $0x80;
	s11 =	simm.s32 $0x3;
	[dreg:$0xd] =	wrdreg s26  }
0x19: {  	v0 =	vimm.f32 $0.0e+00;
	s25 =	simm.s32 $0x5;
	s26 =	simm.s32 $0x7;
	s2 =	simm.s32 $0x6  }
.LBB2_1:
0x1a: {  	s16 =	simm.s32 $0x0;
	s18 =	simm.s32 $0x200  }
.LBB2_2:
0x1b: {  	p0 =	sne.s32 s18, $0x9E00;
	[tilespmem:s16+$0x270] =	vst v0  }
0x1c: {  	[tilespmem:s16+$0x200] =	vst v0  }
0x1d: {  	[tilespmem:s16+$0x210] =	vst v0  }
.Ltmp0:
0x1e: {  	[tilespmem:s16+$0x220] =	vst v0;
	(pc) =	sbr.rel @p0 .LBB2_2-.Ltmp0, $4  }
0x1f: {  	[tilespmem:s16+$0x230] =	vst v0  }
0x20: {  	[tilespmem:s16+$0x240] =	vst v0  }
0x21: {  	[tilespmem:s16+$0x250] =	vst v0  }
0x22: {  	[tilespmem:s16+$0x260] =	vst v0;
	s16 =	sshra.s32 s18, $0x2;
	s18 =	sadd.s32 $0x200, s18  }
0x23: {  	[tilespmem:s16+$0x270] =	vst v0  }
0x24: {  	[tilespmem:s16+$0x200] =	vst v0  }
0x25: {  	[tilespmem:s16+$0x210] =	vst v0  }
0x26: {  	[tilespmem:s16+$0x220] =	vst v0  }
0x27: {  	[tilespmem:s16+$0x230] =	vst v0  }
0x28: {  	[tilespmem:s16+$0x240] =	vst v0  }
0x29: {  	[tilespmem:s16+$0x250] =	vst v0  }
0x2a: {  	[tilespmem:s16+$0x260] =	vst v0  }
0x2b: {  	[spmem:s8] =	stream.linear.scatter [tilespmem:s23], [sflag:$0x9], $0x2800, $0x38;
	[tilespmem:$0x19200] =	vst v63  }
0x2c: {  	_ =	swait.ge [sflag:s24], $0x2800  }
0x2d: {  	[sflag:s24] =	ssyncset.done $0x0  }
0x2e: {  	s21 =	rddreg [dreg:$0x4];
	[sflag:s24] =	ssyncadd.s32 $0xFFFFD800  }
0x2f: {  	[spmem:s21] =	stream.linear.scatter [tilespmem:s23], [sflag:$0x9], $0x2800, $0x38;
	[tilespmem:$0x19200] =	vst v63  }
0x30: {  	_ =	swait.ge [sflag:s24], $0x2800  }
0x31: {  	[sflag:s24] =	ssyncset.done $0x0  }
0x32: {  	s18 =	rddreg [dreg:$0x5];
	[sflag:s24] =	ssyncadd.s32 $0xFFFFD800  }
0x33: {  	[spmem:s18] =	stream.linear.scatter [tilespmem:s23], [sflag:$0x9], $0x2800, $0x38;
	[tilespmem:$0x19200] =	vst v63  }
0x34: {  	_ =	swait.ge [sflag:s24], $0x2800  }
0x35: {  	[sflag:s24] =	ssyncset.done $0x0  }
0x36: {  	s19 =	rddreg [dreg:$0x6];
	[sflag:s24] =	ssyncadd.s32 $0xFFFFD800  }
0x37: {  	[spmem:s19] =	stream.linear.scatter [tilespmem:s23], [sflag:$0x9], $0x2800, $0x38;
	[tilespmem:$0x19200] =	vst v63  }
0x38: {  	_ =	swait.ge [sflag:s24], $0x2800  }
0x39: {  	[sflag:s24] =	ssyncset.done $0x0  }
0x3a: {  	s20 =	rddreg [dreg:$0x7];
	[sflag:s24] =	ssyncadd.s32 $0xFFFFD800  }
0x3b: {  	[spmem:s20] =	stream.linear.scatter [tilespmem:s23], [sflag:$0x9], $0x2800, $0x38;
	[tilespmem:$0x19200] =	vst v63  }
0x3c: {  	_ =	swait.ge [sflag:s24], $0x2800  }
0x3d: {  	[sflag:s24] =	ssyncset.done $0x0  }
0x3e: {  	s21 =	rddreg [dreg:$0x8];
	[sflag:s24] =	ssyncadd.s32 $0xFFFFD800  }
0x3f: {  	[spmem:s21] =	stream.linear.scatter [tilespmem:s23], [sflag:$0x9], $0x2800, $0x38;
	[tilespmem:$0x19200] =	vst v63  }
0x40: {  	_ =	swait.ge [sflag:s24], $0x2800  }
0x41: {  	[sflag:s24] =	ssyncset.done $0x0  }
0x42: {  	s18 =	rddreg [dreg:$0x9];
	[sflag:s24] =	ssyncadd.s32 $0xFFFFD800  }
0x43: {  	[spmem:s18] =	stream.linear.scatter [tilespmem:s23], [sflag:$0x9], $0x2800, $0x38;
	[tilespmem:$0x19200] =	vst v63  }
0x44: {  	_ =	swait.ge [sflag:s24], $0x2800  }
0x45: {  	[sflag:s24] =	ssyncset.done $0x0  }
0x46: {  	s19 =	rddreg [dreg:$0xa];
	[sflag:s24] =	ssyncadd.s32 $0xFFFFD800  }
0x47: {  	[spmem:s19] =	stream.linear.scatter [tilespmem:s23], [sflag:$0x9], $0x2800, $0x38;
	[tilespmem:$0x19200] =	vst v63  }
0x48: {  	_ =	swait.ge [sflag:s24], $0x2800  }
0x49: {  	[sflag:s24] =	ssyncset.done $0x0  }
0x4a: {  	[sflag:s24] =	ssyncadd.s32 $0xFFFFD800  }
0x4b: {  	s16 =	simm.s32 $0x0;
	[bflag:$0x0] =	sbarrier.arrive $0xFFFF  }
0x4c: {  	[tilespmem:s16], [sflag:$0x5] =	stream.linear.gather [hbm4b:s17+s16], $0x100, $0x38;
	[tilespmem:$0x19200] =	vst v63  }
0x4d: {  	_ =	swait.ge [sflag:s25], $0x100  }
0x4e: {  	[sflag:s25] =	ssyncset.done $0x0  }
0x4f: {  	s18 =	rddreg [dreg:$0xb];
	[sflag:s25] =	ssyncadd.s32 $0xFFFFFF00  }
0x50: {  	[tilespmem:s23], [sflag:$0x7] =	stream.linear.gather [hbm4b:s18+s16], $0x2800, $0x38;
	[tilespmem:$0x19200] =	vst v63  }
0x51: {  	_ =	swait.ge [sflag:s26], $0x2800  }
0x52: {  	[sflag:s26] =	ssyncset.done $0x0  }
0x53: {  	[sflag:s26] =	ssyncadd.s32 $0xFFFFD800  }
0x54: {  	[tilespmem:s23], [sflag:$0x1] =	stream.indirect.gather.add.f32 [hbm:s0], $0x80, s16, s28, $0xb8;
	[tilespmem:$0x19200] =	vst v63  }
0x55: {  	s20 =	rddreg [dreg:$0xc]  }
0x56: {  	[tilespmem:s29], [sflag:$0x6] =	stream.linear.gather [hbm4b:s20+s16], $0x100, $0x38;
	[tilespmem:$0x19200] =	vst v63  }
0x57: {  	s21 =	rddreg [dreg:$0xd]  }
0x58: {  	[tilespmem:s30], [sflag:$0x8] =	stream.linear.gather [hbm4b:s21+s16], $0x2800, $0x38;
	[tilespmem:$0x19200] =	vst v63  }
.LBB2_4:
0x59: {  	_ =	swait.ge [sflag:s31], $0x2800  }
0x5a: {  	[sflag:s31] =	ssyncset.done $0x0  }
0x5b: {  	s18 =	simm.s32 $0x0;
	[sflag:s31] =	ssyncadd.s32 $0xFFFFD800  }
0x5c: {  	v3 =	vld [tilespmem:s18+$0x200]  }
0x5d: {  	v5 =	vld [tilespmem:s18+$0x210]  }
0x5e: {  	v4 =	vld [tilespmem:s18+$0x220]  }
0x5f: {  	v2 =	vld [tilespmem:s18+$0x230]  }
0x60: {  	v1 =	vld [tilespmem:s18+$0x240]  }
0x61: {  	v6 =	vmax.f32 v3, $0.0e+00;
	v3 =	vld [tilespmem:s18+$0x250]  }
0x62: {  	s19 =	simm.s32 $0x200;
	[tilespmem:s18+$0x200] =	vst v6;
	v6 =	vmax.f32 v5, $0.0e+00;
	v5 =	vld [tilespmem:s18+$0x260]  }
.LBB2_5:
0x63: {  	s20 =	sshra.s32 s19, $0x2;
	p0 =	sne.s32 s19, $0x9E00;
	[tilespmem:s18+$0x210] =	vst v6;
	v4 =	vmax.f32 v4, $0.0e+00;
	v6 =	vld [tilespmem:s18+$0x270]  }
0x64: {  	v7 =	vld [tilespmem:s20+$0x200];
	[tilespmem:s18+$0x220] =	vst v4;
	v2 =	vmax.f32 v2, $0.0e+00  }
0x65: {  	v8 =	vld [tilespmem:s20+$0x210];
	[tilespmem:s18+$0x230] =	vst v2;
	v1 =	vmax.f32 v1, $0.0e+00  }
.Ltmp1:
0x66: {  	v4 =	vld [tilespmem:s20+$0x220];
	[tilespmem:s18+$0x240] =	vst v1;
	v1 =	vmax.f32 v3, $0.0e+00;
	(pc) =	sbr.rel @p0 .LBB2_5-.Ltmp1, $4  }
0x67: {  	v2 =	vld [tilespmem:s20+$0x230];
	[tilespmem:s18+$0x250] =	vst v1;
	v3 =	vmax.f32 v5, $0.0e+00  }
0x68: {  	v1 =	vld [tilespmem:s20+$0x240];
	[tilespmem:s18+$0x260] =	vst v3;
	v5 =	vmax.f32 v6, $0.0e+00  }
0x69: {  	v6 =	vmax.f32 v7, $0.0e+00;
	v3 =	vld [tilespmem:s20+$0x250];
	[tilespmem:s18+$0x270] =	vst v5;
	s18 =	smov.u32 s20  }
0x6a: {  	s19 =	sadd.s32 $0x200, s19;
	[tilespmem:s18+$0x200] =	vst v6;
	v6 =	vmax.f32 v8, $0.0e+00;
	v5 =	vld [tilespmem:s18+$0x260]  }
0x6b: {  	[tilespmem:s18+$0x210] =	vst v6;
	v4 =	vmax.f32 v4, $0.0e+00;
	v6 =	vld [tilespmem:s18+$0x270]  }
0x6c: {  	[tilespmem:s18+$0x220] =	vst v4;
	v2 =	vmax.f32 v2, $0.0e+00  }
0x6d: {  	[tilespmem:s18+$0x230] =	vst v2;
	v1 =	vmax.f32 v1, $0.0e+00  }
0x6e: {  	[tilespmem:s18+$0x240] =	vst v1;
	v1 =	vmax.f32 v3, $0.0e+00  }
0x6f: {  	[tilespmem:s18+$0x250] =	vst v1;
	v1 =	vmax.f32 v5, $0.0e+00  }
0x70: {  	[tilespmem:s18+$0x260] =	vst v1;
	v1 =	vmax.f32 v6, $0.0e+00  }
0x71: {  	[tilespmem:s18+$0x270] =	vst v1  }
0x72: {  	[spmem:s3] =	stream.indirect.scatter.add.f32 [tilespmem:s23], [sflag:$0x3], $0x80, s1, s28, $0xb8;
	[tilespmem:$0x19200] =	vst v63  }
0x73: {  	_ =	swait.ge [sflag:s2], $0x100  }
0x74: {  	[sflag:s2] =	ssyncset.done $0x0  }
0x75: {  	[sflag:s2] =	ssyncadd.s32 $0xFFFFFF00  }
0x76: {  	s18 =	sshll.u32 s16, $0x1;
	_ =	swait.ge [sflag:s9], $0x2800  }
0x77: {  	s19 =	sadd.s32 $0x2, s18;
	[sflag:s9] =	ssyncset.done $0x0  }
0x78: {  	s20 =	sshll.u32 s19, $0x8;
	s19 =	smul.u32 $0x50, s19;
	[sflag:s9] =	ssyncadd.s32 $0xFFFFD800  }
0x79: {  	[tilespmem:s30], [sflag:$0x2] =	stream.indirect.gather.add.f32 [hbm:s0], $0x80, s29, s28, $0xb8;
	[tilespmem:$0x19200] =	vst v63  }
0x7a: {  	s21 =	simm.s32 $0x0;
	s20 =	sadd.s32 s10, s20;
	_ =	swait.ge [sflag:s11], $0x2800  }
0x7b: {  	s20 =	sshrl.u32 s20, $0x3;
	s19 =	sadd.s32 s7, s19;
	[sflag:s11] =	ssyncset.done $0x0  }
0x7c: {  	s20 =	sadd.s32 s6, s20;
	s19 =	sshll.u32 s19, $0x4;
	[sflag:s11] =	ssyncadd.s32 $0xFFFFD800  }
0x7d: {  	[tilespmem:s21], [sflag:$0x5] =	stream.linear.gather [hbm4b:s20+s21], $0x100, $0x38;
	[tilespmem:$0x19200] =	vst v63  }
0x7e: {  	s19 =	sadd.s32 s5, s19  }
0x7f: {  	[tilespmem:s23], [sflag:$0x7] =	stream.linear.gather [hbm4b:s19+s21], $0x2800, $0x38;
	[tilespmem:$0x19200] =	vst v63  }
0x80: {  	_ =	swait.ge [sflag:s25], $0x100  }
0x81: {  	[sflag:s25] =	ssyncset.done $0x0  }
0x82: {  	[sflag:s25] =	ssyncadd.s32 $0xFFFFFF00  }
0x83: {  	_ =	swait.ge [sflag:s26], $0x2800  }
0x84: {  	[sflag:s26] =	ssyncset.done $0x0  }
0x85: {  	[sflag:s26] =	ssyncadd.s32 $0xFFFFD800  }
0x86: {  	[tilespmem:s23], [sflag:$0x1] =	stream.indirect.gather.add.f32 [hbm:s0], $0x80, s21, s28, $0xb8;
	[tilespmem:$0x19200] =	vst v63  }
0x87: {  	_ =	swait.ge [sflag:s12], $0x2800  }
0x88: {  	[sflag:s12] =	ssyncset.done $0x0  }
0x89: {  	s19 =	simm.s32 $0x0;
	[sflag:s12] =	ssyncadd.s32 $0xFFFFD800  }
0x8a: {  	v3 =	vld [tilespmem:s19+$0x2A00]  }
0x8b: {  	v5 =	vld [tilespmem:s19+$0x2A10]  }
0x8c: {  	v4 =	vld [tilespmem:s19+$0x2A20]  }
0x8d: {  	v2 =	vld [tilespmem:s19+$0x2A30]  }
0x8e: {  	v1 =	vld [tilespmem:s19+$0x2A40]  }
0x8f: {  	v6 =	vmax.f32 v3, $0.0e+00;
	v3 =	vld [tilespmem:s19+$0x2A50]  }
0x90: {  	s20 =	simm.s32 $0x200;
	[tilespmem:s19+$0x2A00] =	vst v6;
	v6 =	vmax.f32 v5, $0.0e+00;
	v5 =	vld [tilespmem:s19+$0x2A60]  }
.LBB2_7:
0x91: {  	s21 =	sshra.s32 s20, $0x2;
	p0 =	sne.s32 s20, $0x9E00;
	[tilespmem:s19+$0x2A10] =	vst v6;
	v4 =	vmax.f32 v4, $0.0e+00;
	v6 =	vld [tilespmem:s19+$0x2A70]  }
0x92: {  	v7 =	vld [tilespmem:s21+$0x2A00];
	[tilespmem:s19+$0x2A20] =	vst v4;
	v2 =	vmax.f32 v2, $0.0e+00  }
0x93: {  	v8 =	vld [tilespmem:s21+$0x2A10];
	[tilespmem:s19+$0x2A30] =	vst v2;
	v1 =	vmax.f32 v1, $0.0e+00  }
.Ltmp2:
0x94: {  	v4 =	vld [tilespmem:s21+$0x2A20];
	[tilespmem:s19+$0x2A40] =	vst v1;
	v1 =	vmax.f32 v3, $0.0e+00;
	(pc) =	sbr.rel @p0 .LBB2_7-.Ltmp2, $4  }
0x95: {  	v2 =	vld [tilespmem:s21+$0x2A30];
	[tilespmem:s19+$0x2A50] =	vst v1;
	v3 =	vmax.f32 v5, $0.0e+00  }
0x96: {  	v1 =	vld [tilespmem:s21+$0x2A40];
	[tilespmem:s19+$0x2A60] =	vst v3;
	v5 =	vmax.f32 v6, $0.0e+00  }
0x97: {  	v6 =	vmax.f32 v7, $0.0e+00;
	v3 =	vld [tilespmem:s21+$0x2A50];
	[tilespmem:s19+$0x2A70] =	vst v5;
	s19 =	smov.u32 s21  }
0x98: {  	s20 =	sadd.s32 $0x200, s20;
	[tilespmem:s19+$0x2A00] =	vst v6;
	v6 =	vmax.f32 v8, $0.0e+00;
	v5 =	vld [tilespmem:s19+$0x2A60]  }
0x99: {  	[tilespmem:s19+$0x2A10] =	vst v6;
	v4 =	vmax.f32 v4, $0.0e+00;
	v63 =	vld [tilespmem:s19+$0x2A70]  }
0x9a: {  	[tilespmem:s19+$0x2A20] =	vst v4;
	v2 =	vmax.f32 v2, $0.0e+00  }
0x9b: {  	[tilespmem:s19+$0x2A30] =	vst v2;
	v1 =	vmax.f32 v1, $0.0e+00  }
0x9c: {  	[tilespmem:s19+$0x2A40] =	vst v1;
	v1 =	vmax.f32 v3, $0.0e+00  }
0x9d: {  	s18 =	smin.u32 s18, $0x79;
	[tilespmem:s19+$0x2A50] =	vst v1;
	v1 =	vmax.f32 v5, $0.0e+00  }
0x9e: {  	s16 =	sadd.s32 $0x1, s16;
	s18 =	sadd.s32 $0x3, s18;
	[tilespmem:s19+$0x2A60] =	vst v1;
	v1 =	vmax.f32 v63, $0.0e+00  }
0x9f: {  	p0 =	sne.s32 s16, $0x3E;
	s21 =	sshll.u32 s18, $0x8;
	s18 =	smul.u32 $0x50, s18;
	[tilespmem:s19+$0x2A70] =	vst v1  }
0xa0: {  	[spmem:s3] =	stream.indirect.scatter.add.f32 [tilespmem:s30], [sflag:$0x4], $0x80, s13, s28, $0xb8;
	[tilespmem:$0x19200] =	vst v63  }
0xa1: {  	s18 =	sadd.s32 s7, s18;
	s19 =	sadd.s32 s10, s21;
	_ =	swait.ge [sflag:s14], $0x2800  }
.Ltmp3:
0xa2: {  	s19 =	sshrl.u32 s19, $0x3;
	[sflag:s14] =	ssyncset.done $0x0;
	(pc) =	sbr.rel @p0 .LBB2_4-.Ltmp3, $4  }
0xa3: {  	s18 =	sshll.u32 s18, $0x4;
	s19 =	sadd.s32 s6, s19;
	[sflag:s14] =	ssyncadd.s32 $0xFFFFD800  }
0xa4: {  	[tilespmem:s29], [sflag:$0x6] =	stream.linear.gather [hbm4b:s19+s4], $0x100, $0x38;
	[tilespmem:$0x19200] =	vst v63  }
0xa5: {  	s18 =	sadd.s32 s5, s18  }
0xa6: {  	[tilespmem:s30], [sflag:$0x8] =	stream.linear.gather [hbm4b:s18+s4], $0x2800, $0x38;
	[tilespmem:$0x19200] =	vst v63  }
0xa7: {  	_ =	swait.ge [sflag:s31], $0x2800  }
0xa8: {  	[sflag:s31] =	ssyncset.done $0x0  }
0xa9: {  	s16 =	simm.s32 $0x0;
	[sflag:s31] =	ssyncadd.s32 $0xFFFFD800  }
0xaa: {  	v3 =	vld [tilespmem:s16+$0x200]  }
0xab: {  	v5 =	vld [tilespmem:s16+$0x210]  }
0xac: {  	v4 =	vld [tilespmem:s16+$0x220]  }
0xad: {  	v2 =	vld [tilespmem:s16+$0x230]  }
0xae: {  	v1 =	vld [tilespmem:s16+$0x240]  }
0xaf: {  	v6 =	vmax.f32 v3, $0.0e+00;
	v3 =	vld [tilespmem:s16+$0x250]  }
0xb0: {  	s18 =	simm.s32 $0x200;
	[tilespmem:s16+$0x200] =	vst v6;
	v6 =	vmax.f32 v5, $0.0e+00;
	v5 =	vld [tilespmem:s16+$0x260]  }
.LBB2_10:
0xb1: {  	s19 =	sshra.s32 s18, $0x2;
	p0 =	sne.s32 s18, $0x9E00;
	[tilespmem:s16+$0x210] =	vst v6;
	v4 =	vmax.f32 v4, $0.0e+00;
	v6 =	vld [tilespmem:s16+$0x270]  }
0xb2: {  	v7 =	vld [tilespmem:s19+$0x200];
	[tilespmem:s16+$0x220] =	vst v4;
	v2 =	vmax.f32 v2, $0.0e+00  }
0xb3: {  	v8 =	vld [tilespmem:s19+$0x210];
	[tilespmem:s16+$0x230] =	vst v2;
	v1 =	vmax.f32 v1, $0.0e+00  }
.Ltmp4:
0xb4: {  	v4 =	vld [tilespmem:s19+$0x220];
	[tilespmem:s16+$0x240] =	vst v1;
	v1 =	vmax.f32 v3, $0.0e+00;
	(pc) =	sbr.rel @p0 .LBB2_10-.Ltmp4, $4  }
0xb5: {  	v2 =	vld [tilespmem:s19+$0x230];
	[tilespmem:s16+$0x250] =	vst v1;
	v3 =	vmax.f32 v5, $0.0e+00  }
0xb6: {  	v1 =	vld [tilespmem:s19+$0x240];
	[tilespmem:s16+$0x260] =	vst v3;
	v5 =	vmax.f32 v6, $0.0e+00  }
0xb7: {  	v6 =	vmax.f32 v7, $0.0e+00;
	v3 =	vld [tilespmem:s19+$0x250];
	[tilespmem:s16+$0x270] =	vst v5;
	s16 =	smov.u32 s19  }
0xb8: {  	s18 =	sadd.s32 $0x200, s18;
	[tilespmem:s16+$0x200] =	vst v6;
	v6 =	vmax.f32 v8, $0.0e+00;
	v5 =	vld [tilespmem:s16+$0x260]  }
0xb9: {  	[tilespmem:s16+$0x210] =	vst v6;
	v4 =	vmax.f32 v4, $0.0e+00;
	v63 =	vld [tilespmem:s16+$0x270]  }
0xba: {  	[tilespmem:s16+$0x220] =	vst v4;
	v2 =	vmax.f32 v2, $0.0e+00  }
0xbb: {  	[tilespmem:s16+$0x230] =	vst v2;
	v1 =	vmax.f32 v1, $0.0e+00  }
0xbc: {  	[tilespmem:s16+$0x240] =	vst v1;
	v1 =	vmax.f32 v3, $0.0e+00  }
0xbd: {  	[tilespmem:s16+$0x250] =	vst v1;
	v1 =	vmax.f32 v5, $0.0e+00  }
0xbe: {  	[tilespmem:s16+$0x260] =	vst v1;
	v1 =	vmax.f32 v63, $0.0e+00  }
0xbf: {  	[tilespmem:s16+$0x270] =	vst v1  }
0xc0: {  	[spmem:s3] =	stream.indirect.scatter.add.f32 [tilespmem:s23], [sflag:$0x3], $0x80, s1, s28, $0xb8;
	[tilespmem:$0x19200] =	vst v63  }
0xc1: {  	_ =	swait.ge [sflag:s11], $0x2800  }
0xc2: {  	[sflag:s11] =	ssyncset.done $0x0  }
0xc3: {  	[sflag:s11] =	ssyncadd.s32 $0xFFFFD800  }
0xc4: {  	_ =	swait.ge [sflag:s2], $0x100  }
0xc5: {  	[sflag:s2] =	ssyncset.done $0x0  }
0xc6: {  	[sflag:s2] =	ssyncadd.s32 $0xFFFFFF00  }
0xc7: {  	_ =	swait.ge [sflag:s9], $0x2800  }
0xc8: {  	s21 =	stileid.u32;
	[sflag:s9] =	ssyncset.done $0x0  }
0xc9: {  	s18 =	sshrl.u32 s8, $0x3;
	s15 =	sadd.s32 $0x1, s15;
	[sflag:s9] =	ssyncadd.s32 $0xFFFFD800  }
0xca: {  	p0 =	sne.s32 s15, s22;
	s16 =	sshll.u32 s21, $0x6;
	[bflag:$0x0] =	sbarrier.arrive $0xFFFF  }
.Ltmp5:
0xcb: {  	s16 =	sor.u32 $0x1C09, s16;
	s19 =	rddreg [dreg:$0xe];
	(pc) =	sbr.rel @p0 .LBB2_1-.Ltmp5, $4  }
0xcc: {  	[hbm:s19], [sflag:s16] =	dma.local [spmem:s18], $0x2800  }
0xcd: {  	_ =	swait.ge [sflag:s24], $0x2800  }
0xce: {  	[sflag:s24] =	ssyncset.done $0x0  }
0xcf: {  	[sflag:s24] =	ssyncadd.s32 $0xFFFFD800  }
0xd0: {  	_ =	sfence.sel $0x180000  }
0xd1: {  	[bflag:$0x0] =	sbarrier.arrive $0xFFFF  }
0xd2: {  	_ =	strace $0x9000004A  }
0xd3: {  	s0 =	stileid.u32;
	[bflag:$0x2] =	sbarrier.arrive $0xFFFF  }
0xd4: {  	p0 =	sne.s32 s0, $0x0;
	s0 =	rddreg [dreg:$0x3]  }
0xd5: {  	s0 =	sadd.s32 @!p0 $0x100000, s0  }
0xd6: {  	[sflag:s0] =	ssyncadd.tile.s32 @!p0 $0x1;
	_ =	shalt  }
.Lfunc_end2:
_tile_overlayer_lowered:
.L_overlay_start_2:
0xd7: {  	(tag) =	ssettag $0x2  }
0xd8: {  	s0 =	rddreg [dreg:$0x0];
	s2 =	stileid.u32  }
0xd9: {  	s1 =	rddreg [dreg:$0x1];
	p0 =	sne.s32 s2, $0x0  }
0xda: {  	s3 =	rddreg [dreg:$0x2];
	[bflag:$0x3] =	sbarrier.arrive $0xFFFF;
	s2 =	simm.s32 @!p0 $0x1C09  }
0xdb: {  	[timem:s3], [sflag:s2] =	dma.local @!p0 [hbm:s0], s1  }
0xdc: {  	s0 =	simm.s32 @!p0 $0x9  }
0xdd: {  	_ =	swait.ge @!p0 [sflag:s0], s1  }
0xde: {  	s1 =	ssub.s32 @!p0 $0x0, s1;
	[sflag:s0] =	ssyncset.done @!p0 $0x0  }
0xdf: {  	[sflag:s0] =	ssyncadd.s32 @!p0 s1  }
0xe0: {  	[bflag:$0x3] =	sbarrier.arrive $0xFFFF  }
0xe1: {  	_ =	shalt  }

// kernel: kernel.17.cloned.1.call-start
scs
__scs_entry_jumppad:
0x0: {  	(pc) =	sbr.rel $0x88, $3  }
0x1: {  	(tag) =	ssettag $0x0;
	lr =	simm.s32 $0x1  }
0x2: {  	[smem:$0x3F93] =	sst lr;
	_ =	strace $0xD0000000  }
0x3: {  	_ = 	snop  }
0x4: {  	_ = 	snop  }
0x5: {  	_ = 	snop  }
0x6: {  	_ = 	snop  }
0x7: {  	_ = 	snop  }
__scs_overlays_trampoline_lowered:
0x8: {  	[smem:$0x3FA2] =	sst s0  }
0x9: {  	[smem:$0x3FA3] =	sst s1  }
0xa: {  	[smem:$0x3FA4] =	sst s2  }
0xb: {  	[smem:$0x3FA5] =	sst s3  }
0xc: {  	[smem:$0x3FA6] =	sst s4  }
0xd: {  	[smem:$0x3FA7] =	sst s5  }
0xe: {  	[smem:$0x3FA8] =	sst s6  }
0xf: {  	[smem:$0x3FA9] =	sst s7  }
0x10: {  	[smem:$0x3FAA] =	sst s8  }
0x11: {  	[smem:$0x3FAB] =	sst s9;
	s0 =	simm.s32 @!p0 $0x0  }
0x12: {  	s1 =	sld [smem:$0x3F91];
	s0 =	simm.s32 @p0 $0x1  }
0x13: {  	[smem:$0x3FAC] =	sst s0;
	s0 =	simm.s32 @!p1 $0x0  }
0x14: {  	s2 =	sld [smem:$0x3F90];
	s0 =	simm.s32 @p1 $0x1  }
0x15: {  	[smem:$0x3FAD] =	sst s0;
	s0 =	simm.s32 @!p2 $0x0  }
0x16: {  	s3 =	sld [smem:$0x3FDB];
	s0 =	simm.s32 @p2 $0x1  }
0x17: {  	s4 =	simm.s32 $0x1BF5;
	[smem:$0x3FAF] =	sst s0  }
0x18: {  	s0 =	sld [smem:$0x3F92];
	_ =	swait.ge [sflag:s4], $0x0  }
0x19: {  	s7 =	sld [smem:$0x3F93]  }
0x1a: {  	s8 =	sadd.s32 $0xFFFFE003, lr  }
0x1b: {  	s9 =	sadd.s32 $0xFFFFFEF7, lr;
	s5 =	simm.s32 $0xFFFFFFFF;
	p2 =	slt.u32 s8, $0xFFFFF086  }
0x1c: {  	p1 =	slt.u32 s9, $0xF7A;
	s5 =	simm.s32 @!p2 $0x0  }
0x1d: {  	s5 =	simm.s32 @p1 $0x1;
	p0 =	seq.s32 s7, s2  }
0x1e: {  	s7 =	smul.u32 @!p0 $0xF7A, s2;
	p2 =	seq.s32 @!p0 s5, $0x0  }
0x1f: {  	s9 =	smul.u32 $0xF7A, s1;
	s8 =	simm.s32 @!p0 $0x1BF5;
	p2 =	por !p2, p0  }
0x20: {  	[sflag:s8] =	ssyncset.s32 @!p0 $0xFFFFF086;
	s6 =	sadd.s32 @!p0 s3, s7;
	s7 =	simm.s32 @!p0 $0x108  }
0x21: {  	s3 =	sadd.s32 s3, s9;
	s6 =	sadd.s32 @!p0 $0x88, s6;
	s7 =	simm.s32 @p2 $0x1082  }
0x22: {  	[simem:s7], [sflag:s8] =	dma.local @!p0 [hbm:s6], $0xF7A  }
0x23: {  	s9 =	sor.u32 $0xD0000000, s2;
	s6 =	simm.s32 $0x108;
	_ =	swait.ge @!p0 [sflag:s8], $0x0  }
0x24: {  	s3 =	sadd.s32 $0x88, s3;
	s6 =	simm.s32 @!p1 $0x1082;
	[sflag:s4] =	ssyncset.s32 $0xFFFFF086  }
0x25: {  	[simem:s6], [sflag:s4] =	dma.local [hbm:s3], $0xF7A  }
0x26: {  	[smem:$0x3F93] =	sst s1;
	(tag) =	ssettag s2;
	_ =	strace s9  }
0x27: {  	s1 =	sld [smem:$0x3FA3]  }
0x28: {  	s2 =	sld [smem:$0x3FA4]  }
0x29: {  	s4 =	sld [smem:$0x3FA6]  }
0x2a: {  	p0 =	seq.s32 s5, $0x0;
	s5 =	sld [smem:$0x3FA7]  }
0x2b: {  	s6 =	sld [smem:$0x3FA8]  }
0x2c: {  	s7 =	sld [smem:$0x3FA9]  }
0x2d: {  	s3 =	simm.s32 $0x108;
	s8 =	sld [smem:$0x3FAA]  }
0x2e: {  	s3 =	simm.s32 @!p0 $0x1082;
	s9 =	sld [smem:$0x3FAB]  }
0x2f: {  	lr =	sadd.s32 s0, s3;
	s0 =	sld [smem:$0x3FA2]  }
0x30: {  	s3 =	sld [smem:$0x3FA5]  }
0x31: {  	[smem:$0x3FAE] =	sst s10  }
0x32: {  	s10 =	sld [smem:$0x3FAC];
	_ =	sdelay $0x3  }
0x33: {  	p0 =	seq.s32 s10, $0x1;
	s10 =	sld [smem:$0x3FAE];
	_ =	sdelay $0x3  }
0x34: {  	[smem:$0x3FAE] =	sst s10  }
0x35: {  	s10 =	sld [smem:$0x3FAD];
	_ =	sdelay $0x3  }
0x36: {  	p1 =	seq.s32 s10, $0x1;
	s10 =	sld [smem:$0x3FAE];
	_ =	sdelay $0x3  }
0x37: {  	[smem:$0x3FAE] =	sst s10  }
0x38: {  	s10 =	sld [smem:$0x3FAF]  }
0x39: {  	_ = 	snop;
	(pc) =	sbr.ind lr, $3  }
0x3a: {  	_ = 	snop  }
0x3b: {  	_ = 	snop  }
0x3c: {  	p2 =	seq.s32 s10, $0x1;
	s10 =	sld [smem:$0x3FAE]  }
0x3d: {  	_ =	shalt  }
0x3e: {  	_ =	shalt  }
0x3f: {  	_ =	shalt  }
0x40: {  	_ =	shalt  }
0x41: {  	_ =	shalt  }
0x42: {  	_ =	shalt  }
0x43: {  	_ =	shalt  }
0x44: {  	_ =	shalt  }
0x45: {  	_ =	shalt  }
0x46: {  	_ =	shalt  }
0x47: {  	_ =	shalt  }
0x48: {  	_ =	shalt  }
0x49: {  	_ =	shalt  }
0x4a: {  	_ =	shalt  }
0x4b: {  	_ =	shalt  }
0x4c: {  	_ =	shalt  }
0x4d: {  	_ =	shalt  }
0x4e: {  	_ =	shalt  }
0x4f: {  	_ =	shalt  }
0x50: {  	_ =	shalt  }
0x51: {  	_ =	shalt  }
0x52: {  	_ =	shalt  }
0x53: {  	_ =	shalt  }
0x54: {  	_ =	shalt  }
0x55: {  	_ =	shalt  }
0x56: {  	_ =	shalt  }
0x57: {  	_ =	shalt  }
0x58: {  	_ =	shalt  }
0x59: {  	_ =	shalt  }
0x5a: {  	_ =	shalt  }
0x5b: {  	_ =	shalt  }
0x5c: {  	_ =	shalt  }
0x5d: {  	_ =	shalt  }
0x5e: {  	_ =	shalt  }
0x5f: {  	_ =	shalt  }
0x60: {  	_ =	shalt  }
0x61: {  	_ =	shalt  }
0x62: {  	_ =	shalt  }
0x63: {  	_ =	shalt  }
0x64: {  	_ =	shalt  }
0x65: {  	_ =	shalt  }
0x66: {  	_ =	shalt  }
0x67: {  	_ =	shalt  }
0x68: {  	_ =	shalt  }
0x69: {  	_ =	shalt  }
0x6a: {  	_ =	shalt  }
0x6b: {  	_ =	shalt  }
0x6c: {  	_ =	shalt  }
0x6d: {  	_ =	shalt  }
0x6e: {  	_ =	shalt  }
0x6f: {  	_ =	shalt  }
0x70: {  	_ =	shalt  }
0x71: {  	_ =	shalt  }
0x72: {  	_ =	shalt  }
0x73: {  	_ =	shalt  }
0x74: {  	_ =	shalt  }
0x75: {  	_ =	shalt  }
0x76: {  	_ =	shalt  }
0x77: {  	_ =	shalt  }
0x78: {  	_ =	shalt  }
0x79: {  	_ =	shalt  }
0x7a: {  	_ =	shalt  }
0x7b: {  	_ =	shalt  }
0x7c: {  	_ =	shalt  }
0x7d: {  	_ =	shalt  }
0x7e: {  	_ =	shalt  }
0x7f: {  	_ =	shalt  }
0x80: {  	_ =	shalt  }
0x81: {  	_ =	shalt  }
0x82: {  	_ =	shalt  }
0x83: {  	_ =	shalt  }
0x84: {  	_ =	shalt  }
0x85: {  	_ =	shalt  }
0x86: {  	_ =	shalt  }
0x87: {  	_ =	shalt  }
.Lfunc_end0:
.L_simem_size_0:
called_computation.2_lowered:
.L_overlay_start_0:
0x88: {  	s2 =	sld [smem:$0x3FD9]  }
0x89: {  	s3 =	sld [smem:$0x3FFE];
	_ =	sdelay $0x1  }
0x8a: {  	s1 =	srdreg.scid  }
0x8b: {  	s0 =	sand.u32 $0x1, s1  }
0x8c: {  	s17 =	sshll.u32 s0, $0xA;
	s2 =	sadd.s32 s3, s2  }
0x8d: {  	s2 =	sadd.s32 s2, s17  }
0x8e: {  	[smem:$0x3FBA] =	sst s2  }
0x8f: {  	_ = 	snop  }
0x90: {  	s2 =	sld [smem:$0x3FD0];
	(tm) =	ssettm $0x1  }
0x91: {  	s18 =	sld [smem:$0x3FFB];
	_ =	sdelay $0x3  }
0x92: {  	_ =	strace s18  }
0x93: {  	s3 =	sld [smem:$0x3FFC];
	_ =	sdelay $0x3  }
0x94: {  	_ =	strace s3  }
0x95: {  	s3 =	sld [smem:$0x3FFD];
	_ =	sdelay $0x3  }
0x96: {  	_ =	strace s3  }
0x97: {  	_ =	strace $0x8FFFFFFF  }
0x98: {  	s19 =	sld [smem:$0x3FDB];
	_ =	sdelay $0x1  }
0x99: {  	s4 =	simm.s32 $_scs_section_size  }
0x9a: {  	s5 =	simm.s32 $_size__tile_overlayer_lowered;
	s6 =	simm.s32 $_tile_overlayer_lowered  }
0x9b: {  	s22 =	simm.s32 $0x1BFF;
	s21 =	sshll.u32 s6, $0x1;
	s3 =	sadd.s32 s4, s19  }
0x9c: {  	s7 =	simm.s32 $0x0;
	s20 =	sshll.u32 s5, $0x1;
	s5 =	sadd.s32 s21, s3  }
0x9d: {  	[timem:s7], [sflag:s22] =	dma.local [hbm:s5], s20  }
0x9e: {  	_ =	swait.ge [sflag:s22], s20  }
0x9f: {  	s4 =	ssub.s32 $0x0, s20;
	[sflag:s22] =	ssyncset.done $0x0  }
0xa0: {  	[sflag:s22] =	ssyncadd.s32 s4;
	_ =	sdelay $0x1  }
0xa1: {  	s23 =	simm.s32 $0x1B8B  }
0xa2: {  	_ =	swait.ge [sflag:s23], $0x1  }
0xa3: {  	[sflag:s23] =	ssyncset.done $0x0  }
0xa4: {  	s25 =	simm.s32 $0x1B8E;
	s24 =	sld [smem:$0x3FFE];
	[sflag:s23] =	ssyncadd.s32 $0xFFFFFFFF  }
0xa5: {  	s26 =	simm.s32 $execute0_lowered;
	[smem:$0x3FD2] =	sst s25  }
0xa6: {  	s5 =	sshll.u32 s26, $0x1;
	_ =	strace $0x8000004C;
	[dreg:$0x1] =	wrdreg $0xFFFFFFFF  }
0xa7: {  	s28 =	simm.s32 $_size_execute0_lowered;
	s3 =	sadd.s32 s3, s5;
	[dreg:$0x0] =	wrdreg $0x0  }
0xa8: {  	s5 =	sshll.u32 s28, $0x1;
	[dreg:$0x2] =	wrdreg s3  }
0xa9: {  	[dreg:$0x3] =	wrdreg s5  }
0xaa: {  	[dreg:$0x4] =	wrdreg $0xC0  }
0xab: {  	_ =	task [dreg:s7], $0x5FFFF  }
0xac: {  	[dreg:$0x1] =	wrdreg $0xFFFFFFFF  }
0xad: {  	[dreg:$0x0] =	wrdreg $0x60  }
0xae: {  	[dreg:$0x2] =	wrdreg s2  }
0xaf: {  	[dreg:$0x3] =	wrdreg s24  }
0xb0: {  	[dreg:$0x4] =	wrdreg $0x52000  }
0xb1: {  	[dreg:$0x5] =	wrdreg $0x9  }
0xb2: {  	_ =	task.clear_ibuf [dreg:s7], $0x6FFFF;
	_ =	strace $0x9000004C  }
0xb3: {  	s29 =	simm.s32 $0x9;
	_ =	strace $0x8000004E  }
0xb4: {  	_ =	swait.ge [sflag:s29], $0x1  }
0xb5: {  	[sflag:s29] =	ssyncadd.s32 $0xFFFFFFFF  }
0xb6: {  	_ =	strace $0x9000004E  }
0xb7: {  	_ =	sfence  }
0xb8: {  	s30 =	sld [smem:$0x0];
	_ =	sdelay $0x2  }
0xb9: {  	s31 =	sshll.u32 s1, $0xD;
	s1 =	sshrl.u32 s1, $0x2  }
0xba: {  	s3 =	sand.u32 $0x4000, s31;
	s1 =	sadd.s32 s1, s30  }
0xbb: {  	s0 =	sor.u32 s3, s0;
	s1 =	sshll.u32 s1, $0x11  }
0xbc: {  	s0 =	sor.u32 s1, s0  }
0xbd: {  	s0 =	sadd.s32 $0x8F2B, s0  }
0xbe: {  	[sflag:s0] =	ssyncadd.remote.s32 $0x1  }
0xbf: {  	_ =	sfence.sel $0xFFFF  }
0xc0: {  	[dreg:$0x0] =	wrdreg $0xFFFFFFFF;
	(pc) =	sbr.abs _section_cstart, $3  }
0xc1: {  	[dreg:$0x1] =	wrdreg $0xFFFFFFFF  }
0xc2: {  	_ =	task.clear_ibuf [dreg:s7], $0x2FFFF;
	_ =	strace $0x9FFFFFFF  }
0xc3: {  	(tm) =	ssettm $0x7FFFFFFF  }
tec
execute0_lowered:
.L_overlay_start_1:
0x0: {  	(tag) =	ssettag $0x1  }
0x1: {  	s0 =	rddreg [dreg:$0x0]  }
0x2: {  	s1 =	rddreg [dreg:$0x1];
	s2 =	srdreg.scid  }
0x3: {  	s3 =	rddreg [dreg:$0x2];
	s9 =	stileid.u32  }
0x4: {  	s4 =	simm.s32 $0x0;
	s28 =	simm.s32 $0x50;
	s29 =	simm.s32 $0x100  }
0x5: {  	s30 =	simm.s32 $0x2A00;
	s31 =	simm.s32 $0x1;
	s14 =	simm.s32 $0x4  }
0x6: {  	s15 =	simm.s32 $0x0;
	s2 =	sand.u32 $0x1, s2;
	s6 =	smul.u32 $0x14000, s9  }
0x7: {  	[smem:$0x7FF] =	sst s4;
	s8 =	smul.u32 $0x50000, s9;
	s17 =	sshll.u32 s9, $0x1  }
0x8: {  	s5 =	smul.u32 $0x140000, s2;
	_ =	strace $0x8000004D;
	s18 =	ssub.s32 $0x2, s2  }
0x9: {  	s2 =	sor.u32 s2, s17;
	s8 =	sshrl.u32 s8, $0x2;
	s10 =	sshrl.u32 s18, $0x1  }
0xa: {  	s21 =	smul.u32 $0x138800, s2;
	s6 =	sadd.s32 s6, s5;
	s8 =	sadd.s32 s8, s3  }
0xb: {  	s5 =	sadd.s32 $0x558600, s1;
	s9 =	ssub.s32 s18, s10;
	s19 =	sadd.s32 $0x2800, s8  }
0xc: {  	s10 =	smul.u32 $0x7D00, s2;
	s11 =	sadd.s32 $0x5000, s8;
	[dreg:$0x4] =	wrdreg s19  }
0xd: {  	s7 =	sshrl.u32 s6, $0x3;
	s20 =	sadd.s32 $0x7800, s8;
	[dreg:$0x5] =	wrdreg s11  }
0xe: {  	s6 =	sadd.s32 $0x4E9200, s1;
	s12 =	sadd.s32 $0xA000, s8;
	[dreg:$0x6] =	wrdreg s20  }
0xf: {  	s22 =	sadd.s32 $0xC800, s8;
	s23 =	sadd.s32 $0xF000, s8;
	[dreg:$0x7] =	wrdreg s12  }
0x10: {  	s13 =	sadd.s32 $0x11800, s8;
	s1 =	sadd.s32 s7, s1;
	[dreg:$0x8] =	wrdreg s22  }
0x11: {  	s7 =	smul.u32 $0x2710, s2;
	[dreg:$0x9] =	wrdreg s23;
	s24 =	sshrl.u32 s10, $0x3  }
0x12: {  	s2 =	smul.u32 $0x27100, s2;
	s11 =	sshrl.u32 s21, $0x3;
	[dreg:$0xa] =	wrdreg s13  }
0x13: {  	s22 =	smax.u32 s9, $0x1;
	s23 =	simm.s32 $0x200;
	s9 =	simm.s32 $0x8  }
0x14: {  	s12 =	simm.s32 $0x2;
	s13 =	simm.s32 $0x180;
	s1 =	sadd.s32 $0x508600, s1  }
0x15: {  	s17 =	sadd.s32 s6, s24;
	s2 =	sadd.s32 s5, s2;
	[dreg:$0xe] =	wrdreg s1  }
0x16: {  	s11 =	sadd.s32 s5, s11;
	s25 =	sadd.s32 $0x20, s17;
	[dreg:$0xb] =	wrdreg s2  }
0x17: {  	s24 =	simm.s32 $0x9;
	s26 =	sadd.s32 $0x500, s11;
	[dreg:$0xc] =	wrdreg s25  }
0x18: {  	s1 =	simm.s32 $0x80;
	s11 =	simm.s32 $0x3;
	[dreg:$0xd] =	wrdreg s26  }
0x19: {  	v0 =	vimm.f32 $0.0e+00;
	s25 =	simm.s32 $0x5;
	s26 =	simm.s32 $0x7;
	s2 =	simm.s32 $0x6  }
.LBB2_1:
0x1a: {  	s16 =	simm.s32 $0x0;
	s18 =	simm.s32 $0x200  }
.LBB2_2:
0x1b: {  	p0 =	sne.s32 s18, $0x9E00;
	[tilespmem:s16+$0x270] =	vst v0  }
0x1c: {  	[tilespmem:s16+$0x200] =	vst v0  }
0x1d: {  	[tilespmem:s16+$0x210] =	vst v0  }
.Ltmp0:
0x1e: {  	[tilespmem:s16+$0x220] =	vst v0;
	(pc) =	sbr.rel @p0 .LBB2_2-.Ltmp0, $4  }
0x1f: {  	[tilespmem:s16+$0x230] =	vst v0  }
0x20: {  	[tilespmem:s16+$0x240] =	vst v0  }
0x21: {  	[tilespmem:s16+$0x250] =	vst v0  }
0x22: {  	[tilespmem:s16+$0x260] =	vst v0;
	s16 =	sshra.s32 s18, $0x2;
	s18 =	sadd.s32 $0x200, s18  }
0x23: {  	[tilespmem:s16+$0x270] =	vst v0  }
0x24: {  	[tilespmem:s16+$0x200] =	vst v0  }
0x25: {  	[tilespmem:s16+$0x210] =	vst v0  }
0x26: {  	[tilespmem:s16+$0x220] =	vst v0  }
0x27: {  	[tilespmem:s16+$0x230] =	vst v0  }
0x28: {  	[tilespmem:s16+$0x240] =	vst v0  }
0x29: {  	[tilespmem:s16+$0x250] =	vst v0  }
0x2a: {  	[tilespmem:s16+$0x260] =	vst v0  }
0x2b: {  	[spmem:s8] =	stream.linear.scatter [tilespmem:s23], [sflag:$0x9], $0x2800, $0x38;
	[tilespmem:$0x19200] =	vst v63  }
0x2c: {  	_ =	swait.ge [sflag:s24], $0x2800  }
0x2d: {  	[sflag:s24] =	ssyncset.done $0x0  }
0x2e: {  	s21 =	rddreg [dreg:$0x4];
	[sflag:s24] =	ssyncadd.s32 $0xFFFFD800  }
0x2f: {  	[spmem:s21] =	stream.linear.scatter [tilespmem:s23], [sflag:$0x9], $0x2800, $0x38;
	[tilespmem:$0x19200] =	vst v63  }
0x30: {  	_ =	swait.ge [sflag:s24], $0x2800  }
0x31: {  	[sflag:s24] =	ssyncset.done $0x0  }
0x32: {  	s18 =	rddreg [dreg:$0x5];
	[sflag:s24] =	ssyncadd.s32 $0xFFFFD800  }
0x33: {  	[spmem:s18] =	stream.linear.scatter [tilespmem:s23], [sflag:$0x9], $0x2800, $0x38;
	[tilespmem:$0x19200] =	vst v63  }
0x34: {  	_ =	swait.ge [sflag:s24], $0x2800  }
0x35: {  	[sflag:s24] =	ssyncset.done $0x0  }
0x36: {  	s19 =	rddreg [dreg:$0x6];
	[sflag:s24] =	ssyncadd.s32 $0xFFFFD800  }
0x37: {  	[spmem:s19] =	stream.linear.scatter [tilespmem:s23], [sflag:$0x9], $0x2800, $0x38;
	[tilespmem:$0x19200] =	vst v63  }
0x38: {  	_ =	swait.ge [sflag:s24], $0x2800  }
0x39: {  	[sflag:s24] =	ssyncset.done $0x0  }
0x3a: {  	s20 =	rddreg [dreg:$0x7];
	[sflag:s24] =	ssyncadd.s32 $0xFFFFD800  }
0x3b: {  	[spmem:s20] =	stream.linear.scatter [tilespmem:s23], [sflag:$0x9], $0x2800, $0x38;
	[tilespmem:$0x19200] =	vst v63  }
0x3c: {  	_ =	swait.ge [sflag:s24], $0x2800  }
0x3d: {  	[sflag:s24] =	ssyncset.done $0x0  }
0x3e: {  	s21 =	rddreg [dreg:$0x8];
	[sflag:s24] =	ssyncadd.s32 $0xFFFFD800  }
0x3f: {  	[spmem:s21] =	stream.linear.scatter [tilespmem:s23], [sflag:$0x9], $0x2800, $0x38;
	[tilespmem:$0x19200] =	vst v63  }
0x40: {  	_ =	swait.ge [sflag:s24], $0x2800  }
0x41: {  	[sflag:s24] =	ssyncset.done $0x0  }
0x42: {  	s18 =	rddreg [dreg:$0x9];
	[sflag:s24] =	ssyncadd.s32 $0xFFFFD800  }
0x43: {  	[spmem:s18] =	stream.linear.scatter [tilespmem:s23], [sflag:$0x9], $0x2800, $0x38;
	[tilespmem:$0x19200] =	vst v63  }
0x44: {  	_ =	swait.ge [sflag:s24], $0x2800  }
0x45: {  	[sflag:s24] =	ssyncset.done $0x0  }
0x46: {  	s19 =	rddreg [dreg:$0xa];
	[sflag:s24] =	ssyncadd.s32 $0xFFFFD800  }
0x47: {  	[spmem:s19] =	stream.linear.scatter [tilespmem:s23], [sflag:$0x9], $0x2800, $0x38;
	[tilespmem:$0x19200] =	vst v63  }
0x48: {  	_ =	swait.ge [sflag:s24], $0x2800  }
0x49: {  	[sflag:s24] =	ssyncset.done $0x0  }
0x4a: {  	[sflag:s24] =	ssyncadd.s32 $0xFFFFD800  }
0x4b: {  	s16 =	simm.s32 $0x0;
	[bflag:$0x0] =	sbarrier.arrive $0xFFFF  }
0x4c: {  	[tilespmem:s16], [sflag:$0x5] =	stream.linear.gather [hbm4b:s17+s16], $0x100, $0x38;
	[tilespmem:$0x19200] =	vst v63  }
0x4d: {  	_ =	swait.ge [sflag:s25], $0x100  }
0x4e: {  	[sflag:s25] =	ssyncset.done $0x0  }
0x4f: {  	s18 =	rddreg [dreg:$0xb];
	[sflag:s25] =	ssyncadd.s32 $0xFFFFFF00  }
0x50: {  	[tilespmem:s23], [sflag:$0x7] =	stream.linear.gather [hbm4b:s18+s16], $0x2800, $0x38;
	[tilespmem:$0x19200] =	vst v63  }
0x51: {  	_ =	swait.ge [sflag:s26], $0x2800  }
0x52: {  	[sflag:s26] =	ssyncset.done $0x0  }
0x53: {  	[sflag:s26] =	ssyncadd.s32 $0xFFFFD800  }
0x54: {  	[tilespmem:s23], [sflag:$0x1] =	stream.indirect.gather.add.f32 [hbm:s0], $0x80, s16, s28, $0xb8;
	[tilespmem:$0x19200] =	vst v63  }
0x55: {  	s20 =	rddreg [dreg:$0xc]  }
0x56: {  	[tilespmem:s29], [sflag:$0x6] =	stream.linear.gather [hbm4b:s20+s16], $0x100, $0x38;
	[tilespmem:$0x19200] =	vst v63  }
0x57: {  	s21 =	rddreg [dreg:$0xd]  }
0x58: {  	[tilespmem:s30], [sflag:$0x8] =	stream.linear.gather [hbm4b:s21+s16], $0x2800, $0x38;
	[tilespmem:$0x19200] =	vst v63  }
.LBB2_4:
0x59: {  	_ =	swait.ge [sflag:s31], $0x2800  }
0x5a: {  	[sflag:s31] =	ssyncset.done $0x0  }
0x5b: {  	s18 =	simm.s32 $0x0;
	[sflag:s31] =	ssyncadd.s32 $0xFFFFD800  }
0x5c: {  	v3 =	vld [tilespmem:s18+$0x200]  }
0x5d: {  	v5 =	vld [tilespmem:s18+$0x210]  }
0x5e: {  	v4 =	vld [tilespmem:s18+$0x220]  }
0x5f: {  	v2 =	vld [tilespmem:s18+$0x230]  }
0x60: {  	v1 =	vld [tilespmem:s18+$0x240]  }
0x61: {  	v6 =	vmax.f32 v3, $0.0e+00;
	v3 =	vld [tilespmem:s18+$0x250]  }
0x62: {  	s19 =	simm.s32 $0x200;
	[tilespmem:s18+$0x200] =	vst v6;
	v6 =	vmax.f32 v5, $0.0e+00;
	v5 =	vld [tilespmem:s18+$0x260]  }
.LBB2_5:
0x63: {  	s20 =	sshra.s32 s19, $0x2;
	p0 =	sne.s32 s19, $0x9E00;
	[tilespmem:s18+$0x210] =	vst v6;
	v4 =	vmax.f32 v4, $0.0e+00;
	v6 =	vld [tilespmem:s18+$0x270]  }
0x64: {  	v7 =	vld [tilespmem:s20+$0x200];
	[tilespmem:s18+$0x220] =	vst v4;
	v2 =	vmax.f32 v2, $0.0e+00  }
0x65: {  	v8 =	vld [tilespmem:s20+$0x210];
	[tilespmem:s18+$0x230] =	vst v2;
	v1 =	vmax.f32 v1, $0.0e+00  }
.Ltmp1:
0x66: {  	v4 =	vld [tilespmem:s20+$0x220];
	[tilespmem:s18+$0x240] =	vst v1;
	v1 =	vmax.f32 v3, $0.0e+00;
	(pc) =	sbr.rel @p0 .LBB2_5-.Ltmp1, $4  }
0x67: {  	v2 =	vld [tilespmem:s20+$0x230];
	[tilespmem:s18+$0x250] =	vst v1;
	v3 =	vmax.f32 v5, $0.0e+00  }
0x68: {  	v1 =	vld [tilespmem:s20+$0x240];
	[tilespmem:s18+$0x260] =	vst v3;
	v5 =	vmax.f32 v6, $0.0e+00  }
0x69: {  	v6 =	vmax.f32 v7, $0.0e+00;
	v3 =	vld [tilespmem:s20+$0x250];
	[tilespmem:s18+$0x270] =	vst v5;
	s18 =	smov.u32 s20  }
0x6a: {  	s19 =	sadd.s32 $0x200, s19;
	[tilespmem:s18+$0x200] =	vst v6;
	v6 =	vmax.f32 v8, $0.0e+00;
	v5 =	vld [tilespmem:s18+$0x260]  }
0x6b: {  	[tilespmem:s18+$0x210] =	vst v6;
	v4 =	vmax.f32 v4, $0.0e+00;
	v6 =	vld [tilespmem:s18+$0x270]  }
0x6c: {  	[tilespmem:s18+$0x220] =	vst v4;
	v2 =	vmax.f32 v2, $0.0e+00  }
0x6d: {  	[tilespmem:s18+$0x230] =	vst v2;
	v1 =	vmax.f32 v1, $0.0e+00  }
0x6e: {  	[tilespmem:s18+$0x240] =	vst v1;
	v1 =	vmax.f32 v3, $0.0e+00  }
0x6f: {  	[tilespmem:s18+$0x250] =	vst v1;
	v1 =	vmax.f32 v5, $0.0e+00  }
0x70: {  	[tilespmem:s18+$0x260] =	vst v1;
	v1 =	vmax.f32 v6, $0.0e+00  }
0x71: {  	[tilespmem:s18+$0x270] =	vst v1  }
0x72: {  	[spmem:s3] =	stream.indirect.scatter.add.f32 [tilespmem:s23], [sflag:$0x3], $0x80, s1, s28, $0xb8;
	[tilespmem:$0x19200] =	vst v63  }
0x73: {  	_ =	swait.ge [sflag:s2], $0x100  }
0x74: {  	[sflag:s2] =	ssyncset.done $0x0  }
0x75: {  	[sflag:s2] =	ssyncadd.s32 $0xFFFFFF00  }
0x76: {  	s18 =	sshll.u32 s16, $0x1;
	_ =	swait.ge [sflag:s9], $0x2800  }
0x77: {  	s19 =	sadd.s32 $0x2, s18;
	[sflag:s9] =	ssyncset.done $0x0  }
0x78: {  	s20 =	sshll.u32 s19, $0x8;
	s19 =	smul.u32 $0x50, s19;
	[sflag:s9] =	ssyncadd.s32 $0xFFFFD800  }
0x79: {  	[tilespmem:s30], [sflag:$0x2] =	stream.indirect.gather.add.f32 [hbm:s0], $0x80, s29, s28, $0xb8;
	[tilespmem:$0x19200] =	vst v63  }
0x7a: {  	s21 =	simm.s32 $0x0;
	s20 =	sadd.s32 s10, s20;
	_ =	swait.ge [sflag:s11], $0x2800  }
0x7b: {  	s20 =	sshrl.u32 s20, $0x3;
	s19 =	sadd.s32 s7, s19;
	[sflag:s11] =	ssyncset.done $0x0  }
0x7c: {  	s20 =	sadd.s32 s6, s20;
	s19 =	sshll.u32 s19, $0x4;
	[sflag:s11] =	ssyncadd.s32 $0xFFFFD800  }
0x7d: {  	[tilespmem:s21], [sflag:$0x5] =	stream.linear.gather [hbm4b:s20+s21], $0x100, $0x38;
	[tilespmem:$0x19200] =	vst v63  }
0x7e: {  	s19 =	sadd.s32 s5, s19  }
0x7f: {  	[tilespmem:s23], [sflag:$0x7] =	stream.linear.gather [hbm4b:s19+s21], $0x2800, $0x38;
	[tilespmem:$0x19200] =	vst v63  }
0x80: {  	_ =	swait.ge [sflag:s25], $0x100  }
0x81: {  	[sflag:s25] =	ssyncset.done $0x0  }
0x82: {  	[sflag:s25] =	ssyncadd.s32 $0xFFFFFF00  }
0x83: {  	_ =	swait.ge [sflag:s26], $0x2800  }
0x84: {  	[sflag:s26] =	ssyncset.done $0x0  }
0x85: {  	[sflag:s26] =	ssyncadd.s32 $0xFFFFD800  }
0x86: {  	[tilespmem:s23], [sflag:$0x1] =	stream.indirect.gather.add.f32 [hbm:s0], $0x80, s21, s28, $0xb8;
	[tilespmem:$0x19200] =	vst v63  }
0x87: {  	_ =	swait.ge [sflag:s12], $0x2800  }
0x88: {  	[sflag:s12] =	ssyncset.done $0x0  }
0x89: {  	s19 =	simm.s32 $0x0;
	[sflag:s12] =	ssyncadd.s32 $0xFFFFD800  }
0x8a: {  	v3 =	vld [tilespmem:s19+$0x2A00]  }
0x8b: {  	v5 =	vld [tilespmem:s19+$0x2A10]  }
0x8c: {  	v4 =	vld [tilespmem:s19+$0x2A20]  }
0x8d: {  	v2 =	vld [tilespmem:s19+$0x2A30]  }
0x8e: {  	v1 =	vld [tilespmem:s19+$0x2A40]  }
0x8f: {  	v6 =	vmax.f32 v3, $0.0e+00;
	v3 =	vld [tilespmem:s19+$0x2A50]  }
0x90: {  	s20 =	simm.s32 $0x200;
	[tilespmem:s19+$0x2A00] =	vst v6;
	v6 =	vmax.f32 v5, $0.0e+00;
	v5 =	vld [tilespmem:s19+$0x2A60]  }
.LBB2_7:
0x91: {  	s21 =	sshra.s32 s20, $0x2;
	p0 =	sne.s32 s20, $0x9E00;
	[tilespmem:s19+$0x2A10] =	vst v6;
	v4 =	vmax.f32 v4, $0.0e+00;
	v6 =	vld [tilespmem:s19+$0x2A70]  }
0x92: {  	v7 =	vld [tilespmem:s21+$0x2A00];
	[tilespmem:s19+$0x2A20] =	vst v4;
	v2 =	vmax.f32 v2, $0.0e+00  }
0x93: {  	v8 =	vld [tilespmem:s21+$0x2A10];
	[tilespmem:s19+$0x2A30] =	vst v2;
	v1 =	vmax.f32 v1, $0.0e+00  }
.Ltmp2:
0x94: {  	v4 =	vld [tilespmem:s21+$0x2A20];
	[tilespmem:s19+$0x2A40] =	vst v1;
	v1 =	vmax.f32 v3, $0.0e+00;
	(pc) =	sbr.rel @p0 .LBB2_7-.Ltmp2, $4  }
0x95: {  	v2 =	vld [tilespmem:s21+$0x2A30];
	[tilespmem:s19+$0x2A50] =	vst v1;
	v3 =	vmax.f32 v5, $0.0e+00  }
0x96: {  	v1 =	vld [tilespmem:s21+$0x2A40];
	[tilespmem:s19+$0x2A60] =	vst v3;
	v5 =	vmax.f32 v6, $0.0e+00  }
0x97: {  	v6 =	vmax.f32 v7, $0.0e+00;
	v3 =	vld [tilespmem:s21+$0x2A50];
	[tilespmem:s19+$0x2A70] =	vst v5;
	s19 =	smov.u32 s21  }
0x98: {  	s20 =	sadd.s32 $0x200, s20;
	[tilespmem:s19+$0x2A00] =	vst v6;
	v6 =	vmax.f32 v8, $0.0e+00;
	v5 =	vld [tilespmem:s19+$0x2A60]  }
0x99: {  	[tilespmem:s19+$0x2A10] =	vst v6;
	v4 =	vmax.f32 v4, $0.0e+00;
	v63 =	vld [tilespmem:s19+$0x2A70]  }
0x9a: {  	[tilespmem:s19+$0x2A20] =	vst v4;
	v2 =	vmax.f32 v2, $0.0e+00  }
0x9b: {  	[tilespmem:s19+$0x2A30] =	vst v2;
	v1 =	vmax.f32 v1, $0.0e+00  }
0x9c: {  	[tilespmem:s19+$0x2A40] =	vst v1;
	v1 =	vmax.f32 v3, $0.0e+00  }
0x9d: {  	s18 =	smin.u32 s18, $0x79;
	[tilespmem:s19+$0x2A50] =	vst v1;
	v1 =	vmax.f32 v5, $0.0e+00  }
0x9e: {  	s16 =	sadd.s32 $0x1, s16;
	s18 =	sadd.s32 $0x3, s18;
	[tilespmem:s19+$0x2A60] =	vst v1;
	v1 =	vmax.f32 v63, $0.0e+00  }
0x9f: {  	p0 =	sne.s32 s16, $0x3E;
	s21 =	sshll.u32 s18, $0x8;
	s18 =	smul.u32 $0x50, s18;
	[tilespmem:s19+$0x2A70] =	vst v1  }
0xa0: {  	[spmem:s3] =	stream.indirect.scatter.add.f32 [tilespmem:s30], [sflag:$0x4], $0x80, s13, s28, $0xb8;
	[tilespmem:$0x19200] =	vst v63  }
0xa1: {  	s18 =	sadd.s32 s7, s18;
	s19 =	sadd.s32 s10, s21;
	_ =	swait.ge [sflag:s14], $0x2800  }
.Ltmp3:
0xa2: {  	s19 =	sshrl.u32 s19, $0x3;
	[sflag:s14] =	ssyncset.done $0x0;
	(pc) =	sbr.rel @p0 .LBB2_4-.Ltmp3, $4  }
0xa3: {  	s18 =	sshll.u32 s18, $0x4;
	s19 =	sadd.s32 s6, s19;
	[sflag:s14] =	ssyncadd.s32 $0xFFFFD800  }
0xa4: {  	[tilespmem:s29], [sflag:$0x6] =	stream.linear.gather [hbm4b:s19+s4], $0x100, $0x38;
	[tilespmem:$0x19200] =	vst v63  }
0xa5: {  	s18 =	sadd.s32 s5, s18  }
0xa6: {  	[tilespmem:s30], [sflag:$0x8] =	stream.linear.gather [hbm4b:s18+s4], $0x2800, $0x38;
	[tilespmem:$0x19200] =	vst v63  }
0xa7: {  	_ =	swait.ge [sflag:s31], $0x2800  }
0xa8: {  	[sflag:s31] =	ssyncset.done $0x0  }
0xa9: {  	s16 =	simm.s32 $0x0;
	[sflag:s31] =	ssyncadd.s32 $0xFFFFD800  }
0xaa: {  	v3 =	vld [tilespmem:s16+$0x200]  }
0xab: {  	v5 =	vld [tilespmem:s16+$0x210]  }
0xac: {  	v4 =	vld [tilespmem:s16+$0x220]  }
0xad: {  	v2 =	vld [tilespmem:s16+$0x230]  }
0xae: {  	v1 =	vld [tilespmem:s16+$0x240]  }
0xaf: {  	v6 =	vmax.f32 v3, $0.0e+00;
	v3 =	vld [tilespmem:s16+$0x250]  }
0xb0: {  	s18 =	simm.s32 $0x200;
	[tilespmem:s16+$0x200] =	vst v6;
	v6 =	vmax.f32 v5, $0.0e+00;
	v5 =	vld [tilespmem:s16+$0x260]  }
.LBB2_10:
0xb1: {  	s19 =	sshra.s32 s18, $0x2;
	p0 =	sne.s32 s18, $0x9E00;
	[tilespmem:s16+$0x210] =	vst v6;
	v4 =	vmax.f32 v4, $0.0e+00;
	v6 =	vld [tilespmem:s16+$0x270]  }
0xb2: {  	v7 =	vld [tilespmem:s19+$0x200];
	[tilespmem:s16+$0x220] =	vst v4;
	v2 =	vmax.f32 v2, $0.0e+00  }
0xb3: {  	v8 =	vld [tilespmem:s19+$0x210];
	[tilespmem:s16+$0x230] =	vst v2;
	v1 =	vmax.f32 v1, $0.0e+00  }
.Ltmp4:
0xb4: {  	v4 =	vld [tilespmem:s19+$0x220];
	[tilespmem:s16+$0x240] =	vst v1;
	v1 =	vmax.f32 v3, $0.0e+00;
	(pc) =	sbr.rel @p0 .LBB2_10-.Ltmp4, $4  }
0xb5: {  	v2 =	vld [tilespmem:s19+$0x230];
	[tilespmem:s16+$0x250] =	vst v1;
	v3 =	vmax.f32 v5, $0.0e+00  }
0xb6: {  	v1 =	vld [tilespmem:s19+$0x240];
	[tilespmem:s16+$0x260] =	vst v3;
	v5 =	vmax.f32 v6, $0.0e+00  }
0xb7: {  	v6 =	vmax.f32 v7, $0.0e+00;
	v3 =	vld [tilespmem:s19+$0x250];
	[tilespmem:s16+$0x270] =	vst v5;
	s16 =	smov.u32 s19  }
0xb8: {  	s18 =	sadd.s32 $0x200, s18;
	[tilespmem:s16+$0x200] =	vst v6;
	v6 =	vmax.f32 v8, $0.0e+00;
	v5 =	vld [tilespmem:s16+$0x260]  }
0xb9: {  	[tilespmem:s16+$0x210] =	vst v6;
	v4 =	vmax.f32 v4, $0.0e+00;
	v63 =	vld [tilespmem:s16+$0x270]  }
0xba: {  	[tilespmem:s16+$0x220] =	vst v4;
	v2 =	vmax.f32 v2, $0.0e+00  }
0xbb: {  	[tilespmem:s16+$0x230] =	vst v2;
	v1 =	vmax.f32 v1, $0.0e+00  }
0xbc: {  	[tilespmem:s16+$0x240] =	vst v1;
	v1 =	vmax.f32 v3, $0.0e+00  }
0xbd: {  	[tilespmem:s16+$0x250] =	vst v1;
	v1 =	vmax.f32 v5, $0.0e+00  }
0xbe: {  	[tilespmem:s16+$0x260] =	vst v1;
	v1 =	vmax.f32 v63, $0.0e+00  }
0xbf: {  	[tilespmem:s16+$0x270] =	vst v1  }
0xc0: {  	[spmem:s3] =	stream.indirect.scatter.add.f32 [tilespmem:s23], [sflag:$0x3], $0x80, s1, s28, $0xb8;
	[tilespmem:$0x19200] =	vst v63  }
0xc1: {  	_ =	swait.ge [sflag:s11], $0x2800  }
0xc2: {  	[sflag:s11] =	ssyncset.done $0x0  }
0xc3: {  	[sflag:s11] =	ssyncadd.s32 $0xFFFFD800  }
0xc4: {  	_ =	swait.ge [sflag:s2], $0x100  }
0xc5: {  	[sflag:s2] =	ssyncset.done $0x0  }
0xc6: {  	[sflag:s2] =	ssyncadd.s32 $0xFFFFFF00  }
0xc7: {  	_ =	swait.ge [sflag:s9], $0x2800  }
0xc8: {  	s21 =	stileid.u32;
	[sflag:s9] =	ssyncset.done $0x0  }
0xc9: {  	s18 =	sshrl.u32 s8, $0x3;
	s15 =	sadd.s32 $0x1, s15;
	[sflag:s9] =	ssyncadd.s32 $0xFFFFD800  }
0xca: {  	p0 =	sne.s32 s15, s22;
	s16 =	sshll.u32 s21, $0x6;
	[bflag:$0x0] =	sbarrier.arrive $0xFFFF  }
.Ltmp5:
0xcb: {  	s16 =	sor.u32 $0x1C09, s16;
	s19 =	rddreg [dreg:$0xe];
	(pc) =	sbr.rel @p0 .LBB2_1-.Ltmp5, $4  }
0xcc: {  	[hbm:s19], [sflag:s16] =	dma.local [spmem:s18], $0x2800  }
0xcd: {  	_ =	swait.ge [sflag:s24], $0x2800  }
0xce: {  	[sflag:s24] =	ssyncset.done $0x0  }
0xcf: {  	[sflag:s24] =	ssyncadd.s32 $0xFFFFD800  }
0xd0: {  	_ =	sfence.sel $0x180000  }
0xd1: {  	[bflag:$0x0] =	sbarrier.arrive $0xFFFF  }
0xd2: {  	_ =	strace $0x9000004D  }
0xd3: {  	s0 =	stileid.u32;
	[bflag:$0x2] =	sbarrier.arrive $0xFFFF  }
0xd4: {  	p0 =	sne.s32 s0, $0x0;
	s0 =	rddreg [dreg:$0x3]  }
0xd5: {  	s0 =	sadd.s32 @!p0 $0x100000, s0  }
0xd6: {  	[sflag:s0] =	ssyncadd.tile.s32 @!p0 $0x1;
	_ =	shalt  }
.Lfunc_end2:
_tile_overlayer_lowered:
.L_overlay_start_2:
0xd7: {  	(tag) =	ssettag $0x2  }
0xd8: {  	s0 =	rddreg [dreg:$0x0];
	s2 =	stileid.u32  }
0xd9: {  	s1 =	rddreg [dreg:$0x1];
	p0 =	sne.s32 s2, $0x0  }
0xda: {  	s3 =	rddreg [dreg:$0x2];
	[bflag:$0x3] =	sbarrier.arrive $0xFFFF;
	s2 =	simm.s32 @!p0 $0x1C09  }
0xdb: {  	[timem:s3], [sflag:s2] =	dma.local @!p0 [hbm:s0], s1  }
0xdc: {  	s0 =	simm.s32 @!p0 $0x9  }
0xdd: {  	_ =	swait.ge @!p0 [sflag:s0], s1  }
0xde: {  	s1 =	ssub.s32 @!p0 $0x0, s1;
	[sflag:s0] =	ssyncset.done @!p0 $0x0  }
0xdf: {  	[sflag:s0] =	ssyncadd.s32 @!p0 s1  }
0xe0: {  	[bflag:$0x3] =	sbarrier.arrive $0xFFFF  }
0xe1: {  	_ =	shalt  }

</sc_bundles>
